<compile_context>
chip_gen: v7x
topology: tpu7x:2x2x1
jax: 0.10.2.dev20260603
libtpu: 0.0.44.dev20260713+nightly
codegen_flags: <defaults>
</compile_context>

<pallas_src>
import functools

import jax
import jax.numpy as jnp
from jax import lax
from jax.experimental import pallas as pl
from jax.experimental.pallas import tpu as pltpu
from jax.experimental.pallas import tpu_sc as plsc

VOCAB = 1000
B, T = 1024, 50
NTOK = B * T
NC, NS = 2, 16
NW = NC * NS
C8 = VOCAB // 8
NCU = 8
NBT = B // 128
NTASK = T * NCU * NBT
TASKS_PER = NTASK // NW

_mesh = plsc.VectorSubcoreMesh(core_axis_name="c", subcore_axis_name="s")


def _lse_body(t_ref, out_ref):
    t = t_ref[...]
    m = jnp.max(t, axis=1)
    s = jnp.sum(jnp.exp(t - m[:, None]), axis=1)
    out_ref[0, 0, :] = m + jnp.log(s)


def _row_lse(table):
    out = pl.pallas_call(
        _lse_body,
        grid=(5,),
        in_specs=[pl.BlockSpec((200, VOCAB), lambda i: (i, 0))],
        out_specs=pl.BlockSpec((1, 1, 200), lambda i: (i, 0, 0)),
        out_shape=jax.ShapeDtypeStruct((5, 1, 200), jnp.float32),
    )(table)
    return jnp.pad(out.reshape(VOCAB), (0, 1024 - VOCAB))


@functools.partial(
    pl.kernel,
    mesh=_mesh,
    compiler_params=pltpu.CompilerParams(
        needs_layout_passes=False, use_tc_tiling_on_sc=False),
    out_type=[
        jax.ShapeDtypeStruct((T, C8, NBT, 8, 128), jnp.float32),
        jax.ShapeDtypeStruct((NW, 16), jnp.float32),
    ],
    scratch_types=[
        pltpu.VMEM((128,), jnp.int32),
        pltpu.VMEM((128,), jnp.int32),
        pltpu.VMEM((128,), jnp.int32),
        pltpu.VMEM((128,), jnp.int32),
        pltpu.VMEM((128,), jnp.int32),
        pltpu.VMEM((128,), jnp.int32),
        pltpu.VMEM((1024,), jnp.float32),
        pltpu.VMEM((128, 128), jnp.float32),
        pltpu.VMEM((128, 128), jnp.float32),
        pltpu.VMEM((16, 8, 128), jnp.float32),
        pltpu.VMEM((16, 8, 128), jnp.float32),
        pltpu.VMEM((16,), jnp.float32),
        pltpu.VMEM_SHARED((VOCAB * 7, 128), jnp.float32),
        pltpu.SemaphoreType.DMA,
        pltpu.SemaphoreType.DMA,
        pltpu.SemaphoreType.DMA,
        pltpu.SemaphoreType.DMA,
        pltpu.SemaphoreType.DMA,
        pltpu.SemaphoreType.DMA,
        pltpu.SemaphoreType.DMA,
        pltpu.SemaphoreType.DMA,
    ],
)
def _gather_loss(tab8_hbm, tab7_hbm, idxt_hbm, tgtt_hbm, lse_hbm,
                 out_hbm, part_hbm,
                 idxv0, idxv1, tgtv0, tgtv1, pidx0, pidx1, lse_v,
                 g0, g1, t0, t1, acc_v, tab_sp,
                 gsem0, gsem1, wsem0, wsem1, ism0, ism1, tsm0, tsm1):
    wid = lax.axis_index("s") * NC + lax.axis_index("c")
    sid = lax.axis_index("s")
    @pl.when(sid < 14)
    def _():
        pltpu.sync_copy(tab7_hbm.at[pl.ds(sid * 500, 500)],
                        tab_sp.at[pl.ds(sid * 500, 500)])
    pltpu.sync_copy(lse_hbm, lse_v)
    plsc.subcore_barrier()
    lanes = lax.iota(jnp.int32, 16)
    idxvs, tgtvs = (idxv0, idxv1), (tgtv0, tgtv1)
    pidxs, gs, ts = (pidx0, pidx1), (g0, g1), (t0, t1)
    gsems, wsems = (gsem0, gsem1), (wsem0, wsem1)
    isms, tsms = (ism0, ism1), (tsm0, tsm1)
    rows = [lanes + j * 16 for j in range(8)]

    def tinfo(kk):
        tid = wid * TASKS_PER + kk
        return tid // (NCU * NBT), (tid // NCU) % NBT, tid % NCU

    def idx_copies(kk, s):
        tpos, bt, _ = tinfo(kk)
        src_i = idxt_hbm.at[tpos, pl.ds(bt * 128, 128)]
        src_t = tgtt_hbm.at[tpos, pl.ds(bt * 128, 128)]
        return (pltpu.make_async_copy(src_i, idxvs[s], isms[s]),
                pltpu.make_async_copy(src_t, tgtvs[s], tsms[s]))

    def start_idx(kk, s):
        for c in idx_copies(kk, s):
            c.start()

    def wait_idx(kk, s):
        for c in idx_copies(kk, s):
            c.wait()

    def compute_pidx(s, cu):
        for j in range(8):
            iv = idxvs[s][pl.ds(j * 16, 16)]
            pidxs[s][pl.ds(j * 16, 16)] = jnp.where(
                cu < NCU - 1, iv * 7 + cu, iv * 8 + 7)

    def gather_sp(s):
        return pltpu.make_async_copy(tab_sp.at[pidxs[s]], gs[s], gsems[s])

    def gather_hbm(s):
        return pltpu.make_async_copy(tab8_hbm.at[pidxs[s]], gs[s], gsems[s])

    def start_gather(s, cu):
        pl.when(cu < NCU - 1)(lambda: gather_sp(s).start())
        pl.when(cu == NCU - 1)(lambda: gather_hbm(s).start())

    def wait_gather(s, cu):
        pl.when(cu < NCU - 1)(lambda: gather_sp(s).wait())
        pl.when(cu == NCU - 1)(lambda: gather_hbm(s).wait())

    def write_copies(kk, s):
        tpos, bt, cu = tinfo(kk)
        full = pltpu.make_async_copy(
            ts[s], out_hbm.at[tpos, pl.ds(cu * 16, 16), bt], wsems[s])
        part = pltpu.make_async_copy(
            ts[s].at[pl.ds(0, 13)],
            out_hbm.at[tpos, pl.ds(cu * 16, 13), bt], wsems[s])
        return cu, full, part

    def start_write(kk, s):
        cu, full, part = write_copies(kk, s)
        pl.when(cu < NCU - 1)(lambda: full.start())
        pl.when(cu == NCU - 1)(lambda: part.start())

    def wait_write(kk, s):
        cu, full, part = write_copies(kk, s)
        pl.when(cu < NCU - 1)(lambda: full.wait())
        pl.when(cu == NCU - 1)(lambda: part.wait())

    def loss(s, cu, acc):
        for j in range(8):
            iv = idxvs[s][pl.ds(j * 16, 16)]
            tv = tgtvs[s][pl.ds(j * 16, 16)]
            e16 = plsc.load_gather(gs[s], [rows[j], tv & 127])
            l16 = plsc.load_gather(lse_v, [iv])
            acc = acc + jnp.where((tv >> 7) == cu, l16 - e16, 0.0)
        return acc

    def transpose(s):
        @plsc.parallel_loop(0, 128, unroll=4)
        def tr(cc0):
            for j in range(8):
                lv = rows[j]
                m = (cc0 + lv) & 127
                v = plsc.load_gather(gs[s], [lv, m])
                plsc.store_scatter(ts[s], [m >> 3, m & 7, lv], v)

    def one_task(k, s, acc):
        _, _, cu = tinfo(k)
        wait_gather(s, cu)
        acc = loss(s, cu, acc)

        @pl.when(k < TASKS_PER - 1)
        def _():
            wait_idx(k + 1, s ^ 1)
            compute_pidx(s ^ 1, (cu + 1) % NCU)
            start_gather(s ^ 1, (cu + 1) % NCU)

        @pl.when(k < TASKS_PER - 2)
        def _():
            start_idx(k + 2, s)

        @pl.when(k >= 2)
        def _():
            wait_write(k - 2, s)

        transpose(s)
        start_write(k, s)
        return acc

    start_idx(0, 0)
    wait_idx(0, 0)
    _, _, cu0 = tinfo(0)
    compute_pidx(0, cu0)
    start_gather(0, cu0)
    start_idx(1, 1)

    def pair(p, acc):
        acc = one_task(2 * p, 0, acc)
        return one_task(2 * p + 1, 1, acc)

    acc = lax.fori_loop(0, TASKS_PER // 2, pair, jnp.zeros((16,), jnp.float32))
    wait_write(TASKS_PER - 2, 0)
    wait_write(TASKS_PER - 1, 1)
    acc_v[...] = acc
    pltpu.sync_copy(acc_v, part_hbm.at[wid])


def _combine_body(p_ref, o_ref):
    o_ref[...] = (jnp.sum(p_ref[...]) / NTOK).reshape(1, 1)


def _combine(parts):
    out = pl.pallas_call(
        _combine_body,
        out_shape=jax.ShapeDtypeStruct((1, 1), jnp.float32),
    )(parts)
    return out[0, 0]


def kernel(idx, targets, table):
    idxt = idx.astype(jnp.int32).T.reshape(T, B)
    tgtt = targets.astype(jnp.int32).T.reshape(T, B)
    tab8 = jnp.pad(table, ((0, 0), (0, 1024 - VOCAB))).reshape(VOCAB * 8, 128)
    tab7 = table[:, :896].reshape(VOCAB * 7, 128)
    lse = _row_lse(table)
    out7, parts = _gather_loss(tab8, tab7, idxt, tgtt, lse)
    logits = out7.transpose(2, 4, 0, 1, 3).reshape(B, T, VOCAB)
    return logits, _combine(parts)

# --- scband reference (transcript-rebuilt; emitter-appended) ---
"""Pipeline reference for scband-bigram-language-model-111669149933 (READ-ONLY COPY).

The authoritative reference and input builder live on the scoring server;
editing this copy changes nothing except your own understanding.
"""

import jax, jax.numpy as jnp
import numpy as np

VOCAB = 1000
B, T = 1024, 50

def setup_inputs(seed: int = 0) -> dict:
    key = jax.random.key(seed)
    k1, k2, k3 = jax.random.split(key, 3)
    idx = jax.random.randint(k1, (B, T), 0, VOCAB, dtype=jnp.int64) if jax.config.jax_enable_x64 else jax.random.randint(k1, (B, T), 0, VOCAB, dtype=jnp.int32)
    targets = jax.random.randint(k2, (B, T), 0, VOCAB, dtype=jnp.int32)
    table = jax.random.normal(k3, (VOCAB, VOCAB), dtype=jnp.float32)
    return {"idx": idx, "targets": targets, "table": table}

def reference(idx, targets, table):
    # logits = token_embedding_table(idx)
    logits = jnp.take(table, idx, axis=0)  # [B, T, VOCAB]
    Bb, Tt, C = logits.shape
    flat_logits = logits.reshape(Bb * Tt, C)
    flat_targets = targets.reshape(Bb * Tt)
    logp = jax.nn.log_softmax(flat_logits, axis=-1)
    nll = -jnp.take_along_axis(logp, flat_targets[:, None], axis=1)[:, 0]
    loss = jnp.mean(nll)
    return logits, loss

if __name__ == "__main__":
    import jax
    _d = setup_inputs()
    print(jax.jit(kernel)(*tuple(_d.values())))

</pallas_src>

<mosaic_0001>
#map = affine_map<(d0, d1) -> (0, 0)>
#map1 = affine_map<(d0, d1) -> (0)>
#map2 = affine_map<(d0, d1) -> (0, 0, 0, 0, 0)>
module attributes {stable_mosaic.version = 14 : i64} {
  func.func @_gather_loss(%arg0: i32, %arg1: i32, %arg2: memref<8000x128xf32, #tpu.memory_space<hbm>>, %arg3: memref<7000x128xf32, #tpu.memory_space<hbm>>, %arg4: memref<50x1024xi32, #tpu.memory_space<hbm>>, %arg5: memref<50x1024xi32, #tpu.memory_space<hbm>>, %arg6: memref<1024xf32, #tpu.memory_space<hbm>>, %arg7: memref<50x125x8x8x128xf32, #tpu.memory_space<hbm>>, %arg8: memref<32x16xf32, #tpu.memory_space<hbm>>, %arg9: memref<128xi32, #tpu.memory_space<vmem>>, %arg10: memref<128xi32, #tpu.memory_space<vmem>>, %arg11: memref<128xi32, #tpu.memory_space<vmem>>, %arg12: memref<128xi32, #tpu.memory_space<vmem>>, %arg13: memref<128xi32, #tpu.memory_space<vmem>>, %arg14: memref<128xi32, #tpu.memory_space<vmem>>, %arg15: memref<1024xf32, #tpu.memory_space<vmem>>, %arg16: memref<128x128xf32, #tpu.memory_space<vmem>>, %arg17: memref<128x128xf32, #tpu.memory_space<vmem>>, %arg18: memref<16x8x128xf32, #tpu.memory_space<vmem>>, %arg19: memref<16x8x128xf32, #tpu.memory_space<vmem>>, %arg20: memref<16xf32, #tpu.memory_space<vmem>>, %arg21: memref<7000x128xf32, #tpu.memory_space<vmem_shared>>, %arg22: memref<!tpu.dma_semaphore, #tpu.memory_space<semaphore_mem>>, %arg23: memref<!tpu.dma_semaphore, #tpu.memory_space<semaphore_mem>>, %arg24: memref<!tpu.dma_semaphore, #tpu.memory_space<semaphore_mem>>, %arg25: memref<!tpu.dma_semaphore, #tpu.memory_space<semaphore_mem>>, %arg26: memref<!tpu.dma_semaphore, #tpu.memory_space<semaphore_mem>>, %arg27: memref<!tpu.dma_semaphore, #tpu.memory_space<semaphore_mem>>, %arg28: memref<!tpu.dma_semaphore, #tpu.memory_space<semaphore_mem>>, %arg29: memref<!tpu.dma_semaphore, #tpu.memory_space<semaphore_mem>>) attributes {dimension_semantics = [#tpu.dimension_semantics<core_parallel>, #tpu.dimension_semantics<subcore_parallel>], iteration_bounds = array<i64: 2, 16>, scalar_prefetch = 0 : i64, scratch_operands = 21 : i64, tpu.core_type = #tpu.core_type<sc_vector_subcore>, window_params = [{transform_indices = #map}, {transform_indices = #map}, {transform_indices = #map}, {transform_indices = #map}, {transform_indices = #map1}, {transform_indices = #map2}, {transform_indices = #map}]} {
    %mul3A = arith.constant 2 : i32
    %mul3A_0 = arith.muli %arg1, %mul3A : i32
    %add3A = arith.addi %mul3A_0, %arg0 : i32
    %lt3A = arith.constant 14 : i32
    %lt3A_1 = arith.cmpi slt, %arg1, %lt3A : i32
    %convert_element_type3A = arith.extui %lt3A_1 : i1 to i32
    %cond3A = arith.constant 0 : i32
    %cond3A_2 = arith.cmpi ne, %convert_element_type3A, %cond3A : i32
    scf.if %cond3A_2 {
      %mul3A_744 = arith.constant 500 : i32
      %mul3A_745 = arith.muli %arg1, %mul3A_744 : i32
      %mul3A_746 = arith.constant 500 : i32
      %mul3A_747 = arith.muli %arg1, %mul3A_746 : i32
      "tpu.region"() ({
        %run_scoped3A = tpu.sem_alloc : memref<!tpu.dma_semaphore, #tpu.memory_space<semaphore_mem>>
        %dma_start3A_748 = arith.constant 0 : i32
        %dma_start3A_749 = tpu.memref_slice %arg21[%mul3A_747, %dma_start3A_748] : memref<7000x128xf32, #tpu.memory_space<vmem_shared>> -> memref<500x128xf32, #tpu.memory_space<vmem_shared>>
        %dma_start3A_750 = arith.constant 0 : i32
        %dma_start3A_751 = tpu.memref_slice %arg3[%mul3A_745, %dma_start3A_750] : memref<7000x128xf32, #tpu.memory_space<hbm>> -> memref<500x128xf32, #tpu.memory_space<hbm>>
        tpu.enqueue_dma source(%dma_start3A_751 : memref<500x128xf32, #tpu.memory_space<hbm>>) target(%dma_start3A_749 : memref<500x128xf32, #tpu.memory_space<vmem_shared>>) target_semaphore(%run_scoped3A : memref<!tpu.dma_semaphore, #tpu.memory_space<semaphore_mem>>)
        %dma_wait3A_752 = arith.constant 0 : i32
        %dma_wait3A_753 = tpu.memref_slice %arg21[%mul3A_747, %dma_wait3A_752] : memref<7000x128xf32, #tpu.memory_space<vmem_shared>> -> memref<500x128xf32, #tpu.memory_space<vmem_shared>>
        %dma_wait3A_754 = arith.constant 0 : i32
        %dma_wait3A_755 = tpu.memref_slice %arg3[%mul3A_745, %dma_wait3A_754] : memref<7000x128xf32, #tpu.memory_space<hbm>> -> memref<500x128xf32, #tpu.memory_space<hbm>>
        tpu.wait_dma2 semaphore(%run_scoped3A : memref<!tpu.dma_semaphore, #tpu.memory_space<semaphore_mem>>) src(%dma_wait3A_755 : memref<500x128xf32, #tpu.memory_space<hbm>>) dst(%dma_wait3A_753 : memref<500x128xf32, #tpu.memory_space<vmem_shared>>)
        tpu.yield
      }) : () -> ()
    } else {
    }
    "tpu.region"() ({
      %run_scoped3A = tpu.sem_alloc : memref<!tpu.dma_semaphore, #tpu.memory_space<semaphore_mem>>
      tpu.enqueue_dma source(%arg6 : memref<1024xf32, #tpu.memory_space<hbm>>) target(%arg15 : memref<1024xf32, #tpu.memory_space<vmem>>) target_semaphore(%run_scoped3A : memref<!tpu.dma_semaphore, #tpu.memory_space<semaphore_mem>>)
      tpu.wait_dma2 semaphore(%run_scoped3A : memref<!tpu.dma_semaphore, #tpu.memory_space<semaphore_mem>>) src(%arg6 : memref<1024xf32, #tpu.memory_space<hbm>>) dst(%arg15 : memref<1024xf32, #tpu.memory_space<vmem>>)
      tpu.yield
    }) : () -> ()
    %barrier3A = arith.constant 0 : index
    tpu.barrier barrier_id(%barrier3A)
    %iota3A = tpu.iota {dimensions = array<i32: 0>} : vector<16xi32>
    %add3A_3 = arith.constant 0 : i32
    %add3A_4 = vector.broadcast %add3A_3 : i32 to vector<16xi32>
    %add3A_5 = arith.addi %iota3A, %add3A_4 : vector<16xi32>
    %add3A_6 = arith.constant 16 : i32
    %add3A_7 = vector.broadcast %add3A_6 : i32 to vector<16xi32>
    %add3A_8 = arith.addi %iota3A, %add3A_7 : vector<16xi32>
    %add3A_9 = arith.constant 32 : i32
    %add3A_10 = vector.broadcast %add3A_9 : i32 to vector<16xi32>
    %add3A_11 = arith.addi %iota3A, %add3A_10 : vector<16xi32>
    %add3A_12 = arith.constant 48 : i32
    %add3A_13 = vector.broadcast %add3A_12 : i32 to vector<16xi32>
    %add3A_14 = arith.addi %iota3A, %add3A_13 : vector<16xi32>
    %add3A_15 = arith.constant 64 : i32
    %add3A_16 = vector.broadcast %add3A_15 : i32 to vector<16xi32>
    %add3A_17 = arith.addi %iota3A, %add3A_16 : vector<16xi32>
    %add3A_18 = arith.constant 80 : i32
    %add3A_19 = vector.broadcast %add3A_18 : i32 to vector<16xi32>
    %add3A_20 = arith.addi %iota3A, %add3A_19 : vector<16xi32>
    %add3A_21 = arith.constant 96 : i32
    %add3A_22 = vector.broadcast %add3A_21 : i32 to vector<16xi32>
    %add3A_23 = arith.addi %iota3A, %add3A_22 : vector<16xi32>
    %add3A_24 = arith.constant 112 : i32
    %add3A_25 = vector.broadcast %add3A_24 : i32 to vector<16xi32>
    %add3A_26 = arith.addi %iota3A, %add3A_25 : vector<16xi32>
    %mul3A_27 = arith.constant 100 : i32
    %mul3A_28 = arith.muli %add3A, %mul3A_27 : i32
    %add3A_29 = arith.constant 0 : i32
    %add3A_30 = arith.addi %mul3A_28, %add3A_29 : i32
    %jit3A = arith.constant 64 : i32
    %div3A = arith.divsi %add3A_30, %jit3A : i32
    %sign3A = arith.constant 0 : i32
    %sign3A_31 = arith.cmpi sgt, %add3A_30, %sign3A : i32
    %sign3A_32 = arith.extui %sign3A_31 : i1 to i32
    %sign3A_33 = arith.constant 0 : i32
    %sign3A_34 = arith.cmpi slt, %add3A_30, %sign3A_33 : i32
    %sign3A_35 = arith.extui %sign3A_34 : i1 to i32
    %sign3A_36 = arith.subi %sign3A_32, %sign3A_35 : i32
    %sign3A_37 = arith.constant 0 : i32
    %sign3A_38 = arith.cmpi sgt, %jit3A, %sign3A_37 : i32
    %sign3A_39 = arith.extui %sign3A_38 : i1 to i32
    %sign3A_40 = arith.constant 0 : i32
    %sign3A_41 = arith.cmpi slt, %jit3A, %sign3A_40 : i32
    %sign3A_42 = arith.extui %sign3A_41 : i1 to i32
    %sign3A_43 = arith.subi %sign3A_39, %sign3A_42 : i32
    %ne3A = arith.cmpi ne, %sign3A_36, %sign3A_43 : i32
    %rem3A = arith.remsi %add3A_30, %jit3A : i32
    %ne3A_44 = arith.constant 0 : i32
    %ne3A_45 = arith.cmpi ne, %rem3A, %ne3A_44 : i32
    %and3A = arith.andi %ne3A, %ne3A_45 : i1
    %sub3A = arith.constant 1 : i32
    %sub3A_46 = arith.subi %div3A, %sub3A : i32
    %select_n3A = arith.select %and3A, %sub3A_46, %div3A : i32
    %jit3A_47 = arith.constant 8 : i32
    %div3A_48 = arith.divsi %add3A_30, %jit3A_47 : i32
    %sign3A_49 = arith.constant 0 : i32
    %sign3A_50 = arith.cmpi sgt, %add3A_30, %sign3A_49 : i32
    %sign3A_51 = arith.extui %sign3A_50 : i1 to i32
    %sign3A_52 = arith.constant 0 : i32
    %sign3A_53 = arith.cmpi slt, %add3A_30, %sign3A_52 : i32
    %sign3A_54 = arith.extui %sign3A_53 : i1 to i32
    %sign3A_55 = arith.subi %sign3A_51, %sign3A_54 : i32
    %sign3A_56 = arith.constant 0 : i32
    %sign3A_57 = arith.cmpi sgt, %jit3A_47, %sign3A_56 : i32
    %sign3A_58 = arith.extui %sign3A_57 : i1 to i32
    %sign3A_59 = arith.constant 0 : i32
    %sign3A_60 = arith.cmpi slt, %jit3A_47, %sign3A_59 : i32
    %sign3A_61 = arith.extui %sign3A_60 : i1 to i32
    %sign3A_62 = arith.subi %sign3A_58, %sign3A_61 : i32
    %ne3A_63 = arith.cmpi ne, %sign3A_55, %sign3A_62 : i32
    %rem3A_64 = arith.remsi %add3A_30, %jit3A_47 : i32
    %ne3A_65 = arith.constant 0 : i32
    %ne3A_66 = arith.cmpi ne, %rem3A_64, %ne3A_65 : i32
    %and3A_67 = arith.andi %ne3A_63, %ne3A_66 : i1
    %sub3A_68 = arith.constant 1 : i32
    %sub3A_69 = arith.subi %div3A_48, %sub3A_68 : i32
    %select_n3A_70 = arith.select %and3A_67, %sub3A_69, %div3A_48 : i32
    %jit3A_71 = arith.constant 8 : i32
    %eq3A = arith.constant 0 : i32
    %eq3A_72 = arith.cmpi eq, %jit3A_71, %eq3A : i32
    %jit3A_73 = arith.constant 1 : i32
    %select_n3A_74 = arith.select %eq3A_72, %jit3A_73, %jit3A_71 : i32
    %rem3A_75 = arith.remsi %select_n3A_70, %select_n3A_74 : i32
    %ne3A_76 = arith.constant 0 : i32
    %ne3A_77 = arith.cmpi ne, %rem3A_75, %ne3A_76 : i32
    %lt3A_78 = arith.constant 0 : i32
    %lt3A_79 = arith.cmpi slt, %rem3A_75, %lt3A_78 : i32
    %lt3A_80 = arith.constant 0 : i32
    %lt3A_81 = arith.cmpi slt, %select_n3A_74, %lt3A_80 : i32
    %ne3A_82 = arith.xori %lt3A_79, %lt3A_81 : i1
    %and3A_83 = arith.andi %ne3A_82, %ne3A_77 : i1
    %add3A_84 = arith.addi %rem3A_75, %select_n3A_74 : i32
    %select_n3A_85 = arith.select %and3A_83, %add3A_84, %rem3A_75 : i32
    %jit3A_86 = arith.constant 8 : i32
    %eq3A_87 = arith.constant 0 : i32
    %eq3A_88 = arith.cmpi eq, %jit3A_86, %eq3A_87 : i32
    %jit3A_89 = arith.constant 1 : i32
    %select_n3A_90 = arith.select %eq3A_88, %jit3A_89, %jit3A_86 : i32
    %rem3A_91 = arith.remsi %add3A_30, %select_n3A_90 : i32
    %ne3A_92 = arith.constant 0 : i32
    %ne3A_93 = arith.cmpi ne, %rem3A_91, %ne3A_92 : i32
    %lt3A_94 = arith.constant 0 : i32
    %lt3A_95 = arith.cmpi slt, %rem3A_91, %lt3A_94 : i32
    %lt3A_96 = arith.constant 0 : i32
    %lt3A_97 = arith.cmpi slt, %select_n3A_90, %lt3A_96 : i32
    %ne3A_98 = arith.xori %lt3A_95, %lt3A_97 : i1
    %and3A_99 = arith.andi %ne3A_98, %ne3A_93 : i1
    %add3A_100 = arith.addi %rem3A_91, %select_n3A_90 : i32
    %select_n3A_101 = arith.select %and3A_99, %add3A_100, %rem3A_91 : i32
    %mul3A_102 = arith.constant 128 : i32
    %mul3A_103 = arith.muli %select_n3A_85, %mul3A_102 : i32
    %mul3A_104 = arith.constant 128 : i32
    %mul3A_105 = arith.muli %select_n3A_85, %mul3A_104 : i32
    %dma_start3A = tpu.memref_slice %arg4[%select_n3A, %mul3A_103] : memref<50x1024xi32, #tpu.memory_space<hbm>> -> memref<1x128xi32, #tpu.memory_space<hbm>>
    %dma_start3A_106 = tpu.memref_squeeze %dma_start3A : memref<1x128xi32, #tpu.memory_space<hbm>> -> memref<128xi32, #tpu.memory_space<hbm>>
    %dma_start3A_107 = tpu.memref_slice %arg4[%select_n3A, %mul3A_103] : memref<50x1024xi32, #tpu.memory_space<hbm>> -> memref<1x128xi32, #tpu.memory_space<hbm>>
    %dma_start3A_108 = tpu.memref_squeeze %dma_start3A_107 : memref<1x128xi32, #tpu.memory_space<hbm>> -> memref<128xi32, #tpu.memory_space<hbm>>
    tpu.enqueue_dma source(%dma_start3A_108 : memref<128xi32, #tpu.memory_space<hbm>>) target(%arg9 : memref<128xi32, #tpu.memory_space<vmem>>) target_semaphore(%arg26 : memref<!tpu.dma_semaphore, #tpu.memory_space<semaphore_mem>>)
    %dma_start3A_109 = tpu.memref_slice %arg5[%select_n3A, %mul3A_105] : memref<50x1024xi32, #tpu.memory_space<hbm>> -> memref<1x128xi32, #tpu.memory_space<hbm>>
    %dma_start3A_110 = tpu.memref_squeeze %dma_start3A_109 : memref<1x128xi32, #tpu.memory_space<hbm>> -> memref<128xi32, #tpu.memory_space<hbm>>
    %dma_start3A_111 = tpu.memref_slice %arg5[%select_n3A, %mul3A_105] : memref<50x1024xi32, #tpu.memory_space<hbm>> -> memref<1x128xi32, #tpu.memory_space<hbm>>
    %dma_start3A_112 = tpu.memref_squeeze %dma_start3A_111 : memref<1x128xi32, #tpu.memory_space<hbm>> -> memref<128xi32, #tpu.memory_space<hbm>>
    tpu.enqueue_dma source(%dma_start3A_112 : memref<128xi32, #tpu.memory_space<hbm>>) target(%arg11 : memref<128xi32, #tpu.memory_space<vmem>>) target_semaphore(%arg28 : memref<!tpu.dma_semaphore, #tpu.memory_space<semaphore_mem>>)
    %mul3A_113 = arith.constant 100 : i32
    %mul3A_114 = arith.muli %add3A, %mul3A_113 : i32
    %add3A_115 = arith.constant 0 : i32
    %add3A_116 = arith.addi %mul3A_114, %add3A_115 : i32
    %jit3A_117 = arith.constant 64 : i32
    %div3A_118 = arith.divsi %add3A_116, %jit3A_117 : i32
    %sign3A_119 = arith.constant 0 : i32
    %sign3A_120 = arith.cmpi sgt, %add3A_116, %sign3A_119 : i32
    %sign3A_121 = arith.extui %sign3A_120 : i1 to i32
    %sign3A_122 = arith.constant 0 : i32
    %sign3A_123 = arith.cmpi slt, %add3A_116, %sign3A_122 : i32
    %sign3A_124 = arith.extui %sign3A_123 : i1 to i32
    %sign3A_125 = arith.subi %sign3A_121, %sign3A_124 : i32
    %sign3A_126 = arith.constant 0 : i32
    %sign3A_127 = arith.cmpi sgt, %jit3A_117, %sign3A_126 : i32
    %sign3A_128 = arith.extui %sign3A_127 : i1 to i32
    %sign3A_129 = arith.constant 0 : i32
    %sign3A_130 = arith.cmpi slt, %jit3A_117, %sign3A_129 : i32
    %sign3A_131 = arith.extui %sign3A_130 : i1 to i32
    %sign3A_132 = arith.subi %sign3A_128, %sign3A_131 : i32
    %ne3A_133 = arith.cmpi ne, %sign3A_125, %sign3A_132 : i32
    %rem3A_134 = arith.remsi %add3A_116, %jit3A_117 : i32
    %ne3A_135 = arith.constant 0 : i32
    %ne3A_136 = arith.cmpi ne, %rem3A_134, %ne3A_135 : i32
    %and3A_137 = arith.andi %ne3A_133, %ne3A_136 : i1
    %sub3A_138 = arith.constant 1 : i32
    %sub3A_139 = arith.subi %div3A_118, %sub3A_138 : i32
    %select_n3A_140 = arith.select %and3A_137, %sub3A_139, %div3A_118 : i32
    %jit3A_141 = arith.constant 8 : i32
    %div3A_142 = arith.divsi %add3A_116, %jit3A_141 : i32
    %sign3A_143 = arith.constant 0 : i32
    %sign3A_144 = arith.cmpi sgt, %add3A_116, %sign3A_143 : i32
    %sign3A_145 = arith.extui %sign3A_144 : i1 to i32
    %sign3A_146 = arith.constant 0 : i32
    %sign3A_147 = arith.cmpi slt, %add3A_116, %sign3A_146 : i32
    %sign3A_148 = arith.extui %sign3A_147 : i1 to i32
    %sign3A_149 = arith.subi %sign3A_145, %sign3A_148 : i32
    %sign3A_150 = arith.constant 0 : i32
    %sign3A_151 = arith.cmpi sgt, %jit3A_141, %sign3A_150 : i32
    %sign3A_152 = arith.extui %sign3A_151 : i1 to i32
    %sign3A_153 = arith.constant 0 : i32
    %sign3A_154 = arith.cmpi slt, %jit3A_141, %sign3A_153 : i32
    %sign3A_155 = arith.extui %sign3A_154 : i1 to i32
    %sign3A_156 = arith.subi %sign3A_152, %sign3A_155 : i32
    %ne3A_157 = arith.cmpi ne, %sign3A_149, %sign3A_156 : i32
    %rem3A_158 = arith.remsi %add3A_116, %jit3A_141 : i32
    %ne3A_159 = arith.constant 0 : i32
    %ne3A_160 = arith.cmpi ne, %rem3A_158, %ne3A_159 : i32
    %and3A_161 = arith.andi %ne3A_157, %ne3A_160 : i1
    %sub3A_162 = arith.constant 1 : i32
    %sub3A_163 = arith.subi %div3A_142, %sub3A_162 : i32
    %select_n3A_164 = arith.select %and3A_161, %sub3A_163, %div3A_142 : i32
    %jit3A_165 = arith.constant 8 : i32
    %eq3A_166 = arith.constant 0 : i32
    %eq3A_167 = arith.cmpi eq, %jit3A_165, %eq3A_166 : i32
    %jit3A_168 = arith.constant 1 : i32
    %select_n3A_169 = arith.select %eq3A_167, %jit3A_168, %jit3A_165 : i32
    %rem3A_170 = arith.remsi %select_n3A_164, %select_n3A_169 : i32
    %ne3A_171 = arith.constant 0 : i32
    %ne3A_172 = arith.cmpi ne, %rem3A_170, %ne3A_171 : i32
    %lt3A_173 = arith.constant 0 : i32
    %lt3A_174 = arith.cmpi slt, %rem3A_170, %lt3A_173 : i32
    %lt3A_175 = arith.constant 0 : i32
    %lt3A_176 = arith.cmpi slt, %select_n3A_169, %lt3A_175 : i32
    %ne3A_177 = arith.xori %lt3A_174, %lt3A_176 : i1
    %and3A_178 = arith.andi %ne3A_177, %ne3A_172 : i1
    %add3A_179 = arith.addi %rem3A_170, %select_n3A_169 : i32
    %select_n3A_180 = arith.select %and3A_178, %add3A_179, %rem3A_170 : i32
    %jit3A_181 = arith.constant 8 : i32
    %eq3A_182 = arith.constant 0 : i32
    %eq3A_183 = arith.cmpi eq, %jit3A_181, %eq3A_182 : i32
    %jit3A_184 = arith.constant 1 : i32
    %select_n3A_185 = arith.select %eq3A_183, %jit3A_184, %jit3A_181 : i32
    %rem3A_186 = arith.remsi %add3A_116, %select_n3A_185 : i32
    %ne3A_187 = arith.constant 0 : i32
    %ne3A_188 = arith.cmpi ne, %rem3A_186, %ne3A_187 : i32
    %lt3A_189 = arith.constant 0 : i32
    %lt3A_190 = arith.cmpi slt, %rem3A_186, %lt3A_189 : i32
    %lt3A_191 = arith.constant 0 : i32
    %lt3A_192 = arith.cmpi slt, %select_n3A_185, %lt3A_191 : i32
    %ne3A_193 = arith.xori %lt3A_190, %lt3A_192 : i1
    %and3A_194 = arith.andi %ne3A_193, %ne3A_188 : i1
    %add3A_195 = arith.addi %rem3A_186, %select_n3A_185 : i32
    %select_n3A_196 = arith.select %and3A_194, %add3A_195, %rem3A_186 : i32
    %mul3A_197 = arith.constant 128 : i32
    %mul3A_198 = arith.muli %select_n3A_180, %mul3A_197 : i32
    %mul3A_199 = arith.constant 128 : i32
    %mul3A_200 = arith.muli %select_n3A_180, %mul3A_199 : i32
    %dma_wait3A = tpu.memref_slice %arg4[%select_n3A_140, %mul3A_198] : memref<50x1024xi32, #tpu.memory_space<hbm>> -> memref<1x128xi32, #tpu.memory_space<hbm>>
    %dma_wait3A_201 = tpu.memref_squeeze %dma_wait3A : memref<1x128xi32, #tpu.memory_space<hbm>> -> memref<128xi32, #tpu.memory_space<hbm>>
    %dma_wait3A_202 = tpu.memref_slice %arg4[%select_n3A_140, %mul3A_198] : memref<50x1024xi32, #tpu.memory_space<hbm>> -> memref<1x128xi32, #tpu.memory_space<hbm>>
    %dma_wait3A_203 = tpu.memref_squeeze %dma_wait3A_202 : memref<1x128xi32, #tpu.memory_space<hbm>> -> memref<128xi32, #tpu.memory_space<hbm>>
    tpu.wait_dma2 semaphore(%arg26 : memref<!tpu.dma_semaphore, #tpu.memory_space<semaphore_mem>>) src(%dma_wait3A_203 : memref<128xi32, #tpu.memory_space<hbm>>) dst(%arg9 : memref<128xi32, #tpu.memory_space<vmem>>)
    %dma_wait3A_204 = tpu.memref_slice %arg5[%select_n3A_140, %mul3A_200] : memref<50x1024xi32, #tpu.memory_space<hbm>> -> memref<1x128xi32, #tpu.memory_space<hbm>>
    %dma_wait3A_205 = tpu.memref_squeeze %dma_wait3A_204 : memref<1x128xi32, #tpu.memory_space<hbm>> -> memref<128xi32, #tpu.memory_space<hbm>>
    %dma_wait3A_206 = tpu.memref_slice %arg5[%select_n3A_140, %mul3A_200] : memref<50x1024xi32, #tpu.memory_space<hbm>> -> memref<1x128xi32, #tpu.memory_space<hbm>>
    %dma_wait3A_207 = tpu.memref_squeeze %dma_wait3A_206 : memref<1x128xi32, #tpu.memory_space<hbm>> -> memref<128xi32, #tpu.memory_space<hbm>>
    tpu.wait_dma2 semaphore(%arg28 : memref<!tpu.dma_semaphore, #tpu.memory_space<semaphore_mem>>) src(%dma_wait3A_207 : memref<128xi32, #tpu.memory_space<hbm>>) dst(%arg11 : memref<128xi32, #tpu.memory_space<vmem>>)
    %mul3A_208 = arith.constant 100 : i32
    %mul3A_209 = arith.muli %add3A, %mul3A_208 : i32
    %add3A_210 = arith.constant 0 : i32
    %add3A_211 = arith.addi %mul3A_209, %add3A_210 : i32
    %jit3A_212 = arith.constant 64 : i32
    %div3A_213 = arith.divsi %add3A_211, %jit3A_212 : i32
    %sign3A_214 = arith.constant 0 : i32
    %sign3A_215 = arith.cmpi sgt, %add3A_211, %sign3A_214 : i32
    %sign3A_216 = arith.extui %sign3A_215 : i1 to i32
    %sign3A_217 = arith.constant 0 : i32
    %sign3A_218 = arith.cmpi slt, %add3A_211, %sign3A_217 : i32
    %sign3A_219 = arith.extui %sign3A_218 : i1 to i32
    %sign3A_220 = arith.subi %sign3A_216, %sign3A_219 : i32
    %sign3A_221 = arith.constant 0 : i32
    %sign3A_222 = arith.cmpi sgt, %jit3A_212, %sign3A_221 : i32
    %sign3A_223 = arith.extui %sign3A_222 : i1 to i32
    %sign3A_224 = arith.constant 0 : i32
    %sign3A_225 = arith.cmpi slt, %jit3A_212, %sign3A_224 : i32
    %sign3A_226 = arith.extui %sign3A_225 : i1 to i32
    %sign3A_227 = arith.subi %sign3A_223, %sign3A_226 : i32
    %ne3A_228 = arith.cmpi ne, %sign3A_220, %sign3A_227 : i32
    %rem3A_229 = arith.remsi %add3A_211, %jit3A_212 : i32
    %ne3A_230 = arith.constant 0 : i32
    %ne3A_231 = arith.cmpi ne, %rem3A_229, %ne3A_230 : i32
    %and3A_232 = arith.andi %ne3A_228, %ne3A_231 : i1
    %sub3A_233 = arith.constant 1 : i32
    %sub3A_234 = arith.subi %div3A_213, %sub3A_233 : i32
    %select_n3A_235 = arith.select %and3A_232, %sub3A_234, %div3A_213 : i32
    %jit3A_236 = arith.constant 8 : i32
    %div3A_237 = arith.divsi %add3A_211, %jit3A_236 : i32
    %sign3A_238 = arith.constant 0 : i32
    %sign3A_239 = arith.cmpi sgt, %add3A_211, %sign3A_238 : i32
    %sign3A_240 = arith.extui %sign3A_239 : i1 to i32
    %sign3A_241 = arith.constant 0 : i32
    %sign3A_242 = arith.cmpi slt, %add3A_211, %sign3A_241 : i32
    %sign3A_243 = arith.extui %sign3A_242 : i1 to i32
    %sign3A_244 = arith.subi %sign3A_240, %sign3A_243 : i32
    %sign3A_245 = arith.constant 0 : i32
    %sign3A_246 = arith.cmpi sgt, %jit3A_236, %sign3A_245 : i32
    %sign3A_247 = arith.extui %sign3A_246 : i1 to i32
    %sign3A_248 = arith.constant 0 : i32
    %sign3A_249 = arith.cmpi slt, %jit3A_236, %sign3A_248 : i32
    %sign3A_250 = arith.extui %sign3A_249 : i1 to i32
    %sign3A_251 = arith.subi %sign3A_247, %sign3A_250 : i32
    %ne3A_252 = arith.cmpi ne, %sign3A_244, %sign3A_251 : i32
    %rem3A_253 = arith.remsi %add3A_211, %jit3A_236 : i32
    %ne3A_254 = arith.constant 0 : i32
    %ne3A_255 = arith.cmpi ne, %rem3A_253, %ne3A_254 : i32
    %and3A_256 = arith.andi %ne3A_252, %ne3A_255 : i1
    %sub3A_257 = arith.constant 1 : i32
    %sub3A_258 = arith.subi %div3A_237, %sub3A_257 : i32
    %select_n3A_259 = arith.select %and3A_256, %sub3A_258, %div3A_237 : i32
    %jit3A_260 = arith.constant 8 : i32
    %eq3A_261 = arith.constant 0 : i32
    %eq3A_262 = arith.cmpi eq, %jit3A_260, %eq3A_261 : i32
    %jit3A_263 = arith.constant 1 : i32
    %select_n3A_264 = arith.select %eq3A_262, %jit3A_263, %jit3A_260 : i32
    %rem3A_265 = arith.remsi %select_n3A_259, %select_n3A_264 : i32
    %ne3A_266 = arith.constant 0 : i32
    %ne3A_267 = arith.cmpi ne, %rem3A_265, %ne3A_266 : i32
    %lt3A_268 = arith.constant 0 : i32
    %lt3A_269 = arith.cmpi slt, %rem3A_265, %lt3A_268 : i32
    %lt3A_270 = arith.constant 0 : i32
    %lt3A_271 = arith.cmpi slt, %select_n3A_264, %lt3A_270 : i32
    %ne3A_272 = arith.xori %lt3A_269, %lt3A_271 : i1
    %and3A_273 = arith.andi %ne3A_272, %ne3A_267 : i1
    %add3A_274 = arith.addi %rem3A_265, %select_n3A_264 : i32
    %select_n3A_275 = arith.select %and3A_273, %add3A_274, %rem3A_265 : i32
    %jit3A_276 = arith.constant 8 : i32
    %eq3A_277 = arith.constant 0 : i32
    %eq3A_278 = arith.cmpi eq, %jit3A_276, %eq3A_277 : i32
    %jit3A_279 = arith.constant 1 : i32
    %select_n3A_280 = arith.select %eq3A_278, %jit3A_279, %jit3A_276 : i32
    %rem3A_281 = arith.remsi %add3A_211, %select_n3A_280 : i32
    %ne3A_282 = arith.constant 0 : i32
    %ne3A_283 = arith.cmpi ne, %rem3A_281, %ne3A_282 : i32
    %lt3A_284 = arith.constant 0 : i32
    %lt3A_285 = arith.cmpi slt, %rem3A_281, %lt3A_284 : i32
    %lt3A_286 = arith.constant 0 : i32
    %lt3A_287 = arith.cmpi slt, %select_n3A_280, %lt3A_286 : i32
    %ne3A_288 = arith.xori %lt3A_285, %lt3A_287 : i1
    %and3A_289 = arith.andi %ne3A_288, %ne3A_283 : i1
    %add3A_290 = arith.addi %rem3A_281, %select_n3A_280 : i32
    %select_n3A_291 = arith.select %and3A_289, %add3A_290, %rem3A_281 : i32
    %get3A = arith.constant 0 : index
    %get3A_292 = tpu.vector_load %arg9[%get3A] {strides = array<i32>} : memref<128xi32, #tpu.memory_space<vmem>>, vector<16xi32>,
    %lt3A_293 = arith.constant 7 : i32
    %lt3A_294 = arith.cmpi slt, %select_n3A_291, %lt3A_293 : i32
    %mul3A_295 = arith.constant 7 : i32
    %mul3A_296 = vector.broadcast %mul3A_295 : i32 to vector<16xi32>
    %mul3A_297 = arith.muli %get3A_292, %mul3A_296 : vector<16xi32>
    %add3A_298 = vector.broadcast %select_n3A_291 : i32 to vector<16xi32>
    %add3A_299 = arith.addi %mul3A_297, %add3A_298 : vector<16xi32>
    %mul3A_300 = arith.constant 8 : i32
    %mul3A_301 = vector.broadcast %mul3A_300 : i32 to vector<16xi32>
    %mul3A_302 = arith.muli %get3A_292, %mul3A_301 : vector<16xi32>
    %add3A_303 = arith.constant 7 : i32
    %add3A_304 = vector.broadcast %add3A_303 : i32 to vector<16xi32>
    %add3A_305 = arith.addi %mul3A_302, %add3A_304 : vector<16xi32>
    %select_n3A_306 = arith.select %lt3A_294, %add3A_299, %add3A_305 : vector<16xi32>
    %swap3A = arith.constant 0 : index
    %swap3A_307 = tpu.vector_load %arg13[%swap3A] {strides = array<i32>} : memref<128xi32, #tpu.memory_space<vmem>>, vector<16xi32>,
    tpu.vector_store %arg13[%swap3A], %select_n3A_306 {strides = array<i32>} : memref<128xi32, #tpu.memory_space<vmem>>, vector<16xi32>,
    %get3A_308 = arith.constant 16 : index
    %get3A_309 = tpu.vector_load %arg9[%get3A_308] {strides = array<i32>} : memref<128xi32, #tpu.memory_space<vmem>>, vector<16xi32>,
    %lt3A_310 = arith.constant 7 : i32
    %lt3A_311 = arith.cmpi slt, %select_n3A_291, %lt3A_310 : i32
    %mul3A_312 = arith.constant 7 : i32
    %mul3A_313 = vector.broadcast %mul3A_312 : i32 to vector<16xi32>
    %mul3A_314 = arith.muli %get3A_309, %mul3A_313 : vector<16xi32>
    %add3A_315 = vector.broadcast %select_n3A_291 : i32 to vector<16xi32>
    %add3A_316 = arith.addi %mul3A_314, %add3A_315 : vector<16xi32>
    %mul3A_317 = arith.constant 8 : i32
    %mul3A_318 = vector.broadcast %mul3A_317 : i32 to vector<16xi32>
    %mul3A_319 = arith.muli %get3A_309, %mul3A_318 : vector<16xi32>
    %add3A_320 = arith.constant 7 : i32
    %add3A_321 = vector.broadcast %add3A_320 : i32 to vector<16xi32>
    %add3A_322 = arith.addi %mul3A_319, %add3A_321 : vector<16xi32>
    %select_n3A_323 = arith.select %lt3A_311, %add3A_316, %add3A_322 : vector<16xi32>
    %swap3A_324 = arith.constant 16 : index
    %swap3A_325 = tpu.vector_load %arg13[%swap3A_324] {strides = array<i32>} : memref<128xi32, #tpu.memory_space<vmem>>, vector<16xi32>,
    tpu.vector_store %arg13[%swap3A_324], %select_n3A_323 {strides = array<i32>} : memref<128xi32, #tpu.memory_space<vmem>>, vector<16xi32>,
    %get3A_326 = arith.constant 32 : index
    %get3A_327 = tpu.vector_load %arg9[%get3A_326] {strides = array<i32>} : memref<128xi32, #tpu.memory_space<vmem>>, vector<16xi32>,
    %lt3A_328 = arith.constant 7 : i32
    %lt3A_329 = arith.cmpi slt, %select_n3A_291, %lt3A_328 : i32
    %mul3A_330 = arith.constant 7 : i32
    %mul3A_331 = vector.broadcast %mul3A_330 : i32 to vector<16xi32>
    %mul3A_332 = arith.muli %get3A_327, %mul3A_331 : vector<16xi32>
    %add3A_333 = vector.broadcast %select_n3A_291 : i32 to vector<16xi32>
    %add3A_334 = arith.addi %mul3A_332, %add3A_333 : vector<16xi32>
    %mul3A_335 = arith.constant 8 : i32
    %mul3A_336 = vector.broadcast %mul3A_335 : i32 to vector<16xi32>
    %mul3A_337 = arith.muli %get3A_327, %mul3A_336 : vector<16xi32>
    %add3A_338 = arith.constant 7 : i32
    %add3A_339 = vector.broadcast %add3A_338 : i32 to vector<16xi32>
    %add3A_340 = arith.addi %mul3A_337, %add3A_339 : vector<16xi32>
    %select_n3A_341 = arith.select %lt3A_329, %add3A_334, %add3A_340 : vector<16xi32>
    %swap3A_342 = arith.constant 32 : index
    %swap3A_343 = tpu.vector_load %arg13[%swap3A_342] {strides = array<i32>} : memref<128xi32, #tpu.memory_space<vmem>>, vector<16xi32>,
    tpu.vector_store %arg13[%swap3A_342], %select_n3A_341 {strides = array<i32>} : memref<128xi32, #tpu.memory_space<vmem>>, vector<16xi32>,
    %get3A_344 = arith.constant 48 : index
    %get3A_345 = tpu.vector_load %arg9[%get3A_344] {strides = array<i32>} : memref<128xi32, #tpu.memory_space<vmem>>, vector<16xi32>,
    %lt3A_346 = arith.constant 7 : i32
    %lt3A_347 = arith.cmpi slt, %select_n3A_291, %lt3A_346 : i32
    %mul3A_348 = arith.constant 7 : i32
    %mul3A_349 = vector.broadcast %mul3A_348 : i32 to vector<16xi32>
    %mul3A_350 = arith.muli %get3A_345, %mul3A_349 : vector<16xi32>
    %add3A_351 = vector.broadcast %select_n3A_291 : i32 to vector<16xi32>
    %add3A_352 = arith.addi %mul3A_350, %add3A_351 : vector<16xi32>
    %mul3A_353 = arith.constant 8 : i32
    %mul3A_354 = vector.broadcast %mul3A_353 : i32 to vector<16xi32>
    %mul3A_355 = arith.muli %get3A_345, %mul3A_354 : vector<16xi32>
    %add3A_356 = arith.constant 7 : i32
    %add3A_357 = vector.broadcast %add3A_356 : i32 to vector<16xi32>
    %add3A_358 = arith.addi %mul3A_355, %add3A_357 : vector<16xi32>
    %select_n3A_359 = arith.select %lt3A_347, %add3A_352, %add3A_358 : vector<16xi32>
    %swap3A_360 = arith.constant 48 : index
    %swap3A_361 = tpu.vector_load %arg13[%swap3A_360] {strides = array<i32>} : memref<128xi32, #tpu.memory_space<vmem>>, vector<16xi32>,
    tpu.vector_store %arg13[%swap3A_360], %select_n3A_359 {strides = array<i32>} : memref<128xi32, #tpu.memory_space<vmem>>, vector<16xi32>,
    %get3A_362 = arith.constant 64 : index
    %get3A_363 = tpu.vector_load %arg9[%get3A_362] {strides = array<i32>} : memref<128xi32, #tpu.memory_space<vmem>>, vector<16xi32>,
    %lt3A_364 = arith.constant 7 : i32
    %lt3A_365 = arith.cmpi slt, %select_n3A_291, %lt3A_364 : i32
    %mul3A_366 = arith.constant 7 : i32
    %mul3A_367 = vector.broadcast %mul3A_366 : i32 to vector<16xi32>
    %mul3A_368 = arith.muli %get3A_363, %mul3A_367 : vector<16xi32>
    %add3A_369 = vector.broadcast %select_n3A_291 : i32 to vector<16xi32>
    %add3A_370 = arith.addi %mul3A_368, %add3A_369 : vector<16xi32>
    %mul3A_371 = arith.constant 8 : i32
    %mul3A_372 = vector.broadcast %mul3A_371 : i32 to vector<16xi32>
    %mul3A_373 = arith.muli %get3A_363, %mul3A_372 : vector<16xi32>
    %add3A_374 = arith.constant 7 : i32
    %add3A_375 = vector.broadcast %add3A_374 : i32 to vector<16xi32>
    %add3A_376 = arith.addi %mul3A_373, %add3A_375 : vector<16xi32>
    %select_n3A_377 = arith.select %lt3A_365, %add3A_370, %add3A_376 : vector<16xi32>
    %swap3A_378 = arith.constant 64 : index
    %swap3A_379 = tpu.vector_load %arg13[%swap3A_378] {strides = array<i32>} : memref<128xi32, #tpu.memory_space<vmem>>, vector<16xi32>,
    tpu.vector_store %arg13[%swap3A_378], %select_n3A_377 {strides = array<i32>} : memref<128xi32, #tpu.memory_space<vmem>>, vector<16xi32>,
    %get3A_380 = arith.constant 80 : index
    %get3A_381 = tpu.vector_load %arg9[%get3A_380] {strides = array<i32>} : memref<128xi32, #tpu.memory_space<vmem>>, vector<16xi32>,
    %lt3A_382 = arith.constant 7 : i32
    %lt3A_383 = arith.cmpi slt, %select_n3A_291, %lt3A_382 : i32
    %mul3A_384 = arith.constant 7 : i32
    %mul3A_385 = vector.broadcast %mul3A_384 : i32 to vector<16xi32>
    %mul3A_386 = arith.muli %get3A_381, %mul3A_385 : vector<16xi32>
    %add3A_387 = vector.broadcast %select_n3A_291 : i32 to vector<16xi32>
    %add3A_388 = arith.addi %mul3A_386, %add3A_387 : vector<16xi32>
    %mul3A_389 = arith.constant 8 : i32
    %mul3A_390 = vector.broadcast %mul3A_389 : i32 to vector<16xi32>
    %mul3A_391 = arith.muli %get3A_381, %mul3A_390 : vector<16xi32>
    %add3A_392 = arith.constant 7 : i32
    %add3A_393 = vector.broadcast %add3A_392 : i32 to vector<16xi32>
    %add3A_394 = arith.addi %mul3A_391, %add3A_393 : vector<16xi32>
    %select_n3A_395 = arith.select %lt3A_383, %add3A_388, %add3A_394 : vector<16xi32>
    %swap3A_396 = arith.constant 80 : index
    %swap3A_397 = tpu.vector_load %arg13[%swap3A_396] {strides = array<i32>} : memref<128xi32, #tpu.memory_space<vmem>>, vector<16xi32>,
    tpu.vector_store %arg13[%swap3A_396], %select_n3A_395 {strides = array<i32>} : memref<128xi32, #tpu.memory_space<vmem>>, vector<16xi32>,
    %get3A_398 = arith.constant 96 : index
    %get3A_399 = tpu.vector_load %arg9[%get3A_398] {strides = array<i32>} : memref<128xi32, #tpu.memory_space<vmem>>, vector<16xi32>,
    %lt3A_400 = arith.constant 7 : i32
    %lt3A_401 = arith.cmpi slt, %select_n3A_291, %lt3A_400 : i32
    %mul3A_402 = arith.constant 7 : i32
    %mul3A_403 = vector.broadcast %mul3A_402 : i32 to vector<16xi32>
    %mul3A_404 = arith.muli %get3A_399, %mul3A_403 : vector<16xi32>
    %add3A_405 = vector.broadcast %select_n3A_291 : i32 to vector<16xi32>
    %add3A_406 = arith.addi %mul3A_404, %add3A_405 : vector<16xi32>
    %mul3A_407 = arith.constant 8 : i32
    %mul3A_408 = vector.broadcast %mul3A_407 : i32 to vector<16xi32>
    %mul3A_409 = arith.muli %get3A_399, %mul3A_408 : vector<16xi32>
    %add3A_410 = arith.constant 7 : i32
    %add3A_411 = vector.broadcast %add3A_410 : i32 to vector<16xi32>
    %add3A_412 = arith.addi %mul3A_409, %add3A_411 : vector<16xi32>
    %select_n3A_413 = arith.select %lt3A_401, %add3A_406, %add3A_412 : vector<16xi32>
    %swap3A_414 = arith.constant 96 : index
    %swap3A_415 = tpu.vector_load %arg13[%swap3A_414] {strides = array<i32>} : memref<128xi32, #tpu.memory_space<vmem>>, vector<16xi32>,
    tpu.vector_store %arg13[%swap3A_414], %select_n3A_413 {strides = array<i32>} : memref<128xi32, #tpu.memory_space<vmem>>, vector<16xi32>,
    %get3A_416 = arith.constant 112 : index
    %get3A_417 = tpu.vector_load %arg9[%get3A_416] {strides = array<i32>} : memref<128xi32, #tpu.memory_space<vmem>>, vector<16xi32>,
    %lt3A_418 = arith.constant 7 : i32
    %lt3A_419 = arith.cmpi slt, %select_n3A_291, %lt3A_418 : i32
    %mul3A_420 = arith.constant 7 : i32
    %mul3A_421 = vector.broadcast %mul3A_420 : i32 to vector<16xi32>
    %mul3A_422 = arith.muli %get3A_417, %mul3A_421 : vector<16xi32>
    %add3A_423 = vector.broadcast %select_n3A_291 : i32 to vector<16xi32>
    %add3A_424 = arith.addi %mul3A_422, %add3A_423 : vector<16xi32>
    %mul3A_425 = arith.constant 8 : i32
    %mul3A_426 = vector.broadcast %mul3A_425 : i32 to vector<16xi32>
    %mul3A_427 = arith.muli %get3A_417, %mul3A_426 : vector<16xi32>
    %add3A_428 = arith.constant 7 : i32
    %add3A_429 = vector.broadcast %add3A_428 : i32 to vector<16xi32>
    %add3A_430 = arith.addi %mul3A_427, %add3A_429 : vector<16xi32>
    %select_n3A_431 = arith.select %lt3A_419, %add3A_424, %add3A_430 : vector<16xi32>
    %swap3A_432 = arith.constant 112 : index
    %swap3A_433 = tpu.vector_load %arg13[%swap3A_432] {strides = array<i32>} : memref<128xi32, #tpu.memory_space<vmem>>, vector<16xi32>,
    tpu.vector_store %arg13[%swap3A_432], %select_n3A_431 {strides = array<i32>} : memref<128xi32, #tpu.memory_space<vmem>>, vector<16xi32>,
    %lt3A_434 = arith.constant 7 : i32
    %lt3A_435 = arith.cmpi slt, %select_n3A_291, %lt3A_434 : i32
    %convert_element_type3A_436 = arith.extui %lt3A_435 : i1 to i32
    %cond3A_437 = arith.constant 0 : i32
    %cond3A_438 = arith.cmpi ne, %convert_element_type3A_436, %cond3A_437 : i32
    scf.if %cond3A_438 {
      %dma_start3A_744 = arith.constant 0 : i32
      %dma_start3A_745 = arith.constant 0 : i32
      %dma_start3A_746 = tpu.memref_slice %arg21[%dma_start3A_744, %dma_start3A_745] : memref<7000x128xf32, #tpu.memory_space<vmem_shared>> -> memref<7000x128xf32, #tpu.memory_space<vmem_shared>>
      tpu.enqueue_indirect_dma source(%dma_start3A_746 : memref<7000x128xf32, #tpu.memory_space<vmem_shared>>) target(%arg16 : memref<128x128xf32, #tpu.memory_space<vmem>>) offsets(%arg13 : memref<128xi32, #tpu.memory_space<vmem>>) semaphore(%arg22 : memref<!tpu.dma_semaphore, #tpu.memory_space<semaphore_mem>>)
    } else {
    }
    %eq3A_439 = arith.constant 7 : i32
    %eq3A_440 = arith.cmpi eq, %select_n3A_291, %eq3A_439 : i32
    %convert_element_type3A_441 = arith.extui %eq3A_440 : i1 to i32
    %cond3A_442 = arith.constant 0 : i32
    %cond3A_443 = arith.cmpi ne, %convert_element_type3A_441, %cond3A_442 : i32
    scf.if %cond3A_443 {
      %dma_start3A_744 = arith.constant 0 : i32
      %dma_start3A_745 = arith.constant 0 : i32
      %dma_start3A_746 = tpu.memref_slice %arg2[%dma_start3A_744, %dma_start3A_745] : memref<8000x128xf32, #tpu.memory_space<hbm>> -> memref<8000x128xf32, #tpu.memory_space<hbm>>
      tpu.enqueue_indirect_dma source(%dma_start3A_746 : memref<8000x128xf32, #tpu.memory_space<hbm>>) target(%arg16 : memref<128x128xf32, #tpu.memory_space<vmem>>) offsets(%arg13 : memref<128xi32, #tpu.memory_space<vmem>>) semaphore(%arg22 : memref<!tpu.dma_semaphore, #tpu.memory_space<semaphore_mem>>)
    } else {
    }
    %mul3A_444 = arith.constant 100 : i32
    %mul3A_445 = arith.muli %add3A, %mul3A_444 : i32
    %add3A_446 = arith.constant 1 : i32
    %add3A_447 = arith.addi %mul3A_445, %add3A_446 : i32
    %jit3A_448 = arith.constant 64 : i32
    %div3A_449 = arith.divsi %add3A_447, %jit3A_448 : i32
    %sign3A_450 = arith.constant 0 : i32
    %sign3A_451 = arith.cmpi sgt, %add3A_447, %sign3A_450 : i32
    %sign3A_452 = arith.extui %sign3A_451 : i1 to i32
    %sign3A_453 = arith.constant 0 : i32
    %sign3A_454 = arith.cmpi slt, %add3A_447, %sign3A_453 : i32
    %sign3A_455 = arith.extui %sign3A_454 : i1 to i32
    %sign3A_456 = arith.subi %sign3A_452, %sign3A_455 : i32
    %sign3A_457 = arith.constant 0 : i32
    %sign3A_458 = arith.cmpi sgt, %jit3A_448, %sign3A_457 : i32
    %sign3A_459 = arith.extui %sign3A_458 : i1 to i32
    %sign3A_460 = arith.constant 0 : i32
    %sign3A_461 = arith.cmpi slt, %jit3A_448, %sign3A_460 : i32
    %sign3A_462 = arith.extui %sign3A_461 : i1 to i32
    %sign3A_463 = arith.subi %sign3A_459, %sign3A_462 : i32
    %ne3A_464 = arith.cmpi ne, %sign3A_456, %sign3A_463 : i32
    %rem3A_465 = arith.remsi %add3A_447, %jit3A_448 : i32
    %ne3A_466 = arith.constant 0 : i32
    %ne3A_467 = arith.cmpi ne, %rem3A_465, %ne3A_466 : i32
    %and3A_468 = arith.andi %ne3A_464, %ne3A_467 : i1
    %sub3A_469 = arith.constant 1 : i32
    %sub3A_470 = arith.subi %div3A_449, %sub3A_469 : i32
    %select_n3A_471 = arith.select %and3A_468, %sub3A_470, %div3A_449 : i32
    %jit3A_472 = arith.constant 8 : i32
    %div3A_473 = arith.divsi %add3A_447, %jit3A_472 : i32
    %sign3A_474 = arith.constant 0 : i32
    %sign3A_475 = arith.cmpi sgt, %add3A_447, %sign3A_474 : i32
    %sign3A_476 = arith.extui %sign3A_475 : i1 to i32
    %sign3A_477 = arith.constant 0 : i32
    %sign3A_478 = arith.cmpi slt, %add3A_447, %sign3A_477 : i32
    %sign3A_479 = arith.extui %sign3A_478 : i1 to i32
    %sign3A_480 = arith.subi %sign3A_476, %sign3A_479 : i32
    %sign3A_481 = arith.constant 0 : i32
    %sign3A_482 = arith.cmpi sgt, %jit3A_472, %sign3A_481 : i32
    %sign3A_483 = arith.extui %sign3A_482 : i1 to i32
    %sign3A_484 = arith.constant 0 : i32
    %sign3A_485 = arith.cmpi slt, %jit3A_472, %sign3A_484 : i32
    %sign3A_486 = arith.extui %sign3A_485 : i1 to i32
    %sign3A_487 = arith.subi %sign3A_483, %sign3A_486 : i32
    %ne3A_488 = arith.cmpi ne, %sign3A_480, %sign3A_487 : i32
    %rem3A_489 = arith.remsi %add3A_447, %jit3A_472 : i32
    %ne3A_490 = arith.constant 0 : i32
    %ne3A_491 = arith.cmpi ne, %rem3A_489, %ne3A_490 : i32
    %and3A_492 = arith.andi %ne3A_488, %ne3A_491 : i1
    %sub3A_493 = arith.constant 1 : i32
    %sub3A_494 = arith.subi %div3A_473, %sub3A_493 : i32
    %select_n3A_495 = arith.select %and3A_492, %sub3A_494, %div3A_473 : i32
    %jit3A_496 = arith.constant 8 : i32
    %eq3A_497 = arith.constant 0 : i32
    %eq3A_498 = arith.cmpi eq, %jit3A_496, %eq3A_497 : i32
    %jit3A_499 = arith.constant 1 : i32
    %select_n3A_500 = arith.select %eq3A_498, %jit3A_499, %jit3A_496 : i32
    %rem3A_501 = arith.remsi %select_n3A_495, %select_n3A_500 : i32
    %ne3A_502 = arith.constant 0 : i32
    %ne3A_503 = arith.cmpi ne, %rem3A_501, %ne3A_502 : i32
    %lt3A_504 = arith.constant 0 : i32
    %lt3A_505 = arith.cmpi slt, %rem3A_501, %lt3A_504 : i32
    %lt3A_506 = arith.constant 0 : i32
    %lt3A_507 = arith.cmpi slt, %select_n3A_500, %lt3A_506 : i32
    %ne3A_508 = arith.xori %lt3A_505, %lt3A_507 : i1
    %and3A_509 = arith.andi %ne3A_508, %ne3A_503 : i1
    %add3A_510 = arith.addi %rem3A_501, %select_n3A_500 : i32
    %select_n3A_511 = arith.select %and3A_509, %add3A_510, %rem3A_501 : i32
    %jit3A_512 = arith.constant 8 : i32
    %eq3A_513 = arith.constant 0 : i32
    %eq3A_514 = arith.cmpi eq, %jit3A_512, %eq3A_513 : i32
    %jit3A_515 = arith.constant 1 : i32
    %select_n3A_516 = arith.select %eq3A_514, %jit3A_515, %jit3A_512 : i32
    %rem3A_517 = arith.remsi %add3A_447, %select_n3A_516 : i32
    %ne3A_518 = arith.constant 0 : i32
    %ne3A_519 = arith.cmpi ne, %rem3A_517, %ne3A_518 : i32
    %lt3A_520 = arith.constant 0 : i32
    %lt3A_521 = arith.cmpi slt, %rem3A_517, %lt3A_520 : i32
    %lt3A_522 = arith.constant 0 : i32
    %lt3A_523 = arith.cmpi slt, %select_n3A_516, %lt3A_522 : i32
    %ne3A_524 = arith.xori %lt3A_521, %lt3A_523 : i1
    %and3A_525 = arith.andi %ne3A_524, %ne3A_519 : i1
    %add3A_526 = arith.addi %rem3A_517, %select_n3A_516 : i32
    %select_n3A_527 = arith.select %and3A_525, %add3A_526, %rem3A_517 : i32
    %mul3A_528 = arith.constant 128 : i32
    %mul3A_529 = arith.muli %select_n3A_511, %mul3A_528 : i32
    %mul3A_530 = arith.constant 128 : i32
    %mul3A_531 = arith.muli %select_n3A_511, %mul3A_530 : i32
    %dma_start3A_532 = tpu.memref_slice %arg4[%select_n3A_471, %mul3A_529] : memref<50x1024xi32, #tpu.memory_space<hbm>> -> memref<1x128xi32, #tpu.memory_space<hbm>>
    %dma_start3A_533 = tpu.memref_squeeze %dma_start3A_532 : memref<1x128xi32, #tpu.memory_space<hbm>> -> memref<128xi32, #tpu.memory_space<hbm>>
    %dma_start3A_534 = tpu.memref_slice %arg4[%select_n3A_471, %mul3A_529] : memref<50x1024xi32, #tpu.memory_space<hbm>> -> memref<1x128xi32, #tpu.memory_space<hbm>>
    %dma_start3A_535 = tpu.memref_squeeze %dma_start3A_534 : memref<1x128xi32, #tpu.memory_space<hbm>> -> memref<128xi32, #tpu.memory_space<hbm>>
    tpu.enqueue_dma source(%dma_start3A_535 : memref<128xi32, #tpu.memory_space<hbm>>) target(%arg10 : memref<128xi32, #tpu.memory_space<vmem>>) target_semaphore(%arg27 : memref<!tpu.dma_semaphore, #tpu.memory_space<semaphore_mem>>)
    %dma_start3A_536 = tpu.memref_slice %arg5[%select_n3A_471, %mul3A_531] : memref<50x1024xi32, #tpu.memory_space<hbm>> -> memref<1x128xi32, #tpu.memory_space<hbm>>
    %dma_start3A_537 = tpu.memref_squeeze %dma_start3A_536 : memref<1x128xi32, #tpu.memory_space<hbm>> -> memref<128xi32, #tpu.memory_space<hbm>>
    %dma_start3A_538 = tpu.memref_slice %arg5[%select_n3A_471, %mul3A_531] : memref<50x1024xi32, #tpu.memory_space<hbm>> -> memref<1x128xi32, #tpu.memory_space<hbm>>
    %dma_start3A_539 = tpu.memref_squeeze %dma_start3A_538 : memref<1x128xi32, #tpu.memory_space<hbm>> -> memref<128xi32, #tpu.memory_space<hbm>>
    tpu.enqueue_dma source(%dma_start3A_539 : memref<128xi32, #tpu.memory_space<hbm>>) target(%arg12 : memref<128xi32, #tpu.memory_space<vmem>>) target_semaphore(%arg29 : memref<!tpu.dma_semaphore, #tpu.memory_space<semaphore_mem>>)
    %broadcast_in_dim3A = arith.constant 0.000000e+00 : f32
    %broadcast_in_dim3A_540 = vector.broadcast %broadcast_in_dim3A : f32 to vector<16xf32>
    %scan3A = arith.constant 0 : i32
    %scan3A_541 = arith.constant 50 : i32
    %scan3A_542 = arith.addi %scan3A, %scan3A_541 : i32
    %scan3A_543 = arith.constant 1 : i32
    %scan3A_544 = scf.for %scan3A_744 = %scan3A to %scan3A_542 step %scan3A_543 iter_args(%scan3A_745 = %broadcast_in_dim3A_540) -> (vector<16xf32>)  : i32 {
      %mul3A_746 = arith.constant 2 : i32
      %mul3A_747 = arith.muli %mul3A_746, %scan3A_744 : i32
      %mul3A_748 = arith.constant 100 : i32
      %mul3A_749 = arith.muli %add3A, %mul3A_748 : i32
      %add3A_750 = arith.addi %mul3A_749, %mul3A_747 : i32
      %jit3A_751 = arith.constant 64 : i32
      %div3A_752 = arith.divsi %add3A_750, %jit3A_751 : i32
      %sign3A_753 = arith.constant 0 : i32
      %sign3A_754 = arith.cmpi sgt, %add3A_750, %sign3A_753 : i32
      %sign3A_755 = arith.extui %sign3A_754 : i1 to i32
      %sign3A_756 = arith.constant 0 : i32
      %sign3A_757 = arith.cmpi slt, %add3A_750, %sign3A_756 : i32
      %sign3A_758 = arith.extui %sign3A_757 : i1 to i32
      %sign3A_759 = arith.subi %sign3A_755, %sign3A_758 : i32
      %sign3A_760 = arith.constant 0 : i32
      %sign3A_761 = arith.cmpi sgt, %jit3A_751, %sign3A_760 : i32
      %sign3A_762 = arith.extui %sign3A_761 : i1 to i32
      %sign3A_763 = arith.constant 0 : i32
      %sign3A_764 = arith.cmpi slt, %jit3A_751, %sign3A_763 : i32
      %sign3A_765 = arith.extui %sign3A_764 : i1 to i32
      %sign3A_766 = arith.subi %sign3A_762, %sign3A_765 : i32
      %ne3A_767 = arith.cmpi ne, %sign3A_759, %sign3A_766 : i32
      %rem3A_768 = arith.remsi %add3A_750, %jit3A_751 : i32
      %ne3A_769 = arith.constant 0 : i32
      %ne3A_770 = arith.cmpi ne, %rem3A_768, %ne3A_769 : i32
      %and3A_771 = arith.andi %ne3A_767, %ne3A_770 : i1
      %sub3A_772 = arith.constant 1 : i32
      %sub3A_773 = arith.subi %div3A_752, %sub3A_772 : i32
      %select_n3A_774 = arith.select %and3A_771, %sub3A_773, %div3A_752 : i32
      %jit3A_775 = arith.constant 8 : i32
      %div3A_776 = arith.divsi %add3A_750, %jit3A_775 : i32
      %sign3A_777 = arith.constant 0 : i32
      %sign3A_778 = arith.cmpi sgt, %add3A_750, %sign3A_777 : i32
      %sign3A_779 = arith.extui %sign3A_778 : i1 to i32
      %sign3A_780 = arith.constant 0 : i32
      %sign3A_781 = arith.cmpi slt, %add3A_750, %sign3A_780 : i32
      %sign3A_782 = arith.extui %sign3A_781 : i1 to i32
      %sign3A_783 = arith.subi %sign3A_779, %sign3A_782 : i32
      %sign3A_784 = arith.constant 0 : i32
      %sign3A_785 = arith.cmpi sgt, %jit3A_775, %sign3A_784 : i32
      %sign3A_786 = arith.extui %sign3A_785 : i1 to i32
      %sign3A_787 = arith.constant 0 : i32
      %sign3A_788 = arith.cmpi slt, %jit3A_775, %sign3A_787 : i32
      %sign3A_789 = arith.extui %sign3A_788 : i1 to i32
      %sign3A_790 = arith.subi %sign3A_786, %sign3A_789 : i32
      %ne3A_791 = arith.cmpi ne, %sign3A_783, %sign3A_790 : i32
      %rem3A_792 = arith.remsi %add3A_750, %jit3A_775 : i32
      %ne3A_793 = arith.constant 0 : i32
      %ne3A_794 = arith.cmpi ne, %rem3A_792, %ne3A_793 : i32
      %and3A_795 = arith.andi %ne3A_791, %ne3A_794 : i1
      %sub3A_796 = arith.constant 1 : i32
      %sub3A_797 = arith.subi %div3A_776, %sub3A_796 : i32
      %select_n3A_798 = arith.select %and3A_795, %sub3A_797, %div3A_776 : i32
      %jit3A_799 = arith.constant 8 : i32
      %eq3A_800 = arith.constant 0 : i32
      %eq3A_801 = arith.cmpi eq, %jit3A_799, %eq3A_800 : i32
      %jit3A_802 = arith.constant 1 : i32
      %select_n3A_803 = arith.select %eq3A_801, %jit3A_802, %jit3A_799 : i32
      %rem3A_804 = arith.remsi %select_n3A_798, %select_n3A_803 : i32
      %ne3A_805 = arith.constant 0 : i32
      %ne3A_806 = arith.cmpi ne, %rem3A_804, %ne3A_805 : i32
      %lt3A_807 = arith.constant 0 : i32
      %lt3A_808 = arith.cmpi slt, %rem3A_804, %lt3A_807 : i32
      %lt3A_809 = arith.constant 0 : i32
      %lt3A_810 = arith.cmpi slt, %select_n3A_803, %lt3A_809 : i32
      %ne3A_811 = arith.xori %lt3A_808, %lt3A_810 : i1
      %and3A_812 = arith.andi %ne3A_811, %ne3A_806 : i1
      %add3A_813 = arith.addi %rem3A_804, %select_n3A_803 : i32
      %select_n3A_814 = arith.select %and3A_812, %add3A_813, %rem3A_804 : i32
      %jit3A_815 = arith.constant 8 : i32
      %eq3A_816 = arith.constant 0 : i32
      %eq3A_817 = arith.cmpi eq, %jit3A_815, %eq3A_816 : i32
      %jit3A_818 = arith.constant 1 : i32
      %select_n3A_819 = arith.select %eq3A_817, %jit3A_818, %jit3A_815 : i32
      %rem3A_820 = arith.remsi %add3A_750, %select_n3A_819 : i32
      %ne3A_821 = arith.constant 0 : i32
      %ne3A_822 = arith.cmpi ne, %rem3A_820, %ne3A_821 : i32
      %lt3A_823 = arith.constant 0 : i32
      %lt3A_824 = arith.cmpi slt, %rem3A_820, %lt3A_823 : i32
      %lt3A_825 = arith.constant 0 : i32
      %lt3A_826 = arith.cmpi slt, %select_n3A_819, %lt3A_825 : i32
      %ne3A_827 = arith.xori %lt3A_824, %lt3A_826 : i1
      %and3A_828 = arith.andi %ne3A_827, %ne3A_822 : i1
      %add3A_829 = arith.addi %rem3A_820, %select_n3A_819 : i32
      %select_n3A_830 = arith.select %and3A_828, %add3A_829, %rem3A_820 : i32
      %lt3A_831 = arith.constant 7 : i32
      %lt3A_832 = arith.cmpi slt, %select_n3A_830, %lt3A_831 : i32
      %convert_element_type3A_833 = arith.extui %lt3A_832 : i1 to i32
      %cond3A_834 = arith.constant 0 : i32
      %cond3A_835 = arith.cmpi ne, %convert_element_type3A_833, %cond3A_834 : i32
      scf.if %cond3A_835 {
        %dma_wait3A_1468 = arith.constant 0 : i32
        %dma_wait3A_1469 = arith.constant 0 : i32
        %dma_wait3A_1470 = tpu.memref_slice %arg21[%dma_wait3A_1468, %dma_wait3A_1469] : memref<7000x128xf32, #tpu.memory_space<vmem_shared>> -> memref<7000x128xf32, #tpu.memory_space<vmem_shared>>
        tpu.wait_indirect_dma semaphore(%arg22 : memref<!tpu.dma_semaphore, #tpu.memory_space<semaphore_mem>>) src(%dma_wait3A_1470 : memref<7000x128xf32, #tpu.memory_space<vmem_shared>>) dst(%arg16 : memref<128x128xf32, #tpu.memory_space<vmem>>)
      } else {
      }
      %eq3A_836 = arith.constant 7 : i32
      %eq3A_837 = arith.cmpi eq, %select_n3A_830, %eq3A_836 : i32
      %convert_element_type3A_838 = arith.extui %eq3A_837 : i1 to i32
      %cond3A_839 = arith.constant 0 : i32
      %cond3A_840 = arith.cmpi ne, %convert_element_type3A_838, %cond3A_839 : i32
      scf.if %cond3A_840 {
        %dma_wait3A_1468 = arith.constant 0 : i32
        %dma_wait3A_1469 = arith.constant 0 : i32
        %dma_wait3A_1470 = tpu.memref_slice %arg2[%dma_wait3A_1468, %dma_wait3A_1469] : memref<8000x128xf32, #tpu.memory_space<hbm>> -> memref<8000x128xf32, #tpu.memory_space<hbm>>
        tpu.wait_indirect_dma semaphore(%arg22 : memref<!tpu.dma_semaphore, #tpu.memory_space<semaphore_mem>>) src(%dma_wait3A_1470 : memref<8000x128xf32, #tpu.memory_space<hbm>>) dst(%arg16 : memref<128x128xf32, #tpu.memory_space<vmem>>)
      } else {
      }
      %get3A_841 = arith.constant 0 : index
      %get3A_842 = tpu.vector_load %arg9[%get3A_841] {strides = array<i32>} : memref<128xi32, #tpu.memory_space<vmem>>, vector<16xi32>,
      %get3A_843 = arith.constant 0 : index
      %get3A_844 = tpu.vector_load %arg11[%get3A_843] {strides = array<i32>} : memref<128xi32, #tpu.memory_space<vmem>>, vector<16xi32>,
      %and3A_845 = arith.constant 127 : i32
      %and3A_846 = vector.broadcast %and3A_845 : i32 to vector<16xi32>
      %and3A_847 = arith.andi %get3A_844, %and3A_846 : vector<16xi32>
      %gather3A = tpu.vector_load_idx %arg16[%add3A_5, %and3A_847] : memref<128x128xf32, #tpu.memory_space<vmem>>[vector<16xi32>, vector<16xi32>], vector<16xf32>,
      %gather3A_848 = tpu.vector_load_idx %arg15[%get3A_842] : memref<1024xf32, #tpu.memory_space<vmem>>[vector<16xi32>], vector<16xf32>,
      %shift_right_arithmetic3A = arith.constant 7 : i32
      %shift_right_arithmetic3A_849 = vector.broadcast %shift_right_arithmetic3A : i32 to vector<16xi32>
      %shift_right_arithmetic3A_850 = arith.shrsi %get3A_844, %shift_right_arithmetic3A_849 : vector<16xi32>
      %eq3A_851 = vector.broadcast %select_n3A_830 : i32 to vector<16xi32>
      %eq3A_852 = arith.cmpi eq, %shift_right_arithmetic3A_850, %eq3A_851 : vector<16xi32>
      %sub3A_853 = arith.subf %gather3A_848, %gather3A : vector<16xf32>
      %jit3A_854 = arith.constant 0.000000e+00 : f32
      %broadcast_in_dim3A_855 = vector.broadcast %jit3A_854 : f32 to vector<16xf32>
      %select_n3A_856 = arith.select %eq3A_852, %sub3A_853, %broadcast_in_dim3A_855 : vector<16xi1>, vector<16xf32>
      %add3A_857 = arith.addf %scan3A_745, %select_n3A_856 : vector<16xf32>
      %get3A_858 = arith.constant 16 : index
      %get3A_859 = tpu.vector_load %arg9[%get3A_858] {strides = array<i32>} : memref<128xi32, #tpu.memory_space<vmem>>, vector<16xi32>,
      %get3A_860 = arith.constant 16 : index
      %get3A_861 = tpu.vector_load %arg11[%get3A_860] {strides = array<i32>} : memref<128xi32, #tpu.memory_space<vmem>>, vector<16xi32>,
      %and3A_862 = arith.constant 127 : i32
      %and3A_863 = vector.broadcast %and3A_862 : i32 to vector<16xi32>
      %and3A_864 = arith.andi %get3A_861, %and3A_863 : vector<16xi32>
      %gather3A_865 = tpu.vector_load_idx %arg16[%add3A_8, %and3A_864] : memref<128x128xf32, #tpu.memory_space<vmem>>[vector<16xi32>, vector<16xi32>], vector<16xf32>,
      %gather3A_866 = tpu.vector_load_idx %arg15[%get3A_859] : memref<1024xf32, #tpu.memory_space<vmem>>[vector<16xi32>], vector<16xf32>,
      %shift_right_arithmetic3A_867 = arith.constant 7 : i32
      %shift_right_arithmetic3A_868 = vector.broadcast %shift_right_arithmetic3A_867 : i32 to vector<16xi32>
      %shift_right_arithmetic3A_869 = arith.shrsi %get3A_861, %shift_right_arithmetic3A_868 : vector<16xi32>
      %eq3A_870 = vector.broadcast %select_n3A_830 : i32 to vector<16xi32>
      %eq3A_871 = arith.cmpi eq, %shift_right_arithmetic3A_869, %eq3A_870 : vector<16xi32>
      %sub3A_872 = arith.subf %gather3A_866, %gather3A_865 : vector<16xf32>
      %jit3A_873 = arith.constant 0.000000e+00 : f32
      %broadcast_in_dim3A_874 = vector.broadcast %jit3A_873 : f32 to vector<16xf32>
      %select_n3A_875 = arith.select %eq3A_871, %sub3A_872, %broadcast_in_dim3A_874 : vector<16xi1>, vector<16xf32>
      %add3A_876 = arith.addf %add3A_857, %select_n3A_875 : vector<16xf32>
      %get3A_877 = arith.constant 32 : index
      %get3A_878 = tpu.vector_load %arg9[%get3A_877] {strides = array<i32>} : memref<128xi32, #tpu.memory_space<vmem>>, vector<16xi32>,
      %get3A_879 = arith.constant 32 : index
      %get3A_880 = tpu.vector_load %arg11[%get3A_879] {strides = array<i32>} : memref<128xi32, #tpu.memory_space<vmem>>, vector<16xi32>,
      %and3A_881 = arith.constant 127 : i32
      %and3A_882 = vector.broadcast %and3A_881 : i32 to vector<16xi32>
      %and3A_883 = arith.andi %get3A_880, %and3A_882 : vector<16xi32>
      %gather3A_884 = tpu.vector_load_idx %arg16[%add3A_11, %and3A_883] : memref<128x128xf32, #tpu.memory_space<vmem>>[vector<16xi32>, vector<16xi32>], vector<16xf32>,
      %gather3A_885 = tpu.vector_load_idx %arg15[%get3A_878] : memref<1024xf32, #tpu.memory_space<vmem>>[vector<16xi32>], vector<16xf32>,
      %shift_right_arithmetic3A_886 = arith.constant 7 : i32
      %shift_right_arithmetic3A_887 = vector.broadcast %shift_right_arithmetic3A_886 : i32 to vector<16xi32>
      %shift_right_arithmetic3A_888 = arith.shrsi %get3A_880, %shift_right_arithmetic3A_887 : vector<16xi32>
      %eq3A_889 = vector.broadcast %select_n3A_830 : i32 to vector<16xi32>
      %eq3A_890 = arith.cmpi eq, %shift_right_arithmetic3A_888, %eq3A_889 : vector<16xi32>
      %sub3A_891 = arith.subf %gather3A_885, %gather3A_884 : vector<16xf32>
      %jit3A_892 = arith.constant 0.000000e+00 : f32
      %broadcast_in_dim3A_893 = vector.broadcast %jit3A_892 : f32 to vector<16xf32>
      %select_n3A_894 = arith.select %eq3A_890, %sub3A_891, %broadcast_in_dim3A_893 : vector<16xi1>, vector<16xf32>
      %add3A_895 = arith.addf %add3A_876, %select_n3A_894 : vector<16xf32>
      %get3A_896 = arith.constant 48 : index
      %get3A_897 = tpu.vector_load %arg9[%get3A_896] {strides = array<i32>} : memref<128xi32, #tpu.memory_space<vmem>>, vector<16xi32>,
      %get3A_898 = arith.constant 48 : index
      %get3A_899 = tpu.vector_load %arg11[%get3A_898] {strides = array<i32>} : memref<128xi32, #tpu.memory_space<vmem>>, vector<16xi32>,
      %and3A_900 = arith.constant 127 : i32
      %and3A_901 = vector.broadcast %and3A_900 : i32 to vector<16xi32>
      %and3A_902 = arith.andi %get3A_899, %and3A_901 : vector<16xi32>
      %gather3A_903 = tpu.vector_load_idx %arg16[%add3A_14, %and3A_902] : memref<128x128xf32, #tpu.memory_space<vmem>>[vector<16xi32>, vector<16xi32>], vector<16xf32>,
      %gather3A_904 = tpu.vector_load_idx %arg15[%get3A_897] : memref<1024xf32, #tpu.memory_space<vmem>>[vector<16xi32>], vector<16xf32>,
      %shift_right_arithmetic3A_905 = arith.constant 7 : i32
      %shift_right_arithmetic3A_906 = vector.broadcast %shift_right_arithmetic3A_905 : i32 to vector<16xi32>
      %shift_right_arithmetic3A_907 = arith.shrsi %get3A_899, %shift_right_arithmetic3A_906 : vector<16xi32>
      %eq3A_908 = vector.broadcast %select_n3A_830 : i32 to vector<16xi32>
      %eq3A_909 = arith.cmpi eq, %shift_right_arithmetic3A_907, %eq3A_908 : vector<16xi32>
      %sub3A_910 = arith.subf %gather3A_904, %gather3A_903 : vector<16xf32>
      %jit3A_911 = arith.constant 0.000000e+00 : f32
      %broadcast_in_dim3A_912 = vector.broadcast %jit3A_911 : f32 to vector<16xf32>
      %select_n3A_913 = arith.select %eq3A_909, %sub3A_910, %broadcast_in_dim3A_912 : vector<16xi1>, vector<16xf32>
      %add3A_914 = arith.addf %add3A_895, %select_n3A_913 : vector<16xf32>
      %get3A_915 = arith.constant 64 : index
      %get3A_916 = tpu.vector_load %arg9[%get3A_915] {strides = array<i32>} : memref<128xi32, #tpu.memory_space<vmem>>, vector<16xi32>,
      %get3A_917 = arith.constant 64 : index
      %get3A_918 = tpu.vector_load %arg11[%get3A_917] {strides = array<i32>} : memref<128xi32, #tpu.memory_space<vmem>>, vector<16xi32>,
      %and3A_919 = arith.constant 127 : i32
      %and3A_920 = vector.broadcast %and3A_919 : i32 to vector<16xi32>
      %and3A_921 = arith.andi %get3A_918, %and3A_920 : vector<16xi32>
      %gather3A_922 = tpu.vector_load_idx %arg16[%add3A_17, %and3A_921] : memref<128x128xf32, #tpu.memory_space<vmem>>[vector<16xi32>, vector<16xi32>], vector<16xf32>,
      %gather3A_923 = tpu.vector_load_idx %arg15[%get3A_916] : memref<1024xf32, #tpu.memory_space<vmem>>[vector<16xi32>], vector<16xf32>,
      %shift_right_arithmetic3A_924 = arith.constant 7 : i32
      %shift_right_arithmetic3A_925 = vector.broadcast %shift_right_arithmetic3A_924 : i32 to vector<16xi32>
      %shift_right_arithmetic3A_926 = arith.shrsi %get3A_918, %shift_right_arithmetic3A_925 : vector<16xi32>
      %eq3A_927 = vector.broadcast %select_n3A_830 : i32 to vector<16xi32>
      %eq3A_928 = arith.cmpi eq, %shift_right_arithmetic3A_926, %eq3A_927 : vector<16xi32>
      %sub3A_929 = arith.subf %gather3A_923, %gather3A_922 : vector<16xf32>
      %jit3A_930 = arith.constant 0.000000e+00 : f32
      %broadcast_in_dim3A_931 = vector.broadcast %jit3A_930 : f32 to vector<16xf32>
      %select_n3A_932 = arith.select %eq3A_928, %sub3A_929, %broadcast_in_dim3A_931 : vector<16xi1>, vector<16xf32>
      %add3A_933 = arith.addf %add3A_914, %select_n3A_932 : vector<16xf32>
      %get3A_934 = arith.constant 80 : index
      %get3A_935 = tpu.vector_load %arg9[%get3A_934] {strides = array<i32>} : memref<128xi32, #tpu.memory_space<vmem>>, vector<16xi32>,
      %get3A_936 = arith.constant 80 : index
      %get3A_937 = tpu.vector_load %arg11[%get3A_936] {strides = array<i32>} : memref<128xi32, #tpu.memory_space<vmem>>, vector<16xi32>,
      %and3A_938 = arith.constant 127 : i32
      %and3A_939 = vector.broadcast %and3A_938 : i32 to vector<16xi32>
      %and3A_940 = arith.andi %get3A_937, %and3A_939 : vector<16xi32>
      %gather3A_941 = tpu.vector_load_idx %arg16[%add3A_20, %and3A_940] : memref<128x128xf32, #tpu.memory_space<vmem>>[vector<16xi32>, vector<16xi32>], vector<16xf32>,
      %gather3A_942 = tpu.vector_load_idx %arg15[%get3A_935] : memref<1024xf32, #tpu.memory_space<vmem>>[vector<16xi32>], vector<16xf32>,
      %shift_right_arithmetic3A_943 = arith.constant 7 : i32
      %shift_right_arithmetic3A_944 = vector.broadcast %shift_right_arithmetic3A_943 : i32 to vector<16xi32>
      %shift_right_arithmetic3A_945 = arith.shrsi %get3A_937, %shift_right_arithmetic3A_944 : vector<16xi32>
      %eq3A_946 = vector.broadcast %select_n3A_830 : i32 to vector<16xi32>
      %eq3A_947 = arith.cmpi eq, %shift_right_arithmetic3A_945, %eq3A_946 : vector<16xi32>
      %sub3A_948 = arith.subf %gather3A_942, %gather3A_941 : vector<16xf32>
      %jit3A_949 = arith.constant 0.000000e+00 : f32
      %broadcast_in_dim3A_950 = vector.broadcast %jit3A_949 : f32 to vector<16xf32>
      %select_n3A_951 = arith.select %eq3A_947, %sub3A_948, %broadcast_in_dim3A_950 : vector<16xi1>, vector<16xf32>
      %add3A_952 = arith.addf %add3A_933, %select_n3A_951 : vector<16xf32>
      %get3A_953 = arith.constant 96 : index
      %get3A_954 = tpu.vector_load %arg9[%get3A_953] {strides = array<i32>} : memref<128xi32, #tpu.memory_space<vmem>>, vector<16xi32>,
      %get3A_955 = arith.constant 96 : index
      %get3A_956 = tpu.vector_load %arg11[%get3A_955] {strides = array<i32>} : memref<128xi32, #tpu.memory_space<vmem>>, vector<16xi32>,
      %and3A_957 = arith.constant 127 : i32
      %and3A_958 = vector.broadcast %and3A_957 : i32 to vector<16xi32>
      %and3A_959 = arith.andi %get3A_956, %and3A_958 : vector<16xi32>
      %gather3A_960 = tpu.vector_load_idx %arg16[%add3A_23, %and3A_959] : memref<128x128xf32, #tpu.memory_space<vmem>>[vector<16xi32>, vector<16xi32>], vector<16xf32>,
      %gather3A_961 = tpu.vector_load_idx %arg15[%get3A_954] : memref<1024xf32, #tpu.memory_space<vmem>>[vector<16xi32>], vector<16xf32>,
      %shift_right_arithmetic3A_962 = arith.constant 7 : i32
      %shift_right_arithmetic3A_963 = vector.broadcast %shift_right_arithmetic3A_962 : i32 to vector<16xi32>
      %shift_right_arithmetic3A_964 = arith.shrsi %get3A_956, %shift_right_arithmetic3A_963 : vector<16xi32>
      %eq3A_965 = vector.broadcast %select_n3A_830 : i32 to vector<16xi32>
      %eq3A_966 = arith.cmpi eq, %shift_right_arithmetic3A_964, %eq3A_965 : vector<16xi32>
      %sub3A_967 = arith.subf %gather3A_961, %gather3A_960 : vector<16xf32>
      %jit3A_968 = arith.constant 0.000000e+00 : f32
      %broadcast_in_dim3A_969 = vector.broadcast %jit3A_968 : f32 to vector<16xf32>
      %select_n3A_970 = arith.select %eq3A_966, %sub3A_967, %broadcast_in_dim3A_969 : vector<16xi1>, vector<16xf32>
      %add3A_971 = arith.addf %add3A_952, %select_n3A_970 : vector<16xf32>
      %get3A_972 = arith.constant 112 : index
      %get3A_973 = tpu.vector_load %arg9[%get3A_972] {strides = array<i32>} : memref<128xi32, #tpu.memory_space<vmem>>, vector<16xi32>,
      %get3A_974 = arith.constant 112 : index
      %get3A_975 = tpu.vector_load %arg11[%get3A_974] {strides = array<i32>} : memref<128xi32, #tpu.memory_space<vmem>>, vector<16xi32>,
      %and3A_976 = arith.constant 127 : i32
      %and3A_977 = vector.broadcast %and3A_976 : i32 to vector<16xi32>
      %and3A_978 = arith.andi %get3A_975, %and3A_977 : vector<16xi32>
      %gather3A_979 = tpu.vector_load_idx %arg16[%add3A_26, %and3A_978] : memref<128x128xf32, #tpu.memory_space<vmem>>[vector<16xi32>, vector<16xi32>], vector<16xf32>,
      %gather3A_980 = tpu.vector_load_idx %arg15[%get3A_973] : memref<1024xf32, #tpu.memory_space<vmem>>[vector<16xi32>], vector<16xf32>,
      %shift_right_arithmetic3A_981 = arith.constant 7 : i32
      %shift_right_arithmetic3A_982 = vector.broadcast %shift_right_arithmetic3A_981 : i32 to vector<16xi32>
      %shift_right_arithmetic3A_983 = arith.shrsi %get3A_975, %shift_right_arithmetic3A_982 : vector<16xi32>
      %eq3A_984 = vector.broadcast %select_n3A_830 : i32 to vector<16xi32>
      %eq3A_985 = arith.cmpi eq, %shift_right_arithmetic3A_983, %eq3A_984 : vector<16xi32>
      %sub3A_986 = arith.subf %gather3A_980, %gather3A_979 : vector<16xf32>
      %jit3A_987 = arith.constant 0.000000e+00 : f32
      %broadcast_in_dim3A_988 = vector.broadcast %jit3A_987 : f32 to vector<16xf32>
      %select_n3A_989 = arith.select %eq3A_985, %sub3A_986, %broadcast_in_dim3A_988 : vector<16xi1>, vector<16xf32>
      %add3A_990 = arith.addf %add3A_971, %select_n3A_989 : vector<16xf32>
      %lt3A_991 = arith.constant 99 : i32
      %lt3A_992 = arith.cmpi slt, %mul3A_747, %lt3A_991 : i32
      %convert_element_type3A_993 = arith.extui %lt3A_992 : i1 to i32
      %cond3A_994 = arith.constant 0 : i32
      %cond3A_995 = arith.cmpi ne, %convert_element_type3A_993, %cond3A_994 : i32
      scf.if %cond3A_995 {
        %add3A_1468 = arith.constant 1 : i32
        %add3A_1469 = arith.addi %mul3A_747, %add3A_1468 : i32
        %mul3A_1470 = arith.constant 100 : i32
        %mul3A_1471 = arith.muli %add3A, %mul3A_1470 : i32
        %add3A_1472 = arith.addi %mul3A_1471, %add3A_1469 : i32
        %jit3A_1473 = arith.constant 64 : i32
        %div3A_1474 = arith.divsi %add3A_1472, %jit3A_1473 : i32
        %sign3A_1475 = arith.constant 0 : i32
        %sign3A_1476 = arith.cmpi sgt, %add3A_1472, %sign3A_1475 : i32
        %sign3A_1477 = arith.extui %sign3A_1476 : i1 to i32
        %sign3A_1478 = arith.constant 0 : i32
        %sign3A_1479 = arith.cmpi slt, %add3A_1472, %sign3A_1478 : i32
        %sign3A_1480 = arith.extui %sign3A_1479 : i1 to i32
        %sign3A_1481 = arith.subi %sign3A_1477, %sign3A_1480 : i32
        %sign3A_1482 = arith.constant 0 : i32
        %sign3A_1483 = arith.cmpi sgt, %jit3A_1473, %sign3A_1482 : i32
        %sign3A_1484 = arith.extui %sign3A_1483 : i1 to i32
        %sign3A_1485 = arith.constant 0 : i32
        %sign3A_1486 = arith.cmpi slt, %jit3A_1473, %sign3A_1485 : i32
        %sign3A_1487 = arith.extui %sign3A_1486 : i1 to i32
        %sign3A_1488 = arith.subi %sign3A_1484, %sign3A_1487 : i32
        %ne3A_1489 = arith.cmpi ne, %sign3A_1481, %sign3A_1488 : i32
        %rem3A_1490 = arith.remsi %add3A_1472, %jit3A_1473 : i32
        %ne3A_1491 = arith.constant 0 : i32
        %ne3A_1492 = arith.cmpi ne, %rem3A_1490, %ne3A_1491 : i32
        %and3A_1493 = arith.andi %ne3A_1489, %ne3A_1492 : i1
        %sub3A_1494 = arith.constant 1 : i32
        %sub3A_1495 = arith.subi %div3A_1474, %sub3A_1494 : i32
        %select_n3A_1496 = arith.select %and3A_1493, %sub3A_1495, %div3A_1474 : i32
        %jit3A_1497 = arith.constant 8 : i32
        %div3A_1498 = arith.divsi %add3A_1472, %jit3A_1497 : i32
        %sign3A_1499 = arith.constant 0 : i32
        %sign3A_1500 = arith.cmpi sgt, %add3A_1472, %sign3A_1499 : i32
        %sign3A_1501 = arith.extui %sign3A_1500 : i1 to i32
        %sign3A_1502 = arith.constant 0 : i32
        %sign3A_1503 = arith.cmpi slt, %add3A_1472, %sign3A_1502 : i32
        %sign3A_1504 = arith.extui %sign3A_1503 : i1 to i32
        %sign3A_1505 = arith.subi %sign3A_1501, %sign3A_1504 : i32
        %sign3A_1506 = arith.constant 0 : i32
        %sign3A_1507 = arith.cmpi sgt, %jit3A_1497, %sign3A_1506 : i32
        %sign3A_1508 = arith.extui %sign3A_1507 : i1 to i32
        %sign3A_1509 = arith.constant 0 : i32
        %sign3A_1510 = arith.cmpi slt, %jit3A_1497, %sign3A_1509 : i32
        %sign3A_1511 = arith.extui %sign3A_1510 : i1 to i32
        %sign3A_1512 = arith.subi %sign3A_1508, %sign3A_1511 : i32
        %ne3A_1513 = arith.cmpi ne, %sign3A_1505, %sign3A_1512 : i32
        %rem3A_1514 = arith.remsi %add3A_1472, %jit3A_1497 : i32
        %ne3A_1515 = arith.constant 0 : i32
        %ne3A_1516 = arith.cmpi ne, %rem3A_1514, %ne3A_1515 : i32
        %and3A_1517 = arith.andi %ne3A_1513, %ne3A_1516 : i1
        %sub3A_1518 = arith.constant 1 : i32
        %sub3A_1519 = arith.subi %div3A_1498, %sub3A_1518 : i32
        %select_n3A_1520 = arith.select %and3A_1517, %sub3A_1519, %div3A_1498 : i32
        %jit3A_1521 = arith.constant 8 : i32
        %eq3A_1522 = arith.constant 0 : i32
        %eq3A_1523 = arith.cmpi eq, %jit3A_1521, %eq3A_1522 : i32
        %jit3A_1524 = arith.constant 1 : i32
        %select_n3A_1525 = arith.select %eq3A_1523, %jit3A_1524, %jit3A_1521 : i32
        %rem3A_1526 = arith.remsi %select_n3A_1520, %select_n3A_1525 : i32
        %ne3A_1527 = arith.constant 0 : i32
        %ne3A_1528 = arith.cmpi ne, %rem3A_1526, %ne3A_1527 : i32
        %lt3A_1529 = arith.constant 0 : i32
        %lt3A_1530 = arith.cmpi slt, %rem3A_1526, %lt3A_1529 : i32
        %lt3A_1531 = arith.constant 0 : i32
        %lt3A_1532 = arith.cmpi slt, %select_n3A_1525, %lt3A_1531 : i32
        %ne3A_1533 = arith.xori %lt3A_1530, %lt3A_1532 : i1
        %and3A_1534 = arith.andi %ne3A_1533, %ne3A_1528 : i1
        %add3A_1535 = arith.addi %rem3A_1526, %select_n3A_1525 : i32
        %select_n3A_1536 = arith.select %and3A_1534, %add3A_1535, %rem3A_1526 : i32
        %jit3A_1537 = arith.constant 8 : i32
        %eq3A_1538 = arith.constant 0 : i32
        %eq3A_1539 = arith.cmpi eq, %jit3A_1537, %eq3A_1538 : i32
        %jit3A_1540 = arith.constant 1 : i32
        %select_n3A_1541 = arith.select %eq3A_1539, %jit3A_1540, %jit3A_1537 : i32
        %rem3A_1542 = arith.remsi %add3A_1472, %select_n3A_1541 : i32
        %ne3A_1543 = arith.constant 0 : i32
        %ne3A_1544 = arith.cmpi ne, %rem3A_1542, %ne3A_1543 : i32
        %lt3A_1545 = arith.constant 0 : i32
        %lt3A_1546 = arith.cmpi slt, %rem3A_1542, %lt3A_1545 : i32
        %lt3A_1547 = arith.constant 0 : i32
        %lt3A_1548 = arith.cmpi slt, %select_n3A_1541, %lt3A_1547 : i32
        %ne3A_1549 = arith.xori %lt3A_1546, %lt3A_1548 : i1
        %and3A_1550 = arith.andi %ne3A_1549, %ne3A_1544 : i1
        %add3A_1551 = arith.addi %rem3A_1542, %select_n3A_1541 : i32
        %select_n3A_1552 = arith.select %and3A_1550, %add3A_1551, %rem3A_1542 : i32
        %mul3A_1553 = arith.constant 128 : i32
        %mul3A_1554 = arith.muli %select_n3A_1536, %mul3A_1553 : i32
        %mul3A_1555 = arith.constant 128 : i32
        %mul3A_1556 = arith.muli %select_n3A_1536, %mul3A_1555 : i32
        %dma_wait3A_1557 = tpu.memref_slice %arg4[%select_n3A_1496, %mul3A_1554] : memref<50x1024xi32, #tpu.memory_space<hbm>> -> memref<1x128xi32, #tpu.memory_space<hbm>>
        %dma_wait3A_1558 = tpu.memref_squeeze %dma_wait3A_1557 : memref<1x128xi32, #tpu.memory_space<hbm>> -> memref<128xi32, #tpu.memory_space<hbm>>
        %dma_wait3A_1559 = tpu.memref_slice %arg4[%select_n3A_1496, %mul3A_1554] : memref<50x1024xi32, #tpu.memory_space<hbm>> -> memref<1x128xi32, #tpu.memory_space<hbm>>
        %dma_wait3A_1560 = tpu.memref_squeeze %dma_wait3A_1559 : memref<1x128xi32, #tpu.memory_space<hbm>> -> memref<128xi32, #tpu.memory_space<hbm>>
        tpu.wait_dma2 semaphore(%arg27 : memref<!tpu.dma_semaphore, #tpu.memory_space<semaphore_mem>>) src(%dma_wait3A_1560 : memref<128xi32, #tpu.memory_space<hbm>>) dst(%arg10 : memref<128xi32, #tpu.memory_space<vmem>>)
        %dma_wait3A_1561 = tpu.memref_slice %arg5[%select_n3A_1496, %mul3A_1556] : memref<50x1024xi32, #tpu.memory_space<hbm>> -> memref<1x128xi32, #tpu.memory_space<hbm>>
        %dma_wait3A_1562 = tpu.memref_squeeze %dma_wait3A_1561 : memref<1x128xi32, #tpu.memory_space<hbm>> -> memref<128xi32, #tpu.memory_space<hbm>>
        %dma_wait3A_1563 = tpu.memref_slice %arg5[%select_n3A_1496, %mul3A_1556] : memref<50x1024xi32, #tpu.memory_space<hbm>> -> memref<1x128xi32, #tpu.memory_space<hbm>>
        %dma_wait3A_1564 = tpu.memref_squeeze %dma_wait3A_1563 : memref<1x128xi32, #tpu.memory_space<hbm>> -> memref<128xi32, #tpu.memory_space<hbm>>
        tpu.wait_dma2 semaphore(%arg29 : memref<!tpu.dma_semaphore, #tpu.memory_space<semaphore_mem>>) src(%dma_wait3A_1564 : memref<128xi32, #tpu.memory_space<hbm>>) dst(%arg12 : memref<128xi32, #tpu.memory_space<vmem>>)
        %add3A_1565 = arith.constant 1 : i32
        %add3A_1566 = arith.addi %select_n3A_830, %add3A_1565 : i32
        %jit3A_1567 = arith.constant 8 : i32
        %eq3A_1568 = arith.constant 0 : i32
        %eq3A_1569 = arith.cmpi eq, %jit3A_1567, %eq3A_1568 : i32
        %jit3A_1570 = arith.constant 1 : i32
        %select_n3A_1571 = arith.select %eq3A_1569, %jit3A_1570, %jit3A_1567 : i32
        %rem3A_1572 = arith.remsi %add3A_1566, %select_n3A_1571 : i32
        %ne3A_1573 = arith.constant 0 : i32
        %ne3A_1574 = arith.cmpi ne, %rem3A_1572, %ne3A_1573 : i32
        %lt3A_1575 = arith.constant 0 : i32
        %lt3A_1576 = arith.cmpi slt, %rem3A_1572, %lt3A_1575 : i32
        %lt3A_1577 = arith.constant 0 : i32
        %lt3A_1578 = arith.cmpi slt, %select_n3A_1571, %lt3A_1577 : i32
        %ne3A_1579 = arith.xori %lt3A_1576, %lt3A_1578 : i1
        %and3A_1580 = arith.andi %ne3A_1579, %ne3A_1574 : i1
        %add3A_1581 = arith.addi %rem3A_1572, %select_n3A_1571 : i32
        %select_n3A_1582 = arith.select %and3A_1580, %add3A_1581, %rem3A_1572 : i32
        %get3A_1583 = arith.constant 0 : index
        %get3A_1584 = tpu.vector_load %arg10[%get3A_1583] {strides = array<i32>} : memref<128xi32, #tpu.memory_space<vmem>>, vector<16xi32>,
        %lt3A_1585 = arith.constant 7 : i32
        %lt3A_1586 = arith.cmpi slt, %select_n3A_1582, %lt3A_1585 : i32
        %mul3A_1587 = arith.constant 7 : i32
        %mul3A_1588 = vector.broadcast %mul3A_1587 : i32 to vector<16xi32>
        %mul3A_1589 = arith.muli %get3A_1584, %mul3A_1588 : vector<16xi32>
        %add3A_1590 = vector.broadcast %select_n3A_1582 : i32 to vector<16xi32>
        %add3A_1591 = arith.addi %mul3A_1589, %add3A_1590 : vector<16xi32>
        %mul3A_1592 = arith.constant 8 : i32
        %mul3A_1593 = vector.broadcast %mul3A_1592 : i32 to vector<16xi32>
        %mul3A_1594 = arith.muli %get3A_1584, %mul3A_1593 : vector<16xi32>
        %add3A_1595 = arith.constant 7 : i32
        %add3A_1596 = vector.broadcast %add3A_1595 : i32 to vector<16xi32>
        %add3A_1597 = arith.addi %mul3A_1594, %add3A_1596 : vector<16xi32>
        %select_n3A_1598 = arith.select %lt3A_1586, %add3A_1591, %add3A_1597 : vector<16xi32>
        %swap3A_1599 = arith.constant 0 : index
        %swap3A_1600 = tpu.vector_load %arg14[%swap3A_1599] {strides = array<i32>} : memref<128xi32, #tpu.memory_space<vmem>>, vector<16xi32>,
        tpu.vector_store %arg14[%swap3A_1599], %select_n3A_1598 {strides = array<i32>} : memref<128xi32, #tpu.memory_space<vmem>>, vector<16xi32>,
        %get3A_1601 = arith.constant 16 : index
        %get3A_1602 = tpu.vector_load %arg10[%get3A_1601] {strides = array<i32>} : memref<128xi32, #tpu.memory_space<vmem>>, vector<16xi32>,
        %lt3A_1603 = arith.constant 7 : i32
        %lt3A_1604 = arith.cmpi slt, %select_n3A_1582, %lt3A_1603 : i32
        %mul3A_1605 = arith.constant 7 : i32
        %mul3A_1606 = vector.broadcast %mul3A_1605 : i32 to vector<16xi32>
        %mul3A_1607 = arith.muli %get3A_1602, %mul3A_1606 : vector<16xi32>
        %add3A_1608 = vector.broadcast %select_n3A_1582 : i32 to vector<16xi32>
        %add3A_1609 = arith.addi %mul3A_1607, %add3A_1608 : vector<16xi32>
        %mul3A_1610 = arith.constant 8 : i32
        %mul3A_1611 = vector.broadcast %mul3A_1610 : i32 to vector<16xi32>
        %mul3A_1612 = arith.muli %get3A_1602, %mul3A_1611 : vector<16xi32>
        %add3A_1613 = arith.constant 7 : i32
        %add3A_1614 = vector.broadcast %add3A_1613 : i32 to vector<16xi32>
        %add3A_1615 = arith.addi %mul3A_1612, %add3A_1614 : vector<16xi32>
        %select_n3A_1616 = arith.select %lt3A_1604, %add3A_1609, %add3A_1615 : vector<16xi32>
        %swap3A_1617 = arith.constant 16 : index
        %swap3A_1618 = tpu.vector_load %arg14[%swap3A_1617] {strides = array<i32>} : memref<128xi32, #tpu.memory_space<vmem>>, vector<16xi32>,
        tpu.vector_store %arg14[%swap3A_1617], %select_n3A_1616 {strides = array<i32>} : memref<128xi32, #tpu.memory_space<vmem>>, vector<16xi32>,
        %get3A_1619 = arith.constant 32 : index
        %get3A_1620 = tpu.vector_load %arg10[%get3A_1619] {strides = array<i32>} : memref<128xi32, #tpu.memory_space<vmem>>, vector<16xi32>,
        %lt3A_1621 = arith.constant 7 : i32
        %lt3A_1622 = arith.cmpi slt, %select_n3A_1582, %lt3A_1621 : i32
        %mul3A_1623 = arith.constant 7 : i32
        %mul3A_1624 = vector.broadcast %mul3A_1623 : i32 to vector<16xi32>
        %mul3A_1625 = arith.muli %get3A_1620, %mul3A_1624 : vector<16xi32>
        %add3A_1626 = vector.broadcast %select_n3A_1582 : i32 to vector<16xi32>
        %add3A_1627 = arith.addi %mul3A_1625, %add3A_1626 : vector<16xi32>
        %mul3A_1628 = arith.constant 8 : i32
        %mul3A_1629 = vector.broadcast %mul3A_1628 : i32 to vector<16xi32>
        %mul3A_1630 = arith.muli %get3A_1620, %mul3A_1629 : vector<16xi32>
        %add3A_1631 = arith.constant 7 : i32
        %add3A_1632 = vector.broadcast %add3A_1631 : i32 to vector<16xi32>
        %add3A_1633 = arith.addi %mul3A_1630, %add3A_1632 : vector<16xi32>
        %select_n3A_1634 = arith.select %lt3A_1622, %add3A_1627, %add3A_1633 : vector<16xi32>
        %swap3A_1635 = arith.constant 32 : index
        %swap3A_1636 = tpu.vector_load %arg14[%swap3A_1635] {strides = array<i32>} : memref<128xi32, #tpu.memory_space<vmem>>, vector<16xi32>,
        tpu.vector_store %arg14[%swap3A_1635], %select_n3A_1634 {strides = array<i32>} : memref<128xi32, #tpu.memory_space<vmem>>, vector<16xi32>,
        %get3A_1637 = arith.constant 48 : index
        %get3A_1638 = tpu.vector_load %arg10[%get3A_1637] {strides = array<i32>} : memref<128xi32, #tpu.memory_space<vmem>>, vector<16xi32>,
        %lt3A_1639 = arith.constant 7 : i32
        %lt3A_1640 = arith.cmpi slt, %select_n3A_1582, %lt3A_1639 : i32
        %mul3A_1641 = arith.constant 7 : i32
        %mul3A_1642 = vector.broadcast %mul3A_1641 : i32 to vector<16xi32>
        %mul3A_1643 = arith.muli %get3A_1638, %mul3A_1642 : vector<16xi32>
        %add3A_1644 = vector.broadcast %select_n3A_1582 : i32 to vector<16xi32>
        %add3A_1645 = arith.addi %mul3A_1643, %add3A_1644 : vector<16xi32>
        %mul3A_1646 = arith.constant 8 : i32
        %mul3A_1647 = vector.broadcast %mul3A_1646 : i32 to vector<16xi32>
        %mul3A_1648 = arith.muli %get3A_1638, %mul3A_1647 : vector<16xi32>
        %add3A_1649 = arith.constant 7 : i32
        %add3A_1650 = vector.broadcast %add3A_1649 : i32 to vector<16xi32>
        %add3A_1651 = arith.addi %mul3A_1648, %add3A_1650 : vector<16xi32>
        %select_n3A_1652 = arith.select %lt3A_1640, %add3A_1645, %add3A_1651 : vector<16xi32>
        %swap3A_1653 = arith.constant 48 : index
        %swap3A_1654 = tpu.vector_load %arg14[%swap3A_1653] {strides = array<i32>} : memref<128xi32, #tpu.memory_space<vmem>>, vector<16xi32>,
        tpu.vector_store %arg14[%swap3A_1653], %select_n3A_1652 {strides = array<i32>} : memref<128xi32, #tpu.memory_space<vmem>>, vector<16xi32>,
        %get3A_1655 = arith.constant 64 : index
        %get3A_1656 = tpu.vector_load %arg10[%get3A_1655] {strides = array<i32>} : memref<128xi32, #tpu.memory_space<vmem>>, vector<16xi32>,
        %lt3A_1657 = arith.constant 7 : i32
        %lt3A_1658 = arith.cmpi slt, %select_n3A_1582, %lt3A_1657 : i32
        %mul3A_1659 = arith.constant 7 : i32
        %mul3A_1660 = vector.broadcast %mul3A_1659 : i32 to vector<16xi32>
        %mul3A_1661 = arith.muli %get3A_1656, %mul3A_1660 : vector<16xi32>
        %add3A_1662 = vector.broadcast %select_n3A_1582 : i32 to vector<16xi32>
        %add3A_1663 = arith.addi %mul3A_1661, %add3A_1662 : vector<16xi32>
        %mul3A_1664 = arith.constant 8 : i32
        %mul3A_1665 = vector.broadcast %mul3A_1664 : i32 to vector<16xi32>
        %mul3A_1666 = arith.muli %get3A_1656, %mul3A_1665 : vector<16xi32>
        %add3A_1667 = arith.constant 7 : i32
        %add3A_1668 = vector.broadcast %add3A_1667 : i32 to vector<16xi32>
        %add3A_1669 = arith.addi %mul3A_1666, %add3A_1668 : vector<16xi32>
        %select_n3A_1670 = arith.select %lt3A_1658, %add3A_1663, %add3A_1669 : vector<16xi32>
        %swap3A_1671 = arith.constant 64 : index
        %swap3A_1672 = tpu.vector_load %arg14[%swap3A_1671] {strides = array<i32>} : memref<128xi32, #tpu.memory_space<vmem>>, vector<16xi32>,
        tpu.vector_store %arg14[%swap3A_1671], %select_n3A_1670 {strides = array<i32>} : memref<128xi32, #tpu.memory_space<vmem>>, vector<16xi32>,
        %get3A_1673 = arith.constant 80 : index
        %get3A_1674 = tpu.vector_load %arg10[%get3A_1673] {strides = array<i32>} : memref<128xi32, #tpu.memory_space<vmem>>, vector<16xi32>,
        %lt3A_1675 = arith.constant 7 : i32
        %lt3A_1676 = arith.cmpi slt, %select_n3A_1582, %lt3A_1675 : i32
        %mul3A_1677 = arith.constant 7 : i32
        %mul3A_1678 = vector.broadcast %mul3A_1677 : i32 to vector<16xi32>
        %mul3A_1679 = arith.muli %get3A_1674, %mul3A_1678 : vector<16xi32>
        %add3A_1680 = vector.broadcast %select_n3A_1582 : i32 to vector<16xi32>
        %add3A_1681 = arith.addi %mul3A_1679, %add3A_1680 : vector<16xi32>
        %mul3A_1682 = arith.constant 8 : i32
        %mul3A_1683 = vector.broadcast %mul3A_1682 : i32 to vector<16xi32>
        %mul3A_1684 = arith.muli %get3A_1674, %mul3A_1683 : vector<16xi32>
        %add3A_1685 = arith.constant 7 : i32
        %add3A_1686 = vector.broadcast %add3A_1685 : i32 to vector<16xi32>
        %add3A_1687 = arith.addi %mul3A_1684, %add3A_1686 : vector<16xi32>
        %select_n3A_1688 = arith.select %lt3A_1676, %add3A_1681, %add3A_1687 : vector<16xi32>
        %swap3A_1689 = arith.constant 80 : index
        %swap3A_1690 = tpu.vector_load %arg14[%swap3A_1689] {strides = array<i32>} : memref<128xi32, #tpu.memory_space<vmem>>, vector<16xi32>,
        tpu.vector_store %arg14[%swap3A_1689], %select_n3A_1688 {strides = array<i32>} : memref<128xi32, #tpu.memory_space<vmem>>, vector<16xi32>,
        %get3A_1691 = arith.constant 96 : index
        %get3A_1692 = tpu.vector_load %arg10[%get3A_1691] {strides = array<i32>} : memref<128xi32, #tpu.memory_space<vmem>>, vector<16xi32>,
        %lt3A_1693 = arith.constant 7 : i32
        %lt3A_1694 = arith.cmpi slt, %select_n3A_1582, %lt3A_1693 : i32
        %mul3A_1695 = arith.constant 7 : i32
        %mul3A_1696 = vector.broadcast %mul3A_1695 : i32 to vector<16xi32>
        %mul3A_1697 = arith.muli %get3A_1692, %mul3A_1696 : vector<16xi32>
        %add3A_1698 = vector.broadcast %select_n3A_1582 : i32 to vector<16xi32>
        %add3A_1699 = arith.addi %mul3A_1697, %add3A_1698 : vector<16xi32>
        %mul3A_1700 = arith.constant 8 : i32
        %mul3A_1701 = vector.broadcast %mul3A_1700 : i32 to vector<16xi32>
        %mul3A_1702 = arith.muli %get3A_1692, %mul3A_1701 : vector<16xi32>
        %add3A_1703 = arith.constant 7 : i32
        %add3A_1704 = vector.broadcast %add3A_1703 : i32 to vector<16xi32>
        %add3A_1705 = arith.addi %mul3A_1702, %add3A_1704 : vector<16xi32>
        %select_n3A_1706 = arith.select %lt3A_1694, %add3A_1699, %add3A_1705 : vector<16xi32>
        %swap3A_1707 = arith.constant 96 : index
        %swap3A_1708 = tpu.vector_load %arg14[%swap3A_1707] {strides = array<i32>} : memref<128xi32, #tpu.memory_space<vmem>>, vector<16xi32>,
        tpu.vector_store %arg14[%swap3A_1707], %select_n3A_1706 {strides = array<i32>} : memref<128xi32, #tpu.memory_space<vmem>>, vector<16xi32>,
        %get3A_1709 = arith.constant 112 : index
        %get3A_1710 = tpu.vector_load %arg10[%get3A_1709] {strides = array<i32>} : memref<128xi32, #tpu.memory_space<vmem>>, vector<16xi32>,
        %lt3A_1711 = arith.constant 7 : i32
        %lt3A_1712 = arith.cmpi slt, %select_n3A_1582, %lt3A_1711 : i32
        %mul3A_1713 = arith.constant 7 : i32
        %mul3A_1714 = vector.broadcast %mul3A_1713 : i32 to vector<16xi32>
        %mul3A_1715 = arith.muli %get3A_1710, %mul3A_1714 : vector<16xi32>
        %add3A_1716 = vector.broadcast %select_n3A_1582 : i32 to vector<16xi32>
        %add3A_1717 = arith.addi %mul3A_1715, %add3A_1716 : vector<16xi32>
        %mul3A_1718 = arith.constant 8 : i32
        %mul3A_1719 = vector.broadcast %mul3A_1718 : i32 to vector<16xi32>
        %mul3A_1720 = arith.muli %get3A_1710, %mul3A_1719 : vector<16xi32>
        %add3A_1721 = arith.constant 7 : i32
        %add3A_1722 = vector.broadcast %add3A_1721 : i32 to vector<16xi32>
        %add3A_1723 = arith.addi %mul3A_1720, %add3A_1722 : vector<16xi32>
        %select_n3A_1724 = arith.select %lt3A_1712, %add3A_1717, %add3A_1723 : vector<16xi32>
        %swap3A_1725 = arith.constant 112 : index
        %swap3A_1726 = tpu.vector_load %arg14[%swap3A_1725] {strides = array<i32>} : memref<128xi32, #tpu.memory_space<vmem>>, vector<16xi32>,
        tpu.vector_store %arg14[%swap3A_1725], %select_n3A_1724 {strides = array<i32>} : memref<128xi32, #tpu.memory_space<vmem>>, vector<16xi32>,
        %add3A_1727 = arith.constant 1 : i32
        %add3A_1728 = arith.addi %select_n3A_830, %add3A_1727 : i32
        %jit3A_1729 = arith.constant 8 : i32
        %eq3A_1730 = arith.constant 0 : i32
        %eq3A_1731 = arith.cmpi eq, %jit3A_1729, %eq3A_1730 : i32
        %jit3A_1732 = arith.constant 1 : i32
        %select_n3A_1733 = arith.select %eq3A_1731, %jit3A_1732, %jit3A_1729 : i32
        %rem3A_1734 = arith.remsi %add3A_1728, %select_n3A_1733 : i32
        %ne3A_1735 = arith.constant 0 : i32
        %ne3A_1736 = arith.cmpi ne, %rem3A_1734, %ne3A_1735 : i32
        %lt3A_1737 = arith.constant 0 : i32
        %lt3A_1738 = arith.cmpi slt, %rem3A_1734, %lt3A_1737 : i32
        %lt3A_1739 = arith.constant 0 : i32
        %lt3A_1740 = arith.cmpi slt, %select_n3A_1733, %lt3A_1739 : i32
        %ne3A_1741 = arith.xori %lt3A_1738, %lt3A_1740 : i1
        %and3A_1742 = arith.andi %ne3A_1741, %ne3A_1736 : i1
        %add3A_1743 = arith.addi %rem3A_1734, %select_n3A_1733 : i32
        %select_n3A_1744 = arith.select %and3A_1742, %add3A_1743, %rem3A_1734 : i32
        %lt3A_1745 = arith.constant 7 : i32
        %lt3A_1746 = arith.cmpi slt, %select_n3A_1744, %lt3A_1745 : i32
        %convert_element_type3A_1747 = arith.extui %lt3A_1746 : i1 to i32
        %cond3A_1748 = arith.constant 0 : i32
        %cond3A_1749 = arith.cmpi ne, %convert_element_type3A_1747, %cond3A_1748 : i32
        scf.if %cond3A_1749 {
          %dma_start3A_1755 = arith.constant 0 : i32
          %dma_start3A_1756 = arith.constant 0 : i32
          %dma_start3A_1757 = tpu.memref_slice %arg21[%dma_start3A_1755, %dma_start3A_1756] : memref<7000x128xf32, #tpu.memory_space<vmem_shared>> -> memref<7000x128xf32, #tpu.memory_space<vmem_shared>>
          tpu.enqueue_indirect_dma source(%dma_start3A_1757 : memref<7000x128xf32, #tpu.memory_space<vmem_shared>>) target(%arg17 : memref<128x128xf32, #tpu.memory_space<vmem>>) offsets(%arg14 : memref<128xi32, #tpu.memory_space<vmem>>) semaphore(%arg23 : memref<!tpu.dma_semaphore, #tpu.memory_space<semaphore_mem>>)
        } else {
        }
        %eq3A_1750 = arith.constant 7 : i32
        %eq3A_1751 = arith.cmpi eq, %select_n3A_1744, %eq3A_1750 : i32
        %convert_element_type3A_1752 = arith.extui %eq3A_1751 : i1 to i32
        %cond3A_1753 = arith.constant 0 : i32
        %cond3A_1754 = arith.cmpi ne, %convert_element_type3A_1752, %cond3A_1753 : i32
        scf.if %cond3A_1754 {
          %dma_start3A_1755 = arith.constant 0 : i32
          %dma_start3A_1756 = arith.constant 0 : i32
          %dma_start3A_1757 = tpu.memref_slice %arg2[%dma_start3A_1755, %dma_start3A_1756] : memref<8000x128xf32, #tpu.memory_space<hbm>> -> memref<8000x128xf32, #tpu.memory_space<hbm>>
          tpu.enqueue_indirect_dma source(%dma_start3A_1757 : memref<8000x128xf32, #tpu.memory_space<hbm>>) target(%arg17 : memref<128x128xf32, #tpu.memory_space<vmem>>) offsets(%arg14 : memref<128xi32, #tpu.memory_space<vmem>>) semaphore(%arg23 : memref<!tpu.dma_semaphore, #tpu.memory_space<semaphore_mem>>)
        } else {
        }
      } else {
      }
      %lt3A_996 = arith.constant 98 : i32
      %lt3A_997 = arith.cmpi slt, %mul3A_747, %lt3A_996 : i32
      %convert_element_type3A_998 = arith.extui %lt3A_997 : i1 to i32
      %cond3A_999 = arith.constant 0 : i32
      %cond3A_1000 = arith.cmpi ne, %convert_element_type3A_998, %cond3A_999 : i32
      scf.if %cond3A_1000 {
        %add3A_1468 = arith.constant 2 : i32
        %add3A_1469 = arith.addi %mul3A_747, %add3A_1468 : i32
        %mul3A_1470 = arith.constant 100 : i32
        %mul3A_1471 = arith.muli %add3A, %mul3A_1470 : i32
        %add3A_1472 = arith.addi %mul3A_1471, %add3A_1469 : i32
        %jit3A_1473 = arith.constant 64 : i32
        %div3A_1474 = arith.divsi %add3A_1472, %jit3A_1473 : i32
        %sign3A_1475 = arith.constant 0 : i32
        %sign3A_1476 = arith.cmpi sgt, %add3A_1472, %sign3A_1475 : i32
        %sign3A_1477 = arith.extui %sign3A_1476 : i1 to i32
        %sign3A_1478 = arith.constant 0 : i32
        %sign3A_1479 = arith.cmpi slt, %add3A_1472, %sign3A_1478 : i32
        %sign3A_1480 = arith.extui %sign3A_1479 : i1 to i32
        %sign3A_1481 = arith.subi %sign3A_1477, %sign3A_1480 : i32
        %sign3A_1482 = arith.constant 0 : i32
        %sign3A_1483 = arith.cmpi sgt, %jit3A_1473, %sign3A_1482 : i32
        %sign3A_1484 = arith.extui %sign3A_1483 : i1 to i32
        %sign3A_1485 = arith.constant 0 : i32
        %sign3A_1486 = arith.cmpi slt, %jit3A_1473, %sign3A_1485 : i32
        %sign3A_1487 = arith.extui %sign3A_1486 : i1 to i32
        %sign3A_1488 = arith.subi %sign3A_1484, %sign3A_1487 : i32
        %ne3A_1489 = arith.cmpi ne, %sign3A_1481, %sign3A_1488 : i32
        %rem3A_1490 = arith.remsi %add3A_1472, %jit3A_1473 : i32
        %ne3A_1491 = arith.constant 0 : i32
        %ne3A_1492 = arith.cmpi ne, %rem3A_1490, %ne3A_1491 : i32
        %and3A_1493 = arith.andi %ne3A_1489, %ne3A_1492 : i1
        %sub3A_1494 = arith.constant 1 : i32
        %sub3A_1495 = arith.subi %div3A_1474, %sub3A_1494 : i32
        %select_n3A_1496 = arith.select %and3A_1493, %sub3A_1495, %div3A_1474 : i32
        %jit3A_1497 = arith.constant 8 : i32
        %div3A_1498 = arith.divsi %add3A_1472, %jit3A_1497 : i32
        %sign3A_1499 = arith.constant 0 : i32
        %sign3A_1500 = arith.cmpi sgt, %add3A_1472, %sign3A_1499 : i32
        %sign3A_1501 = arith.extui %sign3A_1500 : i1 to i32
        %sign3A_1502 = arith.constant 0 : i32
        %sign3A_1503 = arith.cmpi slt, %add3A_1472, %sign3A_1502 : i32
        %sign3A_1504 = arith.extui %sign3A_1503 : i1 to i32
        %sign3A_1505 = arith.subi %sign3A_1501, %sign3A_1504 : i32
        %sign3A_1506 = arith.constant 0 : i32
        %sign3A_1507 = arith.cmpi sgt, %jit3A_1497, %sign3A_1506 : i32
        %sign3A_1508 = arith.extui %sign3A_1507 : i1 to i32
        %sign3A_1509 = arith.constant 0 : i32
        %sign3A_1510 = arith.cmpi slt, %jit3A_1497, %sign3A_1509 : i32
        %sign3A_1511 = arith.extui %sign3A_1510 : i1 to i32
        %sign3A_1512 = arith.subi %sign3A_1508, %sign3A_1511 : i32
        %ne3A_1513 = arith.cmpi ne, %sign3A_1505, %sign3A_1512 : i32
        %rem3A_1514 = arith.remsi %add3A_1472, %jit3A_1497 : i32
        %ne3A_1515 = arith.constant 0 : i32
        %ne3A_1516 = arith.cmpi ne, %rem3A_1514, %ne3A_1515 : i32
        %and3A_1517 = arith.andi %ne3A_1513, %ne3A_1516 : i1
        %sub3A_1518 = arith.constant 1 : i32
        %sub3A_1519 = arith.subi %div3A_1498, %sub3A_1518 : i32
        %select_n3A_1520 = arith.select %and3A_1517, %sub3A_1519, %div3A_1498 : i32
        %jit3A_1521 = arith.constant 8 : i32
        %eq3A_1522 = arith.constant 0 : i32
        %eq3A_1523 = arith.cmpi eq, %jit3A_1521, %eq3A_1522 : i32
        %jit3A_1524 = arith.constant 1 : i32
        %select_n3A_1525 = arith.select %eq3A_1523, %jit3A_1524, %jit3A_1521 : i32
        %rem3A_1526 = arith.remsi %select_n3A_1520, %select_n3A_1525 : i32
        %ne3A_1527 = arith.constant 0 : i32
        %ne3A_1528 = arith.cmpi ne, %rem3A_1526, %ne3A_1527 : i32
        %lt3A_1529 = arith.constant 0 : i32
        %lt3A_1530 = arith.cmpi slt, %rem3A_1526, %lt3A_1529 : i32
        %lt3A_1531 = arith.constant 0 : i32
        %lt3A_1532 = arith.cmpi slt, %select_n3A_1525, %lt3A_1531 : i32
        %ne3A_1533 = arith.xori %lt3A_1530, %lt3A_1532 : i1
        %and3A_1534 = arith.andi %ne3A_1533, %ne3A_1528 : i1
        %add3A_1535 = arith.addi %rem3A_1526, %select_n3A_1525 : i32
        %select_n3A_1536 = arith.select %and3A_1534, %add3A_1535, %rem3A_1526 : i32
        %jit3A_1537 = arith.constant 8 : i32
        %eq3A_1538 = arith.constant 0 : i32
        %eq3A_1539 = arith.cmpi eq, %jit3A_1537, %eq3A_1538 : i32
        %jit3A_1540 = arith.constant 1 : i32
        %select_n3A_1541 = arith.select %eq3A_1539, %jit3A_1540, %jit3A_1537 : i32
        %rem3A_1542 = arith.remsi %add3A_1472, %select_n3A_1541 : i32
        %ne3A_1543 = arith.constant 0 : i32
        %ne3A_1544 = arith.cmpi ne, %rem3A_1542, %ne3A_1543 : i32
        %lt3A_1545 = arith.constant 0 : i32
        %lt3A_1546 = arith.cmpi slt, %rem3A_1542, %lt3A_1545 : i32
        %lt3A_1547 = arith.constant 0 : i32
        %lt3A_1548 = arith.cmpi slt, %select_n3A_1541, %lt3A_1547 : i32
        %ne3A_1549 = arith.xori %lt3A_1546, %lt3A_1548 : i1
        %and3A_1550 = arith.andi %ne3A_1549, %ne3A_1544 : i1
        %add3A_1551 = arith.addi %rem3A_1542, %select_n3A_1541 : i32
        %select_n3A_1552 = arith.select %and3A_1550, %add3A_1551, %rem3A_1542 : i32
        %mul3A_1553 = arith.constant 128 : i32
        %mul3A_1554 = arith.muli %select_n3A_1536, %mul3A_1553 : i32
        %mul3A_1555 = arith.constant 128 : i32
        %mul3A_1556 = arith.muli %select_n3A_1536, %mul3A_1555 : i32
        %dma_start3A_1557 = tpu.memref_slice %arg4[%select_n3A_1496, %mul3A_1554] : memref<50x1024xi32, #tpu.memory_space<hbm>> -> memref<1x128xi32, #tpu.memory_space<hbm>>
        %dma_start3A_1558 = tpu.memref_squeeze %dma_start3A_1557 : memref<1x128xi32, #tpu.memory_space<hbm>> -> memref<128xi32, #tpu.memory_space<hbm>>
        %dma_start3A_1559 = tpu.memref_slice %arg4[%select_n3A_1496, %mul3A_1554] : memref<50x1024xi32, #tpu.memory_space<hbm>> -> memref<1x128xi32, #tpu.memory_space<hbm>>
        %dma_start3A_1560 = tpu.memref_squeeze %dma_start3A_1559 : memref<1x128xi32, #tpu.memory_space<hbm>> -> memref<128xi32, #tpu.memory_space<hbm>>
        tpu.enqueue_dma source(%dma_start3A_1560 : memref<128xi32, #tpu.memory_space<hbm>>) target(%arg9 : memref<128xi32, #tpu.memory_space<vmem>>) target_semaphore(%arg26 : memref<!tpu.dma_semaphore, #tpu.memory_space<semaphore_mem>>)
        %dma_start3A_1561 = tpu.memref_slice %arg5[%select_n3A_1496, %mul3A_1556] : memref<50x1024xi32, #tpu.memory_space<hbm>> -> memref<1x128xi32, #tpu.memory_space<hbm>>
        %dma_start3A_1562 = tpu.memref_squeeze %dma_start3A_1561 : memref<1x128xi32, #tpu.memory_space<hbm>> -> memref<128xi32, #tpu.memory_space<hbm>>
        %dma_start3A_1563 = tpu.memref_slice %arg5[%select_n3A_1496, %mul3A_1556] : memref<50x1024xi32, #tpu.memory_space<hbm>> -> memref<1x128xi32, #tpu.memory_space<hbm>>
        %dma_start3A_1564 = tpu.memref_squeeze %dma_start3A_1563 : memref<1x128xi32, #tpu.memory_space<hbm>> -> memref<128xi32, #tpu.memory_space<hbm>>
        tpu.enqueue_dma source(%dma_start3A_1564 : memref<128xi32, #tpu.memory_space<hbm>>) target(%arg11 : memref<128xi32, #tpu.memory_space<vmem>>) target_semaphore(%arg28 : memref<!tpu.dma_semaphore, #tpu.memory_space<semaphore_mem>>)
      } else {
      }
      %ge3A = arith.constant 2 : i32
      %ge3A_1001 = arith.cmpi sge, %mul3A_747, %ge3A : i32
      %convert_element_type3A_1002 = arith.extui %ge3A_1001 : i1 to i32
      %cond3A_1003 = arith.constant 0 : i32
      %cond3A_1004 = arith.cmpi ne, %convert_element_type3A_1002, %cond3A_1003 : i32
      scf.if %cond3A_1004 {
        %sub3A_1468 = arith.constant 2 : i32
        %sub3A_1469 = arith.subi %mul3A_747, %sub3A_1468 : i32
        %mul3A_1470 = arith.constant 100 : i32
        %mul3A_1471 = arith.muli %add3A, %mul3A_1470 : i32
        %add3A_1472 = arith.addi %mul3A_1471, %sub3A_1469 : i32
        %jit3A_1473 = arith.constant 64 : i32
        %div3A_1474 = arith.divsi %add3A_1472, %jit3A_1473 : i32
        %sign3A_1475 = arith.constant 0 : i32
        %sign3A_1476 = arith.cmpi sgt, %add3A_1472, %sign3A_1475 : i32
        %sign3A_1477 = arith.extui %sign3A_1476 : i1 to i32
        %sign3A_1478 = arith.constant 0 : i32
        %sign3A_1479 = arith.cmpi slt, %add3A_1472, %sign3A_1478 : i32
        %sign3A_1480 = arith.extui %sign3A_1479 : i1 to i32
        %sign3A_1481 = arith.subi %sign3A_1477, %sign3A_1480 : i32
        %sign3A_1482 = arith.constant 0 : i32
        %sign3A_1483 = arith.cmpi sgt, %jit3A_1473, %sign3A_1482 : i32
        %sign3A_1484 = arith.extui %sign3A_1483 : i1 to i32
        %sign3A_1485 = arith.constant 0 : i32
        %sign3A_1486 = arith.cmpi slt, %jit3A_1473, %sign3A_1485 : i32
        %sign3A_1487 = arith.extui %sign3A_1486 : i1 to i32
        %sign3A_1488 = arith.subi %sign3A_1484, %sign3A_1487 : i32
        %ne3A_1489 = arith.cmpi ne, %sign3A_1481, %sign3A_1488 : i32
        %rem3A_1490 = arith.remsi %add3A_1472, %jit3A_1473 : i32
        %ne3A_1491 = arith.constant 0 : i32
        %ne3A_1492 = arith.cmpi ne, %rem3A_1490, %ne3A_1491 : i32
        %and3A_1493 = arith.andi %ne3A_1489, %ne3A_1492 : i1
        %sub3A_1494 = arith.constant 1 : i32
        %sub3A_1495 = arith.subi %div3A_1474, %sub3A_1494 : i32
        %select_n3A_1496 = arith.select %and3A_1493, %sub3A_1495, %div3A_1474 : i32
        %jit3A_1497 = arith.constant 8 : i32
        %div3A_1498 = arith.divsi %add3A_1472, %jit3A_1497 : i32
        %sign3A_1499 = arith.constant 0 : i32
        %sign3A_1500 = arith.cmpi sgt, %add3A_1472, %sign3A_1499 : i32
        %sign3A_1501 = arith.extui %sign3A_1500 : i1 to i32
        %sign3A_1502 = arith.constant 0 : i32
        %sign3A_1503 = arith.cmpi slt, %add3A_1472, %sign3A_1502 : i32
        %sign3A_1504 = arith.extui %sign3A_1503 : i1 to i32
        %sign3A_1505 = arith.subi %sign3A_1501, %sign3A_1504 : i32
        %sign3A_1506 = arith.constant 0 : i32
        %sign3A_1507 = arith.cmpi sgt, %jit3A_1497, %sign3A_1506 : i32
        %sign3A_1508 = arith.extui %sign3A_1507 : i1 to i32
        %sign3A_1509 = arith.constant 0 : i32
        %sign3A_1510 = arith.cmpi slt, %jit3A_1497, %sign3A_1509 : i32
        %sign3A_1511 = arith.extui %sign3A_1510 : i1 to i32
        %sign3A_1512 = arith.subi %sign3A_1508, %sign3A_1511 : i32
        %ne3A_1513 = arith.cmpi ne, %sign3A_1505, %sign3A_1512 : i32
        %rem3A_1514 = arith.remsi %add3A_1472, %jit3A_1497 : i32
        %ne3A_1515 = arith.constant 0 : i32
        %ne3A_1516 = arith.cmpi ne, %rem3A_1514, %ne3A_1515 : i32
        %and3A_1517 = arith.andi %ne3A_1513, %ne3A_1516 : i1
        %sub3A_1518 = arith.constant 1 : i32
        %sub3A_1519 = arith.subi %div3A_1498, %sub3A_1518 : i32
        %select_n3A_1520 = arith.select %and3A_1517, %sub3A_1519, %div3A_1498 : i32
        %jit3A_1521 = arith.constant 8 : i32
        %eq3A_1522 = arith.constant 0 : i32
        %eq3A_1523 = arith.cmpi eq, %jit3A_1521, %eq3A_1522 : i32
        %jit3A_1524 = arith.constant 1 : i32
        %select_n3A_1525 = arith.select %eq3A_1523, %jit3A_1524, %jit3A_1521 : i32
        %rem3A_1526 = arith.remsi %select_n3A_1520, %select_n3A_1525 : i32
        %ne3A_1527 = arith.constant 0 : i32
        %ne3A_1528 = arith.cmpi ne, %rem3A_1526, %ne3A_1527 : i32
        %lt3A_1529 = arith.constant 0 : i32
        %lt3A_1530 = arith.cmpi slt, %rem3A_1526, %lt3A_1529 : i32
        %lt3A_1531 = arith.constant 0 : i32
        %lt3A_1532 = arith.cmpi slt, %select_n3A_1525, %lt3A_1531 : i32
        %ne3A_1533 = arith.xori %lt3A_1530, %lt3A_1532 : i1
        %and3A_1534 = arith.andi %ne3A_1533, %ne3A_1528 : i1
        %add3A_1535 = arith.addi %rem3A_1526, %select_n3A_1525 : i32
        %select_n3A_1536 = arith.select %and3A_1534, %add3A_1535, %rem3A_1526 : i32
        %jit3A_1537 = arith.constant 8 : i32
        %eq3A_1538 = arith.constant 0 : i32
        %eq3A_1539 = arith.cmpi eq, %jit3A_1537, %eq3A_1538 : i32
        %jit3A_1540 = arith.constant 1 : i32
        %select_n3A_1541 = arith.select %eq3A_1539, %jit3A_1540, %jit3A_1537 : i32
        %rem3A_1542 = arith.remsi %add3A_1472, %select_n3A_1541 : i32
        %ne3A_1543 = arith.constant 0 : i32
        %ne3A_1544 = arith.cmpi ne, %rem3A_1542, %ne3A_1543 : i32
        %lt3A_1545 = arith.constant 0 : i32
        %lt3A_1546 = arith.cmpi slt, %rem3A_1542, %lt3A_1545 : i32
        %lt3A_1547 = arith.constant 0 : i32
        %lt3A_1548 = arith.cmpi slt, %select_n3A_1541, %lt3A_1547 : i32
        %ne3A_1549 = arith.xori %lt3A_1546, %lt3A_1548 : i1
        %and3A_1550 = arith.andi %ne3A_1549, %ne3A_1544 : i1
        %add3A_1551 = arith.addi %rem3A_1542, %select_n3A_1541 : i32
        %select_n3A_1552 = arith.select %and3A_1550, %add3A_1551, %rem3A_1542 : i32
        %mul3A_1553 = arith.constant 16 : i32
        %mul3A_1554 = arith.muli %select_n3A_1552, %mul3A_1553 : i32
        %mul3A_1555 = arith.constant 16 : i32
        %mul3A_1556 = arith.muli %select_n3A_1552, %mul3A_1555 : i32
        %lt3A_1557 = arith.constant 7 : i32
        %lt3A_1558 = arith.cmpi slt, %select_n3A_1552, %lt3A_1557 : i32
        %convert_element_type3A_1559 = arith.extui %lt3A_1558 : i1 to i32
        %cond3A_1560 = arith.constant 0 : i32
        %cond3A_1561 = arith.cmpi ne, %convert_element_type3A_1559, %cond3A_1560 : i32
        scf.if %cond3A_1561 {
          %dma_wait3A_1567 = arith.constant 0 : i32
          %dma_wait3A_1568 = arith.constant 0 : i32
          %dma_wait3A_1569 = tpu.memref_slice %arg7[%select_n3A_1496, %mul3A_1554, %select_n3A_1536, %dma_wait3A_1567, %dma_wait3A_1568] : memref<50x125x8x8x128xf32, #tpu.memory_space<hbm>> -> memref<1x16x1x8x128xf32, #tpu.memory_space<hbm>>
          %dma_wait3A_1570 = tpu.memref_squeeze %dma_wait3A_1569 : memref<1x16x1x8x128xf32, #tpu.memory_space<hbm>> -> memref<16x8x128xf32, #tpu.memory_space<hbm>>
          %dma_wait3A_1571 = arith.constant 0 : i32
          %dma_wait3A_1572 = arith.constant 0 : i32
          %dma_wait3A_1573 = tpu.memref_slice %arg7[%select_n3A_1496, %mul3A_1554, %select_n3A_1536, %dma_wait3A_1571, %dma_wait3A_1572] : memref<50x125x8x8x128xf32, #tpu.memory_space<hbm>> -> memref<1x16x1x8x128xf32, #tpu.memory_space<hbm>>
          %dma_wait3A_1574 = tpu.memref_squeeze %dma_wait3A_1573 : memref<1x16x1x8x128xf32, #tpu.memory_space<hbm>> -> memref<16x8x128xf32, #tpu.memory_space<hbm>>
          tpu.wait_dma2 semaphore(%arg24 : memref<!tpu.dma_semaphore, #tpu.memory_space<semaphore_mem>>) src(%arg18 : memref<16x8x128xf32, #tpu.memory_space<vmem>>) dst(%dma_wait3A_1574 : memref<16x8x128xf32, #tpu.memory_space<hbm>>)
        } else {
        }
        %eq3A_1562 = arith.constant 7 : i32
        %eq3A_1563 = arith.cmpi eq, %select_n3A_1552, %eq3A_1562 : i32
        %convert_element_type3A_1564 = arith.extui %eq3A_1563 : i1 to i32
        %cond3A_1565 = arith.constant 0 : i32
        %cond3A_1566 = arith.cmpi ne, %convert_element_type3A_1564, %cond3A_1565 : i32
        scf.if %cond3A_1566 {
          %dma_wait3A_1567 = arith.constant 0 : i32
          %dma_wait3A_1568 = arith.constant 0 : i32
          %dma_wait3A_1569 = arith.constant 0 : i32
          %dma_wait3A_1570 = tpu.memref_slice %arg18[%dma_wait3A_1567, %dma_wait3A_1568, %dma_wait3A_1569] : memref<16x8x128xf32, #tpu.memory_space<vmem>> -> memref<13x8x128xf32, #tpu.memory_space<vmem>>
          %dma_wait3A_1571 = arith.constant 0 : i32
          %dma_wait3A_1572 = arith.constant 0 : i32
          %dma_wait3A_1573 = tpu.memref_slice %arg7[%select_n3A_1496, %mul3A_1556, %select_n3A_1536, %dma_wait3A_1571, %dma_wait3A_1572] : memref<50x125x8x8x128xf32, #tpu.memory_space<hbm>> -> memref<1x13x1x8x128xf32, #tpu.memory_space<hbm>>
          %dma_wait3A_1574 = tpu.memref_squeeze %dma_wait3A_1573 : memref<1x13x1x8x128xf32, #tpu.memory_space<hbm>> -> memref<13x8x128xf32, #tpu.memory_space<hbm>>
          %dma_wait3A_1575 = arith.constant 0 : i32
          %dma_wait3A_1576 = arith.constant 0 : i32
          %dma_wait3A_1577 = tpu.memref_slice %arg7[%select_n3A_1496, %mul3A_1556, %select_n3A_1536, %dma_wait3A_1575, %dma_wait3A_1576] : memref<50x125x8x8x128xf32, #tpu.memory_space<hbm>> -> memref<1x13x1x8x128xf32, #tpu.memory_space<hbm>>
          %dma_wait3A_1578 = tpu.memref_squeeze %dma_wait3A_1577 : memref<1x13x1x8x128xf32, #tpu.memory_space<hbm>> -> memref<13x8x128xf32, #tpu.memory_space<hbm>>
          %dma_wait3A_1579 = arith.constant 0 : i32
          %dma_wait3A_1580 = arith.constant 0 : i32
          %dma_wait3A_1581 = arith.constant 0 : i32
          %dma_wait3A_1582 = tpu.memref_slice %arg18[%dma_wait3A_1579, %dma_wait3A_1580, %dma_wait3A_1581] : memref<16x8x128xf32, #tpu.memory_space<vmem>> -> memref<13x8x128xf32, #tpu.memory_space<vmem>>
          tpu.wait_dma2 semaphore(%arg24 : memref<!tpu.dma_semaphore, #tpu.memory_space<semaphore_mem>>) src(%dma_wait3A_1582 : memref<13x8x128xf32, #tpu.memory_space<vmem>>) dst(%dma_wait3A_1578 : memref<13x8x128xf32, #tpu.memory_space<hbm>>)
        } else {
        }
      } else {
      }
      %parallel_loop3A = arith.constant 0 : i32
      %parallel_loop3A_1005 = arith.constant 128 : i32
      %parallel_loop3A_1006 = arith.constant 1 : i32
      scf.for %parallel_loop3A_1468 = %parallel_loop3A to %parallel_loop3A_1005 step %parallel_loop3A_1006  : i32 {
        %parallel_loop3A_1469 = vector.broadcast %parallel_loop3A_1468 : i32 to vector<16xi32>
        %parallel_loop3A_1470 = arith.addi %parallel_loop3A_1469, %add3A_5 : vector<16xi32>
        %parallel_loop3A_1471 = arith.constant 127 : i32
        %parallel_loop3A_1472 = vector.broadcast %parallel_loop3A_1471 : i32 to vector<16xi32>
        %parallel_loop3A_1473 = arith.andi %parallel_loop3A_1470, %parallel_loop3A_1472 : vector<16xi32>
        %parallel_loop3A_1474 = tpu.vector_load_idx %arg16[%add3A_5, %parallel_loop3A_1473] : memref<128x128xf32, #tpu.memory_space<vmem>>[vector<16xi32>, vector<16xi32>], vector<16xf32>,
        %parallel_loop3A_1475 = arith.constant 3 : i32
        %parallel_loop3A_1476 = vector.broadcast %parallel_loop3A_1475 : i32 to vector<16xi32>
        %parallel_loop3A_1477 = arith.shrsi %parallel_loop3A_1473, %parallel_loop3A_1476 : vector<16xi32>
        %parallel_loop3A_1478 = arith.constant 7 : i32
        %parallel_loop3A_1479 = vector.broadcast %parallel_loop3A_1478 : i32 to vector<16xi32>
        %parallel_loop3A_1480 = arith.andi %parallel_loop3A_1473, %parallel_loop3A_1479 : vector<16xi32>
        tpu.vector_store_idx %arg18[%parallel_loop3A_1477, %parallel_loop3A_1480, %add3A_5], %parallel_loop3A_1474 : memref<16x8x128xf32, #tpu.memory_space<vmem>>[vector<16xi32>, vector<16xi32>, vector<16xi32>], vector<16xf32>,
        %parallel_loop3A_1481 = vector.broadcast %parallel_loop3A_1468 : i32 to vector<16xi32>
        %parallel_loop3A_1482 = arith.addi %parallel_loop3A_1481, %add3A_8 : vector<16xi32>
        %parallel_loop3A_1483 = arith.constant 127 : i32
        %parallel_loop3A_1484 = vector.broadcast %parallel_loop3A_1483 : i32 to vector<16xi32>
        %parallel_loop3A_1485 = arith.andi %parallel_loop3A_1482, %parallel_loop3A_1484 : vector<16xi32>
        %parallel_loop3A_1486 = tpu.vector_load_idx %arg16[%add3A_8, %parallel_loop3A_1485] : memref<128x128xf32, #tpu.memory_space<vmem>>[vector<16xi32>, vector<16xi32>], vector<16xf32>,
        %parallel_loop3A_1487 = arith.constant 3 : i32
        %parallel_loop3A_1488 = vector.broadcast %parallel_loop3A_1487 : i32 to vector<16xi32>
        %parallel_loop3A_1489 = arith.shrsi %parallel_loop3A_1485, %parallel_loop3A_1488 : vector<16xi32>
        %parallel_loop3A_1490 = arith.constant 7 : i32
        %parallel_loop3A_1491 = vector.broadcast %parallel_loop3A_1490 : i32 to vector<16xi32>
        %parallel_loop3A_1492 = arith.andi %parallel_loop3A_1485, %parallel_loop3A_1491 : vector<16xi32>
        tpu.vector_store_idx %arg18[%parallel_loop3A_1489, %parallel_loop3A_1492, %add3A_8], %parallel_loop3A_1486 : memref<16x8x128xf32, #tpu.memory_space<vmem>>[vector<16xi32>, vector<16xi32>, vector<16xi32>], vector<16xf32>,
        %parallel_loop3A_1493 = vector.broadcast %parallel_loop3A_1468 : i32 to vector<16xi32>
        %parallel_loop3A_1494 = arith.addi %parallel_loop3A_1493, %add3A_11 : vector<16xi32>
        %parallel_loop3A_1495 = arith.constant 127 : i32
        %parallel_loop3A_1496 = vector.broadcast %parallel_loop3A_1495 : i32 to vector<16xi32>
        %parallel_loop3A_1497 = arith.andi %parallel_loop3A_1494, %parallel_loop3A_1496 : vector<16xi32>
        %parallel_loop3A_1498 = tpu.vector_load_idx %arg16[%add3A_11, %parallel_loop3A_1497] : memref<128x128xf32, #tpu.memory_space<vmem>>[vector<16xi32>, vector<16xi32>], vector<16xf32>,
        %parallel_loop3A_1499 = arith.constant 3 : i32
        %parallel_loop3A_1500 = vector.broadcast %parallel_loop3A_1499 : i32 to vector<16xi32>
        %parallel_loop3A_1501 = arith.shrsi %parallel_loop3A_1497, %parallel_loop3A_1500 : vector<16xi32>
        %parallel_loop3A_1502 = arith.constant 7 : i32
        %parallel_loop3A_1503 = vector.broadcast %parallel_loop3A_1502 : i32 to vector<16xi32>
        %parallel_loop3A_1504 = arith.andi %parallel_loop3A_1497, %parallel_loop3A_1503 : vector<16xi32>
        tpu.vector_store_idx %arg18[%parallel_loop3A_1501, %parallel_loop3A_1504, %add3A_11], %parallel_loop3A_1498 : memref<16x8x128xf32, #tpu.memory_space<vmem>>[vector<16xi32>, vector<16xi32>, vector<16xi32>], vector<16xf32>,
        %parallel_loop3A_1505 = vector.broadcast %parallel_loop3A_1468 : i32 to vector<16xi32>
        %parallel_loop3A_1506 = arith.addi %parallel_loop3A_1505, %add3A_14 : vector<16xi32>
        %parallel_loop3A_1507 = arith.constant 127 : i32
        %parallel_loop3A_1508 = vector.broadcast %parallel_loop3A_1507 : i32 to vector<16xi32>
        %parallel_loop3A_1509 = arith.andi %parallel_loop3A_1506, %parallel_loop3A_1508 : vector<16xi32>
        %parallel_loop3A_1510 = tpu.vector_load_idx %arg16[%add3A_14, %parallel_loop3A_1509] : memref<128x128xf32, #tpu.memory_space<vmem>>[vector<16xi32>, vector<16xi32>], vector<16xf32>,
        %parallel_loop3A_1511 = arith.constant 3 : i32
        %parallel_loop3A_1512 = vector.broadcast %parallel_loop3A_1511 : i32 to vector<16xi32>
        %parallel_loop3A_1513 = arith.shrsi %parallel_loop3A_1509, %parallel_loop3A_1512 : vector<16xi32>
        %parallel_loop3A_1514 = arith.constant 7 : i32
        %parallel_loop3A_1515 = vector.broadcast %parallel_loop3A_1514 : i32 to vector<16xi32>
        %parallel_loop3A_1516 = arith.andi %parallel_loop3A_1509, %parallel_loop3A_1515 : vector<16xi32>
        tpu.vector_store_idx %arg18[%parallel_loop3A_1513, %parallel_loop3A_1516, %add3A_14], %parallel_loop3A_1510 : memref<16x8x128xf32, #tpu.memory_space<vmem>>[vector<16xi32>, vector<16xi32>, vector<16xi32>], vector<16xf32>,
        %parallel_loop3A_1517 = vector.broadcast %parallel_loop3A_1468 : i32 to vector<16xi32>
        %parallel_loop3A_1518 = arith.addi %parallel_loop3A_1517, %add3A_17 : vector<16xi32>
        %parallel_loop3A_1519 = arith.constant 127 : i32
        %parallel_loop3A_1520 = vector.broadcast %parallel_loop3A_1519 : i32 to vector<16xi32>
        %parallel_loop3A_1521 = arith.andi %parallel_loop3A_1518, %parallel_loop3A_1520 : vector<16xi32>
        %parallel_loop3A_1522 = tpu.vector_load_idx %arg16[%add3A_17, %parallel_loop3A_1521] : memref<128x128xf32, #tpu.memory_space<vmem>>[vector<16xi32>, vector<16xi32>], vector<16xf32>,
        %parallel_loop3A_1523 = arith.constant 3 : i32
        %parallel_loop3A_1524 = vector.broadcast %parallel_loop3A_1523 : i32 to vector<16xi32>
        %parallel_loop3A_1525 = arith.shrsi %parallel_loop3A_1521, %parallel_loop3A_1524 : vector<16xi32>
        %parallel_loop3A_1526 = arith.constant 7 : i32
        %parallel_loop3A_1527 = vector.broadcast %parallel_loop3A_1526 : i32 to vector<16xi32>
        %parallel_loop3A_1528 = arith.andi %parallel_loop3A_1521, %parallel_loop3A_1527 : vector<16xi32>
        tpu.vector_store_idx %arg18[%parallel_loop3A_1525, %parallel_loop3A_1528, %add3A_17], %parallel_loop3A_1522 : memref<16x8x128xf32, #tpu.memory_space<vmem>>[vector<16xi32>, vector<16xi32>, vector<16xi32>], vector<16xf32>,
        %parallel_loop3A_1529 = vector.broadcast %parallel_loop3A_1468 : i32 to vector<16xi32>
        %parallel_loop3A_1530 = arith.addi %parallel_loop3A_1529, %add3A_20 : vector<16xi32>
        %parallel_loop3A_1531 = arith.constant 127 : i32
        %parallel_loop3A_1532 = vector.broadcast %parallel_loop3A_1531 : i32 to vector<16xi32>
        %parallel_loop3A_1533 = arith.andi %parallel_loop3A_1530, %parallel_loop3A_1532 : vector<16xi32>
        %parallel_loop3A_1534 = tpu.vector_load_idx %arg16[%add3A_20, %parallel_loop3A_1533] : memref<128x128xf32, #tpu.memory_space<vmem>>[vector<16xi32>, vector<16xi32>], vector<16xf32>,
        %parallel_loop3A_1535 = arith.constant 3 : i32
        %parallel_loop3A_1536 = vector.broadcast %parallel_loop3A_1535 : i32 to vector<16xi32>
        %parallel_loop3A_1537 = arith.shrsi %parallel_loop3A_1533, %parallel_loop3A_1536 : vector<16xi32>
        %parallel_loop3A_1538 = arith.constant 7 : i32
        %parallel_loop3A_1539 = vector.broadcast %parallel_loop3A_1538 : i32 to vector<16xi32>
        %parallel_loop3A_1540 = arith.andi %parallel_loop3A_1533, %parallel_loop3A_1539 : vector<16xi32>
        tpu.vector_store_idx %arg18[%parallel_loop3A_1537, %parallel_loop3A_1540, %add3A_20], %parallel_loop3A_1534 : memref<16x8x128xf32, #tpu.memory_space<vmem>>[vector<16xi32>, vector<16xi32>, vector<16xi32>], vector<16xf32>,
        %parallel_loop3A_1541 = vector.broadcast %parallel_loop3A_1468 : i32 to vector<16xi32>
        %parallel_loop3A_1542 = arith.addi %parallel_loop3A_1541, %add3A_23 : vector<16xi32>
        %parallel_loop3A_1543 = arith.constant 127 : i32
        %parallel_loop3A_1544 = vector.broadcast %parallel_loop3A_1543 : i32 to vector<16xi32>
        %parallel_loop3A_1545 = arith.andi %parallel_loop3A_1542, %parallel_loop3A_1544 : vector<16xi32>
        %parallel_loop3A_1546 = tpu.vector_load_idx %arg16[%add3A_23, %parallel_loop3A_1545] : memref<128x128xf32, #tpu.memory_space<vmem>>[vector<16xi32>, vector<16xi32>], vector<16xf32>,
        %parallel_loop3A_1547 = arith.constant 3 : i32
        %parallel_loop3A_1548 = vector.broadcast %parallel_loop3A_1547 : i32 to vector<16xi32>
        %parallel_loop3A_1549 = arith.shrsi %parallel_loop3A_1545, %parallel_loop3A_1548 : vector<16xi32>
        %parallel_loop3A_1550 = arith.constant 7 : i32
        %parallel_loop3A_1551 = vector.broadcast %parallel_loop3A_1550 : i32 to vector<16xi32>
        %parallel_loop3A_1552 = arith.andi %parallel_loop3A_1545, %parallel_loop3A_1551 : vector<16xi32>
        tpu.vector_store_idx %arg18[%parallel_loop3A_1549, %parallel_loop3A_1552, %add3A_23], %parallel_loop3A_1546 : memref<16x8x128xf32, #tpu.memory_space<vmem>>[vector<16xi32>, vector<16xi32>, vector<16xi32>], vector<16xf32>,
        %parallel_loop3A_1553 = vector.broadcast %parallel_loop3A_1468 : i32 to vector<16xi32>
        %parallel_loop3A_1554 = arith.addi %parallel_loop3A_1553, %add3A_26 : vector<16xi32>
        %parallel_loop3A_1555 = arith.constant 127 : i32
        %parallel_loop3A_1556 = vector.broadcast %parallel_loop3A_1555 : i32 to vector<16xi32>
        %parallel_loop3A_1557 = arith.andi %parallel_loop3A_1554, %parallel_loop3A_1556 : vector<16xi32>
        %parallel_loop3A_1558 = tpu.vector_load_idx %arg16[%add3A_26, %parallel_loop3A_1557] : memref<128x128xf32, #tpu.memory_space<vmem>>[vector<16xi32>, vector<16xi32>], vector<16xf32>,
        %parallel_loop3A_1559 = arith.constant 3 : i32
        %parallel_loop3A_1560 = vector.broadcast %parallel_loop3A_1559 : i32 to vector<16xi32>
        %parallel_loop3A_1561 = arith.shrsi %parallel_loop3A_1557, %parallel_loop3A_1560 : vector<16xi32>
        %parallel_loop3A_1562 = arith.constant 7 : i32
        %parallel_loop3A_1563 = vector.broadcast %parallel_loop3A_1562 : i32 to vector<16xi32>
        %parallel_loop3A_1564 = arith.andi %parallel_loop3A_1557, %parallel_loop3A_1563 : vector<16xi32>
        tpu.vector_store_idx %arg18[%parallel_loop3A_1561, %parallel_loop3A_1564, %add3A_26], %parallel_loop3A_1558 : memref<16x8x128xf32, #tpu.memory_space<vmem>>[vector<16xi32>, vector<16xi32>, vector<16xi32>], vector<16xf32>,
      } {sc.loop_unroll_factor = 4 : i64, sc.parallel_access}
      %mul3A_1007 = arith.constant 100 : i32
      %mul3A_1008 = arith.muli %add3A, %mul3A_1007 : i32
      %add3A_1009 = arith.addi %mul3A_1008, %mul3A_747 : i32
      %jit3A_1010 = arith.constant 64 : i32
      %div3A_1011 = arith.divsi %add3A_1009, %jit3A_1010 : i32
      %sign3A_1012 = arith.constant 0 : i32
      %sign3A_1013 = arith.cmpi sgt, %add3A_1009, %sign3A_1012 : i32
      %sign3A_1014 = arith.extui %sign3A_1013 : i1 to i32
      %sign3A_1015 = arith.constant 0 : i32
      %sign3A_1016 = arith.cmpi slt, %add3A_1009, %sign3A_1015 : i32
      %sign3A_1017 = arith.extui %sign3A_1016 : i1 to i32
      %sign3A_1018 = arith.subi %sign3A_1014, %sign3A_1017 : i32
      %sign3A_1019 = arith.constant 0 : i32
      %sign3A_1020 = arith.cmpi sgt, %jit3A_1010, %sign3A_1019 : i32
      %sign3A_1021 = arith.extui %sign3A_1020 : i1 to i32
      %sign3A_1022 = arith.constant 0 : i32
      %sign3A_1023 = arith.cmpi slt, %jit3A_1010, %sign3A_1022 : i32
      %sign3A_1024 = arith.extui %sign3A_1023 : i1 to i32
      %sign3A_1025 = arith.subi %sign3A_1021, %sign3A_1024 : i32
      %ne3A_1026 = arith.cmpi ne, %sign3A_1018, %sign3A_1025 : i32
      %rem3A_1027 = arith.remsi %add3A_1009, %jit3A_1010 : i32
      %ne3A_1028 = arith.constant 0 : i32
      %ne3A_1029 = arith.cmpi ne, %rem3A_1027, %ne3A_1028 : i32
      %and3A_1030 = arith.andi %ne3A_1026, %ne3A_1029 : i1
      %sub3A_1031 = arith.constant 1 : i32
      %sub3A_1032 = arith.subi %div3A_1011, %sub3A_1031 : i32
      %select_n3A_1033 = arith.select %and3A_1030, %sub3A_1032, %div3A_1011 : i32
      %jit3A_1034 = arith.constant 8 : i32
      %div3A_1035 = arith.divsi %add3A_1009, %jit3A_1034 : i32
      %sign3A_1036 = arith.constant 0 : i32
      %sign3A_1037 = arith.cmpi sgt, %add3A_1009, %sign3A_1036 : i32
      %sign3A_1038 = arith.extui %sign3A_1037 : i1 to i32
      %sign3A_1039 = arith.constant 0 : i32
      %sign3A_1040 = arith.cmpi slt, %add3A_1009, %sign3A_1039 : i32
      %sign3A_1041 = arith.extui %sign3A_1040 : i1 to i32
      %sign3A_1042 = arith.subi %sign3A_1038, %sign3A_1041 : i32
      %sign3A_1043 = arith.constant 0 : i32
      %sign3A_1044 = arith.cmpi sgt, %jit3A_1034, %sign3A_1043 : i32
      %sign3A_1045 = arith.extui %sign3A_1044 : i1 to i32
      %sign3A_1046 = arith.constant 0 : i32
      %sign3A_1047 = arith.cmpi slt, %jit3A_1034, %sign3A_1046 : i32
      %sign3A_1048 = arith.extui %sign3A_1047 : i1 to i32
      %sign3A_1049 = arith.subi %sign3A_1045, %sign3A_1048 : i32
      %ne3A_1050 = arith.cmpi ne, %sign3A_1042, %sign3A_1049 : i32
      %rem3A_1051 = arith.remsi %add3A_1009, %jit3A_1034 : i32
      %ne3A_1052 = arith.constant 0 : i32
      %ne3A_1053 = arith.cmpi ne, %rem3A_1051, %ne3A_1052 : i32
      %and3A_1054 = arith.andi %ne3A_1050, %ne3A_1053 : i1
      %sub3A_1055 = arith.constant 1 : i32
      %sub3A_1056 = arith.subi %div3A_1035, %sub3A_1055 : i32
      %select_n3A_1057 = arith.select %and3A_1054, %sub3A_1056, %div3A_1035 : i32
      %jit3A_1058 = arith.constant 8 : i32
      %eq3A_1059 = arith.constant 0 : i32
      %eq3A_1060 = arith.cmpi eq, %jit3A_1058, %eq3A_1059 : i32
      %jit3A_1061 = arith.constant 1 : i32
      %select_n3A_1062 = arith.select %eq3A_1060, %jit3A_1061, %jit3A_1058 : i32
      %rem3A_1063 = arith.remsi %select_n3A_1057, %select_n3A_1062 : i32
      %ne3A_1064 = arith.constant 0 : i32
      %ne3A_1065 = arith.cmpi ne, %rem3A_1063, %ne3A_1064 : i32
      %lt3A_1066 = arith.constant 0 : i32
      %lt3A_1067 = arith.cmpi slt, %rem3A_1063, %lt3A_1066 : i32
      %lt3A_1068 = arith.constant 0 : i32
      %lt3A_1069 = arith.cmpi slt, %select_n3A_1062, %lt3A_1068 : i32
      %ne3A_1070 = arith.xori %lt3A_1067, %lt3A_1069 : i1
      %and3A_1071 = arith.andi %ne3A_1070, %ne3A_1065 : i1
      %add3A_1072 = arith.addi %rem3A_1063, %select_n3A_1062 : i32
      %select_n3A_1073 = arith.select %and3A_1071, %add3A_1072, %rem3A_1063 : i32
      %jit3A_1074 = arith.constant 8 : i32
      %eq3A_1075 = arith.constant 0 : i32
      %eq3A_1076 = arith.cmpi eq, %jit3A_1074, %eq3A_1075 : i32
      %jit3A_1077 = arith.constant 1 : i32
      %select_n3A_1078 = arith.select %eq3A_1076, %jit3A_1077, %jit3A_1074 : i32
      %rem3A_1079 = arith.remsi %add3A_1009, %select_n3A_1078 : i32
      %ne3A_1080 = arith.constant 0 : i32
      %ne3A_1081 = arith.cmpi ne, %rem3A_1079, %ne3A_1080 : i32
      %lt3A_1082 = arith.constant 0 : i32
      %lt3A_1083 = arith.cmpi slt, %rem3A_1079, %lt3A_1082 : i32
      %lt3A_1084 = arith.constant 0 : i32
      %lt3A_1085 = arith.cmpi slt, %select_n3A_1078, %lt3A_1084 : i32
      %ne3A_1086 = arith.xori %lt3A_1083, %lt3A_1085 : i1
      %and3A_1087 = arith.andi %ne3A_1086, %ne3A_1081 : i1
      %add3A_1088 = arith.addi %rem3A_1079, %select_n3A_1078 : i32
      %select_n3A_1089 = arith.select %and3A_1087, %add3A_1088, %rem3A_1079 : i32
      %mul3A_1090 = arith.constant 16 : i32
      %mul3A_1091 = arith.muli %select_n3A_1089, %mul3A_1090 : i32
      %mul3A_1092 = arith.constant 16 : i32
      %mul3A_1093 = arith.muli %select_n3A_1089, %mul3A_1092 : i32
      %lt3A_1094 = arith.constant 7 : i32
      %lt3A_1095 = arith.cmpi slt, %select_n3A_1089, %lt3A_1094 : i32
      %convert_element_type3A_1096 = arith.extui %lt3A_1095 : i1 to i32
      %cond3A_1097 = arith.constant 0 : i32
      %cond3A_1098 = arith.cmpi ne, %convert_element_type3A_1096, %cond3A_1097 : i32
      scf.if %cond3A_1098 {
        %dma_start3A_1468 = arith.constant 0 : i32
        %dma_start3A_1469 = arith.constant 0 : i32
        %dma_start3A_1470 = tpu.memref_slice %arg7[%select_n3A_1033, %mul3A_1091, %select_n3A_1073, %dma_start3A_1468, %dma_start3A_1469] : memref<50x125x8x8x128xf32, #tpu.memory_space<hbm>> -> memref<1x16x1x8x128xf32, #tpu.memory_space<hbm>>
        %dma_start3A_1471 = tpu.memref_squeeze %dma_start3A_1470 : memref<1x16x1x8x128xf32, #tpu.memory_space<hbm>> -> memref<16x8x128xf32, #tpu.memory_space<hbm>>
        %dma_start3A_1472 = arith.constant 0 : i32
        %dma_start3A_1473 = arith.constant 0 : i32
        %dma_start3A_1474 = tpu.memref_slice %arg7[%select_n3A_1033, %mul3A_1091, %select_n3A_1073, %dma_start3A_1472, %dma_start3A_1473] : memref<50x125x8x8x128xf32, #tpu.memory_space<hbm>> -> memref<1x16x1x8x128xf32, #tpu.memory_space<hbm>>
        %dma_start3A_1475 = tpu.memref_squeeze %dma_start3A_1474 : memref<1x16x1x8x128xf32, #tpu.memory_space<hbm>> -> memref<16x8x128xf32, #tpu.memory_space<hbm>>
        tpu.enqueue_dma source(%arg18 : memref<16x8x128xf32, #tpu.memory_space<vmem>>) target(%dma_start3A_1475 : memref<16x8x128xf32, #tpu.memory_space<hbm>>) target_semaphore(%arg24 : memref<!tpu.dma_semaphore, #tpu.memory_space<semaphore_mem>>)
      } else {
      }
      %eq3A_1099 = arith.constant 7 : i32
      %eq3A_1100 = arith.cmpi eq, %select_n3A_1089, %eq3A_1099 : i32
      %convert_element_type3A_1101 = arith.extui %eq3A_1100 : i1 to i32
      %cond3A_1102 = arith.constant 0 : i32
      %cond3A_1103 = arith.cmpi ne, %convert_element_type3A_1101, %cond3A_1102 : i32
      scf.if %cond3A_1103 {
        %dma_start3A_1468 = arith.constant 0 : i32
        %dma_start3A_1469 = arith.constant 0 : i32
        %dma_start3A_1470 = arith.constant 0 : i32
        %dma_start3A_1471 = tpu.memref_slice %arg18[%dma_start3A_1468, %dma_start3A_1469, %dma_start3A_1470] : memref<16x8x128xf32, #tpu.memory_space<vmem>> -> memref<13x8x128xf32, #tpu.memory_space<vmem>>
        %dma_start3A_1472 = arith.constant 0 : i32
        %dma_start3A_1473 = arith.constant 0 : i32
        %dma_start3A_1474 = tpu.memref_slice %arg7[%select_n3A_1033, %mul3A_1093, %select_n3A_1073, %dma_start3A_1472, %dma_start3A_1473] : memref<50x125x8x8x128xf32, #tpu.memory_space<hbm>> -> memref<1x13x1x8x128xf32, #tpu.memory_space<hbm>>
        %dma_start3A_1475 = tpu.memref_squeeze %dma_start3A_1474 : memref<1x13x1x8x128xf32, #tpu.memory_space<hbm>> -> memref<13x8x128xf32, #tpu.memory_space<hbm>>
        %dma_start3A_1476 = arith.constant 0 : i32
        %dma_start3A_1477 = arith.constant 0 : i32
        %dma_start3A_1478 = tpu.memref_slice %arg7[%select_n3A_1033, %mul3A_1093, %select_n3A_1073, %dma_start3A_1476, %dma_start3A_1477] : memref<50x125x8x8x128xf32, #tpu.memory_space<hbm>> -> memref<1x13x1x8x128xf32, #tpu.memory_space<hbm>>
        %dma_start3A_1479 = tpu.memref_squeeze %dma_start3A_1478 : memref<1x13x1x8x128xf32, #tpu.memory_space<hbm>> -> memref<13x8x128xf32, #tpu.memory_space<hbm>>
        %dma_start3A_1480 = arith.constant 0 : i32
        %dma_start3A_1481 = arith.constant 0 : i32
        %dma_start3A_1482 = arith.constant 0 : i32
        %dma_start3A_1483 = tpu.memref_slice %arg18[%dma_start3A_1480, %dma_start3A_1481, %dma_start3A_1482] : memref<16x8x128xf32, #tpu.memory_space<vmem>> -> memref<13x8x128xf32, #tpu.memory_space<vmem>>
        tpu.enqueue_dma source(%dma_start3A_1483 : memref<13x8x128xf32, #tpu.memory_space<vmem>>) target(%dma_start3A_1479 : memref<13x8x128xf32, #tpu.memory_space<hbm>>) target_semaphore(%arg24 : memref<!tpu.dma_semaphore, #tpu.memory_space<semaphore_mem>>)
      } else {
      }
      %mul3A_1104 = arith.constant 2 : i32
      %mul3A_1105 = arith.muli %mul3A_1104, %scan3A_744 : i32
      %add3A_1106 = arith.constant 1 : i32
      %add3A_1107 = arith.addi %mul3A_1105, %add3A_1106 : i32
      %mul3A_1108 = arith.constant 100 : i32
      %mul3A_1109 = arith.muli %add3A, %mul3A_1108 : i32
      %add3A_1110 = arith.addi %mul3A_1109, %add3A_1107 : i32
      %jit3A_1111 = arith.constant 64 : i32
      %div3A_1112 = arith.divsi %add3A_1110, %jit3A_1111 : i32
      %sign3A_1113 = arith.constant 0 : i32
      %sign3A_1114 = arith.cmpi sgt, %add3A_1110, %sign3A_1113 : i32
      %sign3A_1115 = arith.extui %sign3A_1114 : i1 to i32
      %sign3A_1116 = arith.constant 0 : i32
      %sign3A_1117 = arith.cmpi slt, %add3A_1110, %sign3A_1116 : i32
      %sign3A_1118 = arith.extui %sign3A_1117 : i1 to i32
      %sign3A_1119 = arith.subi %sign3A_1115, %sign3A_1118 : i32
      %sign3A_1120 = arith.constant 0 : i32
      %sign3A_1121 = arith.cmpi sgt, %jit3A_1111, %sign3A_1120 : i32
      %sign3A_1122 = arith.extui %sign3A_1121 : i1 to i32
      %sign3A_1123 = arith.constant 0 : i32
      %sign3A_1124 = arith.cmpi slt, %jit3A_1111, %sign3A_1123 : i32
      %sign3A_1125 = arith.extui %sign3A_1124 : i1 to i32
      %sign3A_1126 = arith.subi %sign3A_1122, %sign3A_1125 : i32
      %ne3A_1127 = arith.cmpi ne, %sign3A_1119, %sign3A_1126 : i32
      %rem3A_1128 = arith.remsi %add3A_1110, %jit3A_1111 : i32
      %ne3A_1129 = arith.constant 0 : i32
      %ne3A_1130 = arith.cmpi ne, %rem3A_1128, %ne3A_1129 : i32
      %and3A_1131 = arith.andi %ne3A_1127, %ne3A_1130 : i1
      %sub3A_1132 = arith.constant 1 : i32
      %sub3A_1133 = arith.subi %div3A_1112, %sub3A_1132 : i32
      %select_n3A_1134 = arith.select %and3A_1131, %sub3A_1133, %div3A_1112 : i32
      %jit3A_1135 = arith.constant 8 : i32
      %div3A_1136 = arith.divsi %add3A_1110, %jit3A_1135 : i32
      %sign3A_1137 = arith.constant 0 : i32
      %sign3A_1138 = arith.cmpi sgt, %add3A_1110, %sign3A_1137 : i32
      %sign3A_1139 = arith.extui %sign3A_1138 : i1 to i32
      %sign3A_1140 = arith.constant 0 : i32
      %sign3A_1141 = arith.cmpi slt, %add3A_1110, %sign3A_1140 : i32
      %sign3A_1142 = arith.extui %sign3A_1141 : i1 to i32
      %sign3A_1143 = arith.subi %sign3A_1139, %sign3A_1142 : i32
      %sign3A_1144 = arith.constant 0 : i32
      %sign3A_1145 = arith.cmpi sgt, %jit3A_1135, %sign3A_1144 : i32
      %sign3A_1146 = arith.extui %sign3A_1145 : i1 to i32
      %sign3A_1147 = arith.constant 0 : i32
      %sign3A_1148 = arith.cmpi slt, %jit3A_1135, %sign3A_1147 : i32
      %sign3A_1149 = arith.extui %sign3A_1148 : i1 to i32
      %sign3A_1150 = arith.subi %sign3A_1146, %sign3A_1149 : i32
      %ne3A_1151 = arith.cmpi ne, %sign3A_1143, %sign3A_1150 : i32
      %rem3A_1152 = arith.remsi %add3A_1110, %jit3A_1135 : i32
      %ne3A_1153 = arith.constant 0 : i32
      %ne3A_1154 = arith.cmpi ne, %rem3A_1152, %ne3A_1153 : i32
      %and3A_1155 = arith.andi %ne3A_1151, %ne3A_1154 : i1
      %sub3A_1156 = arith.constant 1 : i32
      %sub3A_1157 = arith.subi %div3A_1136, %sub3A_1156 : i32
      %select_n3A_1158 = arith.select %and3A_1155, %sub3A_1157, %div3A_1136 : i32
      %jit3A_1159 = arith.constant 8 : i32
      %eq3A_1160 = arith.constant 0 : i32
      %eq3A_1161 = arith.cmpi eq, %jit3A_1159, %eq3A_1160 : i32
      %jit3A_1162 = arith.constant 1 : i32
      %select_n3A_1163 = arith.select %eq3A_1161, %jit3A_1162, %jit3A_1159 : i32
      %rem3A_1164 = arith.remsi %select_n3A_1158, %select_n3A_1163 : i32
      %ne3A_1165 = arith.constant 0 : i32
      %ne3A_1166 = arith.cmpi ne, %rem3A_1164, %ne3A_1165 : i32
      %lt3A_1167 = arith.constant 0 : i32
      %lt3A_1168 = arith.cmpi slt, %rem3A_1164, %lt3A_1167 : i32
      %lt3A_1169 = arith.constant 0 : i32
      %lt3A_1170 = arith.cmpi slt, %select_n3A_1163, %lt3A_1169 : i32
      %ne3A_1171 = arith.xori %lt3A_1168, %lt3A_1170 : i1
      %and3A_1172 = arith.andi %ne3A_1171, %ne3A_1166 : i1
      %add3A_1173 = arith.addi %rem3A_1164, %select_n3A_1163 : i32
      %select_n3A_1174 = arith.select %and3A_1172, %add3A_1173, %rem3A_1164 : i32
      %jit3A_1175 = arith.constant 8 : i32
      %eq3A_1176 = arith.constant 0 : i32
      %eq3A_1177 = arith.cmpi eq, %jit3A_1175, %eq3A_1176 : i32
      %jit3A_1178 = arith.constant 1 : i32
      %select_n3A_1179 = arith.select %eq3A_1177, %jit3A_1178, %jit3A_1175 : i32
      %rem3A_1180 = arith.remsi %add3A_1110, %select_n3A_1179 : i32
      %ne3A_1181 = arith.constant 0 : i32
      %ne3A_1182 = arith.cmpi ne, %rem3A_1180, %ne3A_1181 : i32
      %lt3A_1183 = arith.constant 0 : i32
      %lt3A_1184 = arith.cmpi slt, %rem3A_1180, %lt3A_1183 : i32
      %lt3A_1185 = arith.constant 0 : i32
      %lt3A_1186 = arith.cmpi slt, %select_n3A_1179, %lt3A_1185 : i32
      %ne3A_1187 = arith.xori %lt3A_1184, %lt3A_1186 : i1
      %and3A_1188 = arith.andi %ne3A_1187, %ne3A_1182 : i1
      %add3A_1189 = arith.addi %rem3A_1180, %select_n3A_1179 : i32
      %select_n3A_1190 = arith.select %and3A_1188, %add3A_1189, %rem3A_1180 : i32
      %lt3A_1191 = arith.constant 7 : i32
      %lt3A_1192 = arith.cmpi slt, %select_n3A_1190, %lt3A_1191 : i32
      %convert_element_type3A_1193 = arith.extui %lt3A_1192 : i1 to i32
      %cond3A_1194 = arith.constant 0 : i32
      %cond3A_1195 = arith.cmpi ne, %convert_element_type3A_1193, %cond3A_1194 : i32
      scf.if %cond3A_1195 {
        %dma_wait3A_1468 = arith.constant 0 : i32
        %dma_wait3A_1469 = arith.constant 0 : i32
        %dma_wait3A_1470 = tpu.memref_slice %arg21[%dma_wait3A_1468, %dma_wait3A_1469] : memref<7000x128xf32, #tpu.memory_space<vmem_shared>> -> memref<7000x128xf32, #tpu.memory_space<vmem_shared>>
        tpu.wait_indirect_dma semaphore(%arg23 : memref<!tpu.dma_semaphore, #tpu.memory_space<semaphore_mem>>) src(%dma_wait3A_1470 : memref<7000x128xf32, #tpu.memory_space<vmem_shared>>) dst(%arg17 : memref<128x128xf32, #tpu.memory_space<vmem>>)
      } else {
      }
      %eq3A_1196 = arith.constant 7 : i32
      %eq3A_1197 = arith.cmpi eq, %select_n3A_1190, %eq3A_1196 : i32
      %convert_element_type3A_1198 = arith.extui %eq3A_1197 : i1 to i32
      %cond3A_1199 = arith.constant 0 : i32
      %cond3A_1200 = arith.cmpi ne, %convert_element_type3A_1198, %cond3A_1199 : i32
      scf.if %cond3A_1200 {
        %dma_wait3A_1468 = arith.constant 0 : i32
        %dma_wait3A_1469 = arith.constant 0 : i32
        %dma_wait3A_1470 = tpu.memref_slice %arg2[%dma_wait3A_1468, %dma_wait3A_1469] : memref<8000x128xf32, #tpu.memory_space<hbm>> -> memref<8000x128xf32, #tpu.memory_space<hbm>>
        tpu.wait_indirect_dma semaphore(%arg23 : memref<!tpu.dma_semaphore, #tpu.memory_space<semaphore_mem>>) src(%dma_wait3A_1470 : memref<8000x128xf32, #tpu.memory_space<hbm>>) dst(%arg17 : memref<128x128xf32, #tpu.memory_space<vmem>>)
      } else {
      }
      %get3A_1201 = arith.constant 0 : index
      %get3A_1202 = tpu.vector_load %arg10[%get3A_1201] {strides = array<i32>} : memref<128xi32, #tpu.memory_space<vmem>>, vector<16xi32>,
      %get3A_1203 = arith.constant 0 : index
      %get3A_1204 = tpu.vector_load %arg12[%get3A_1203] {strides = array<i32>} : memref<128xi32, #tpu.memory_space<vmem>>, vector<16xi32>,
      %and3A_1205 = arith.constant 127 : i32
      %and3A_1206 = vector.broadcast %and3A_1205 : i32 to vector<16xi32>
      %and3A_1207 = arith.andi %get3A_1204, %and3A_1206 : vector<16xi32>
      %gather3A_1208 = tpu.vector_load_idx %arg17[%add3A_5, %and3A_1207] : memref<128x128xf32, #tpu.memory_space<vmem>>[vector<16xi32>, vector<16xi32>], vector<16xf32>,
      %gather3A_1209 = tpu.vector_load_idx %arg15[%get3A_1202] : memref<1024xf32, #tpu.memory_space<vmem>>[vector<16xi32>], vector<16xf32>,
      %shift_right_arithmetic3A_1210 = arith.constant 7 : i32
      %shift_right_arithmetic3A_1211 = vector.broadcast %shift_right_arithmetic3A_1210 : i32 to vector<16xi32>
      %shift_right_arithmetic3A_1212 = arith.shrsi %get3A_1204, %shift_right_arithmetic3A_1211 : vector<16xi32>
      %eq3A_1213 = vector.broadcast %select_n3A_1190 : i32 to vector<16xi32>
      %eq3A_1214 = arith.cmpi eq, %shift_right_arithmetic3A_1212, %eq3A_1213 : vector<16xi32>
      %sub3A_1215 = arith.subf %gather3A_1209, %gather3A_1208 : vector<16xf32>
      %jit3A_1216 = arith.constant 0.000000e+00 : f32
      %broadcast_in_dim3A_1217 = vector.broadcast %jit3A_1216 : f32 to vector<16xf32>
      %select_n3A_1218 = arith.select %eq3A_1214, %sub3A_1215, %broadcast_in_dim3A_1217 : vector<16xi1>, vector<16xf32>
      %add3A_1219 = arith.addf %add3A_990, %select_n3A_1218 : vector<16xf32>
      %get3A_1220 = arith.constant 16 : index
      %get3A_1221 = tpu.vector_load %arg10[%get3A_1220] {strides = array<i32>} : memref<128xi32, #tpu.memory_space<vmem>>, vector<16xi32>,
      %get3A_1222 = arith.constant 16 : index
      %get3A_1223 = tpu.vector_load %arg12[%get3A_1222] {strides = array<i32>} : memref<128xi32, #tpu.memory_space<vmem>>, vector<16xi32>,
      %and3A_1224 = arith.constant 127 : i32
      %and3A_1225 = vector.broadcast %and3A_1224 : i32 to vector<16xi32>
      %and3A_1226 = arith.andi %get3A_1223, %and3A_1225 : vector<16xi32>
      %gather3A_1227 = tpu.vector_load_idx %arg17[%add3A_8, %and3A_1226] : memref<128x128xf32, #tpu.memory_space<vmem>>[vector<16xi32>, vector<16xi32>], vector<16xf32>,
      %gather3A_1228 = tpu.vector_load_idx %arg15[%get3A_1221] : memref<1024xf32, #tpu.memory_space<vmem>>[vector<16xi32>], vector<16xf32>,
      %shift_right_arithmetic3A_1229 = arith.constant 7 : i32
      %shift_right_arithmetic3A_1230 = vector.broadcast %shift_right_arithmetic3A_1229 : i32 to vector<16xi32>
      %shift_right_arithmetic3A_1231 = arith.shrsi %get3A_1223, %shift_right_arithmetic3A_1230 : vector<16xi32>
      %eq3A_1232 = vector.broadcast %select_n3A_1190 : i32 to vector<16xi32>
      %eq3A_1233 = arith.cmpi eq, %shift_right_arithmetic3A_1231, %eq3A_1232 : vector<16xi32>
      %sub3A_1234 = arith.subf %gather3A_1228, %gather3A_1227 : vector<16xf32>
      %jit3A_1235 = arith.constant 0.000000e+00 : f32
      %broadcast_in_dim3A_1236 = vector.broadcast %jit3A_1235 : f32 to vector<16xf32>
      %select_n3A_1237 = arith.select %eq3A_1233, %sub3A_1234, %broadcast_in_dim3A_1236 : vector<16xi1>, vector<16xf32>
      %add3A_1238 = arith.addf %add3A_1219, %select_n3A_1237 : vector<16xf32>
      %get3A_1239 = arith.constant 32 : index
      %get3A_1240 = tpu.vector_load %arg10[%get3A_1239] {strides = array<i32>} : memref<128xi32, #tpu.memory_space<vmem>>, vector<16xi32>,
      %get3A_1241 = arith.constant 32 : index
      %get3A_1242 = tpu.vector_load %arg12[%get3A_1241] {strides = array<i32>} : memref<128xi32, #tpu.memory_space<vmem>>, vector<16xi32>,
      %and3A_1243 = arith.constant 127 : i32
      %and3A_1244 = vector.broadcast %and3A_1243 : i32 to vector<16xi32>
      %and3A_1245 = arith.andi %get3A_1242, %and3A_1244 : vector<16xi32>
      %gather3A_1246 = tpu.vector_load_idx %arg17[%add3A_11, %and3A_1245] : memref<128x128xf32, #tpu.memory_space<vmem>>[vector<16xi32>, vector<16xi32>], vector<16xf32>,
      %gather3A_1247 = tpu.vector_load_idx %arg15[%get3A_1240] : memref<1024xf32, #tpu.memory_space<vmem>>[vector<16xi32>], vector<16xf32>,
      %shift_right_arithmetic3A_1248 = arith.constant 7 : i32
      %shift_right_arithmetic3A_1249 = vector.broadcast %shift_right_arithmetic3A_1248 : i32 to vector<16xi32>
      %shift_right_arithmetic3A_1250 = arith.shrsi %get3A_1242, %shift_right_arithmetic3A_1249 : vector<16xi32>
      %eq3A_1251 = vector.broadcast %select_n3A_1190 : i32 to vector<16xi32>
      %eq3A_1252 = arith.cmpi eq, %shift_right_arithmetic3A_1250, %eq3A_1251 : vector<16xi32>
      %sub3A_1253 = arith.subf %gather3A_1247, %gather3A_1246 : vector<16xf32>
      %jit3A_1254 = arith.constant 0.000000e+00 : f32
      %broadcast_in_dim3A_1255 = vector.broadcast %jit3A_1254 : f32 to vector<16xf32>
      %select_n3A_1256 = arith.select %eq3A_1252, %sub3A_1253, %broadcast_in_dim3A_1255 : vector<16xi1>, vector<16xf32>
      %add3A_1257 = arith.addf %add3A_1238, %select_n3A_1256 : vector<16xf32>
      %get3A_1258 = arith.constant 48 : index
      %get3A_1259 = tpu.vector_load %arg10[%get3A_1258] {strides = array<i32>} : memref<128xi32, #tpu.memory_space<vmem>>, vector<16xi32>,
      %get3A_1260 = arith.constant 48 : index
      %get3A_1261 = tpu.vector_load %arg12[%get3A_1260] {strides = array<i32>} : memref<128xi32, #tpu.memory_space<vmem>>, vector<16xi32>,
      %and3A_1262 = arith.constant 127 : i32
      %and3A_1263 = vector.broadcast %and3A_1262 : i32 to vector<16xi32>
      %and3A_1264 = arith.andi %get3A_1261, %and3A_1263 : vector<16xi32>
      %gather3A_1265 = tpu.vector_load_idx %arg17[%add3A_14, %and3A_1264] : memref<128x128xf32, #tpu.memory_space<vmem>>[vector<16xi32>, vector<16xi32>], vector<16xf32>,
      %gather3A_1266 = tpu.vector_load_idx %arg15[%get3A_1259] : memref<1024xf32, #tpu.memory_space<vmem>>[vector<16xi32>], vector<16xf32>,
      %shift_right_arithmetic3A_1267 = arith.constant 7 : i32
      %shift_right_arithmetic3A_1268 = vector.broadcast %shift_right_arithmetic3A_1267 : i32 to vector<16xi32>
      %shift_right_arithmetic3A_1269 = arith.shrsi %get3A_1261, %shift_right_arithmetic3A_1268 : vector<16xi32>
      %eq3A_1270 = vector.broadcast %select_n3A_1190 : i32 to vector<16xi32>
      %eq3A_1271 = arith.cmpi eq, %shift_right_arithmetic3A_1269, %eq3A_1270 : vector<16xi32>
      %sub3A_1272 = arith.subf %gather3A_1266, %gather3A_1265 : vector<16xf32>
      %jit3A_1273 = arith.constant 0.000000e+00 : f32
      %broadcast_in_dim3A_1274 = vector.broadcast %jit3A_1273 : f32 to vector<16xf32>
      %select_n3A_1275 = arith.select %eq3A_1271, %sub3A_1272, %broadcast_in_dim3A_1274 : vector<16xi1>, vector<16xf32>
      %add3A_1276 = arith.addf %add3A_1257, %select_n3A_1275 : vector<16xf32>
      %get3A_1277 = arith.constant 64 : index
      %get3A_1278 = tpu.vector_load %arg10[%get3A_1277] {strides = array<i32>} : memref<128xi32, #tpu.memory_space<vmem>>, vector<16xi32>,
      %get3A_1279 = arith.constant 64 : index
      %get3A_1280 = tpu.vector_load %arg12[%get3A_1279] {strides = array<i32>} : memref<128xi32, #tpu.memory_space<vmem>>, vector<16xi32>,
      %and3A_1281 = arith.constant 127 : i32
      %and3A_1282 = vector.broadcast %and3A_1281 : i32 to vector<16xi32>
      %and3A_1283 = arith.andi %get3A_1280, %and3A_1282 : vector<16xi32>
      %gather3A_1284 = tpu.vector_load_idx %arg17[%add3A_17, %and3A_1283] : memref<128x128xf32, #tpu.memory_space<vmem>>[vector<16xi32>, vector<16xi32>], vector<16xf32>,
      %gather3A_1285 = tpu.vector_load_idx %arg15[%get3A_1278] : memref<1024xf32, #tpu.memory_space<vmem>>[vector<16xi32>], vector<16xf32>,
      %shift_right_arithmetic3A_1286 = arith.constant 7 : i32
      %shift_right_arithmetic3A_1287 = vector.broadcast %shift_right_arithmetic3A_1286 : i32 to vector<16xi32>
      %shift_right_arithmetic3A_1288 = arith.shrsi %get3A_1280, %shift_right_arithmetic3A_1287 : vector<16xi32>
      %eq3A_1289 = vector.broadcast %select_n3A_1190 : i32 to vector<16xi32>
      %eq3A_1290 = arith.cmpi eq, %shift_right_arithmetic3A_1288, %eq3A_1289 : vector<16xi32>
      %sub3A_1291 = arith.subf %gather3A_1285, %gather3A_1284 : vector<16xf32>
      %jit3A_1292 = arith.constant 0.000000e+00 : f32
      %broadcast_in_dim3A_1293 = vector.broadcast %jit3A_1292 : f32 to vector<16xf32>
      %select_n3A_1294 = arith.select %eq3A_1290, %sub3A_1291, %broadcast_in_dim3A_1293 : vector<16xi1>, vector<16xf32>
      %add3A_1295 = arith.addf %add3A_1276, %select_n3A_1294 : vector<16xf32>
      %get3A_1296 = arith.constant 80 : index
      %get3A_1297 = tpu.vector_load %arg10[%get3A_1296] {strides = array<i32>} : memref<128xi32, #tpu.memory_space<vmem>>, vector<16xi32>,
      %get3A_1298 = arith.constant 80 : index
      %get3A_1299 = tpu.vector_load %arg12[%get3A_1298] {strides = array<i32>} : memref<128xi32, #tpu.memory_space<vmem>>, vector<16xi32>,
      %and3A_1300 = arith.constant 127 : i32
      %and3A_1301 = vector.broadcast %and3A_1300 : i32 to vector<16xi32>
      %and3A_1302 = arith.andi %get3A_1299, %and3A_1301 : vector<16xi32>
      %gather3A_1303 = tpu.vector_load_idx %arg17[%add3A_20, %and3A_1302] : memref<128x128xf32, #tpu.memory_space<vmem>>[vector<16xi32>, vector<16xi32>], vector<16xf32>,
      %gather3A_1304 = tpu.vector_load_idx %arg15[%get3A_1297] : memref<1024xf32, #tpu.memory_space<vmem>>[vector<16xi32>], vector<16xf32>,
      %shift_right_arithmetic3A_1305 = arith.constant 7 : i32
      %shift_right_arithmetic3A_1306 = vector.broadcast %shift_right_arithmetic3A_1305 : i32 to vector<16xi32>
      %shift_right_arithmetic3A_1307 = arith.shrsi %get3A_1299, %shift_right_arithmetic3A_1306 : vector<16xi32>
      %eq3A_1308 = vector.broadcast %select_n3A_1190 : i32 to vector<16xi32>
      %eq3A_1309 = arith.cmpi eq, %shift_right_arithmetic3A_1307, %eq3A_1308 : vector<16xi32>
      %sub3A_1310 = arith.subf %gather3A_1304, %gather3A_1303 : vector<16xf32>
      %jit3A_1311 = arith.constant 0.000000e+00 : f32
      %broadcast_in_dim3A_1312 = vector.broadcast %jit3A_1311 : f32 to vector<16xf32>
      %select_n3A_1313 = arith.select %eq3A_1309, %sub3A_1310, %broadcast_in_dim3A_1312 : vector<16xi1>, vector<16xf32>
      %add3A_1314 = arith.addf %add3A_1295, %select_n3A_1313 : vector<16xf32>
      %get3A_1315 = arith.constant 96 : index
      %get3A_1316 = tpu.vector_load %arg10[%get3A_1315] {strides = array<i32>} : memref<128xi32, #tpu.memory_space<vmem>>, vector<16xi32>,
      %get3A_1317 = arith.constant 96 : index
      %get3A_1318 = tpu.vector_load %arg12[%get3A_1317] {strides = array<i32>} : memref<128xi32, #tpu.memory_space<vmem>>, vector<16xi32>,
      %and3A_1319 = arith.constant 127 : i32
      %and3A_1320 = vector.broadcast %and3A_1319 : i32 to vector<16xi32>
      %and3A_1321 = arith.andi %get3A_1318, %and3A_1320 : vector<16xi32>
      %gather3A_1322 = tpu.vector_load_idx %arg17[%add3A_23, %and3A_1321] : memref<128x128xf32, #tpu.memory_space<vmem>>[vector<16xi32>, vector<16xi32>], vector<16xf32>,
      %gather3A_1323 = tpu.vector_load_idx %arg15[%get3A_1316] : memref<1024xf32, #tpu.memory_space<vmem>>[vector<16xi32>], vector<16xf32>,
      %shift_right_arithmetic3A_1324 = arith.constant 7 : i32
      %shift_right_arithmetic3A_1325 = vector.broadcast %shift_right_arithmetic3A_1324 : i32 to vector<16xi32>
      %shift_right_arithmetic3A_1326 = arith.shrsi %get3A_1318, %shift_right_arithmetic3A_1325 : vector<16xi32>
      %eq3A_1327 = vector.broadcast %select_n3A_1190 : i32 to vector<16xi32>
      %eq3A_1328 = arith.cmpi eq, %shift_right_arithmetic3A_1326, %eq3A_1327 : vector<16xi32>
      %sub3A_1329 = arith.subf %gather3A_1323, %gather3A_1322 : vector<16xf32>
      %jit3A_1330 = arith.constant 0.000000e+00 : f32
      %broadcast_in_dim3A_1331 = vector.broadcast %jit3A_1330 : f32 to vector<16xf32>
      %select_n3A_1332 = arith.select %eq3A_1328, %sub3A_1329, %broadcast_in_dim3A_1331 : vector<16xi1>, vector<16xf32>
      %add3A_1333 = arith.addf %add3A_1314, %select_n3A_1332 : vector<16xf32>
      %get3A_1334 = arith.constant 112 : index
      %get3A_1335 = tpu.vector_load %arg10[%get3A_1334] {strides = array<i32>} : memref<128xi32, #tpu.memory_space<vmem>>, vector<16xi32>,
      %get3A_1336 = arith.constant 112 : index
      %get3A_1337 = tpu.vector_load %arg12[%get3A_1336] {strides = array<i32>} : memref<128xi32, #tpu.memory_space<vmem>>, vector<16xi32>,
      %and3A_1338 = arith.constant 127 : i32
      %and3A_1339 = vector.broadcast %and3A_1338 : i32 to vector<16xi32>
      %and3A_1340 = arith.andi %get3A_1337, %and3A_1339 : vector<16xi32>
      %gather3A_1341 = tpu.vector_load_idx %arg17[%add3A_26, %and3A_1340] : memref<128x128xf32, #tpu.memory_space<vmem>>[vector<16xi32>, vector<16xi32>], vector<16xf32>,
      %gather3A_1342 = tpu.vector_load_idx %arg15[%get3A_1335] : memref<1024xf32, #tpu.memory_space<vmem>>[vector<16xi32>], vector<16xf32>,
      %shift_right_arithmetic3A_1343 = arith.constant 7 : i32
      %shift_right_arithmetic3A_1344 = vector.broadcast %shift_right_arithmetic3A_1343 : i32 to vector<16xi32>
      %shift_right_arithmetic3A_1345 = arith.shrsi %get3A_1337, %shift_right_arithmetic3A_1344 : vector<16xi32>
      %eq3A_1346 = vector.broadcast %select_n3A_1190 : i32 to vector<16xi32>
      %eq3A_1347 = arith.cmpi eq, %shift_right_arithmetic3A_1345, %eq3A_1346 : vector<16xi32>
      %sub3A_1348 = arith.subf %gather3A_1342, %gather3A_1341 : vector<16xf32>
      %jit3A_1349 = arith.constant 0.000000e+00 : f32
      %broadcast_in_dim3A_1350 = vector.broadcast %jit3A_1349 : f32 to vector<16xf32>
      %select_n3A_1351 = arith.select %eq3A_1347, %sub3A_1348, %broadcast_in_dim3A_1350 : vector<16xi1>, vector<16xf32>
      %add3A_1352 = arith.addf %add3A_1333, %select_n3A_1351 : vector<16xf32>
      %lt3A_1353 = arith.constant 99 : i32
      %lt3A_1354 = arith.cmpi slt, %add3A_1107, %lt3A_1353 : i32
      %convert_element_type3A_1355 = arith.extui %lt3A_1354 : i1 to i32
      %cond3A_1356 = arith.constant 0 : i32
      %cond3A_1357 = arith.cmpi ne, %convert_element_type3A_1355, %cond3A_1356 : i32
      scf.if %cond3A_1357 {
        %add3A_1468 = arith.constant 1 : i32
        %add3A_1469 = arith.addi %add3A_1107, %add3A_1468 : i32
        %mul3A_1470 = arith.constant 100 : i32
        %mul3A_1471 = arith.muli %add3A, %mul3A_1470 : i32
        %add3A_1472 = arith.addi %mul3A_1471, %add3A_1469 : i32
        %jit3A_1473 = arith.constant 64 : i32
        %div3A_1474 = arith.divsi %add3A_1472, %jit3A_1473 : i32
        %sign3A_1475 = arith.constant 0 : i32
        %sign3A_1476 = arith.cmpi sgt, %add3A_1472, %sign3A_1475 : i32
        %sign3A_1477 = arith.extui %sign3A_1476 : i1 to i32
        %sign3A_1478 = arith.constant 0 : i32
        %sign3A_1479 = arith.cmpi slt, %add3A_1472, %sign3A_1478 : i32
        %sign3A_1480 = arith.extui %sign3A_1479 : i1 to i32
        %sign3A_1481 = arith.subi %sign3A_1477, %sign3A_1480 : i32
        %sign3A_1482 = arith.constant 0 : i32
        %sign3A_1483 = arith.cmpi sgt, %jit3A_1473, %sign3A_1482 : i32
        %sign3A_1484 = arith.extui %sign3A_1483 : i1 to i32
        %sign3A_1485 = arith.constant 0 : i32
        %sign3A_1486 = arith.cmpi slt, %jit3A_1473, %sign3A_1485 : i32
        %sign3A_1487 = arith.extui %sign3A_1486 : i1 to i32
        %sign3A_1488 = arith.subi %sign3A_1484, %sign3A_1487 : i32
        %ne3A_1489 = arith.cmpi ne, %sign3A_1481, %sign3A_1488 : i32
        %rem3A_1490 = arith.remsi %add3A_1472, %jit3A_1473 : i32
        %ne3A_1491 = arith.constant 0 : i32
        %ne3A_1492 = arith.cmpi ne, %rem3A_1490, %ne3A_1491 : i32
        %and3A_1493 = arith.andi %ne3A_1489, %ne3A_1492 : i1
        %sub3A_1494 = arith.constant 1 : i32
        %sub3A_1495 = arith.subi %div3A_1474, %sub3A_1494 : i32
        %select_n3A_1496 = arith.select %and3A_1493, %sub3A_1495, %div3A_1474 : i32
        %jit3A_1497 = arith.constant 8 : i32
        %div3A_1498 = arith.divsi %add3A_1472, %jit3A_1497 : i32
        %sign3A_1499 = arith.constant 0 : i32
        %sign3A_1500 = arith.cmpi sgt, %add3A_1472, %sign3A_1499 : i32
        %sign3A_1501 = arith.extui %sign3A_1500 : i1 to i32
        %sign3A_1502 = arith.constant 0 : i32
        %sign3A_1503 = arith.cmpi slt, %add3A_1472, %sign3A_1502 : i32
        %sign3A_1504 = arith.extui %sign3A_1503 : i1 to i32
        %sign3A_1505 = arith.subi %sign3A_1501, %sign3A_1504 : i32
        %sign3A_1506 = arith.constant 0 : i32
        %sign3A_1507 = arith.cmpi sgt, %jit3A_1497, %sign3A_1506 : i32
        %sign3A_1508 = arith.extui %sign3A_1507 : i1 to i32
        %sign3A_1509 = arith.constant 0 : i32
        %sign3A_1510 = arith.cmpi slt, %jit3A_1497, %sign3A_1509 : i32
        %sign3A_1511 = arith.extui %sign3A_1510 : i1 to i32
        %sign3A_1512 = arith.subi %sign3A_1508, %sign3A_1511 : i32
        %ne3A_1513 = arith.cmpi ne, %sign3A_1505, %sign3A_1512 : i32
        %rem3A_1514 = arith.remsi %add3A_1472, %jit3A_1497 : i32
        %ne3A_1515 = arith.constant 0 : i32
        %ne3A_1516 = arith.cmpi ne, %rem3A_1514, %ne3A_1515 : i32
        %and3A_1517 = arith.andi %ne3A_1513, %ne3A_1516 : i1
        %sub3A_1518 = arith.constant 1 : i32
        %sub3A_1519 = arith.subi %div3A_1498, %sub3A_1518 : i32
        %select_n3A_1520 = arith.select %and3A_1517, %sub3A_1519, %div3A_1498 : i32
        %jit3A_1521 = arith.constant 8 : i32
        %eq3A_1522 = arith.constant 0 : i32
        %eq3A_1523 = arith.cmpi eq, %jit3A_1521, %eq3A_1522 : i32
        %jit3A_1524 = arith.constant 1 : i32
        %select_n3A_1525 = arith.select %eq3A_1523, %jit3A_1524, %jit3A_1521 : i32
        %rem3A_1526 = arith.remsi %select_n3A_1520, %select_n3A_1525 : i32
        %ne3A_1527 = arith.constant 0 : i32
        %ne3A_1528 = arith.cmpi ne, %rem3A_1526, %ne3A_1527 : i32
        %lt3A_1529 = arith.constant 0 : i32
        %lt3A_1530 = arith.cmpi slt, %rem3A_1526, %lt3A_1529 : i32
        %lt3A_1531 = arith.constant 0 : i32
        %lt3A_1532 = arith.cmpi slt, %select_n3A_1525, %lt3A_1531 : i32
        %ne3A_1533 = arith.xori %lt3A_1530, %lt3A_1532 : i1
        %and3A_1534 = arith.andi %ne3A_1533, %ne3A_1528 : i1
        %add3A_1535 = arith.addi %rem3A_1526, %select_n3A_1525 : i32
        %select_n3A_1536 = arith.select %and3A_1534, %add3A_1535, %rem3A_1526 : i32
        %jit3A_1537 = arith.constant 8 : i32
        %eq3A_1538 = arith.constant 0 : i32
        %eq3A_1539 = arith.cmpi eq, %jit3A_1537, %eq3A_1538 : i32
        %jit3A_1540 = arith.constant 1 : i32
        %select_n3A_1541 = arith.select %eq3A_1539, %jit3A_1540, %jit3A_1537 : i32
        %rem3A_1542 = arith.remsi %add3A_1472, %select_n3A_1541 : i32
        %ne3A_1543 = arith.constant 0 : i32
        %ne3A_1544 = arith.cmpi ne, %rem3A_1542, %ne3A_1543 : i32
        %lt3A_1545 = arith.constant 0 : i32
        %lt3A_1546 = arith.cmpi slt, %rem3A_1542, %lt3A_1545 : i32
        %lt3A_1547 = arith.constant 0 : i32
        %lt3A_1548 = arith.cmpi slt, %select_n3A_1541, %lt3A_1547 : i32
        %ne3A_1549 = arith.xori %lt3A_1546, %lt3A_1548 : i1
        %and3A_1550 = arith.andi %ne3A_1549, %ne3A_1544 : i1
        %add3A_1551 = arith.addi %rem3A_1542, %select_n3A_1541 : i32
        %select_n3A_1552 = arith.select %and3A_1550, %add3A_1551, %rem3A_1542 : i32
        %mul3A_1553 = arith.constant 128 : i32
        %mul3A_1554 = arith.muli %select_n3A_1536, %mul3A_1553 : i32
        %mul3A_1555 = arith.constant 128 : i32
        %mul3A_1556 = arith.muli %select_n3A_1536, %mul3A_1555 : i32
        %dma_wait3A_1557 = tpu.memref_slice %arg4[%select_n3A_1496, %mul3A_1554] : memref<50x1024xi32, #tpu.memory_space<hbm>> -> memref<1x128xi32, #tpu.memory_space<hbm>>
        %dma_wait3A_1558 = tpu.memref_squeeze %dma_wait3A_1557 : memref<1x128xi32, #tpu.memory_space<hbm>> -> memref<128xi32, #tpu.memory_space<hbm>>
        %dma_wait3A_1559 = tpu.memref_slice %arg4[%select_n3A_1496, %mul3A_1554] : memref<50x1024xi32, #tpu.memory_space<hbm>> -> memref<1x128xi32, #tpu.memory_space<hbm>>
        %dma_wait3A_1560 = tpu.memref_squeeze %dma_wait3A_1559 : memref<1x128xi32, #tpu.memory_space<hbm>> -> memref<128xi32, #tpu.memory_space<hbm>>
        tpu.wait_dma2 semaphore(%arg26 : memref<!tpu.dma_semaphore, #tpu.memory_space<semaphore_mem>>) src(%dma_wait3A_1560 : memref<128xi32, #tpu.memory_space<hbm>>) dst(%arg9 : memref<128xi32, #tpu.memory_space<vmem>>)
        %dma_wait3A_1561 = tpu.memref_slice %arg5[%select_n3A_1496, %mul3A_1556] : memref<50x1024xi32, #tpu.memory_space<hbm>> -> memref<1x128xi32, #tpu.memory_space<hbm>>
        %dma_wait3A_1562 = tpu.memref_squeeze %dma_wait3A_1561 : memref<1x128xi32, #tpu.memory_space<hbm>> -> memref<128xi32, #tpu.memory_space<hbm>>
        %dma_wait3A_1563 = tpu.memref_slice %arg5[%select_n3A_1496, %mul3A_1556] : memref<50x1024xi32, #tpu.memory_space<hbm>> -> memref<1x128xi32, #tpu.memory_space<hbm>>
        %dma_wait3A_1564 = tpu.memref_squeeze %dma_wait3A_1563 : memref<1x128xi32, #tpu.memory_space<hbm>> -> memref<128xi32, #tpu.memory_space<hbm>>
        tpu.wait_dma2 semaphore(%arg28 : memref<!tpu.dma_semaphore, #tpu.memory_space<semaphore_mem>>) src(%dma_wait3A_1564 : memref<128xi32, #tpu.memory_space<hbm>>) dst(%arg11 : memref<128xi32, #tpu.memory_space<vmem>>)
        %add3A_1565 = arith.constant 1 : i32
        %add3A_1566 = arith.addi %select_n3A_1190, %add3A_1565 : i32
        %jit3A_1567 = arith.constant 8 : i32
        %eq3A_1568 = arith.constant 0 : i32
        %eq3A_1569 = arith.cmpi eq, %jit3A_1567, %eq3A_1568 : i32
        %jit3A_1570 = arith.constant 1 : i32
        %select_n3A_1571 = arith.select %eq3A_1569, %jit3A_1570, %jit3A_1567 : i32
        %rem3A_1572 = arith.remsi %add3A_1566, %select_n3A_1571 : i32
        %ne3A_1573 = arith.constant 0 : i32
        %ne3A_1574 = arith.cmpi ne, %rem3A_1572, %ne3A_1573 : i32
        %lt3A_1575 = arith.constant 0 : i32
        %lt3A_1576 = arith.cmpi slt, %rem3A_1572, %lt3A_1575 : i32
        %lt3A_1577 = arith.constant 0 : i32
        %lt3A_1578 = arith.cmpi slt, %select_n3A_1571, %lt3A_1577 : i32
        %ne3A_1579 = arith.xori %lt3A_1576, %lt3A_1578 : i1
        %and3A_1580 = arith.andi %ne3A_1579, %ne3A_1574 : i1
        %add3A_1581 = arith.addi %rem3A_1572, %select_n3A_1571 : i32
        %select_n3A_1582 = arith.select %and3A_1580, %add3A_1581, %rem3A_1572 : i32
        %get3A_1583 = arith.constant 0 : index
        %get3A_1584 = tpu.vector_load %arg9[%get3A_1583] {strides = array<i32>} : memref<128xi32, #tpu.memory_space<vmem>>, vector<16xi32>,
        %lt3A_1585 = arith.constant 7 : i32
        %lt3A_1586 = arith.cmpi slt, %select_n3A_1582, %lt3A_1585 : i32
        %mul3A_1587 = arith.constant 7 : i32
        %mul3A_1588 = vector.broadcast %mul3A_1587 : i32 to vector<16xi32>
        %mul3A_1589 = arith.muli %get3A_1584, %mul3A_1588 : vector<16xi32>
        %add3A_1590 = vector.broadcast %select_n3A_1582 : i32 to vector<16xi32>
        %add3A_1591 = arith.addi %mul3A_1589, %add3A_1590 : vector<16xi32>
        %mul3A_1592 = arith.constant 8 : i32
        %mul3A_1593 = vector.broadcast %mul3A_1592 : i32 to vector<16xi32>
        %mul3A_1594 = arith.muli %get3A_1584, %mul3A_1593 : vector<16xi32>
        %add3A_1595 = arith.constant 7 : i32
        %add3A_1596 = vector.broadcast %add3A_1595 : i32 to vector<16xi32>
        %add3A_1597 = arith.addi %mul3A_1594, %add3A_1596 : vector<16xi32>
        %select_n3A_1598 = arith.select %lt3A_1586, %add3A_1591, %add3A_1597 : vector<16xi32>
        %swap3A_1599 = arith.constant 0 : index
        %swap3A_1600 = tpu.vector_load %arg13[%swap3A_1599] {strides = array<i32>} : memref<128xi32, #tpu.memory_space<vmem>>, vector<16xi32>,
        tpu.vector_store %arg13[%swap3A_1599], %select_n3A_1598 {strides = array<i32>} : memref<128xi32, #tpu.memory_space<vmem>>, vector<16xi32>,
        %get3A_1601 = arith.constant 16 : index
        %get3A_1602 = tpu.vector_load %arg9[%get3A_1601] {strides = array<i32>} : memref<128xi32, #tpu.memory_space<vmem>>, vector<16xi32>,
        %lt3A_1603 = arith.constant 7 : i32
        %lt3A_1604 = arith.cmpi slt, %select_n3A_1582, %lt3A_1603 : i32
        %mul3A_1605 = arith.constant 7 : i32
        %mul3A_1606 = vector.broadcast %mul3A_1605 : i32 to vector<16xi32>
        %mul3A_1607 = arith.muli %get3A_1602, %mul3A_1606 : vector<16xi32>
        %add3A_1608 = vector.broadcast %select_n3A_1582 : i32 to vector<16xi32>
        %add3A_1609 = arith.addi %mul3A_1607, %add3A_1608 : vector<16xi32>
        %mul3A_1610 = arith.constant 8 : i32
        %mul3A_1611 = vector.broadcast %mul3A_1610 : i32 to vector<16xi32>
        %mul3A_1612 = arith.muli %get3A_1602, %mul3A_1611 : vector<16xi32>
        %add3A_1613 = arith.constant 7 : i32
        %add3A_1614 = vector.broadcast %add3A_1613 : i32 to vector<16xi32>
        %add3A_1615 = arith.addi %mul3A_1612, %add3A_1614 : vector<16xi32>
        %select_n3A_1616 = arith.select %lt3A_1604, %add3A_1609, %add3A_1615 : vector<16xi32>
        %swap3A_1617 = arith.constant 16 : index
        %swap3A_1618 = tpu.vector_load %arg13[%swap3A_1617] {strides = array<i32>} : memref<128xi32, #tpu.memory_space<vmem>>, vector<16xi32>,
        tpu.vector_store %arg13[%swap3A_1617], %select_n3A_1616 {strides = array<i32>} : memref<128xi32, #tpu.memory_space<vmem>>, vector<16xi32>,
        %get3A_1619 = arith.constant 32 : index
        %get3A_1620 = tpu.vector_load %arg9[%get3A_1619] {strides = array<i32>} : memref<128xi32, #tpu.memory_space<vmem>>, vector<16xi32>,
        %lt3A_1621 = arith.constant 7 : i32
        %lt3A_1622 = arith.cmpi slt, %select_n3A_1582, %lt3A_1621 : i32
        %mul3A_1623 = arith.constant 7 : i32
        %mul3A_1624 = vector.broadcast %mul3A_1623 : i32 to vector<16xi32>
        %mul3A_1625 = arith.muli %get3A_1620, %mul3A_1624 : vector<16xi32>
        %add3A_1626 = vector.broadcast %select_n3A_1582 : i32 to vector<16xi32>
        %add3A_1627 = arith.addi %mul3A_1625, %add3A_1626 : vector<16xi32>
        %mul3A_1628 = arith.constant 8 : i32
        %mul3A_1629 = vector.broadcast %mul3A_1628 : i32 to vector<16xi32>
        %mul3A_1630 = arith.muli %get3A_1620, %mul3A_1629 : vector<16xi32>
        %add3A_1631 = arith.constant 7 : i32
        %add3A_1632 = vector.broadcast %add3A_1631 : i32 to vector<16xi32>
        %add3A_1633 = arith.addi %mul3A_1630, %add3A_1632 : vector<16xi32>
        %select_n3A_1634 = arith.select %lt3A_1622, %add3A_1627, %add3A_1633 : vector<16xi32>
        %swap3A_1635 = arith.constant 32 : index
        %swap3A_1636 = tpu.vector_load %arg13[%swap3A_1635] {strides = array<i32>} : memref<128xi32, #tpu.memory_space<vmem>>, vector<16xi32>,
        tpu.vector_store %arg13[%swap3A_1635], %select_n3A_1634 {strides = array<i32>} : memref<128xi32, #tpu.memory_space<vmem>>, vector<16xi32>,
        %get3A_1637 = arith.constant 48 : index
        %get3A_1638 = tpu.vector_load %arg9[%get3A_1637] {strides = array<i32>} : memref<128xi32, #tpu.memory_space<vmem>>, vector<16xi32>,
        %lt3A_1639 = arith.constant 7 : i32
        %lt3A_1640 = arith.cmpi slt, %select_n3A_1582, %lt3A_1639 : i32
        %mul3A_1641 = arith.constant 7 : i32
        %mul3A_1642 = vector.broadcast %mul3A_1641 : i32 to vector<16xi32>
        %mul3A_1643 = arith.muli %get3A_1638, %mul3A_1642 : vector<16xi32>
        %add3A_1644 = vector.broadcast %select_n3A_1582 : i32 to vector<16xi32>
        %add3A_1645 = arith.addi %mul3A_1643, %add3A_1644 : vector<16xi32>
        %mul3A_1646 = arith.constant 8 : i32
        %mul3A_1647 = vector.broadcast %mul3A_1646 : i32 to vector<16xi32>
        %mul3A_1648 = arith.muli %get3A_1638, %mul3A_1647 : vector<16xi32>
        %add3A_1649 = arith.constant 7 : i32
        %add3A_1650 = vector.broadcast %add3A_1649 : i32 to vector<16xi32>
        %add3A_1651 = arith.addi %mul3A_1648, %add3A_1650 : vector<16xi32>
        %select_n3A_1652 = arith.select %lt3A_1640, %add3A_1645, %add3A_1651 : vector<16xi32>
        %swap3A_1653 = arith.constant 48 : index
        %swap3A_1654 = tpu.vector_load %arg13[%swap3A_1653] {strides = array<i32>} : memref<128xi32, #tpu.memory_space<vmem>>, vector<16xi32>,
        tpu.vector_store %arg13[%swap3A_1653], %select_n3A_1652 {strides = array<i32>} : memref<128xi32, #tpu.memory_space<vmem>>, vector<16xi32>,
        %get3A_1655 = arith.constant 64 : index
        %get3A_1656 = tpu.vector_load %arg9[%get3A_1655] {strides = array<i32>} : memref<128xi32, #tpu.memory_space<vmem>>, vector<16xi32>,
        %lt3A_1657 = arith.constant 7 : i32
        %lt3A_1658 = arith.cmpi slt, %select_n3A_1582, %lt3A_1657 : i32
        %mul3A_1659 = arith.constant 7 : i32
        %mul3A_1660 = vector.broadcast %mul3A_1659 : i32 to vector<16xi32>
        %mul3A_1661 = arith.muli %get3A_1656, %mul3A_1660 : vector<16xi32>
        %add3A_1662 = vector.broadcast %select_n3A_1582 : i32 to vector<16xi32>
        %add3A_1663 = arith.addi %mul3A_1661, %add3A_1662 : vector<16xi32>
        %mul3A_1664 = arith.constant 8 : i32
        %mul3A_1665 = vector.broadcast %mul3A_1664 : i32 to vector<16xi32>
        %mul3A_1666 = arith.muli %get3A_1656, %mul3A_1665 : vector<16xi32>
        %add3A_1667 = arith.constant 7 : i32
        %add3A_1668 = vector.broadcast %add3A_1667 : i32 to vector<16xi32>
        %add3A_1669 = arith.addi %mul3A_1666, %add3A_1668 : vector<16xi32>
        %select_n3A_1670 = arith.select %lt3A_1658, %add3A_1663, %add3A_1669 : vector<16xi32>
        %swap3A_1671 = arith.constant 64 : index
        %swap3A_1672 = tpu.vector_load %arg13[%swap3A_1671] {strides = array<i32>} : memref<128xi32, #tpu.memory_space<vmem>>, vector<16xi32>,
        tpu.vector_store %arg13[%swap3A_1671], %select_n3A_1670 {strides = array<i32>} : memref<128xi32, #tpu.memory_space<vmem>>, vector<16xi32>,
        %get3A_1673 = arith.constant 80 : index
        %get3A_1674 = tpu.vector_load %arg9[%get3A_1673] {strides = array<i32>} : memref<128xi32, #tpu.memory_space<vmem>>, vector<16xi32>,
        %lt3A_1675 = arith.constant 7 : i32
        %lt3A_1676 = arith.cmpi slt, %select_n3A_1582, %lt3A_1675 : i32
        %mul3A_1677 = arith.constant 7 : i32
        %mul3A_1678 = vector.broadcast %mul3A_1677 : i32 to vector<16xi32>
        %mul3A_1679 = arith.muli %get3A_1674, %mul3A_1678 : vector<16xi32>
        %add3A_1680 = vector.broadcast %select_n3A_1582 : i32 to vector<16xi32>
        %add3A_1681 = arith.addi %mul3A_1679, %add3A_1680 : vector<16xi32>
        %mul3A_1682 = arith.constant 8 : i32
        %mul3A_1683 = vector.broadcast %mul3A_1682 : i32 to vector<16xi32>
        %mul3A_1684 = arith.muli %get3A_1674, %mul3A_1683 : vector<16xi32>
        %add3A_1685 = arith.constant 7 : i32
        %add3A_1686 = vector.broadcast %add3A_1685 : i32 to vector<16xi32>
        %add3A_1687 = arith.addi %mul3A_1684, %add3A_1686 : vector<16xi32>
        %select_n3A_1688 = arith.select %lt3A_1676, %add3A_1681, %add3A_1687 : vector<16xi32>
        %swap3A_1689 = arith.constant 80 : index
        %swap3A_1690 = tpu.vector_load %arg13[%swap3A_1689] {strides = array<i32>} : memref<128xi32, #tpu.memory_space<vmem>>, vector<16xi32>,
        tpu.vector_store %arg13[%swap3A_1689], %select_n3A_1688 {strides = array<i32>} : memref<128xi32, #tpu.memory_space<vmem>>, vector<16xi32>,
        %get3A_1691 = arith.constant 96 : index
        %get3A_1692 = tpu.vector_load %arg9[%get3A_1691] {strides = array<i32>} : memref<128xi32, #tpu.memory_space<vmem>>, vector<16xi32>,
        %lt3A_1693 = arith.constant 7 : i32
        %lt3A_1694 = arith.cmpi slt, %select_n3A_1582, %lt3A_1693 : i32
        %mul3A_1695 = arith.constant 7 : i32
        %mul3A_1696 = vector.broadcast %mul3A_1695 : i32 to vector<16xi32>
        %mul3A_1697 = arith.muli %get3A_1692, %mul3A_1696 : vector<16xi32>
        %add3A_1698 = vector.broadcast %select_n3A_1582 : i32 to vector<16xi32>
        %add3A_1699 = arith.addi %mul3A_1697, %add3A_1698 : vector<16xi32>
        %mul3A_1700 = arith.constant 8 : i32
        %mul3A_1701 = vector.broadcast %mul3A_1700 : i32 to vector<16xi32>
        %mul3A_1702 = arith.muli %get3A_1692, %mul3A_1701 : vector<16xi32>
        %add3A_1703 = arith.constant 7 : i32
        %add3A_1704 = vector.broadcast %add3A_1703 : i32 to vector<16xi32>
        %add3A_1705 = arith.addi %mul3A_1702, %add3A_1704 : vector<16xi32>
        %select_n3A_1706 = arith.select %lt3A_1694, %add3A_1699, %add3A_1705 : vector<16xi32>
        %swap3A_1707 = arith.constant 96 : index
        %swap3A_1708 = tpu.vector_load %arg13[%swap3A_1707] {strides = array<i32>} : memref<128xi32, #tpu.memory_space<vmem>>, vector<16xi32>,
        tpu.vector_store %arg13[%swap3A_1707], %select_n3A_1706 {strides = array<i32>} : memref<128xi32, #tpu.memory_space<vmem>>, vector<16xi32>,
        %get3A_1709 = arith.constant 112 : index
        %get3A_1710 = tpu.vector_load %arg9[%get3A_1709] {strides = array<i32>} : memref<128xi32, #tpu.memory_space<vmem>>, vector<16xi32>,
        %lt3A_1711 = arith.constant 7 : i32
        %lt3A_1712 = arith.cmpi slt, %select_n3A_1582, %lt3A_1711 : i32
        %mul3A_1713 = arith.constant 7 : i32
        %mul3A_1714 = vector.broadcast %mul3A_1713 : i32 to vector<16xi32>
        %mul3A_1715 = arith.muli %get3A_1710, %mul3A_1714 : vector<16xi32>
        %add3A_1716 = vector.broadcast %select_n3A_1582 : i32 to vector<16xi32>
        %add3A_1717 = arith.addi %mul3A_1715, %add3A_1716 : vector<16xi32>
        %mul3A_1718 = arith.constant 8 : i32
        %mul3A_1719 = vector.broadcast %mul3A_1718 : i32 to vector<16xi32>
        %mul3A_1720 = arith.muli %get3A_1710, %mul3A_1719 : vector<16xi32>
        %add3A_1721 = arith.constant 7 : i32
        %add3A_1722 = vector.broadcast %add3A_1721 : i32 to vector<16xi32>
        %add3A_1723 = arith.addi %mul3A_1720, %add3A_1722 : vector<16xi32>
        %select_n3A_1724 = arith.select %lt3A_1712, %add3A_1717, %add3A_1723 : vector<16xi32>
        %swap3A_1725 = arith.constant 112 : index
        %swap3A_1726 = tpu.vector_load %arg13[%swap3A_1725] {strides = array<i32>} : memref<128xi32, #tpu.memory_space<vmem>>, vector<16xi32>,
        tpu.vector_store %arg13[%swap3A_1725], %select_n3A_1724 {strides = array<i32>} : memref<128xi32, #tpu.memory_space<vmem>>, vector<16xi32>,
        %add3A_1727 = arith.constant 1 : i32
        %add3A_1728 = arith.addi %select_n3A_1190, %add3A_1727 : i32
        %jit3A_1729 = arith.constant 8 : i32
        %eq3A_1730 = arith.constant 0 : i32
        %eq3A_1731 = arith.cmpi eq, %jit3A_1729, %eq3A_1730 : i32
        %jit3A_1732 = arith.constant 1 : i32
        %select_n3A_1733 = arith.select %eq3A_1731, %jit3A_1732, %jit3A_1729 : i32
        %rem3A_1734 = arith.remsi %add3A_1728, %select_n3A_1733 : i32
        %ne3A_1735 = arith.constant 0 : i32
        %ne3A_1736 = arith.cmpi ne, %rem3A_1734, %ne3A_1735 : i32
        %lt3A_1737 = arith.constant 0 : i32
        %lt3A_1738 = arith.cmpi slt, %rem3A_1734, %lt3A_1737 : i32
        %lt3A_1739 = arith.constant 0 : i32
        %lt3A_1740 = arith.cmpi slt, %select_n3A_1733, %lt3A_1739 : i32
        %ne3A_1741 = arith.xori %lt3A_1738, %lt3A_1740 : i1
        %and3A_1742 = arith.andi %ne3A_1741, %ne3A_1736 : i1
        %add3A_1743 = arith.addi %rem3A_1734, %select_n3A_1733 : i32
        %select_n3A_1744 = arith.select %and3A_1742, %add3A_1743, %rem3A_1734 : i32
        %lt3A_1745 = arith.constant 7 : i32
        %lt3A_1746 = arith.cmpi slt, %select_n3A_1744, %lt3A_1745 : i32
        %convert_element_type3A_1747 = arith.extui %lt3A_1746 : i1 to i32
        %cond3A_1748 = arith.constant 0 : i32
        %cond3A_1749 = arith.cmpi ne, %convert_element_type3A_1747, %cond3A_1748 : i32
        scf.if %cond3A_1749 {
          %dma_start3A_1755 = arith.constant 0 : i32
          %dma_start3A_1756 = arith.constant 0 : i32
          %dma_start3A_1757 = tpu.memref_slice %arg21[%dma_start3A_1755, %dma_start3A_1756] : memref<7000x128xf32, #tpu.memory_space<vmem_shared>> -> memref<7000x128xf32, #tpu.memory_space<vmem_shared>>
          tpu.enqueue_indirect_dma source(%dma_start3A_1757 : memref<7000x128xf32, #tpu.memory_space<vmem_shared>>) target(%arg16 : memref<128x128xf32, #tpu.memory_space<vmem>>) offsets(%arg13 : memref<128xi32, #tpu.memory_space<vmem>>) semaphore(%arg22 : memref<!tpu.dma_semaphore, #tpu.memory_space<semaphore_mem>>)
        } else {
        }
        %eq3A_1750 = arith.constant 7 : i32
        %eq3A_1751 = arith.cmpi eq, %select_n3A_1744, %eq3A_1750 : i32
        %convert_element_type3A_1752 = arith.extui %eq3A_1751 : i1 to i32
        %cond3A_1753 = arith.constant 0 : i32
        %cond3A_1754 = arith.cmpi ne, %convert_element_type3A_1752, %cond3A_1753 : i32
        scf.if %cond3A_1754 {
          %dma_start3A_1755 = arith.constant 0 : i32
          %dma_start3A_1756 = arith.constant 0 : i32
          %dma_start3A_1757 = tpu.memref_slice %arg2[%dma_start3A_1755, %dma_start3A_1756] : memref<8000x128xf32, #tpu.memory_space<hbm>> -> memref<8000x128xf32, #tpu.memory_space<hbm>>
          tpu.enqueue_indirect_dma source(%dma_start3A_1757 : memref<8000x128xf32, #tpu.memory_space<hbm>>) target(%arg16 : memref<128x128xf32, #tpu.memory_space<vmem>>) offsets(%arg13 : memref<128xi32, #tpu.memory_space<vmem>>) semaphore(%arg22 : memref<!tpu.dma_semaphore, #tpu.memory_space<semaphore_mem>>)
        } else {
        }
      } else {
      }
      %lt3A_1358 = arith.constant 98 : i32
      %lt3A_1359 = arith.cmpi slt, %add3A_1107, %lt3A_1358 : i32
      %convert_element_type3A_1360 = arith.extui %lt3A_1359 : i1 to i32
      %cond3A_1361 = arith.constant 0 : i32
      %cond3A_1362 = arith.cmpi ne, %convert_element_type3A_1360, %cond3A_1361 : i32
      scf.if %cond3A_1362 {
        %add3A_1468 = arith.constant 2 : i32
        %add3A_1469 = arith.addi %add3A_1107, %add3A_1468 : i32
        %mul3A_1470 = arith.constant 100 : i32
        %mul3A_1471 = arith.muli %add3A, %mul3A_1470 : i32
        %add3A_1472 = arith.addi %mul3A_1471, %add3A_1469 : i32
        %jit3A_1473 = arith.constant 64 : i32
        %div3A_1474 = arith.divsi %add3A_1472, %jit3A_1473 : i32
        %sign3A_1475 = arith.constant 0 : i32
        %sign3A_1476 = arith.cmpi sgt, %add3A_1472, %sign3A_1475 : i32
        %sign3A_1477 = arith.extui %sign3A_1476 : i1 to i32
        %sign3A_1478 = arith.constant 0 : i32
        %sign3A_1479 = arith.cmpi slt, %add3A_1472, %sign3A_1478 : i32
        %sign3A_1480 = arith.extui %sign3A_1479 : i1 to i32
        %sign3A_1481 = arith.subi %sign3A_1477, %sign3A_1480 : i32
        %sign3A_1482 = arith.constant 0 : i32
        %sign3A_1483 = arith.cmpi sgt, %jit3A_1473, %sign3A_1482 : i32
        %sign3A_1484 = arith.extui %sign3A_1483 : i1 to i32
        %sign3A_1485 = arith.constant 0 : i32
        %sign3A_1486 = arith.cmpi slt, %jit3A_1473, %sign3A_1485 : i32
        %sign3A_1487 = arith.extui %sign3A_1486 : i1 to i32
        %sign3A_1488 = arith.subi %sign3A_1484, %sign3A_1487 : i32
        %ne3A_1489 = arith.cmpi ne, %sign3A_1481, %sign3A_1488 : i32
        %rem3A_1490 = arith.remsi %add3A_1472, %jit3A_1473 : i32
        %ne3A_1491 = arith.constant 0 : i32
        %ne3A_1492 = arith.cmpi ne, %rem3A_1490, %ne3A_1491 : i32
        %and3A_1493 = arith.andi %ne3A_1489, %ne3A_1492 : i1
        %sub3A_1494 = arith.constant 1 : i32
        %sub3A_1495 = arith.subi %div3A_1474, %sub3A_1494 : i32
        %select_n3A_1496 = arith.select %and3A_1493, %sub3A_1495, %div3A_1474 : i32
        %jit3A_1497 = arith.constant 8 : i32
        %div3A_1498 = arith.divsi %add3A_1472, %jit3A_1497 : i32
        %sign3A_1499 = arith.constant 0 : i32
        %sign3A_1500 = arith.cmpi sgt, %add3A_1472, %sign3A_1499 : i32
        %sign3A_1501 = arith.extui %sign3A_1500 : i1 to i32
        %sign3A_1502 = arith.constant 0 : i32
        %sign3A_1503 = arith.cmpi slt, %add3A_1472, %sign3A_1502 : i32
        %sign3A_1504 = arith.extui %sign3A_1503 : i1 to i32
        %sign3A_1505 = arith.subi %sign3A_1501, %sign3A_1504 : i32
        %sign3A_1506 = arith.constant 0 : i32
        %sign3A_1507 = arith.cmpi sgt, %jit3A_1497, %sign3A_1506 : i32
        %sign3A_1508 = arith.extui %sign3A_1507 : i1 to i32
        %sign3A_1509 = arith.constant 0 : i32
        %sign3A_1510 = arith.cmpi slt, %jit3A_1497, %sign3A_1509 : i32
        %sign3A_1511 = arith.extui %sign3A_1510 : i1 to i32
        %sign3A_1512 = arith.subi %sign3A_1508, %sign3A_1511 : i32
        %ne3A_1513 = arith.cmpi ne, %sign3A_1505, %sign3A_1512 : i32
        %rem3A_1514 = arith.remsi %add3A_1472, %jit3A_1497 : i32
        %ne3A_1515 = arith.constant 0 : i32
        %ne3A_1516 = arith.cmpi ne, %rem3A_1514, %ne3A_1515 : i32
        %and3A_1517 = arith.andi %ne3A_1513, %ne3A_1516 : i1
        %sub3A_1518 = arith.constant 1 : i32
        %sub3A_1519 = arith.subi %div3A_1498, %sub3A_1518 : i32
        %select_n3A_1520 = arith.select %and3A_1517, %sub3A_1519, %div3A_1498 : i32
        %jit3A_1521 = arith.constant 8 : i32
        %eq3A_1522 = arith.constant 0 : i32
        %eq3A_1523 = arith.cmpi eq, %jit3A_1521, %eq3A_1522 : i32
        %jit3A_1524 = arith.constant 1 : i32
        %select_n3A_1525 = arith.select %eq3A_1523, %jit3A_1524, %jit3A_1521 : i32
        %rem3A_1526 = arith.remsi %select_n3A_1520, %select_n3A_1525 : i32
        %ne3A_1527 = arith.constant 0 : i32
        %ne3A_1528 = arith.cmpi ne, %rem3A_1526, %ne3A_1527 : i32
        %lt3A_1529 = arith.constant 0 : i32
        %lt3A_1530 = arith.cmpi slt, %rem3A_1526, %lt3A_1529 : i32
        %lt3A_1531 = arith.constant 0 : i32
        %lt3A_1532 = arith.cmpi slt, %select_n3A_1525, %lt3A_1531 : i32
        %ne3A_1533 = arith.xori %lt3A_1530, %lt3A_1532 : i1
        %and3A_1534 = arith.andi %ne3A_1533, %ne3A_1528 : i1
        %add3A_1535 = arith.addi %rem3A_1526, %select_n3A_1525 : i32
        %select_n3A_1536 = arith.select %and3A_1534, %add3A_1535, %rem3A_1526 : i32
        %jit3A_1537 = arith.constant 8 : i32
        %eq3A_1538 = arith.constant 0 : i32
        %eq3A_1539 = arith.cmpi eq, %jit3A_1537, %eq3A_1538 : i32
        %jit3A_1540 = arith.constant 1 : i32
        %select_n3A_1541 = arith.select %eq3A_1539, %jit3A_1540, %jit3A_1537 : i32
        %rem3A_1542 = arith.remsi %add3A_1472, %select_n3A_1541 : i32
        %ne3A_1543 = arith.constant 0 : i32
        %ne3A_1544 = arith.cmpi ne, %rem3A_1542, %ne3A_1543 : i32
        %lt3A_1545 = arith.constant 0 : i32
        %lt3A_1546 = arith.cmpi slt, %rem3A_1542, %lt3A_1545 : i32
        %lt3A_1547 = arith.constant 0 : i32
        %lt3A_1548 = arith.cmpi slt, %select_n3A_1541, %lt3A_1547 : i32
        %ne3A_1549 = arith.xori %lt3A_1546, %lt3A_1548 : i1
        %and3A_1550 = arith.andi %ne3A_1549, %ne3A_1544 : i1
        %add3A_1551 = arith.addi %rem3A_1542, %select_n3A_1541 : i32
        %select_n3A_1552 = arith.select %and3A_1550, %add3A_1551, %rem3A_1542 : i32
        %mul3A_1553 = arith.constant 128 : i32
        %mul3A_1554 = arith.muli %select_n3A_1536, %mul3A_1553 : i32
        %mul3A_1555 = arith.constant 128 : i32
        %mul3A_1556 = arith.muli %select_n3A_1536, %mul3A_1555 : i32
        %dma_start3A_1557 = tpu.memref_slice %arg4[%select_n3A_1496, %mul3A_1554] : memref<50x1024xi32, #tpu.memory_space<hbm>> -> memref<1x128xi32, #tpu.memory_space<hbm>>
        %dma_start3A_1558 = tpu.memref_squeeze %dma_start3A_1557 : memref<1x128xi32, #tpu.memory_space<hbm>> -> memref<128xi32, #tpu.memory_space<hbm>>
        %dma_start3A_1559 = tpu.memref_slice %arg4[%select_n3A_1496, %mul3A_1554] : memref<50x1024xi32, #tpu.memory_space<hbm>> -> memref<1x128xi32, #tpu.memory_space<hbm>>
        %dma_start3A_1560 = tpu.memref_squeeze %dma_start3A_1559 : memref<1x128xi32, #tpu.memory_space<hbm>> -> memref<128xi32, #tpu.memory_space<hbm>>
        tpu.enqueue_dma source(%dma_start3A_1560 : memref<128xi32, #tpu.memory_space<hbm>>) target(%arg10 : memref<128xi32, #tpu.memory_space<vmem>>) target_semaphore(%arg27 : memref<!tpu.dma_semaphore, #tpu.memory_space<semaphore_mem>>)
        %dma_start3A_1561 = tpu.memref_slice %arg5[%select_n3A_1496, %mul3A_1556] : memref<50x1024xi32, #tpu.memory_space<hbm>> -> memref<1x128xi32, #tpu.memory_space<hbm>>
        %dma_start3A_1562 = tpu.memref_squeeze %dma_start3A_1561 : memref<1x128xi32, #tpu.memory_space<hbm>> -> memref<128xi32, #tpu.memory_space<hbm>>
        %dma_start3A_1563 = tpu.memref_slice %arg5[%select_n3A_1496, %mul3A_1556] : memref<50x1024xi32, #tpu.memory_space<hbm>> -> memref<1x128xi32, #tpu.memory_space<hbm>>
        %dma_start3A_1564 = tpu.memref_squeeze %dma_start3A_1563 : memref<1x128xi32, #tpu.memory_space<hbm>> -> memref<128xi32, #tpu.memory_space<hbm>>
        tpu.enqueue_dma source(%dma_start3A_1564 : memref<128xi32, #tpu.memory_space<hbm>>) target(%arg12 : memref<128xi32, #tpu.memory_space<vmem>>) target_semaphore(%arg29 : memref<!tpu.dma_semaphore, #tpu.memory_space<semaphore_mem>>)
      } else {
      }
      %ge3A_1363 = arith.constant 2 : i32
      %ge3A_1364 = arith.cmpi sge, %add3A_1107, %ge3A_1363 : i32
      %convert_element_type3A_1365 = arith.extui %ge3A_1364 : i1 to i32
      %cond3A_1366 = arith.constant 0 : i32
      %cond3A_1367 = arith.cmpi ne, %convert_element_type3A_1365, %cond3A_1366 : i32
      scf.if %cond3A_1367 {
        %sub3A_1468 = arith.constant 2 : i32
        %sub3A_1469 = arith.subi %add3A_1107, %sub3A_1468 : i32
        %mul3A_1470 = arith.constant 100 : i32
        %mul3A_1471 = arith.muli %add3A, %mul3A_1470 : i32
        %add3A_1472 = arith.addi %mul3A_1471, %sub3A_1469 : i32
        %jit3A_1473 = arith.constant 64 : i32
        %div3A_1474 = arith.divsi %add3A_1472, %jit3A_1473 : i32
        %sign3A_1475 = arith.constant 0 : i32
        %sign3A_1476 = arith.cmpi sgt, %add3A_1472, %sign3A_1475 : i32
        %sign3A_1477 = arith.extui %sign3A_1476 : i1 to i32
        %sign3A_1478 = arith.constant 0 : i32
        %sign3A_1479 = arith.cmpi slt, %add3A_1472, %sign3A_1478 : i32
        %sign3A_1480 = arith.extui %sign3A_1479 : i1 to i32
        %sign3A_1481 = arith.subi %sign3A_1477, %sign3A_1480 : i32
        %sign3A_1482 = arith.constant 0 : i32
        %sign3A_1483 = arith.cmpi sgt, %jit3A_1473, %sign3A_1482 : i32
        %sign3A_1484 = arith.extui %sign3A_1483 : i1 to i32
        %sign3A_1485 = arith.constant 0 : i32
        %sign3A_1486 = arith.cmpi slt, %jit3A_1473, %sign3A_1485 : i32
        %sign3A_1487 = arith.extui %sign3A_1486 : i1 to i32
        %sign3A_1488 = arith.subi %sign3A_1484, %sign3A_1487 : i32
        %ne3A_1489 = arith.cmpi ne, %sign3A_1481, %sign3A_1488 : i32
        %rem3A_1490 = arith.remsi %add3A_1472, %jit3A_1473 : i32
        %ne3A_1491 = arith.constant 0 : i32
        %ne3A_1492 = arith.cmpi ne, %rem3A_1490, %ne3A_1491 : i32
        %and3A_1493 = arith.andi %ne3A_1489, %ne3A_1492 : i1
        %sub3A_1494 = arith.constant 1 : i32
        %sub3A_1495 = arith.subi %div3A_1474, %sub3A_1494 : i32
        %select_n3A_1496 = arith.select %and3A_1493, %sub3A_1495, %div3A_1474 : i32
        %jit3A_1497 = arith.constant 8 : i32
        %div3A_1498 = arith.divsi %add3A_1472, %jit3A_1497 : i32
        %sign3A_1499 = arith.constant 0 : i32
        %sign3A_1500 = arith.cmpi sgt, %add3A_1472, %sign3A_1499 : i32
        %sign3A_1501 = arith.extui %sign3A_1500 : i1 to i32
        %sign3A_1502 = arith.constant 0 : i32
        %sign3A_1503 = arith.cmpi slt, %add3A_1472, %sign3A_1502 : i32
        %sign3A_1504 = arith.extui %sign3A_1503 : i1 to i32
        %sign3A_1505 = arith.subi %sign3A_1501, %sign3A_1504 : i32
        %sign3A_1506 = arith.constant 0 : i32
        %sign3A_1507 = arith.cmpi sgt, %jit3A_1497, %sign3A_1506 : i32
        %sign3A_1508 = arith.extui %sign3A_1507 : i1 to i32
        %sign3A_1509 = arith.constant 0 : i32
        %sign3A_1510 = arith.cmpi slt, %jit3A_1497, %sign3A_1509 : i32
        %sign3A_1511 = arith.extui %sign3A_1510 : i1 to i32
        %sign3A_1512 = arith.subi %sign3A_1508, %sign3A_1511 : i32
        %ne3A_1513 = arith.cmpi ne, %sign3A_1505, %sign3A_1512 : i32
        %rem3A_1514 = arith.remsi %add3A_1472, %jit3A_1497 : i32
        %ne3A_1515 = arith.constant 0 : i32
        %ne3A_1516 = arith.cmpi ne, %rem3A_1514, %ne3A_1515 : i32
        %and3A_1517 = arith.andi %ne3A_1513, %ne3A_1516 : i1
        %sub3A_1518 = arith.constant 1 : i32
        %sub3A_1519 = arith.subi %div3A_1498, %sub3A_1518 : i32
        %select_n3A_1520 = arith.select %and3A_1517, %sub3A_1519, %div3A_1498 : i32
        %jit3A_1521 = arith.constant 8 : i32
        %eq3A_1522 = arith.constant 0 : i32
        %eq3A_1523 = arith.cmpi eq, %jit3A_1521, %eq3A_1522 : i32
        %jit3A_1524 = arith.constant 1 : i32
        %select_n3A_1525 = arith.select %eq3A_1523, %jit3A_1524, %jit3A_1521 : i32
        %rem3A_1526 = arith.remsi %select_n3A_1520, %select_n3A_1525 : i32
        %ne3A_1527 = arith.constant 0 : i32
        %ne3A_1528 = arith.cmpi ne, %rem3A_1526, %ne3A_1527 : i32
        %lt3A_1529 = arith.constant 0 : i32
        %lt3A_1530 = arith.cmpi slt, %rem3A_1526, %lt3A_1529 : i32
        %lt3A_1531 = arith.constant 0 : i32
        %lt3A_1532 = arith.cmpi slt, %select_n3A_1525, %lt3A_1531 : i32
        %ne3A_1533 = arith.xori %lt3A_1530, %lt3A_1532 : i1
        %and3A_1534 = arith.andi %ne3A_1533, %ne3A_1528 : i1
        %add3A_1535 = arith.addi %rem3A_1526, %select_n3A_1525 : i32
        %select_n3A_1536 = arith.select %and3A_1534, %add3A_1535, %rem3A_1526 : i32
        %jit3A_1537 = arith.constant 8 : i32
        %eq3A_1538 = arith.constant 0 : i32
        %eq3A_1539 = arith.cmpi eq, %jit3A_1537, %eq3A_1538 : i32
        %jit3A_1540 = arith.constant 1 : i32
        %select_n3A_1541 = arith.select %eq3A_1539, %jit3A_1540, %jit3A_1537 : i32
        %rem3A_1542 = arith.remsi %add3A_1472, %select_n3A_1541 : i32
        %ne3A_1543 = arith.constant 0 : i32
        %ne3A_1544 = arith.cmpi ne, %rem3A_1542, %ne3A_1543 : i32
        %lt3A_1545 = arith.constant 0 : i32
        %lt3A_1546 = arith.cmpi slt, %rem3A_1542, %lt3A_1545 : i32
        %lt3A_1547 = arith.constant 0 : i32
        %lt3A_1548 = arith.cmpi slt, %select_n3A_1541, %lt3A_1547 : i32
        %ne3A_1549 = arith.xori %lt3A_1546, %lt3A_1548 : i1
        %and3A_1550 = arith.andi %ne3A_1549, %ne3A_1544 : i1
        %add3A_1551 = arith.addi %rem3A_1542, %select_n3A_1541 : i32
        %select_n3A_1552 = arith.select %and3A_1550, %add3A_1551, %rem3A_1542 : i32
        %mul3A_1553 = arith.constant 16 : i32
        %mul3A_1554 = arith.muli %select_n3A_1552, %mul3A_1553 : i32
        %mul3A_1555 = arith.constant 16 : i32
        %mul3A_1556 = arith.muli %select_n3A_1552, %mul3A_1555 : i32
        %lt3A_1557 = arith.constant 7 : i32
        %lt3A_1558 = arith.cmpi slt, %select_n3A_1552, %lt3A_1557 : i32
        %convert_element_type3A_1559 = arith.extui %lt3A_1558 : i1 to i32
        %cond3A_1560 = arith.constant 0 : i32
        %cond3A_1561 = arith.cmpi ne, %convert_element_type3A_1559, %cond3A_1560 : i32
        scf.if %cond3A_1561 {
          %dma_wait3A_1567 = arith.constant 0 : i32
          %dma_wait3A_1568 = arith.constant 0 : i32
          %dma_wait3A_1569 = tpu.memref_slice %arg7[%select_n3A_1496, %mul3A_1554, %select_n3A_1536, %dma_wait3A_1567, %dma_wait3A_1568] : memref<50x125x8x8x128xf32, #tpu.memory_space<hbm>> -> memref<1x16x1x8x128xf32, #tpu.memory_space<hbm>>
          %dma_wait3A_1570 = tpu.memref_squeeze %dma_wait3A_1569 : memref<1x16x1x8x128xf32, #tpu.memory_space<hbm>> -> memref<16x8x128xf32, #tpu.memory_space<hbm>>
          %dma_wait3A_1571 = arith.constant 0 : i32
          %dma_wait3A_1572 = arith.constant 0 : i32
          %dma_wait3A_1573 = tpu.memref_slice %arg7[%select_n3A_1496, %mul3A_1554, %select_n3A_1536, %dma_wait3A_1571, %dma_wait3A_1572] : memref<50x125x8x8x128xf32, #tpu.memory_space<hbm>> -> memref<1x16x1x8x128xf32, #tpu.memory_space<hbm>>
          %dma_wait3A_1574 = tpu.memref_squeeze %dma_wait3A_1573 : memref<1x16x1x8x128xf32, #tpu.memory_space<hbm>> -> memref<16x8x128xf32, #tpu.memory_space<hbm>>
          tpu.wait_dma2 semaphore(%arg25 : memref<!tpu.dma_semaphore, #tpu.memory_space<semaphore_mem>>) src(%arg19 : memref<16x8x128xf32, #tpu.memory_space<vmem>>) dst(%dma_wait3A_1574 : memref<16x8x128xf32, #tpu.memory_space<hbm>>)
        } else {
        }
        %eq3A_1562 = arith.constant 7 : i32
        %eq3A_1563 = arith.cmpi eq, %select_n3A_1552, %eq3A_1562 : i32
        %convert_element_type3A_1564 = arith.extui %eq3A_1563 : i1 to i32
        %cond3A_1565 = arith.constant 0 : i32
        %cond3A_1566 = arith.cmpi ne, %convert_element_type3A_1564, %cond3A_1565 : i32
        scf.if %cond3A_1566 {
          %dma_wait3A_1567 = arith.constant 0 : i32
          %dma_wait3A_1568 = arith.constant 0 : i32
          %dma_wait3A_1569 = arith.constant 0 : i32
          %dma_wait3A_1570 = tpu.memref_slice %arg19[%dma_wait3A_1567, %dma_wait3A_1568, %dma_wait3A_1569] : memref<16x8x128xf32, #tpu.memory_space<vmem>> -> memref<13x8x128xf32, #tpu.memory_space<vmem>>
          %dma_wait3A_1571 = arith.constant 0 : i32
          %dma_wait3A_1572 = arith.constant 0 : i32
          %dma_wait3A_1573 = tpu.memref_slice %arg7[%select_n3A_1496, %mul3A_1556, %select_n3A_1536, %dma_wait3A_1571, %dma_wait3A_1572] : memref<50x125x8x8x128xf32, #tpu.memory_space<hbm>> -> memref<1x13x1x8x128xf32, #tpu.memory_space<hbm>>
          %dma_wait3A_1574 = tpu.memref_squeeze %dma_wait3A_1573 : memref<1x13x1x8x128xf32, #tpu.memory_space<hbm>> -> memref<13x8x128xf32, #tpu.memory_space<hbm>>
          %dma_wait3A_1575 = arith.constant 0 : i32
          %dma_wait3A_1576 = arith.constant 0 : i32
          %dma_wait3A_1577 = tpu.memref_slice %arg7[%select_n3A_1496, %mul3A_1556, %select_n3A_1536, %dma_wait3A_1575, %dma_wait3A_1576] : memref<50x125x8x8x128xf32, #tpu.memory_space<hbm>> -> memref<1x13x1x8x128xf32, #tpu.memory_space<hbm>>
          %dma_wait3A_1578 = tpu.memref_squeeze %dma_wait3A_1577 : memref<1x13x1x8x128xf32, #tpu.memory_space<hbm>> -> memref<13x8x128xf32, #tpu.memory_space<hbm>>
          %dma_wait3A_1579 = arith.constant 0 : i32
          %dma_wait3A_1580 = arith.constant 0 : i32
          %dma_wait3A_1581 = arith.constant 0 : i32
          %dma_wait3A_1582 = tpu.memref_slice %arg19[%dma_wait3A_1579, %dma_wait3A_1580, %dma_wait3A_1581] : memref<16x8x128xf32, #tpu.memory_space<vmem>> -> memref<13x8x128xf32, #tpu.memory_space<vmem>>
          tpu.wait_dma2 semaphore(%arg25 : memref<!tpu.dma_semaphore, #tpu.memory_space<semaphore_mem>>) src(%dma_wait3A_1582 : memref<13x8x128xf32, #tpu.memory_space<vmem>>) dst(%dma_wait3A_1578 : memref<13x8x128xf32, #tpu.memory_space<hbm>>)
        } else {
        }
      } else {
      }
      %parallel_loop3A_1368 = arith.constant 0 : i32
      %parallel_loop3A_1369 = arith.constant 128 : i32
      %parallel_loop3A_1370 = arith.constant 1 : i32
      scf.for %parallel_loop3A_1468 = %parallel_loop3A_1368 to %parallel_loop3A_1369 step %parallel_loop3A_1370  : i32 {
        %parallel_loop3A_1469 = vector.broadcast %parallel_loop3A_1468 : i32 to vector<16xi32>
        %parallel_loop3A_1470 = arith.addi %parallel_loop3A_1469, %add3A_5 : vector<16xi32>
        %parallel_loop3A_1471 = arith.constant 127 : i32
        %parallel_loop3A_1472 = vector.broadcast %parallel_loop3A_1471 : i32 to vector<16xi32>
        %parallel_loop3A_1473 = arith.andi %parallel_loop3A_1470, %parallel_loop3A_1472 : vector<16xi32>
        %parallel_loop3A_1474 = tpu.vector_load_idx %arg17[%add3A_5, %parallel_loop3A_1473] : memref<128x128xf32, #tpu.memory_space<vmem>>[vector<16xi32>, vector<16xi32>], vector<16xf32>,
        %parallel_loop3A_1475 = arith.constant 3 : i32
        %parallel_loop3A_1476 = vector.broadcast %parallel_loop3A_1475 : i32 to vector<16xi32>
        %parallel_loop3A_1477 = arith.shrsi %parallel_loop3A_1473, %parallel_loop3A_1476 : vector<16xi32>
        %parallel_loop3A_1478 = arith.constant 7 : i32
        %parallel_loop3A_1479 = vector.broadcast %parallel_loop3A_1478 : i32 to vector<16xi32>
        %parallel_loop3A_1480 = arith.andi %parallel_loop3A_1473, %parallel_loop3A_1479 : vector<16xi32>
        tpu.vector_store_idx %arg19[%parallel_loop3A_1477, %parallel_loop3A_1480, %add3A_5], %parallel_loop3A_1474 : memref<16x8x128xf32, #tpu.memory_space<vmem>>[vector<16xi32>, vector<16xi32>, vector<16xi32>], vector<16xf32>,
        %parallel_loop3A_1481 = vector.broadcast %parallel_loop3A_1468 : i32 to vector<16xi32>
        %parallel_loop3A_1482 = arith.addi %parallel_loop3A_1481, %add3A_8 : vector<16xi32>
        %parallel_loop3A_1483 = arith.constant 127 : i32
        %parallel_loop3A_1484 = vector.broadcast %parallel_loop3A_1483 : i32 to vector<16xi32>
        %parallel_loop3A_1485 = arith.andi %parallel_loop3A_1482, %parallel_loop3A_1484 : vector<16xi32>
        %parallel_loop3A_1486 = tpu.vector_load_idx %arg17[%add3A_8, %parallel_loop3A_1485] : memref<128x128xf32, #tpu.memory_space<vmem>>[vector<16xi32>, vector<16xi32>], vector<16xf32>,
        %parallel_loop3A_1487 = arith.constant 3 : i32
        %parallel_loop3A_1488 = vector.broadcast %parallel_loop3A_1487 : i32 to vector<16xi32>
        %parallel_loop3A_1489 = arith.shrsi %parallel_loop3A_1485, %parallel_loop3A_1488 : vector<16xi32>
        %parallel_loop3A_1490 = arith.constant 7 : i32
        %parallel_loop3A_1491 = vector.broadcast %parallel_loop3A_1490 : i32 to vector<16xi32>
        %parallel_loop3A_1492 = arith.andi %parallel_loop3A_1485, %parallel_loop3A_1491 : vector<16xi32>
        tpu.vector_store_idx %arg19[%parallel_loop3A_1489, %parallel_loop3A_1492, %add3A_8], %parallel_loop3A_1486 : memref<16x8x128xf32, #tpu.memory_space<vmem>>[vector<16xi32>, vector<16xi32>, vector<16xi32>], vector<16xf32>,
        %parallel_loop3A_1493 = vector.broadcast %parallel_loop3A_1468 : i32 to vector<16xi32>
        %parallel_loop3A_1494 = arith.addi %parallel_loop3A_1493, %add3A_11 : vector<16xi32>
        %parallel_loop3A_1495 = arith.constant 127 : i32
        %parallel_loop3A_1496 = vector.broadcast %parallel_loop3A_1495 : i32 to vector<16xi32>
        %parallel_loop3A_1497 = arith.andi %parallel_loop3A_1494, %parallel_loop3A_1496 : vector<16xi32>
        %parallel_loop3A_1498 = tpu.vector_load_idx %arg17[%add3A_11, %parallel_loop3A_1497] : memref<128x128xf32, #tpu.memory_space<vmem>>[vector<16xi32>, vector<16xi32>], vector<16xf32>,
        %parallel_loop3A_1499 = arith.constant 3 : i32
        %parallel_loop3A_1500 = vector.broadcast %parallel_loop3A_1499 : i32 to vector<16xi32>
        %parallel_loop3A_1501 = arith.shrsi %parallel_loop3A_1497, %parallel_loop3A_1500 : vector<16xi32>
        %parallel_loop3A_1502 = arith.constant 7 : i32
        %parallel_loop3A_1503 = vector.broadcast %parallel_loop3A_1502 : i32 to vector<16xi32>
        %parallel_loop3A_1504 = arith.andi %parallel_loop3A_1497, %parallel_loop3A_1503 : vector<16xi32>
        tpu.vector_store_idx %arg19[%parallel_loop3A_1501, %parallel_loop3A_1504, %add3A_11], %parallel_loop3A_1498 : memref<16x8x128xf32, #tpu.memory_space<vmem>>[vector<16xi32>, vector<16xi32>, vector<16xi32>], vector<16xf32>,
        %parallel_loop3A_1505 = vector.broadcast %parallel_loop3A_1468 : i32 to vector<16xi32>
        %parallel_loop3A_1506 = arith.addi %parallel_loop3A_1505, %add3A_14 : vector<16xi32>
        %parallel_loop3A_1507 = arith.constant 127 : i32
        %parallel_loop3A_1508 = vector.broadcast %parallel_loop3A_1507 : i32 to vector<16xi32>
        %parallel_loop3A_1509 = arith.andi %parallel_loop3A_1506, %parallel_loop3A_1508 : vector<16xi32>
        %parallel_loop3A_1510 = tpu.vector_load_idx %arg17[%add3A_14, %parallel_loop3A_1509] : memref<128x128xf32, #tpu.memory_space<vmem>>[vector<16xi32>, vector<16xi32>], vector<16xf32>,
        %parallel_loop3A_1511 = arith.constant 3 : i32
        %parallel_loop3A_1512 = vector.broadcast %parallel_loop3A_1511 : i32 to vector<16xi32>
        %parallel_loop3A_1513 = arith.shrsi %parallel_loop3A_1509, %parallel_loop3A_1512 : vector<16xi32>
        %parallel_loop3A_1514 = arith.constant 7 : i32
        %parallel_loop3A_1515 = vector.broadcast %parallel_loop3A_1514 : i32 to vector<16xi32>
        %parallel_loop3A_1516 = arith.andi %parallel_loop3A_1509, %parallel_loop3A_1515 : vector<16xi32>
        tpu.vector_store_idx %arg19[%parallel_loop3A_1513, %parallel_loop3A_1516, %add3A_14], %parallel_loop3A_1510 : memref<16x8x128xf32, #tpu.memory_space<vmem>>[vector<16xi32>, vector<16xi32>, vector<16xi32>], vector<16xf32>,
        %parallel_loop3A_1517 = vector.broadcast %parallel_loop3A_1468 : i32 to vector<16xi32>
        %parallel_loop3A_1518 = arith.addi %parallel_loop3A_1517, %add3A_17 : vector<16xi32>
        %parallel_loop3A_1519 = arith.constant 127 : i32
        %parallel_loop3A_1520 = vector.broadcast %parallel_loop3A_1519 : i32 to vector<16xi32>
        %parallel_loop3A_1521 = arith.andi %parallel_loop3A_1518, %parallel_loop3A_1520 : vector<16xi32>
        %parallel_loop3A_1522 = tpu.vector_load_idx %arg17[%add3A_17, %parallel_loop3A_1521] : memref<128x128xf32, #tpu.memory_space<vmem>>[vector<16xi32>, vector<16xi32>], vector<16xf32>,
        %parallel_loop3A_1523 = arith.constant 3 : i32
        %parallel_loop3A_1524 = vector.broadcast %parallel_loop3A_1523 : i32 to vector<16xi32>
        %parallel_loop3A_1525 = arith.shrsi %parallel_loop3A_1521, %parallel_loop3A_1524 : vector<16xi32>
        %parallel_loop3A_1526 = arith.constant 7 : i32
        %parallel_loop3A_1527 = vector.broadcast %parallel_loop3A_1526 : i32 to vector<16xi32>
        %parallel_loop3A_1528 = arith.andi %parallel_loop3A_1521, %parallel_loop3A_1527 : vector<16xi32>
        tpu.vector_store_idx %arg19[%parallel_loop3A_1525, %parallel_loop3A_1528, %add3A_17], %parallel_loop3A_1522 : memref<16x8x128xf32, #tpu.memory_space<vmem>>[vector<16xi32>, vector<16xi32>, vector<16xi32>], vector<16xf32>,
        %parallel_loop3A_1529 = vector.broadcast %parallel_loop3A_1468 : i32 to vector<16xi32>
        %parallel_loop3A_1530 = arith.addi %parallel_loop3A_1529, %add3A_20 : vector<16xi32>
        %parallel_loop3A_1531 = arith.constant 127 : i32
        %parallel_loop3A_1532 = vector.broadcast %parallel_loop3A_1531 : i32 to vector<16xi32>
        %parallel_loop3A_1533 = arith.andi %parallel_loop3A_1530, %parallel_loop3A_1532 : vector<16xi32>
        %parallel_loop3A_1534 = tpu.vector_load_idx %arg17[%add3A_20, %parallel_loop3A_1533] : memref<128x128xf32, #tpu.memory_space<vmem>>[vector<16xi32>, vector<16xi32>], vector<16xf32>,
        %parallel_loop3A_1535 = arith.constant 3 : i32
        %parallel_loop3A_1536 = vector.broadcast %parallel_loop3A_1535 : i32 to vector<16xi32>
        %parallel_loop3A_1537 = arith.shrsi %parallel_loop3A_1533, %parallel_loop3A_1536 : vector<16xi32>
        %parallel_loop3A_1538 = arith.constant 7 : i32
        %parallel_loop3A_1539 = vector.broadcast %parallel_loop3A_1538 : i32 to vector<16xi32>
        %parallel_loop3A_1540 = arith.andi %parallel_loop3A_1533, %parallel_loop3A_1539 : vector<16xi32>
        tpu.vector_store_idx %arg19[%parallel_loop3A_1537, %parallel_loop3A_1540, %add3A_20], %parallel_loop3A_1534 : memref<16x8x128xf32, #tpu.memory_space<vmem>>[vector<16xi32>, vector<16xi32>, vector<16xi32>], vector<16xf32>,
        %parallel_loop3A_1541 = vector.broadcast %parallel_loop3A_1468 : i32 to vector<16xi32>
        %parallel_loop3A_1542 = arith.addi %parallel_loop3A_1541, %add3A_23 : vector<16xi32>
        %parallel_loop3A_1543 = arith.constant 127 : i32
        %parallel_loop3A_1544 = vector.broadcast %parallel_loop3A_1543 : i32 to vector<16xi32>
        %parallel_loop3A_1545 = arith.andi %parallel_loop3A_1542, %parallel_loop3A_1544 : vector<16xi32>
        %parallel_loop3A_1546 = tpu.vector_load_idx %arg17[%add3A_23, %parallel_loop3A_1545] : memref<128x128xf32, #tpu.memory_space<vmem>>[vector<16xi32>, vector<16xi32>], vector<16xf32>,
        %parallel_loop3A_1547 = arith.constant 3 : i32
        %parallel_loop3A_1548 = vector.broadcast %parallel_loop3A_1547 : i32 to vector<16xi32>
        %parallel_loop3A_1549 = arith.shrsi %parallel_loop3A_1545, %parallel_loop3A_1548 : vector<16xi32>
        %parallel_loop3A_1550 = arith.constant 7 : i32
        %parallel_loop3A_1551 = vector.broadcast %parallel_loop3A_1550 : i32 to vector<16xi32>
        %parallel_loop3A_1552 = arith.andi %parallel_loop3A_1545, %parallel_loop3A_1551 : vector<16xi32>
        tpu.vector_store_idx %arg19[%parallel_loop3A_1549, %parallel_loop3A_1552, %add3A_23], %parallel_loop3A_1546 : memref<16x8x128xf32, #tpu.memory_space<vmem>>[vector<16xi32>, vector<16xi32>, vector<16xi32>], vector<16xf32>,
        %parallel_loop3A_1553 = vector.broadcast %parallel_loop3A_1468 : i32 to vector<16xi32>
        %parallel_loop3A_1554 = arith.addi %parallel_loop3A_1553, %add3A_26 : vector<16xi32>
        %parallel_loop3A_1555 = arith.constant 127 : i32
        %parallel_loop3A_1556 = vector.broadcast %parallel_loop3A_1555 : i32 to vector<16xi32>
        %parallel_loop3A_1557 = arith.andi %parallel_loop3A_1554, %parallel_loop3A_1556 : vector<16xi32>
        %parallel_loop3A_1558 = tpu.vector_load_idx %arg17[%add3A_26, %parallel_loop3A_1557] : memref<128x128xf32, #tpu.memory_space<vmem>>[vector<16xi32>, vector<16xi32>], vector<16xf32>,
        %parallel_loop3A_1559 = arith.constant 3 : i32
        %parallel_loop3A_1560 = vector.broadcast %parallel_loop3A_1559 : i32 to vector<16xi32>
        %parallel_loop3A_1561 = arith.shrsi %parallel_loop3A_1557, %parallel_loop3A_1560 : vector<16xi32>
        %parallel_loop3A_1562 = arith.constant 7 : i32
        %parallel_loop3A_1563 = vector.broadcast %parallel_loop3A_1562 : i32 to vector<16xi32>
        %parallel_loop3A_1564 = arith.andi %parallel_loop3A_1557, %parallel_loop3A_1563 : vector<16xi32>
        tpu.vector_store_idx %arg19[%parallel_loop3A_1561, %parallel_loop3A_1564, %add3A_26], %parallel_loop3A_1558 : memref<16x8x128xf32, #tpu.memory_space<vmem>>[vector<16xi32>, vector<16xi32>, vector<16xi32>], vector<16xf32>,
      } {sc.loop_unroll_factor = 4 : i64, sc.parallel_access}
      %mul3A_1371 = arith.constant 100 : i32
      %mul3A_1372 = arith.muli %add3A, %mul3A_1371 : i32
      %add3A_1373 = arith.addi %mul3A_1372, %add3A_1107 : i32
      %jit3A_1374 = arith.constant 64 : i32
      %div3A_1375 = arith.divsi %add3A_1373, %jit3A_1374 : i32
      %sign3A_1376 = arith.constant 0 : i32
      %sign3A_1377 = arith.cmpi sgt, %add3A_1373, %sign3A_1376 : i32
      %sign3A_1378 = arith.extui %sign3A_1377 : i1 to i32
      %sign3A_1379 = arith.constant 0 : i32
      %sign3A_1380 = arith.cmpi slt, %add3A_1373, %sign3A_1379 : i32
      %sign3A_1381 = arith.extui %sign3A_1380 : i1 to i32
      %sign3A_1382 = arith.subi %sign3A_1378, %sign3A_1381 : i32
      %sign3A_1383 = arith.constant 0 : i32
      %sign3A_1384 = arith.cmpi sgt, %jit3A_1374, %sign3A_1383 : i32
      %sign3A_1385 = arith.extui %sign3A_1384 : i1 to i32
      %sign3A_1386 = arith.constant 0 : i32
      %sign3A_1387 = arith.cmpi slt, %jit3A_1374, %sign3A_1386 : i32
      %sign3A_1388 = arith.extui %sign3A_1387 : i1 to i32
      %sign3A_1389 = arith.subi %sign3A_1385, %sign3A_1388 : i32
      %ne3A_1390 = arith.cmpi ne, %sign3A_1382, %sign3A_1389 : i32
      %rem3A_1391 = arith.remsi %add3A_1373, %jit3A_1374 : i32
      %ne3A_1392 = arith.constant 0 : i32
      %ne3A_1393 = arith.cmpi ne, %rem3A_1391, %ne3A_1392 : i32
      %and3A_1394 = arith.andi %ne3A_1390, %ne3A_1393 : i1
      %sub3A_1395 = arith.constant 1 : i32
      %sub3A_1396 = arith.subi %div3A_1375, %sub3A_1395 : i32
      %select_n3A_1397 = arith.select %and3A_1394, %sub3A_1396, %div3A_1375 : i32
      %jit3A_1398 = arith.constant 8 : i32
      %div3A_1399 = arith.divsi %add3A_1373, %jit3A_1398 : i32
      %sign3A_1400 = arith.constant 0 : i32
      %sign3A_1401 = arith.cmpi sgt, %add3A_1373, %sign3A_1400 : i32
      %sign3A_1402 = arith.extui %sign3A_1401 : i1 to i32
      %sign3A_1403 = arith.constant 0 : i32
      %sign3A_1404 = arith.cmpi slt, %add3A_1373, %sign3A_1403 : i32
      %sign3A_1405 = arith.extui %sign3A_1404 : i1 to i32
      %sign3A_1406 = arith.subi %sign3A_1402, %sign3A_1405 : i32
      %sign3A_1407 = arith.constant 0 : i32
      %sign3A_1408 = arith.cmpi sgt, %jit3A_1398, %sign3A_1407 : i32
      %sign3A_1409 = arith.extui %sign3A_1408 : i1 to i32
      %sign3A_1410 = arith.constant 0 : i32
      %sign3A_1411 = arith.cmpi slt, %jit3A_1398, %sign3A_1410 : i32
      %sign3A_1412 = arith.extui %sign3A_1411 : i1 to i32
      %sign3A_1413 = arith.subi %sign3A_1409, %sign3A_1412 : i32
      %ne3A_1414 = arith.cmpi ne, %sign3A_1406, %sign3A_1413 : i32
      %rem3A_1415 = arith.remsi %add3A_1373, %jit3A_1398 : i32
      %ne3A_1416 = arith.constant 0 : i32
      %ne3A_1417 = arith.cmpi ne, %rem3A_1415, %ne3A_1416 : i32
      %and3A_1418 = arith.andi %ne3A_1414, %ne3A_1417 : i1
      %sub3A_1419 = arith.constant 1 : i32
      %sub3A_1420 = arith.subi %div3A_1399, %sub3A_1419 : i32
      %select_n3A_1421 = arith.select %and3A_1418, %sub3A_1420, %div3A_1399 : i32
      %jit3A_1422 = arith.constant 8 : i32
      %eq3A_1423 = arith.constant 0 : i32
      %eq3A_1424 = arith.cmpi eq, %jit3A_1422, %eq3A_1423 : i32
      %jit3A_1425 = arith.constant 1 : i32
      %select_n3A_1426 = arith.select %eq3A_1424, %jit3A_1425, %jit3A_1422 : i32
      %rem3A_1427 = arith.remsi %select_n3A_1421, %select_n3A_1426 : i32
      %ne3A_1428 = arith.constant 0 : i32
      %ne3A_1429 = arith.cmpi ne, %rem3A_1427, %ne3A_1428 : i32
      %lt3A_1430 = arith.constant 0 : i32
      %lt3A_1431 = arith.cmpi slt, %rem3A_1427, %lt3A_1430 : i32
      %lt3A_1432 = arith.constant 0 : i32
      %lt3A_1433 = arith.cmpi slt, %select_n3A_1426, %lt3A_1432 : i32
      %ne3A_1434 = arith.xori %lt3A_1431, %lt3A_1433 : i1
      %and3A_1435 = arith.andi %ne3A_1434, %ne3A_1429 : i1
      %add3A_1436 = arith.addi %rem3A_1427, %select_n3A_1426 : i32
      %select_n3A_1437 = arith.select %and3A_1435, %add3A_1436, %rem3A_1427 : i32
      %jit3A_1438 = arith.constant 8 : i32
      %eq3A_1439 = arith.constant 0 : i32
      %eq3A_1440 = arith.cmpi eq, %jit3A_1438, %eq3A_1439 : i32
      %jit3A_1441 = arith.constant 1 : i32
      %select_n3A_1442 = arith.select %eq3A_1440, %jit3A_1441, %jit3A_1438 : i32
      %rem3A_1443 = arith.remsi %add3A_1373, %select_n3A_1442 : i32
      %ne3A_1444 = arith.constant 0 : i32
      %ne3A_1445 = arith.cmpi ne, %rem3A_1443, %ne3A_1444 : i32
      %lt3A_1446 = arith.constant 0 : i32
      %lt3A_1447 = arith.cmpi slt, %rem3A_1443, %lt3A_1446 : i32
      %lt3A_1448 = arith.constant 0 : i32
      %lt3A_1449 = arith.cmpi slt, %select_n3A_1442, %lt3A_1448 : i32
      %ne3A_1450 = arith.xori %lt3A_1447, %lt3A_1449 : i1
      %and3A_1451 = arith.andi %ne3A_1450, %ne3A_1445 : i1
      %add3A_1452 = arith.addi %rem3A_1443, %select_n3A_1442 : i32
      %select_n3A_1453 = arith.select %and3A_1451, %add3A_1452, %rem3A_1443 : i32
      %mul3A_1454 = arith.constant 16 : i32
      %mul3A_1455 = arith.muli %select_n3A_1453, %mul3A_1454 : i32
      %mul3A_1456 = arith.constant 16 : i32
      %mul3A_1457 = arith.muli %select_n3A_1453, %mul3A_1456 : i32
      %lt3A_1458 = arith.constant 7 : i32
      %lt3A_1459 = arith.cmpi slt, %select_n3A_1453, %lt3A_1458 : i32
      %convert_element_type3A_1460 = arith.extui %lt3A_1459 : i1 to i32
      %cond3A_1461 = arith.constant 0 : i32
      %cond3A_1462 = arith.cmpi ne, %convert_element_type3A_1460, %cond3A_1461 : i32
      scf.if %cond3A_1462 {
        %dma_start3A_1468 = arith.constant 0 : i32
        %dma_start3A_1469 = arith.constant 0 : i32
        %dma_start3A_1470 = tpu.memref_slice %arg7[%select_n3A_1397, %mul3A_1455, %select_n3A_1437, %dma_start3A_1468, %dma_start3A_1469] : memref<50x125x8x8x128xf32, #tpu.memory_space<hbm>> -> memref<1x16x1x8x128xf32, #tpu.memory_space<hbm>>
        %dma_start3A_1471 = tpu.memref_squeeze %dma_start3A_1470 : memref<1x16x1x8x128xf32, #tpu.memory_space<hbm>> -> memref<16x8x128xf32, #tpu.memory_space<hbm>>
        %dma_start3A_1472 = arith.constant 0 : i32
        %dma_start3A_1473 = arith.constant 0 : i32
        %dma_start3A_1474 = tpu.memref_slice %arg7[%select_n3A_1397, %mul3A_1455, %select_n3A_1437, %dma_start3A_1472, %dma_start3A_1473] : memref<50x125x8x8x128xf32, #tpu.memory_space<hbm>> -> memref<1x16x1x8x128xf32, #tpu.memory_space<hbm>>
        %dma_start3A_1475 = tpu.memref_squeeze %dma_start3A_1474 : memref<1x16x1x8x128xf32, #tpu.memory_space<hbm>> -> memref<16x8x128xf32, #tpu.memory_space<hbm>>
        tpu.enqueue_dma source(%arg19 : memref<16x8x128xf32, #tpu.memory_space<vmem>>) target(%dma_start3A_1475 : memref<16x8x128xf32, #tpu.memory_space<hbm>>) target_semaphore(%arg25 : memref<!tpu.dma_semaphore, #tpu.memory_space<semaphore_mem>>)
      } else {
      }
      %eq3A_1463 = arith.constant 7 : i32
      %eq3A_1464 = arith.cmpi eq, %select_n3A_1453, %eq3A_1463 : i32
      %convert_element_type3A_1465 = arith.extui %eq3A_1464 : i1 to i32
      %cond3A_1466 = arith.constant 0 : i32
      %cond3A_1467 = arith.cmpi ne, %convert_element_type3A_1465, %cond3A_1466 : i32
      scf.if %cond3A_1467 {
        %dma_start3A_1468 = arith.constant 0 : i32
        %dma_start3A_1469 = arith.constant 0 : i32
        %dma_start3A_1470 = arith.constant 0 : i32
        %dma_start3A_1471 = tpu.memref_slice %arg19[%dma_start3A_1468, %dma_start3A_1469, %dma_start3A_1470] : memref<16x8x128xf32, #tpu.memory_space<vmem>> -> memref<13x8x128xf32, #tpu.memory_space<vmem>>
        %dma_start3A_1472 = arith.constant 0 : i32
        %dma_start3A_1473 = arith.constant 0 : i32
        %dma_start3A_1474 = tpu.memref_slice %arg7[%select_n3A_1397, %mul3A_1457, %select_n3A_1437, %dma_start3A_1472, %dma_start3A_1473] : memref<50x125x8x8x128xf32, #tpu.memory_space<hbm>> -> memref<1x13x1x8x128xf32, #tpu.memory_space<hbm>>
        %dma_start3A_1475 = tpu.memref_squeeze %dma_start3A_1474 : memref<1x13x1x8x128xf32, #tpu.memory_space<hbm>> -> memref<13x8x128xf32, #tpu.memory_space<hbm>>
        %dma_start3A_1476 = arith.constant 0 : i32
        %dma_start3A_1477 = arith.constant 0 : i32
        %dma_start3A_1478 = tpu.memref_slice %arg7[%select_n3A_1397, %mul3A_1457, %select_n3A_1437, %dma_start3A_1476, %dma_start3A_1477] : memref<50x125x8x8x128xf32, #tpu.memory_space<hbm>> -> memref<1x13x1x8x128xf32, #tpu.memory_space<hbm>>
        %dma_start3A_1479 = tpu.memref_squeeze %dma_start3A_1478 : memref<1x13x1x8x128xf32, #tpu.memory_space<hbm>> -> memref<13x8x128xf32, #tpu.memory_space<hbm>>
        %dma_start3A_1480 = arith.constant 0 : i32
        %dma_start3A_1481 = arith.constant 0 : i32
        %dma_start3A_1482 = arith.constant 0 : i32
        %dma_start3A_1483 = tpu.memref_slice %arg19[%dma_start3A_1480, %dma_start3A_1481, %dma_start3A_1482] : memref<16x8x128xf32, #tpu.memory_space<vmem>> -> memref<13x8x128xf32, #tpu.memory_space<vmem>>
        tpu.enqueue_dma source(%dma_start3A_1483 : memref<13x8x128xf32, #tpu.memory_space<vmem>>) target(%dma_start3A_1479 : memref<13x8x128xf32, #tpu.memory_space<hbm>>) target_semaphore(%arg25 : memref<!tpu.dma_semaphore, #tpu.memory_space<semaphore_mem>>)
      } else {
      }
      scf.yield %add3A_1352 : vector<16xf32>
    }
    %scan3A_545 = arith.constant 50 : i32
    %mul3A_546 = arith.constant 100 : i32
    %mul3A_547 = arith.muli %add3A, %mul3A_546 : i32
    %add3A_548 = arith.constant 98 : i32
    %add3A_549 = arith.addi %mul3A_547, %add3A_548 : i32
    %jit3A_550 = arith.constant 64 : i32
    %div3A_551 = arith.divsi %add3A_549, %jit3A_550 : i32
    %sign3A_552 = arith.constant 0 : i32
    %sign3A_553 = arith.cmpi sgt, %add3A_549, %sign3A_552 : i32
    %sign3A_554 = arith.extui %sign3A_553 : i1 to i32
    %sign3A_555 = arith.constant 0 : i32
    %sign3A_556 = arith.cmpi slt, %add3A_549, %sign3A_555 : i32
    %sign3A_557 = arith.extui %sign3A_556 : i1 to i32
    %sign3A_558 = arith.subi %sign3A_554, %sign3A_557 : i32
    %sign3A_559 = arith.constant 0 : i32
    %sign3A_560 = arith.cmpi sgt, %jit3A_550, %sign3A_559 : i32
    %sign3A_561 = arith.extui %sign3A_560 : i1 to i32
    %sign3A_562 = arith.constant 0 : i32
    %sign3A_563 = arith.cmpi slt, %jit3A_550, %sign3A_562 : i32
    %sign3A_564 = arith.extui %sign3A_563 : i1 to i32
    %sign3A_565 = arith.subi %sign3A_561, %sign3A_564 : i32
    %ne3A_566 = arith.cmpi ne, %sign3A_558, %sign3A_565 : i32
    %rem3A_567 = arith.remsi %add3A_549, %jit3A_550 : i32
    %ne3A_568 = arith.constant 0 : i32
    %ne3A_569 = arith.cmpi ne, %rem3A_567, %ne3A_568 : i32
    %and3A_570 = arith.andi %ne3A_566, %ne3A_569 : i1
    %sub3A_571 = arith.constant 1 : i32
    %sub3A_572 = arith.subi %div3A_551, %sub3A_571 : i32
    %select_n3A_573 = arith.select %and3A_570, %sub3A_572, %div3A_551 : i32
    %jit3A_574 = arith.constant 8 : i32
    %div3A_575 = arith.divsi %add3A_549, %jit3A_574 : i32
    %sign3A_576 = arith.constant 0 : i32
    %sign3A_577 = arith.cmpi sgt, %add3A_549, %sign3A_576 : i32
    %sign3A_578 = arith.extui %sign3A_577 : i1 to i32
    %sign3A_579 = arith.constant 0 : i32
    %sign3A_580 = arith.cmpi slt, %add3A_549, %sign3A_579 : i32
    %sign3A_581 = arith.extui %sign3A_580 : i1 to i32
    %sign3A_582 = arith.subi %sign3A_578, %sign3A_581 : i32
    %sign3A_583 = arith.constant 0 : i32
    %sign3A_584 = arith.cmpi sgt, %jit3A_574, %sign3A_583 : i32
    %sign3A_585 = arith.extui %sign3A_584 : i1 to i32
    %sign3A_586 = arith.constant 0 : i32
    %sign3A_587 = arith.cmpi slt, %jit3A_574, %sign3A_586 : i32
    %sign3A_588 = arith.extui %sign3A_587 : i1 to i32
    %sign3A_589 = arith.subi %sign3A_585, %sign3A_588 : i32
    %ne3A_590 = arith.cmpi ne, %sign3A_582, %sign3A_589 : i32
    %rem3A_591 = arith.remsi %add3A_549, %jit3A_574 : i32
    %ne3A_592 = arith.constant 0 : i32
    %ne3A_593 = arith.cmpi ne, %rem3A_591, %ne3A_592 : i32
    %and3A_594 = arith.andi %ne3A_590, %ne3A_593 : i1
    %sub3A_595 = arith.constant 1 : i32
    %sub3A_596 = arith.subi %div3A_575, %sub3A_595 : i32
    %select_n3A_597 = arith.select %and3A_594, %sub3A_596, %div3A_575 : i32
    %jit3A_598 = arith.constant 8 : i32
    %eq3A_599 = arith.constant 0 : i32
    %eq3A_600 = arith.cmpi eq, %jit3A_598, %eq3A_599 : i32
    %jit3A_601 = arith.constant 1 : i32
    %select_n3A_602 = arith.select %eq3A_600, %jit3A_601, %jit3A_598 : i32
    %rem3A_603 = arith.remsi %select_n3A_597, %select_n3A_602 : i32
    %ne3A_604 = arith.constant 0 : i32
    %ne3A_605 = arith.cmpi ne, %rem3A_603, %ne3A_604 : i32
    %lt3A_606 = arith.constant 0 : i32
    %lt3A_607 = arith.cmpi slt, %rem3A_603, %lt3A_606 : i32
    %lt3A_608 = arith.constant 0 : i32
    %lt3A_609 = arith.cmpi slt, %select_n3A_602, %lt3A_608 : i32
    %ne3A_610 = arith.xori %lt3A_607, %lt3A_609 : i1
    %and3A_611 = arith.andi %ne3A_610, %ne3A_605 : i1
    %add3A_612 = arith.addi %rem3A_603, %select_n3A_602 : i32
    %select_n3A_613 = arith.select %and3A_611, %add3A_612, %rem3A_603 : i32
    %jit3A_614 = arith.constant 8 : i32
    %eq3A_615 = arith.constant 0 : i32
    %eq3A_616 = arith.cmpi eq, %jit3A_614, %eq3A_615 : i32
    %jit3A_617 = arith.constant 1 : i32
    %select_n3A_618 = arith.select %eq3A_616, %jit3A_617, %jit3A_614 : i32
    %rem3A_619 = arith.remsi %add3A_549, %select_n3A_618 : i32
    %ne3A_620 = arith.constant 0 : i32
    %ne3A_621 = arith.cmpi ne, %rem3A_619, %ne3A_620 : i32
    %lt3A_622 = arith.constant 0 : i32
    %lt3A_623 = arith.cmpi slt, %rem3A_619, %lt3A_622 : i32
    %lt3A_624 = arith.constant 0 : i32
    %lt3A_625 = arith.cmpi slt, %select_n3A_618, %lt3A_624 : i32
    %ne3A_626 = arith.xori %lt3A_623, %lt3A_625 : i1
    %and3A_627 = arith.andi %ne3A_626, %ne3A_621 : i1
    %add3A_628 = arith.addi %rem3A_619, %select_n3A_618 : i32
    %select_n3A_629 = arith.select %and3A_627, %add3A_628, %rem3A_619 : i32
    %mul3A_630 = arith.constant 16 : i32
    %mul3A_631 = arith.muli %select_n3A_629, %mul3A_630 : i32
    %mul3A_632 = arith.constant 16 : i32
    %mul3A_633 = arith.muli %select_n3A_629, %mul3A_632 : i32
    %lt3A_634 = arith.constant 7 : i32
    %lt3A_635 = arith.cmpi slt, %select_n3A_629, %lt3A_634 : i32
    %convert_element_type3A_636 = arith.extui %lt3A_635 : i1 to i32
    %cond3A_637 = arith.constant 0 : i32
    %cond3A_638 = arith.cmpi ne, %convert_element_type3A_636, %cond3A_637 : i32
    scf.if %cond3A_638 {
      %dma_wait3A_744 = arith.constant 0 : i32
      %dma_wait3A_745 = arith.constant 0 : i32
      %dma_wait3A_746 = tpu.memref_slice %arg7[%select_n3A_573, %mul3A_631, %select_n3A_613, %dma_wait3A_744, %dma_wait3A_745] : memref<50x125x8x8x128xf32, #tpu.memory_space<hbm>> -> memref<1x16x1x8x128xf32, #tpu.memory_space<hbm>>
      %dma_wait3A_747 = tpu.memref_squeeze %dma_wait3A_746 : memref<1x16x1x8x128xf32, #tpu.memory_space<hbm>> -> memref<16x8x128xf32, #tpu.memory_space<hbm>>
      %dma_wait3A_748 = arith.constant 0 : i32
      %dma_wait3A_749 = arith.constant 0 : i32
      %dma_wait3A_750 = tpu.memref_slice %arg7[%select_n3A_573, %mul3A_631, %select_n3A_613, %dma_wait3A_748, %dma_wait3A_749] : memref<50x125x8x8x128xf32, #tpu.memory_space<hbm>> -> memref<1x16x1x8x128xf32, #tpu.memory_space<hbm>>
      %dma_wait3A_751 = tpu.memref_squeeze %dma_wait3A_750 : memref<1x16x1x8x128xf32, #tpu.memory_space<hbm>> -> memref<16x8x128xf32, #tpu.memory_space<hbm>>
      tpu.wait_dma2 semaphore(%arg24 : memref<!tpu.dma_semaphore, #tpu.memory_space<semaphore_mem>>) src(%arg18 : memref<16x8x128xf32, #tpu.memory_space<vmem>>) dst(%dma_wait3A_751 : memref<16x8x128xf32, #tpu.memory_space<hbm>>)
    } else {
    }
    %eq3A_639 = arith.constant 7 : i32
    %eq3A_640 = arith.cmpi eq, %select_n3A_629, %eq3A_639 : i32
    %convert_element_type3A_641 = arith.extui %eq3A_640 : i1 to i32
    %cond3A_642 = arith.constant 0 : i32
    %cond3A_643 = arith.cmpi ne, %convert_element_type3A_641, %cond3A_642 : i32
    scf.if %cond3A_643 {
      %dma_wait3A_744 = arith.constant 0 : i32
      %dma_wait3A_745 = arith.constant 0 : i32
      %dma_wait3A_746 = arith.constant 0 : i32
      %dma_wait3A_747 = tpu.memref_slice %arg18[%dma_wait3A_744, %dma_wait3A_745, %dma_wait3A_746] : memref<16x8x128xf32, #tpu.memory_space<vmem>> -> memref<13x8x128xf32, #tpu.memory_space<vmem>>
      %dma_wait3A_748 = arith.constant 0 : i32
      %dma_wait3A_749 = arith.constant 0 : i32
      %dma_wait3A_750 = tpu.memref_slice %arg7[%select_n3A_573, %mul3A_633, %select_n3A_613, %dma_wait3A_748, %dma_wait3A_749] : memref<50x125x8x8x128xf32, #tpu.memory_space<hbm>> -> memref<1x13x1x8x128xf32, #tpu.memory_space<hbm>>
      %dma_wait3A_751 = tpu.memref_squeeze %dma_wait3A_750 : memref<1x13x1x8x128xf32, #tpu.memory_space<hbm>> -> memref<13x8x128xf32, #tpu.memory_space<hbm>>
      %dma_wait3A_752 = arith.constant 0 : i32
      %dma_wait3A_753 = arith.constant 0 : i32
      %dma_wait3A_754 = tpu.memref_slice %arg7[%select_n3A_573, %mul3A_633, %select_n3A_613, %dma_wait3A_752, %dma_wait3A_753] : memref<50x125x8x8x128xf32, #tpu.memory_space<hbm>> -> memref<1x13x1x8x128xf32, #tpu.memory_space<hbm>>
      %dma_wait3A_755 = tpu.memref_squeeze %dma_wait3A_754 : memref<1x13x1x8x128xf32, #tpu.memory_space<hbm>> -> memref<13x8x128xf32, #tpu.memory_space<hbm>>
      %dma_wait3A_756 = arith.constant 0 : i32
      %dma_wait3A_757 = arith.constant 0 : i32
      %dma_wait3A_758 = arith.constant 0 : i32
      %dma_wait3A_759 = tpu.memref_slice %arg18[%dma_wait3A_756, %dma_wait3A_757, %dma_wait3A_758] : memref<16x8x128xf32, #tpu.memory_space<vmem>> -> memref<13x8x128xf32, #tpu.memory_space<vmem>>
      tpu.wait_dma2 semaphore(%arg24 : memref<!tpu.dma_semaphore, #tpu.memory_space<semaphore_mem>>) src(%dma_wait3A_759 : memref<13x8x128xf32, #tpu.memory_space<vmem>>) dst(%dma_wait3A_755 : memref<13x8x128xf32, #tpu.memory_space<hbm>>)
    } else {
    }
    %mul3A_644 = arith.constant 100 : i32
    %mul3A_645 = arith.muli %add3A, %mul3A_644 : i32
    %add3A_646 = arith.constant 99 : i32
    %add3A_647 = arith.addi %mul3A_645, %add3A_646 : i32
    %jit3A_648 = arith.constant 64 : i32
    %div3A_649 = arith.divsi %add3A_647, %jit3A_648 : i32
    %sign3A_650 = arith.constant 0 : i32
    %sign3A_651 = arith.cmpi sgt, %add3A_647, %sign3A_650 : i32
    %sign3A_652 = arith.extui %sign3A_651 : i1 to i32
    %sign3A_653 = arith.constant 0 : i32
    %sign3A_654 = arith.cmpi slt, %add3A_647, %sign3A_653 : i32
    %sign3A_655 = arith.extui %sign3A_654 : i1 to i32
    %sign3A_656 = arith.subi %sign3A_652, %sign3A_655 : i32
    %sign3A_657 = arith.constant 0 : i32
    %sign3A_658 = arith.cmpi sgt, %jit3A_648, %sign3A_657 : i32
    %sign3A_659 = arith.extui %sign3A_658 : i1 to i32
    %sign3A_660 = arith.constant 0 : i32
    %sign3A_661 = arith.cmpi slt, %jit3A_648, %sign3A_660 : i32
    %sign3A_662 = arith.extui %sign3A_661 : i1 to i32
    %sign3A_663 = arith.subi %sign3A_659, %sign3A_662 : i32
    %ne3A_664 = arith.cmpi ne, %sign3A_656, %sign3A_663 : i32
    %rem3A_665 = arith.remsi %add3A_647, %jit3A_648 : i32
    %ne3A_666 = arith.constant 0 : i32
    %ne3A_667 = arith.cmpi ne, %rem3A_665, %ne3A_666 : i32
    %and3A_668 = arith.andi %ne3A_664, %ne3A_667 : i1
    %sub3A_669 = arith.constant 1 : i32
    %sub3A_670 = arith.subi %div3A_649, %sub3A_669 : i32
    %select_n3A_671 = arith.select %and3A_668, %sub3A_670, %div3A_649 : i32
    %jit3A_672 = arith.constant 8 : i32
    %div3A_673 = arith.divsi %add3A_647, %jit3A_672 : i32
    %sign3A_674 = arith.constant 0 : i32
    %sign3A_675 = arith.cmpi sgt, %add3A_647, %sign3A_674 : i32
    %sign3A_676 = arith.extui %sign3A_675 : i1 to i32
    %sign3A_677 = arith.constant 0 : i32
    %sign3A_678 = arith.cmpi slt, %add3A_647, %sign3A_677 : i32
    %sign3A_679 = arith.extui %sign3A_678 : i1 to i32
    %sign3A_680 = arith.subi %sign3A_676, %sign3A_679 : i32
    %sign3A_681 = arith.constant 0 : i32
    %sign3A_682 = arith.cmpi sgt, %jit3A_672, %sign3A_681 : i32
    %sign3A_683 = arith.extui %sign3A_682 : i1 to i32
    %sign3A_684 = arith.constant 0 : i32
    %sign3A_685 = arith.cmpi slt, %jit3A_672, %sign3A_684 : i32
    %sign3A_686 = arith.extui %sign3A_685 : i1 to i32
    %sign3A_687 = arith.subi %sign3A_683, %sign3A_686 : i32
    %ne3A_688 = arith.cmpi ne, %sign3A_680, %sign3A_687 : i32
    %rem3A_689 = arith.remsi %add3A_647, %jit3A_672 : i32
    %ne3A_690 = arith.constant 0 : i32
    %ne3A_691 = arith.cmpi ne, %rem3A_689, %ne3A_690 : i32
    %and3A_692 = arith.andi %ne3A_688, %ne3A_691 : i1
    %sub3A_693 = arith.constant 1 : i32
    %sub3A_694 = arith.subi %div3A_673, %sub3A_693 : i32
    %select_n3A_695 = arith.select %and3A_692, %sub3A_694, %div3A_673 : i32
    %jit3A_696 = arith.constant 8 : i32
    %eq3A_697 = arith.constant 0 : i32
    %eq3A_698 = arith.cmpi eq, %jit3A_696, %eq3A_697 : i32
    %jit3A_699 = arith.constant 1 : i32
    %select_n3A_700 = arith.select %eq3A_698, %jit3A_699, %jit3A_696 : i32
    %rem3A_701 = arith.remsi %select_n3A_695, %select_n3A_700 : i32
    %ne3A_702 = arith.constant 0 : i32
    %ne3A_703 = arith.cmpi ne, %rem3A_701, %ne3A_702 : i32
    %lt3A_704 = arith.constant 0 : i32
    %lt3A_705 = arith.cmpi slt, %rem3A_701, %lt3A_704 : i32
    %lt3A_706 = arith.constant 0 : i32
    %lt3A_707 = arith.cmpi slt, %select_n3A_700, %lt3A_706 : i32
    %ne3A_708 = arith.xori %lt3A_705, %lt3A_707 : i1
    %and3A_709 = arith.andi %ne3A_708, %ne3A_703 : i1
    %add3A_710 = arith.addi %rem3A_701, %select_n3A_700 : i32
    %select_n3A_711 = arith.select %and3A_709, %add3A_710, %rem3A_701 : i32
    %jit3A_712 = arith.constant 8 : i32
    %eq3A_713 = arith.constant 0 : i32
    %eq3A_714 = arith.cmpi eq, %jit3A_712, %eq3A_713 : i32
    %jit3A_715 = arith.constant 1 : i32
    %select_n3A_716 = arith.select %eq3A_714, %jit3A_715, %jit3A_712 : i32
    %rem3A_717 = arith.remsi %add3A_647, %select_n3A_716 : i32
    %ne3A_718 = arith.constant 0 : i32
    %ne3A_719 = arith.cmpi ne, %rem3A_717, %ne3A_718 : i32
    %lt3A_720 = arith.constant 0 : i32
    %lt3A_721 = arith.cmpi slt, %rem3A_717, %lt3A_720 : i32
    %lt3A_722 = arith.constant 0 : i32
    %lt3A_723 = arith.cmpi slt, %select_n3A_716, %lt3A_722 : i32
    %ne3A_724 = arith.xori %lt3A_721, %lt3A_723 : i1
    %and3A_725 = arith.andi %ne3A_724, %ne3A_719 : i1
    %add3A_726 = arith.addi %rem3A_717, %select_n3A_716 : i32
    %select_n3A_727 = arith.select %and3A_725, %add3A_726, %rem3A_717 : i32
    %mul3A_728 = arith.constant 16 : i32
    %mul3A_729 = arith.muli %select_n3A_727, %mul3A_728 : i32
    %mul3A_730 = arith.constant 16 : i32
    %mul3A_731 = arith.muli %select_n3A_727, %mul3A_730 : i32
    %lt3A_732 = arith.constant 7 : i32
    %lt3A_733 = arith.cmpi slt, %select_n3A_727, %lt3A_732 : i32
    %convert_element_type3A_734 = arith.extui %lt3A_733 : i1 to i32
    %cond3A_735 = arith.constant 0 : i32
    %cond3A_736 = arith.cmpi ne, %convert_element_type3A_734, %cond3A_735 : i32
    scf.if %cond3A_736 {
      %dma_wait3A_744 = arith.constant 0 : i32
      %dma_wait3A_745 = arith.constant 0 : i32
      %dma_wait3A_746 = tpu.memref_slice %arg7[%select_n3A_671, %mul3A_729, %select_n3A_711, %dma_wait3A_744, %dma_wait3A_745] : memref<50x125x8x8x128xf32, #tpu.memory_space<hbm>> -> memref<1x16x1x8x128xf32, #tpu.memory_space<hbm>>
      %dma_wait3A_747 = tpu.memref_squeeze %dma_wait3A_746 : memref<1x16x1x8x128xf32, #tpu.memory_space<hbm>> -> memref<16x8x128xf32, #tpu.memory_space<hbm>>
      %dma_wait3A_748 = arith.constant 0 : i32
      %dma_wait3A_749 = arith.constant 0 : i32
      %dma_wait3A_750 = tpu.memref_slice %arg7[%select_n3A_671, %mul3A_729, %select_n3A_711, %dma_wait3A_748, %dma_wait3A_749] : memref<50x125x8x8x128xf32, #tpu.memory_space<hbm>> -> memref<1x16x1x8x128xf32, #tpu.memory_space<hbm>>
      %dma_wait3A_751 = tpu.memref_squeeze %dma_wait3A_750 : memref<1x16x1x8x128xf32, #tpu.memory_space<hbm>> -> memref<16x8x128xf32, #tpu.memory_space<hbm>>
      tpu.wait_dma2 semaphore(%arg25 : memref<!tpu.dma_semaphore, #tpu.memory_space<semaphore_mem>>) src(%arg19 : memref<16x8x128xf32, #tpu.memory_space<vmem>>) dst(%dma_wait3A_751 : memref<16x8x128xf32, #tpu.memory_space<hbm>>)
    } else {
    }
    %eq3A_737 = arith.constant 7 : i32
    %eq3A_738 = arith.cmpi eq, %select_n3A_727, %eq3A_737 : i32
    %convert_element_type3A_739 = arith.extui %eq3A_738 : i1 to i32
    %cond3A_740 = arith.constant 0 : i32
    %cond3A_741 = arith.cmpi ne, %convert_element_type3A_739, %cond3A_740 : i32
    scf.if %cond3A_741 {
      %dma_wait3A_744 = arith.constant 0 : i32
      %dma_wait3A_745 = arith.constant 0 : i32
      %dma_wait3A_746 = arith.constant 0 : i32
      %dma_wait3A_747 = tpu.memref_slice %arg19[%dma_wait3A_744, %dma_wait3A_745, %dma_wait3A_746] : memref<16x8x128xf32, #tpu.memory_space<vmem>> -> memref<13x8x128xf32, #tpu.memory_space<vmem>>
      %dma_wait3A_748 = arith.constant 0 : i32
      %dma_wait3A_749 = arith.constant 0 : i32
      %dma_wait3A_750 = tpu.memref_slice %arg7[%select_n3A_671, %mul3A_731, %select_n3A_711, %dma_wait3A_748, %dma_wait3A_749] : memref<50x125x8x8x128xf32, #tpu.memory_space<hbm>> -> memref<1x13x1x8x128xf32, #tpu.memory_space<hbm>>
      %dma_wait3A_751 = tpu.memref_squeeze %dma_wait3A_750 : memref<1x13x1x8x128xf32, #tpu.memory_space<hbm>> -> memref<13x8x128xf32, #tpu.memory_space<hbm>>
      %dma_wait3A_752 = arith.constant 0 : i32
      %dma_wait3A_753 = arith.constant 0 : i32
      %dma_wait3A_754 = tpu.memref_slice %arg7[%select_n3A_671, %mul3A_731, %select_n3A_711, %dma_wait3A_752, %dma_wait3A_753] : memref<50x125x8x8x128xf32, #tpu.memory_space<hbm>> -> memref<1x13x1x8x128xf32, #tpu.memory_space<hbm>>
      %dma_wait3A_755 = tpu.memref_squeeze %dma_wait3A_754 : memref<1x13x1x8x128xf32, #tpu.memory_space<hbm>> -> memref<13x8x128xf32, #tpu.memory_space<hbm>>
      %dma_wait3A_756 = arith.constant 0 : i32
      %dma_wait3A_757 = arith.constant 0 : i32
      %dma_wait3A_758 = arith.constant 0 : i32
      %dma_wait3A_759 = tpu.memref_slice %arg19[%dma_wait3A_756, %dma_wait3A_757, %dma_wait3A_758] : memref<16x8x128xf32, #tpu.memory_space<vmem>> -> memref<13x8x128xf32, #tpu.memory_space<vmem>>
      tpu.wait_dma2 semaphore(%arg25 : memref<!tpu.dma_semaphore, #tpu.memory_space<semaphore_mem>>) src(%dma_wait3A_759 : memref<13x8x128xf32, #tpu.memory_space<vmem>>) dst(%dma_wait3A_755 : memref<13x8x128xf32, #tpu.memory_space<hbm>>)
    } else {
    }
    %swap3A_742 = arith.constant 0 : index
    %swap3A_743 = tpu.vector_load %arg20[%swap3A_742] {strides = array<i32>} : memref<16xf32, #tpu.memory_space<vmem>>, vector<16xf32>,
    tpu.vector_store %arg20[%swap3A_742], %scan3A_544 {strides = array<i32>} : memref<16xf32, #tpu.memory_space<vmem>>, vector<16xf32>,
    "tpu.region"() ({
      %run_scoped3A = tpu.sem_alloc : memref<!tpu.dma_semaphore, #tpu.memory_space<semaphore_mem>>
      %dma_start3A_744 = arith.constant 0 : i32
      %dma_start3A_745 = tpu.memref_slice %arg8[%add3A, %dma_start3A_744] : memref<32x16xf32, #tpu.memory_space<hbm>> -> memref<1x16xf32, #tpu.memory_space<hbm>>
      %dma_start3A_746 = tpu.memref_squeeze %dma_start3A_745 : memref<1x16xf32, #tpu.memory_space<hbm>> -> memref<16xf32, #tpu.memory_space<hbm>>
      %dma_start3A_747 = arith.constant 0 : i32
      %dma_start3A_748 = tpu.memref_slice %arg8[%add3A, %dma_start3A_747] : memref<32x16xf32, #tpu.memory_space<hbm>> -> memref<1x16xf32, #tpu.memory_space<hbm>>
      %dma_start3A_749 = tpu.memref_squeeze %dma_start3A_748 : memref<1x16xf32, #tpu.memory_space<hbm>> -> memref<16xf32, #tpu.memory_space<hbm>>
      tpu.enqueue_dma source(%arg20 : memref<16xf32, #tpu.memory_space<vmem>>) target(%dma_start3A_749 : memref<16xf32, #tpu.memory_space<hbm>>) target_semaphore(%run_scoped3A : memref<!tpu.dma_semaphore, #tpu.memory_space<semaphore_mem>>)
      %dma_wait3A_750 = arith.constant 0 : i32
      %dma_wait3A_751 = tpu.memref_slice %arg8[%add3A, %dma_wait3A_750] : memref<32x16xf32, #tpu.memory_space<hbm>> -> memref<1x16xf32, #tpu.memory_space<hbm>>
      %dma_wait3A_752 = tpu.memref_squeeze %dma_wait3A_751 : memref<1x16xf32, #tpu.memory_space<hbm>> -> memref<16xf32, #tpu.memory_space<hbm>>
      %dma_wait3A_753 = arith.constant 0 : i32
      %dma_wait3A_754 = tpu.memref_slice %arg8[%add3A, %dma_wait3A_753] : memref<32x16xf32, #tpu.memory_space<hbm>> -> memref<1x16xf32, #tpu.memory_space<hbm>>
      %dma_wait3A_755 = tpu.memref_squeeze %dma_wait3A_754 : memref<1x16xf32, #tpu.memory_space<hbm>> -> memref<16xf32, #tpu.memory_space<hbm>>
      tpu.wait_dma2 semaphore(%run_scoped3A : memref<!tpu.dma_semaphore, #tpu.memory_space<semaphore_mem>>) src(%arg20 : memref<16xf32, #tpu.memory_space<vmem>>) dst(%dma_wait3A_755 : memref<16xf32, #tpu.memory_space<hbm>>)
      tpu.yield
    }) : () -> ()
    return
  }
}

module attributes {stable_mosaic.version = 14 : i64} {
  func.func @_lse_body(%arg0: i32, %arg1: memref<200x1000xf32, #tpu.memory_space<vmem>>, %arg2: memref<1x1x200xf32, #tpu.memory_space<vmem>>) attributes {dimension_semantics = [#tpu.dimension_semantics<arbitrary>], iteration_bounds = array<i64: 5>, scalar_prefetch = 0 : i64, scratch_operands = 0 : i64, tpu.core_type = #tpu.core_type<tc>, window_params = [{transform_indices = @transform_0, window_bounds = array<i64: 200, 1000>}, {transform_indices = @transform_1, window_bounds = array<i64: 1, 1, 200>}]} {
    %get3A = arith.constant 0 : index
    %get3A_0 = arith.constant 0 : index
    %get3A_1 = vector.load %arg1[%get3A, %get3A_0] : memref<200x1000xf32, #tpu.memory_space<vmem>>, vector<200x1000xf32>
    %reduce_max3A = arith.constant dense<0xFF800000> : vector<200xf32>
    %reduce_max3A_2 = vector.multi_reduction <maximumf>, %get3A_1, %reduce_max3A [1] : vector<200x1000xf32> to vector<200xf32>
    %broadcast_in_dim3A = vector.shape_cast %reduce_max3A_2 : vector<200xf32> to vector<200x1xf32>
    %sub3A = vector.broadcast %broadcast_in_dim3A : vector<200x1xf32> to vector<200x1000xf32>
    %sub3A_3 = arith.subf %get3A_1, %sub3A : vector<200x1000xf32>
    %exp3A = math.exp %sub3A_3 : vector<200x1000xf32>
    %reduce_sum3A = arith.constant dense<0.000000e+00> : vector<200xf32>
    %reduce_sum3A_4 = vector.multi_reduction <add>, %exp3A, %reduce_sum3A [1] : vector<200x1000xf32> to vector<200xf32>
    %log3A = math.log %reduce_sum3A_4 : vector<200xf32>
    %add3A = arith.addf %reduce_max3A_2, %log3A : vector<200xf32>
    %swap3A = arith.constant 0 : index
    %swap3A_5 = arith.constant 0 : index
    %swap3A_6 = arith.constant 0 : index
    %swap3A_7 = vector.load %arg2[%swap3A, %swap3A_5, %swap3A_6] : memref<1x1x200xf32, #tpu.memory_space<vmem>>, vector<1x1x200xf32>
    %swap3A_8 = vector.shape_cast %swap3A_7 : vector<1x1x200xf32> to vector<200xf32>
    %swap3A_9 = vector.shape_cast %add3A : vector<200xf32> to vector<1x1x200xf32>
    tpu.vector_store %arg2[%swap3A, %swap3A_5, %swap3A_6], %swap3A_9 {strides = array<i32>} : memref<1x1x200xf32, #tpu.memory_space<vmem>>, vector<1x1x200xf32>,
    return
  }
  func.func @transform_0(%arg0: i32) -> (i32, i32) {
    %c0_i32 = arith.constant 0 : i32
    %c0_i32_0 = arith.constant 0 : i32
    return %arg0, %c0_i32 : i32, i32
  }
  func.func @transform_1(%arg0: i32) -> (i32, i32, i32) {
    %c0_i32 = arith.constant 0 : i32
    %c0_i32_0 = arith.constant 0 : i32
    %c0_i32_1 = arith.constant 0 : i32
    return %arg0, %c0_i32, %c0_i32_0 : i32, i32, i32
  }
}

module attributes {stable_mosaic.version = 14 : i64} {
  func.func @_combine_body(%arg0: memref<32x16xf32, #tpu.memory_space<vmem>>, %arg1: memref<1x1xf32, #tpu.memory_space<vmem>>) attributes {dimension_semantics = [], scalar_prefetch = 0 : i64, scratch_operands = 0 : i64, tpu.core_type = #tpu.core_type<tc>} {
    %get3A = arith.constant 0 : index
    %get3A_0 = arith.constant 0 : index
    %get3A_1 = vector.load %arg0[%get3A, %get3A_0] : memref<32x16xf32, #tpu.memory_space<vmem>>, vector<32x16xf32>
    %reduce_sum3A = vector.shape_cast %get3A_1 : vector<32x16xf32> to vector<1x32x16xf32>
    %reduce_sum3A_2 = arith.constant dense<0.000000e+00> : vector<1xf32>
    %reduce_sum3A_3 = vector.multi_reduction <add>, %reduce_sum3A, %reduce_sum3A_2 [1, 2] : vector<1x32x16xf32> to vector<1xf32>
    %reduce_sum3A_4 = vector.shape_cast %reduce_sum3A_3 : vector<1xf32> to vector<1x1x1xf32>
    %reduce_sum3A_5 = vector.extract %reduce_sum3A_4[0, 0, 0] : f32 from vector<1x1x1xf32>
    %div3A = arith.constant 5.120000e+04 : f32
    %div3A_6 = arith.divf %reduce_sum3A_5, %div3A : f32
    %reshape3A = vector.broadcast %div3A_6 : f32 to vector<1x1xf32>
    %swap3A = arith.constant 0 : index
    %swap3A_7 = arith.constant 0 : index
    %swap3A_8 = vector.load %arg1[%swap3A, %swap3A_7] : memref<1x1xf32, #tpu.memory_space<vmem>>, vector<1x1xf32>
    tpu.vector_store %arg1[%swap3A, %swap3A_7], %reshape3A {strides = array<i32>} : memref<1x1xf32, #tpu.memory_space<vmem>>, vector<1x1xf32>,
    return
  }
}

</mosaic_0001>

<sc_bundles>
// kernel: kernel.5.cloned.1.call-start
scs
__scs_entry_jumppad:
0x0: {  	(pc) =	sbr.rel $0x88, $3  }
0x1: {  	(tag) =	ssettag $0x0;
	lr =	simm.s32 $0x1  }
0x2: {  	[smem:$0x3F9E] =	sst lr;
	_ =	strace $0xD0000000  }
0x3: {  	_ = 	snop  }
0x4: {  	_ = 	snop  }
0x5: {  	_ = 	snop  }
0x6: {  	_ = 	snop  }
0x7: {  	_ = 	snop  }
__scs_overlays_trampoline_lowered:
0x8: {  	[smem:$0x3FAD] =	sst s0  }
0x9: {  	[smem:$0x3FAE] =	sst s1  }
0xa: {  	[smem:$0x3FAF] =	sst s2  }
0xb: {  	[smem:$0x3FB0] =	sst s3  }
0xc: {  	[smem:$0x3FB1] =	sst s4  }
0xd: {  	[smem:$0x3FB2] =	sst s5  }
0xe: {  	[smem:$0x3FB3] =	sst s6  }
0xf: {  	[smem:$0x3FB4] =	sst s7  }
0x10: {  	[smem:$0x3FB5] =	sst s8  }
0x11: {  	[smem:$0x3FB6] =	sst s9;
	s0 =	simm.s32 @!p0 $0x0  }
0x12: {  	s1 =	sld [smem:$0x3F9C];
	s0 =	simm.s32 @p0 $0x1  }
0x13: {  	[smem:$0x3FB7] =	sst s0;
	s0 =	simm.s32 @!p1 $0x0  }
0x14: {  	s2 =	sld [smem:$0x3F9B];
	s0 =	simm.s32 @p1 $0x1  }
0x15: {  	[smem:$0x3FB8] =	sst s0;
	s0 =	simm.s32 @!p2 $0x0  }
0x16: {  	s3 =	sld [smem:$0x3FDB];
	s0 =	simm.s32 @p2 $0x1  }
0x17: {  	s4 =	simm.s32 $0x1BF5;
	[smem:$0x3FBA] =	sst s0  }
0x18: {  	s0 =	sld [smem:$0x3F9D];
	_ =	swait.ge [sflag:s4], $0x0  }
0x19: {  	s7 =	sld [smem:$0x3F9E]  }
0x1a: {  	s8 =	sadd.s32 $0xFFFFE003, lr  }
0x1b: {  	s9 =	sadd.s32 $0xFFFFFEF7, lr;
	s5 =	simm.s32 $0xFFFFFFFF;
	p2 =	slt.u32 s8, $0xFFFFF086  }
0x1c: {  	p1 =	slt.u32 s9, $0xF7A;
	s5 =	simm.s32 @!p2 $0x0  }
0x1d: {  	s5 =	simm.s32 @p1 $0x1;
	p0 =	seq.s32 s7, s2  }
0x1e: {  	s7 =	smul.u32 @!p0 $0xF7A, s2;
	p2 =	seq.s32 @!p0 s5, $0x0  }
0x1f: {  	s9 =	smul.u32 $0xF7A, s1;
	s8 =	simm.s32 @!p0 $0x1BF5;
	p2 =	por !p2, p0  }
0x20: {  	[sflag:s8] =	ssyncset.s32 @!p0 $0xFFFFF086;
	s6 =	sadd.s32 @!p0 s3, s7;
	s7 =	simm.s32 @!p0 $0x108  }
0x21: {  	s3 =	sadd.s32 s3, s9;
	s6 =	sadd.s32 @!p0 $0x88, s6;
	s7 =	simm.s32 @p2 $0x1082  }
0x22: {  	[simem:s7], [sflag:s8] =	dma.local @!p0 [hbm:s6], $0xF7A  }
0x23: {  	s9 =	sor.u32 $0xD0000000, s2;
	s6 =	simm.s32 $0x108;
	_ =	swait.ge @!p0 [sflag:s8], $0x0  }
0x24: {  	s3 =	sadd.s32 $0x88, s3;
	s6 =	simm.s32 @!p1 $0x1082;
	[sflag:s4] =	ssyncset.s32 $0xFFFFF086  }
0x25: {  	[simem:s6], [sflag:s4] =	dma.local [hbm:s3], $0xF7A  }
0x26: {  	[smem:$0x3F9E] =	sst s1;
	(tag) =	ssettag s2;
	_ =	strace s9  }
0x27: {  	s1 =	sld [smem:$0x3FAE]  }
0x28: {  	s2 =	sld [smem:$0x3FAF]  }
0x29: {  	s4 =	sld [smem:$0x3FB1]  }
0x2a: {  	p0 =	seq.s32 s5, $0x0;
	s5 =	sld [smem:$0x3FB2]  }
0x2b: {  	s6 =	sld [smem:$0x3FB3]  }
0x2c: {  	s7 =	sld [smem:$0x3FB4]  }
0x2d: {  	s3 =	simm.s32 $0x108;
	s8 =	sld [smem:$0x3FB5]  }
0x2e: {  	s3 =	simm.s32 @!p0 $0x1082;
	s9 =	sld [smem:$0x3FB6]  }
0x2f: {  	lr =	sadd.s32 s0, s3;
	s0 =	sld [smem:$0x3FAD]  }
0x30: {  	s3 =	sld [smem:$0x3FB0]  }
0x31: {  	[smem:$0x3FB9] =	sst s10  }
0x32: {  	s10 =	sld [smem:$0x3FB7];
	_ =	sdelay $0x3  }
0x33: {  	p0 =	seq.s32 s10, $0x1;
	s10 =	sld [smem:$0x3FB9];
	_ =	sdelay $0x3  }
0x34: {  	[smem:$0x3FB9] =	sst s10  }
0x35: {  	s10 =	sld [smem:$0x3FB8];
	_ =	sdelay $0x3  }
0x36: {  	p1 =	seq.s32 s10, $0x1;
	s10 =	sld [smem:$0x3FB9];
	_ =	sdelay $0x3  }
0x37: {  	[smem:$0x3FB9] =	sst s10  }
0x38: {  	s10 =	sld [smem:$0x3FBA]  }
0x39: {  	_ = 	snop;
	(pc) =	sbr.ind lr, $3  }
0x3a: {  	_ = 	snop  }
0x3b: {  	_ = 	snop  }
0x3c: {  	p2 =	seq.s32 s10, $0x1;
	s10 =	sld [smem:$0x3FB9]  }
0x3d: {  	_ =	shalt  }
0x3e: {  	_ =	shalt  }
0x3f: {  	_ =	shalt  }
0x40: {  	_ =	shalt  }
0x41: {  	_ =	shalt  }
0x42: {  	_ =	shalt  }
0x43: {  	_ =	shalt  }
0x44: {  	_ =	shalt  }
0x45: {  	_ =	shalt  }
0x46: {  	_ =	shalt  }
0x47: {  	_ =	shalt  }
0x48: {  	_ =	shalt  }
0x49: {  	_ =	shalt  }
0x4a: {  	_ =	shalt  }
0x4b: {  	_ =	shalt  }
0x4c: {  	_ =	shalt  }
0x4d: {  	_ =	shalt  }
0x4e: {  	_ =	shalt  }
0x4f: {  	_ =	shalt  }
0x50: {  	_ =	shalt  }
0x51: {  	_ =	shalt  }
0x52: {  	_ =	shalt  }
0x53: {  	_ =	shalt  }
0x54: {  	_ =	shalt  }
0x55: {  	_ =	shalt  }
0x56: {  	_ =	shalt  }
0x57: {  	_ =	shalt  }
0x58: {  	_ =	shalt  }
0x59: {  	_ =	shalt  }
0x5a: {  	_ =	shalt  }
0x5b: {  	_ =	shalt  }
0x5c: {  	_ =	shalt  }
0x5d: {  	_ =	shalt  }
0x5e: {  	_ =	shalt  }
0x5f: {  	_ =	shalt  }
0x60: {  	_ =	shalt  }
0x61: {  	_ =	shalt  }
0x62: {  	_ =	shalt  }
0x63: {  	_ =	shalt  }
0x64: {  	_ =	shalt  }
0x65: {  	_ =	shalt  }
0x66: {  	_ =	shalt  }
0x67: {  	_ =	shalt  }
0x68: {  	_ =	shalt  }
0x69: {  	_ =	shalt  }
0x6a: {  	_ =	shalt  }
0x6b: {  	_ =	shalt  }
0x6c: {  	_ =	shalt  }
0x6d: {  	_ =	shalt  }
0x6e: {  	_ =	shalt  }
0x6f: {  	_ =	shalt  }
0x70: {  	_ =	shalt  }
0x71: {  	_ =	shalt  }
0x72: {  	_ =	shalt  }
0x73: {  	_ =	shalt  }
0x74: {  	_ =	shalt  }
0x75: {  	_ =	shalt  }
0x76: {  	_ =	shalt  }
0x77: {  	_ =	shalt  }
0x78: {  	_ =	shalt  }
0x79: {  	_ =	shalt  }
0x7a: {  	_ =	shalt  }
0x7b: {  	_ =	shalt  }
0x7c: {  	_ =	shalt  }
0x7d: {  	_ =	shalt  }
0x7e: {  	_ =	shalt  }
0x7f: {  	_ =	shalt  }
0x80: {  	_ =	shalt  }
0x81: {  	_ =	shalt  }
0x82: {  	_ =	shalt  }
0x83: {  	_ =	shalt  }
0x84: {  	_ =	shalt  }
0x85: {  	_ =	shalt  }
0x86: {  	_ =	shalt  }
0x87: {  	_ =	shalt  }
.Lfunc_end0:
.L_simem_size_0:
called_computation_lowered:
.L_overlay_start_0:
0x88: {  	s2 =	sld [smem:$0x3FD9]  }
0x89: {  	s3 =	sld [smem:$0x3FFE];
	_ =	sdelay $0x1  }
0x8a: {  	s1 =	srdreg.scid  }
0x8b: {  	s0 =	sand.u32 $0x1, s1  }
0x8c: {  	s14 =	sshll.u32 s0, $0xA;
	s2 =	sadd.s32 s3, s2  }
0x8d: {  	s2 =	sadd.s32 s2, s14  }
0x8e: {  	[smem:$0x3FC5] =	sst s2  }
0x8f: {  	_ = 	snop  }
0x90: {  	s2 =	sld [smem:$0x3FD0];
	_ =	sdelay $0x2  }
0x91: {  	s15 =	simm.s32 $0xA;
	s4 =	simm.s32 $0x10  }
0x92: {  	[smem:s4], [sflag:s15] =	dma.local [hbm:s2], $0x1  }
0x93: {  	_ =	swait.eq [sflag:s15], $0x1  }
0x94: {  	[sflag:s15] =	ssyncset.done $0x0  }
0x95: {  	[sflag:s15] =	ssyncadd.s32 $0xFFFFFFFF  }
0x96: {  	s16 =	sld [smem:$0x10];
	(tm) =	ssettm $0x1  }
0x97: {  	s17 =	sld [smem:$0x3FFB];
	_ =	sdelay $0x3  }
0x98: {  	_ =	strace s17  }
0x99: {  	s3 =	sld [smem:$0x3FFC];
	_ =	sdelay $0x3  }
0x9a: {  	_ =	strace s3  }
0x9b: {  	s3 =	sld [smem:$0x3FFD];
	_ =	sdelay $0x3  }
0x9c: {  	_ =	strace s3  }
0x9d: {  	_ =	strace $0x8FFFFFFF  }
0x9e: {  	s18 =	sld [smem:$0x3FDB];
	_ =	sdelay $0x1  }
0x9f: {  	s19 =	simm.s32 $_scs_section_size  }
0xa0: {  	s5 =	simm.s32 $_size__tile_overlayer_lowered;
	s6 =	simm.s32 $_tile_overlayer_lowered  }
0xa1: {  	s22 =	simm.s32 $0x1BFF;
	s21 =	sshll.u32 s6, $0x1;
	s3 =	sadd.s32 s19, s18  }
0xa2: {  	s7 =	simm.s32 $0x0;
	s20 =	sshll.u32 s5, $0x1;
	s5 =	sadd.s32 s21, s3  }
0xa3: {  	[timem:s7], [sflag:s22] =	dma.local [hbm:s5], s20  }
0xa4: {  	_ =	swait.ge [sflag:s22], s20  }
0xa5: {  	s4 =	ssub.s32 $0x0, s20;
	[sflag:s22] =	ssyncset.done $0x0  }
0xa6: {  	[sflag:s22] =	ssyncadd.s32 s4;
	_ =	sdelay $0x1  }
0xa7: {  	s23 =	simm.s32 $0x1B8B  }
0xa8: {  	_ =	swait.ge [sflag:s23], $0x1  }
0xa9: {  	[sflag:s23] =	ssyncset.done $0x0  }
0xaa: {  	s25 =	simm.s32 $0x1B8E;
	s24 =	sld [smem:$0x3FFE];
	[sflag:s23] =	ssyncadd.s32 $0xFFFFFFFF  }
0xab: {  	s26 =	simm.s32 $execute0_lowered;
	[smem:$0x3FD2] =	sst s25  }
0xac: {  	s5 =	sshll.u32 s26, $0x1;
	_ =	strace $0x80000046;
	[dreg:$0x1] =	wrdreg $0xFFFFFFFF  }
0xad: {  	s28 =	simm.s32 $_size_execute0_lowered;
	s3 =	sadd.s32 s3, s5;
	[dreg:$0x0] =	wrdreg $0x0  }
0xae: {  	s5 =	sshll.u32 s28, $0x1;
	[dreg:$0x2] =	wrdreg s3  }
0xaf: {  	[dreg:$0x3] =	wrdreg s5  }
0xb0: {  	[dreg:$0x4] =	wrdreg $0xC0  }
0xb1: {  	_ =	task [dreg:s7], $0x5FFFF  }
0xb2: {  	[dreg:$0x1] =	wrdreg $0xFFFFFFFF  }
0xb3: {  	[dreg:$0x0] =	wrdreg $0x60  }
0xb4: {  	[dreg:$0x2] =	wrdreg s24  }
0xb5: {  	[dreg:$0x3] =	wrdreg s16  }
0xb6: {  	[dreg:$0x4] =	wrdreg $0x107100  }
0xb7: {  	[dreg:$0x5] =	wrdreg $0x9  }
0xb8: {  	_ =	task.clear_ibuf [dreg:s7], $0x6FFFF;
	_ =	strace $0x90000046  }
0xb9: {  	s29 =	simm.s32 $0x9;
	_ =	strace $0x80000048  }
0xba: {  	_ =	swait.ge [sflag:s29], $0x1  }
0xbb: {  	[sflag:s29] =	ssyncadd.s32 $0xFFFFFFFF  }
0xbc: {  	_ =	strace $0x90000048  }
0xbd: {  	_ =	sfence  }
0xbe: {  	s30 =	sld [smem:$0x0];
	_ =	sdelay $0x2  }
0xbf: {  	s31 =	sshll.u32 s1, $0xD;
	s1 =	sshrl.u32 s1, $0x2  }
0xc0: {  	s3 =	sand.u32 $0x4000, s31;
	s1 =	sadd.s32 s1, s30  }
0xc1: {  	s0 =	sor.u32 s3, s0;
	s1 =	sshll.u32 s1, $0x11  }
0xc2: {  	s0 =	sor.u32 s1, s0  }
0xc3: {  	s0 =	sadd.s32 $0x8F2B, s0  }
0xc4: {  	[sflag:s0] =	ssyncadd.remote.s32 $0x1  }
0xc5: {  	_ =	sfence.sel $0xFFFF  }
0xc6: {  	[dreg:$0x0] =	wrdreg $0xFFFFFFFF;
	(pc) =	sbr.abs _section_cstart, $3  }
0xc7: {  	[dreg:$0x1] =	wrdreg $0xFFFFFFFF  }
0xc8: {  	_ =	task.clear_ibuf [dreg:s7], $0x2FFFF;
	_ =	strace $0x9FFFFFFF  }
0xc9: {  	(tm) =	ssettm $0x7FFFFFFF  }
tec
execute0_lowered:
.L_overlay_start_1:
0x0: {  	(tag) =	ssettag $0x1  }
0x1: {  	s0 =	rddreg [dreg:$0x0]  }
0x2: {  	s2 =	rddreg [dreg:$0x1]  }
0x3: {  	s3 =	rddreg [dreg:$0x2];
	s14 =	stileid.u32;
	s15 =	simm.s32 $0x0  }
0x4: {  	s4 =	srdreg.scid;
	s18 =	simm.s32 $0x300;
	s19 =	simm.s32 $0x9  }
0x5: {  	s28 =	simm.s32 $0x1;
	s29 =	simm.s32 $0x6;
	s30 =	simm.s32 $0x8  }
0x6: {  	s31 =	simm.s32 $0x8700;
	s20 =	simm.s32 $0x2;
	s1 =	smul.u32 $0xFA00, s14  }
0x7: {  	[smem:$0x7FF] =	sst s15;
	s4 =	sand.u32 $0x1, s4;
	s5 =	sshll.u32 s14, $0x1  }
0x8: {  	s7 =	sadd.s32 $0x2800, s0;
	s13 =	sadd.s32 $0x3EC00, s0;
	p0 =	sgt.u32 s14, $0xD  }
0x9: {  	_ =	strace $0x80000047;
	s8 =	sor.u32 s4, s5;
	s5 =	sadd.s32 $0x1F800, s0  }
0xa: {  	[dreg:$0x4] =	wrdreg s13;
	s4 =	ssub.s32 $0x2, s4;
	s9 =	smul.u32 $0x640, s8  }
0xb: {  	s6 =	sshrl.u32 s1, $0x3;
	s11 =	sshll.u32 s8, $0x1;
	s12 =	smul.u32 $0x240, s8  }
0xc: {  	s22 =	sshrl.u32 s4, $0x1;
	s1 =	sadd.s32 s1, s3;
	s10 =	sadd.s32 s6, s0  }
0xd: {  	s6 =	sadd.s32 $0xE00, s0;
	s0 =	sadd.s32 s11, s0;
	s4 =	ssub.s32 s4, s22  }
0xe: {  	s21 =	sand.u32 $0xFC00, s9;
	s12 =	sand.u32 $0x380, s12;
	s10 =	sadd.s32 $0x4200, s10  }
0xf: {  	s9 =	smul.u32 $0x64, s8;
	s0 =	sadd.s32 $0x3EE00, s0;
	[dreg:$0x5] =	wrdreg s10  }
0x10: {  	s26 =	smax.u32 s4, $0x1;
	s23 =	sor.u32 s12, s21;
	[dreg:$0x8] =	wrdreg s0  }
0x11: {  	v0 =	vlaneseq.u32;
	[dreg:$0x9] =	wrdreg s26;
	s0 =	sshll.u32 @!p0 s14, $0x6;
	s26 =	simm.s32 $0xC700  }
0x12: {  	v1 =	vmul.u32 $0x80, v0;
	s8 =	sshrl.u32 s23, $0x3;
	s24 =	sand.u32 $0x4, s9;
	s0 =	sor.u32 @!p0 $0x1C09, s0  }
0x13: {  	v10 =	vor.u32 $0x10, v0;
	v11 =	vor.u32 $0x20, v0;
	v12 =	vor.u32 $0x30, v0;
	s13 =	sor.u32 $0x2, s9;
	s25 =	sadd.s32 s6, s8;
	[dreg:$0xa] =	wrdreg s0  }
0x14: {  	v13 =	vor.u32 $0x40, v0;
	v14 =	vor.u32 $0x50, v0;
	v15 =	vor.u32 $0x60, v0;
	s23 =	simm.s32 $0x0;
	s8 =	sadd.s32 s7, s8;
	[dreg:$0x6] =	wrdreg s25  }
0x15: {  	v16 =	vor.u32 $0x70, v0;
	v3 =	vor.u32 $0x800, v1;
	v4 =	vor.u32 $0x1000, v1;
	s0 =	sshrl.u32 @!p0 s1, $0x3;
	p1 =	sne.s32 s24, $0x0;
	[dreg:$0x7] =	wrdreg s8  }
0x16: {  	v5 =	vor.u32 $0x1800, v1;
	v6 =	vor.u32 $0x2000, v1;
	v2 =	vmov s24;
	s1 =	simm.s32 $0x2000;
	s24 =	simm.s32 $0x4700;
	[dreg:$0xb] =	wrdreg s0  }
0x17: {  	v7 =	vor.u32 $0x2800, v1;
	v8 =	vor.u32 $0x3000, v1;
	v9 =	vor.u32 $0x3800, v1;
	s25 =	simm.s32 $0x700;
	s0 =	simm.s32 $0x400;
	s8 =	simm.s32 $0x3  }
.LBB2_1:
0x18: {  	s4 =	rddreg [dreg:$0x5]  }
0x19: {  	s10 =	rddreg [dreg:$0xa]  }
0x1a: {  	s11 =	rddreg [dreg:$0xb]  }
0x1b: {  	[spmem:s11], [sflag:s10] =	dma.local @!p0 [hbm:s4], $0x1F40  }
0x1c: {  	s4 =	simm.s32 @!p0 $0x9  }
0x1d: {  	_ =	swait.ge @!p0 [sflag:s4], $0x1F40  }
0x1e: {  	[sflag:s4] =	ssyncset.done @!p0 $0x0  }
0x1f: {  	s21 =	rddreg [dreg:$0x4];
	[sflag:s4] =	ssyncadd.s32 @!p0 $0xFFFFE0C0  }
0x20: {  	[tilespmem:s18], [sflag:$0x9] =	stream.linear.gather [hbm4b:s21+s15], $0x400, $0x38;
	[tilespmem:$0x1E1D0] =	vst v63  }
0x21: {  	_ =	swait.ge [sflag:s19], $0x400  }
0x22: {  	[sflag:s19] =	ssyncset.done $0x0  }
0x23: {  	[sflag:s19] =	ssyncadd.s32 $0xFFFFFC00  }
0x24: {  	[bflag:$0x0] =	sbarrier.arrive $0xFFFF  }
0x25: {  	s22 =	rddreg [dreg:$0x6]  }
0x26: {  	[tilespmem:s15], [sflag:$0x5] =	stream.linear.gather [hbm4b:s22+s15], $0x80, $0x38;
	[tilespmem:$0x1E1D0] =	vst v63  }
0x27: {  	s14 =	simm.s32 $0x100;
	s16 =	simm.s32 $0x5;
	s10 =	rddreg [dreg:$0x7]  }
0x28: {  	[tilespmem:s14], [sflag:$0x7] =	stream.linear.gather [hbm4b:s10+s15], $0x80, $0x38;
	[tilespmem:$0x1E1D0] =	vst v63  }
0x29: {  	_ =	swait.ge [sflag:s16], $0x80  }
0x2a: {  	[sflag:s16] =	ssyncset.done $0x0  }
0x2b: {  	s17 =	simm.s32 $0x7;
	[sflag:s16] =	ssyncadd.s32 $0xFFFFFF80  }
0x2c: {  	_ =	swait.ge [sflag:s17], $0x80  }
0x2d: {  	[sflag:s17] =	ssyncset.done $0x0  }
0x2e: {  	[sflag:s17] =	ssyncadd.s32 $0xFFFFFF80  }
0x2f: {  	v17 =	vld [tilespmem:$0x0]  }
0x30: {  	v18 =	vld [tilespmem:$0x10]  }
0x31: {  	v19 =	vld [tilespmem:$0x20]  }
0x32: {  	v20 =	vld [tilespmem:$0x30]  }
0x33: {  	v21 =	vld [tilespmem:$0x40]  }
0x34: {  	v22 =	vld [tilespmem:$0x50];
	v17 =	vmul.u32 $0x7, v17  }
0x35: {  	v23 =	vld [tilespmem:$0x60];
	v18 =	vmul.u32 $0x7, v18  }
0x36: {  	v24 =	vld [tilespmem:$0x70];
	v19 =	vmul.u32 $0x7, v19;
	v17 =	vadd.s32 v2, v17  }
0x37: {  	[tilespmem:$0x200] =	vst v17;
	v17 =	vadd.s32 v2, v18;
	v18 =	vmul.u32 $0x7, v20  }
0x38: {  	[tilespmem:$0x210] =	vst v17;
	v17 =	vadd.s32 v2, v19;
	v19 =	vmul.u32 $0x7, v21  }
0x39: {  	[tilespmem:$0x220] =	vst v17;
	v17 =	vadd.s32 v2, v18;
	v18 =	vmul.u32 $0x7, v22  }
0x3a: {  	[tilespmem:$0x230] =	vst v17;
	v17 =	vadd.s32 v2, v19;
	v19 =	vmul.u32 $0x7, v23  }
0x3b: {  	[tilespmem:$0x240] =	vst v17;
	v17 =	vadd.s32 v2, v18;
	v18 =	vmul.u32 $0x7, v24  }
0x3c: {  	[tilespmem:$0x250] =	vst v17;
	v17 =	vadd.s32 v2, v19  }
0x3d: {  	[tilespmem:$0x260] =	vst v17;
	v17 =	vadd.s32 v2, v18  }
0x3e: {  	s12 =	simm.s32 $0x200;
	s21 =	simm.s32 $0x80;
	[tilespmem:$0x270] =	vst v17  }
0x3f: {  	[tilespmem:s25], [sflag:$0x1] =	stream.indirect.gather [spmem:s3], $0x80, s12, s21, $0xb8;
	[tilespmem:$0x1E1D0] =	vst v63  }
0x40: {  	_ = 	snop  }
0x41: {  	[tilespmem:s21], [sflag:$0x6] =	stream.linear.gather [hbm4b:s22+s15], $0x80, $0x38;
	[tilespmem:$0x1E1D0] =	vst v63  }
0x42: {  	s22 =	simm.s32 $0x180  }
0x43: {  	[tilespmem:s22], [sflag:$0x8] =	stream.linear.gather [hbm4b:s10+s15], $0x80, $0x38;
	[tilespmem:$0x1E1D0] =	vst v63  }
0x44: {  	v17 =	vimm.f32 $0.0e+00;
	s10 =	simm.s32 $0x0  }
.LBB2_2:
0x45: {  	_ =	swait.ge [sflag:s28], $0x4000  }
0x46: {  	[sflag:s28] =	ssyncset.done $0x0  }
0x47: {  	[sflag:s28] =	ssyncadd.s32 $0xFFFFC000  }
0x48: {  	v23 =	vld [tilespmem:$0x100]  }
0x49: {  	v21 =	vld [tilespmem:$0x110]  }
0x4a: {  	v19 =	vld [tilespmem:$0x0]  }
0x4b: {  	v18 =	vld [tilespmem:$0x120]  }
0x4c: {  	v22 =	vld [tilespmem:$0x10]  }
0x4d: {  	v27 =	vld [tilespmem:$0x20];
	v20 =	vand.u32 $0x7F, v23  }
0x4e: {  	v31 =	vld [tilespmem:$0x30];
	v20 =	vor.u32 v1, v20  }
0x4f: {  	v34 =	vld [tilespmem:$0x40];
	v24 =	vand.u32 $0x7F, v21  }
0x50: {  	v36 =	vld [tilespmem:$0x50];
	v24 =	vor.u32 v3, v24  }
0x51: {  	v42 =	vld [tilespmem:$0x60]  }
0x52: {  	v32 =	vld.idx.msk [tilespmem:v19+s18+$0x0], $0xffff  }
0x53: {  	v25 =	vand.u32 $0x7F, v18;
	v29 =	vld.idx.msk [tilespmem:v20+s25+$0x0], $0xffff  }
0x54: {  	v20 =	vor.u32 v4, v25;
	v25 =	vld [tilespmem:$0x130]  }
0x55: {  	v28 =	vld.idx.msk [tilespmem:v24+s25+$0x0], $0xffff  }
0x56: {  	v24 =	vld [tilespmem:$0x140]  }
0x57: {  	v30 =	vld.idx.msk [tilespmem:v22+s18+$0x0], $0xffff  }
0x58: {  	v22 =	vld [tilespmem:$0x150]  }
0x59: {  	v26 =	vld.idx.msk [tilespmem:v20+s25+$0x0], $0xffff;
	v19 =	vand.u32 $0x7F, v25  }
0x5a: {  	v20 =	vld [tilespmem:$0x160];
	v33 =	vor.u32 v5, v19  }
0x5b: {  	v43 =	vld [tilespmem:$0x70];
	v19 =	vand.u32 $0x7F, v24  }
0x5c: {  	v37 =	vor.u32 v6, v19;
	v19 =	vld [tilespmem:$0x170]  }
0x5d: {  	v27 =	vld.idx.msk [tilespmem:v27+s18+$0x0], $0xffff  }
0x5e: {  	v40 =	vld.idx.msk [tilespmem:v31+s18+$0x0], $0xffff;
	v49 =	vand.u32 $0x7F, v22  }
0x5f: {  	v31 =	vand.u32 $0x7F, v20;
	v35 =	vld.idx.msk [tilespmem:v33+s25+$0x0], $0xffff;
	v33 =	vor.u32 v7, v49  }
0x60: {  	v41 =	vld.idx.msk [tilespmem:v34+s18+$0x0], $0xffff;
	v31 =	vor.u32 v8, v31  }
0x61: {  	v39 =	vld.idx.msk [tilespmem:v36+s18+$0x0], $0xffff;
	v50 =	vand.u32 $0x7F, v19  }
0x62: {  	v36 =	vld.idx.msk [tilespmem:v42+s18+$0x0], $0xffff;
	v44 =	vor.u32 v9, v50  }
0x63: {  	v38 =	vld.idx.msk [tilespmem:v37+s25+$0x0], $0xffff  }
0x64: {  	v37 =	vld.idx.msk [tilespmem:v33+s25+$0x0], $0xffff  }
0x65: {  	v34 =	vld.idx.msk [tilespmem:v31+s25+$0x0], $0xffff  }
0x66: {  	v33 =	vld.idx.msk [tilespmem:v43+s18+$0x0], $0xffff  }
0x67: {  	v31 =	vld.idx.msk [tilespmem:v44+s25+$0x0], $0xffff;
	_ =	swait.ge [sflag:s29], $0x80  }
0x68: {  	[sflag:s29] =	ssyncset.done $0x0  }
0x69: {  	[sflag:s29] =	ssyncadd.s32 $0xFFFFFF80  }
0x6a: {  	s15 =	sshll.u32 s10, $0x1;
	_ =	swait.ge [sflag:s30], $0x80  }
0x6b: {  	s14 =	sadd.s32 s9, s15;
	[sflag:s30] =	ssyncset.done $0x0  }
0x6c: {  	s21 =	sand.u32 $0x6, s14;
	v23 =	vshra.s32 v23, $0x7;
	v29 =	vsub.f32 v32, v29;
	[sflag:s30] =	ssyncadd.s32 $0xFFFFFF80  }
0x6d: {  	vm0 =	veq.s32 v23, s21;
	v51 =	vld [tilespmem:$0x80]  }
0x6e: {  	v21 =	vshra.s32 v21, $0x7;
	v28 =	vsub.f32 v30, v28;
	v23 =	vnsel vm0, $0x0, v29;
	v52 =	vld [tilespmem:$0x90]  }
0x6f: {  	v18 =	vshra.s32 v18, $0x7;
	vm9 =	veq.s32 v21, s21;
	v17 =	vadd.f32 v23, v17;
	v53 =	vld [tilespmem:$0xA0]  }
0x70: {  	s22 =	simm.s32 $0x0;
	vm10 =	veq.s32 v18, s21;
	v21 =	vnsel vm9, $0x0, v28;
	v46 =	vld [tilespmem:$0xB0]  }
0x71: {  	v28 =	vadd.s32 s22, v11;
	v23 =	vsub.f32 v27, v26;
	v17 =	vadd.f32 v21, v17;
	v48 =	vld [tilespmem:$0xC0]  }
0x72: {  	v21 =	vshra.s32 v25, $0x7;
	v20 =	vshra.s32 v20, $0x7;
	v26 =	vadd.s32 s22, v12;
	v50 =	vld [tilespmem:$0xD0]  }
0x73: {  	vm11 =	veq.s32 v21, s21;
	v18 =	vnsel vm10, $0x0, v23;
	v23 =	vsub.f32 v40, v35;
	v56 =	vld [tilespmem:$0xE0]  }
0x74: {  	v45 =	vmul.u32 $0x7, v51;
	v42 =	vshll.u32 v51, $0x3;
	v47 =	vmul.u32 $0x7, v52  }
0x75: {  	v43 =	vshll.u32 v52, $0x3;
	v49 =	vmul.u32 $0x7, v53;
	v44 =	vshll.u32 v53, $0x3  }
0x76: {  	v55 =	vmul.u32 $0x7, v46;
	v57 =	vshll.u32 v46, $0x3;
	v58 =	vmul.u32 $0x7, v48  }
0x77: {  	v48 =	vshll.u32 v48, $0x3;
	v61 =	vmul.u32 $0x7, v50;
	v63 =	vshll.u32 v50, $0x3  }
0x78: {  	s4 =	sor.u32 $0x1, s21;
	v52 =	vmul.u32 $0x7, v56;
	v42 =	vor.u32 $0x7, v42;
	v43 =	vor.u32 $0x7, v43  }
0x79: {  	p2 =	seq.s32 s21, $0x6;
	v51 =	vld [tilespmem:$0xF0];
	v44 =	vor.u32 $0x7, v44;
	v60 =	vor.u32 $0x7, v48;
	v45 =	vadd.s32 s4, v45  }
0x7a: {  	v47 =	vadd.s32 s4, v47;
	v54 =	vadd.s32 s4, v49;
	v42 =	vpsel p2, v42, v45  }
0x7b: {  	v59 =	vadd.s32 s4, v58;
	v50 =	vadd.s32 s4, v61;
	v43 =	vpsel p2, v43, v47;
	[tilespmem:$0x280] =	vst v42  }
0x7c: {  	v44 =	vpsel p2, v44, v54;
	v47 =	vadd.s32 s4, v55;
	v45 =	vor.u32 $0x7, v57;
	[tilespmem:$0x290] =	vst v43  }
0x7d: {  	v54 =	vshll.u32 v56, $0x3;
	v56 =	vadd.s32 s4, v52;
	v62 =	vpsel p2, v45, v47;
	[tilespmem:$0x2A0] =	vst v44  }
0x7e: {  	v42 =	vpsel p2, v60, v59;
	v45 =	vor.u32 $0x7, v63;
	[tilespmem:$0x2B0] =	vst v62;
	v55 =	vmul.u32 $0x7, v51  }
0x7f: {  	v44 =	vor.u32 $0x7, v54;
	v53 =	vpsel p2, v45, v50;
	[tilespmem:$0x2C0] =	vst v42;
	v57 =	vshll.u32 v51, $0x3  }
0x80: {  	v42 =	vpsel p2, v44, v56;
	[tilespmem:$0x2D0] =	vst v53;
	v59 =	vor.u32 $0x7, v57;
	v58 =	vadd.s32 s4, v55  }
0x81: {  	v21 =	vshra.s32 v24, $0x7;
	v17 =	vadd.f32 v18, v17;
	[tilespmem:$0x2E0] =	vst v42;
	v60 =	vpsel p2, v59, v58  }
0x82: {  	s11 =	simm.s32 @p2 $0x280;
	s12 =	simm.s32 @p2 $0x4700;
	vm14 =	veq.s32 v20, s21;
	v18 =	vnsel vm11, $0x0, v23;
	v23 =	vsub.f32 v41, v38;
	s4 =	simm.s32 @p2 $0x80;
	[tilespmem:$0x2F0] =	vst v60  }
0x83: {  	v24 =	vadd.s32 s22, v13;
	vm12 =	veq.s32 v21, s21;
	v17 =	vadd.f32 v18, v17;
	[tilespmem:s12], [sflag:$0x2] =	stream.indirect.gather @p2 [hbm4b:s5+s4], $0x80, s11, s4, $0xb8;
	[tilespmem:$0x1E1D0] =	vst v63  }
0x84: {  	v21 =	vshra.s32 v22, $0x7;
	v18 =	vnsel vm12, $0x0, v23;
	v22 =	vsub.f32 v39, v37;
	s4 =	simm.s32 @!p2 $0x80;
	s11 =	simm.s32 @!p2 $0x280;
	s12 =	simm.s32 @!p2 $0x4700  }
0x85: {  	v19 =	vshra.s32 v19, $0x7;
	vm13 =	veq.s32 v21, s21;
	v17 =	vadd.f32 v18, v17;
	[tilespmem:s12], [sflag:$0x2] =	stream.indirect.gather @!p2 [spmem:s3], $0x80, s11, s4, $0xb8;
	[tilespmem:$0x1E1D0] =	vst v63  }
0x86: {  	v25 =	vand.u32 $0x7F, v24;
	v21 =	vsub.f32 v36, v34;
	v18 =	vnsel vm13, $0x0, v22;
	p2 =	seq.s32 s10, $0x31  }
0x87: {  	vm15 =	veq.s32 v19, s21;
	v19 =	vadd.s32 s22, v10;
	v17 =	vadd.f32 v18, v17;
	s4 =	sadd.s32 @!p2 s15, s13  }
0x88: {  	v25 =	vor.u32 v6, v25;
	v20 =	vsub.f32 v33, v31;
	v18 =	vnsel vm14, $0x0, v21;
	s4 =	sshll.u32 @!p2 s4, $0x1  }
0x89: {  	v29 =	vshll.u32 v19, $0x7;
	v32 =	vand.u32 $0x7F, v19;
	v17 =	vadd.f32 v18, v17;
	s4 =	sand.u32 @!p2 $0xFFFFFF0, s4  }
0x8a: {  	v22 =	vadd.s32 s22, v14;
	v31 =	vand.u32 $0x7F, v28;
	v18 =	vnsel vm15, $0x0, v20;
	s11 =	simm.s32 @!p2 $0x0;
	p3 =	seq.s32 @!p2 s10, $0x0;
	s16 =	sadd.s32 @!p2 s6, s4  }
0x8b: {  	v21 =	vadd.s32 s22, v0;
	v17 =	vadd.f32 v18, v17;
	v18 =	vadd.s32 s22, v16;
	[tilespmem:s11], [sflag:$0x5] =	stream.linear.gather @!p2 [hbm4b:s16+s11], $0x80, $0x38;
	[tilespmem:$0x1E1D0] =	vst v63  }
0x8c: {  	v27 =	vand.u32 $0x7F, v22;
	v20 =	vadd.s32 s22, v15;
	v23 =	vand.u32 $0x7F, v18;
	p3 =	por p2, !p3;
	s17 =	sadd.s32 @!p2 s7, s4;
	s4 =	simm.s32 @!p2 $0x100  }
0x8d: {  	v30 =	vshll.u32 v21, $0x7;
	v19 =	vor.u32 v9, v23;
	v61 =	vand.u32 $0x7F, v20;
	[tilespmem:s4], [sflag:$0x7] =	stream.linear.gather @!p2 [hbm4b:s17+s11], $0x80, $0x38;
	[tilespmem:$0x1E1D0] =	vst v63  }
0x8e: {  	v23 =	vor.u32 v7, v27;
	v63 =	vand.u32 $0x7F, v21;
	v21 =	vor.u32 v8, v61;
	s12 =	simm.s32 $0x3;
	_ =	swait.ge @p3 [sflag:s8], $0x4000  }
0x8f: {  	v62 =	vand.u32 $0x7F, v26;
	v33 =	vor.u32 v1, v63;
	v35 =	vadd.s32 s12, v0;
	s11 =	simm.s32 $0x2;
	[sflag:s8] =	ssyncset.done @p3 $0x0  }
0x90: {  	s22 =	simm.s32 $0x1;
	v27 =	vor.u32 v5, v62;
	v36 =	vand.u32 $0x7F, v35;
	s4 =	simm.s32 $0x4;
	v34 =	vadd.s32 s11, v0;
	[sflag:s8] =	ssyncadd.s32 @p3 $0xFFFFC000  }
.LBB2_3:
0x91: {  	p4 =	slt.u32 s4, $0x7C;
	v37 =	vadd.s32 s22, v0;
	v38 =	vand.u32 $0x7F, v34;
	v36 =	vor.u32 v1, v36  }
0x92: {  	v31 =	vor.u32 v4, v31;
	v39 =	vand.u32 $0x7F, v37;
	v38 =	vor.u32 v1, v38  }
0x93: {  	v32 =	vor.u32 v3, v32;
	v40 =	vadd.s32 s12, v10;
	v39 =	vor.u32 v1, v39  }
0x94: {  	v30 =	vand.u32 $0x3F80, v30;
	v35 =	vshll.u32 v35, $0x7;
	v41 =	vand.u32 $0x7F, v40  }
0x95: {  	v30 =	vor.u32 v0, v30;
	v35 =	vand.u32 $0x3F80, v35;
	v41 =	vor.u32 v3, v41;
	v33 =	vld.idx.msk [tilespmem:v33+s25+$0x0], $0xffff  }
0x96: {  	v34 =	vshll.u32 v34, $0x7;
	v42 =	vadd.s32 s11, v10;
	v35 =	vor.u32 v0, v35;
	v36 =	vld.idx.msk [tilespmem:v36+s25+$0x0], $0xffff  }
0x97: {  	v37 =	vshll.u32 v37, $0x7;
	v34 =	vand.u32 $0x3F80, v34;
	v43 =	vand.u32 $0x7F, v42;
	v38 =	vld.idx.msk [tilespmem:v38+s25+$0x0], $0xffff  }
0x98: {  	v44 =	vadd.s32 s22, v10;
	v37 =	vand.u32 $0x3F80, v37;
	v34 =	vor.u32 v0, v34;
	v39 =	vld.idx.msk [tilespmem:v39+s25+$0x0], $0xffff  }
0x99: {  	v45 =	vand.u32 $0x7F, v44;
	v43 =	vor.u32 v3, v43;
	v37 =	vor.u32 v0, v37  }
0x9a: {  	v29 =	vand.u32 $0x3F80, v29;
	v46 =	vadd.s32 s12, v11;
	v45 =	vor.u32 v3, v45  }
0x9b: {  	v29 =	vor.u32 v10, v29;
	[tilespmem:v30+s31+$0x0] =	vst.idx.msk $0xffff, v33;
	v30 =	vshll.u32 v40, $0x7;
	v33 =	vand.u32 $0x7F, v46  }
0x9c: {  	v28 =	vshll.u32 v28, $0x7;
	v32 =	vld.idx.msk [tilespmem:v32+s25+$0x0], $0xffff;
	[tilespmem:v35+s31+$0x0] =	vst.idx.msk $0xffff, v36;
	v30 =	vand.u32 $0x3F80, v30;
	v33 =	vor.u32 v4, v33  }
0x9d: {  	v35 =	vadd.s32 s11, v11;
	[tilespmem:v34+s31+$0x0] =	vst.idx.msk $0xffff, v38;
	v34 =	vshll.u32 v42, $0x7;
	v36 =	vld.idx.msk [tilespmem:v41+s25+$0x0], $0xffff;
	v30 =	vor.u32 v10, v30  }
0x9e: {  	[tilespmem:v37+s31+$0x0] =	vst.idx.msk $0xffff, v39;
	v37 =	vshll.u32 v44, $0x7;
	v38 =	vld.idx.msk [tilespmem:v43+s25+$0x0], $0xffff;
	v34 =	vand.u32 $0x3F80, v34;
	v39 =	vand.u32 $0x7F, v35  }
0x9f: {  	v41 =	vadd.s32 s22, v11;
	v40 =	vld.idx.msk [tilespmem:v45+s25+$0x0], $0xffff;
	v37 =	vand.u32 $0x3F80, v37;
	v34 =	vor.u32 v10, v34  }
0xa0: {  	v42 =	vand.u32 $0x7F, v41;
	v39 =	vor.u32 v4, v39;
	v37 =	vor.u32 v10, v37  }
0xa1: {  	v28 =	vand.u32 $0x3F80, v28;
	v43 =	vadd.s32 s12, v12;
	v42 =	vor.u32 v4, v42  }
0xa2: {  	v28 =	vor.u32 v11, v28;
	[tilespmem:v29+s31+$0x0] =	vst.idx.msk $0xffff, v32;
	v29 =	vshll.u32 v46, $0x7;
	v32 =	vand.u32 $0x7F, v43  }
0xa3: {  	v26 =	vshll.u32 v26, $0x7;
	v31 =	vld.idx.msk [tilespmem:v31+s25+$0x0], $0xffff;
	[tilespmem:v30+s31+$0x0] =	vst.idx.msk $0xffff, v36;
	v29 =	vand.u32 $0x3F80, v29;
	v30 =	vor.u32 v5, v32  }
0xa4: {  	v32 =	vshll.u32 v35, $0x7;
	[tilespmem:v34+s31+$0x0] =	vst.idx.msk $0xffff, v38;
	v34 =	vadd.s32 s11, v12;
	v33 =	vld.idx.msk [tilespmem:v33+s25+$0x0], $0xffff;
	v29 =	vor.u32 v11, v29  }
0xa5: {  	v35 =	vshll.u32 v41, $0x7;
	v32 =	vand.u32 $0x3F80, v32;
	[tilespmem:v37+s31+$0x0] =	vst.idx.msk $0xffff, v40;
	v36 =	vld.idx.msk [tilespmem:v39+s25+$0x0], $0xffff;
	v37 =	vand.u32 $0x7F, v34  }
0xa6: {  	v35 =	vand.u32 $0x3F80, v35;
	v39 =	vadd.s32 s22, v12;
	v32 =	vor.u32 v11, v32;
	v38 =	vld.idx.msk [tilespmem:v42+s25+$0x0], $0xffff  }
0xa7: {  	v35 =	vor.u32 v11, v35;
	v40 =	vand.u32 $0x7F, v39;
	v37 =	vor.u32 v5, v37  }
0xa8: {  	v26 =	vand.u32 $0x3F80, v26;
	v41 =	vadd.s32 s12, v13;
	v40 =	vor.u32 v5, v40  }
0xa9: {  	v26 =	vor.u32 v12, v26;
	[tilespmem:v28+s31+$0x0] =	vst.idx.msk $0xffff, v31;
	v28 =	vshll.u32 v43, $0x7;
	v31 =	vand.u32 $0x7F, v41  }
0xaa: {  	v24 =	vshll.u32 v24, $0x7;
	v27 =	vld.idx.msk [tilespmem:v27+s25+$0x0], $0xffff;
	[tilespmem:v29+s31+$0x0] =	vst.idx.msk $0xffff, v33;
	v28 =	vand.u32 $0x3F80, v28;
	v29 =	vor.u32 v6, v31  }
0xab: {  	v31 =	vshll.u32 v34, $0x7;
	[tilespmem:v32+s31+$0x0] =	vst.idx.msk $0xffff, v36;
	v32 =	vadd.s32 s11, v13;
	v30 =	vld.idx.msk [tilespmem:v30+s25+$0x0], $0xffff;
	v28 =	vor.u32 v12, v28  }
0xac: {  	v33 =	vshll.u32 v39, $0x7;
	v31 =	vand.u32 $0x3F80, v31;
	[tilespmem:v35+s31+$0x0] =	vst.idx.msk $0xffff, v38;
	v34 =	vld.idx.msk [tilespmem:v37+s25+$0x0], $0xffff;
	v35 =	vand.u32 $0x7F, v32  }
0xad: {  	v33 =	vand.u32 $0x3F80, v33;
	v37 =	vadd.s32 s22, v13;
	v31 =	vor.u32 v12, v31;
	v36 =	vld.idx.msk [tilespmem:v40+s25+$0x0], $0xffff  }
0xae: {  	v33 =	vor.u32 v12, v33;
	v38 =	vand.u32 $0x7F, v37;
	v35 =	vor.u32 v6, v35  }
0xaf: {  	v24 =	vand.u32 $0x3F80, v24;
	v39 =	vadd.s32 s12, v14;
	v38 =	vor.u32 v6, v38  }
0xb0: {  	v24 =	vor.u32 v13, v24;
	[tilespmem:v26+s31+$0x0] =	vst.idx.msk $0xffff, v27;
	v26 =	vshll.u32 v41, $0x7;
	v27 =	vand.u32 $0x7F, v39  }
0xb1: {  	v22 =	vshll.u32 v22, $0x7;
	v25 =	vld.idx.msk [tilespmem:v25+s25+$0x0], $0xffff;
	[tilespmem:v28+s31+$0x0] =	vst.idx.msk $0xffff, v30;
	v26 =	vand.u32 $0x3F80, v26;
	v27 =	vor.u32 v7, v27  }
0xb2: {  	v28 =	vshll.u32 v32, $0x7;
	v30 =	vadd.s32 s11, v14;
	[tilespmem:v31+s31+$0x0] =	vst.idx.msk $0xffff, v34;
	v29 =	vld.idx.msk [tilespmem:v29+s25+$0x0], $0xffff;
	v26 =	vor.u32 v13, v26  }
0xb3: {  	v31 =	vshll.u32 v37, $0x7;
	v28 =	vand.u32 $0x3F80, v28;
	[tilespmem:v33+s31+$0x0] =	vst.idx.msk $0xffff, v36;
	v32 =	vld.idx.msk [tilespmem:v35+s25+$0x0], $0xffff;
	v33 =	vand.u32 $0x7F, v30  }
0xb4: {  	v31 =	vand.u32 $0x3F80, v31;
	v35 =	vadd.s32 s22, v14;
	v28 =	vor.u32 v13, v28;
	v34 =	vld.idx.msk [tilespmem:v38+s25+$0x0], $0xffff  }
0xb5: {  	v31 =	vor.u32 v13, v31;
	v36 =	vand.u32 $0x7F, v35;
	v33 =	vor.u32 v7, v33  }
0xb6: {  	v22 =	vand.u32 $0x3F80, v22;
	v37 =	vadd.s32 s12, v15;
	v36 =	vor.u32 v7, v36  }
0xb7: {  	v22 =	vor.u32 v14, v22;
	[tilespmem:v24+s31+$0x0] =	vst.idx.msk $0xffff, v25;
	v24 =	vshll.u32 v39, $0x7;
	v25 =	vand.u32 $0x7F, v37  }
0xb8: {  	v20 =	vshll.u32 v20, $0x7;
	v23 =	vld.idx.msk [tilespmem:v23+s25+$0x0], $0xffff;
	[tilespmem:v26+s31+$0x0] =	vst.idx.msk $0xffff, v29;
	v24 =	vand.u32 $0x3F80, v24;
	v25 =	vor.u32 v8, v25  }
0xb9: {  	v26 =	vshll.u32 v30, $0x7;
	[tilespmem:v28+s31+$0x0] =	vst.idx.msk $0xffff, v32;
	v28 =	vadd.s32 s11, v15;
	v27 =	vld.idx.msk [tilespmem:v27+s25+$0x0], $0xffff;
	v24 =	vor.u32 v14, v24  }
0xba: {  	v29 =	vshll.u32 v35, $0x7;
	v26 =	vand.u32 $0x3F80, v26;
	[tilespmem:v31+s31+$0x0] =	vst.idx.msk $0xffff, v34;
	v30 =	vld.idx.msk [tilespmem:v33+s25+$0x0], $0xffff;
	v31 =	vand.u32 $0x7F, v28  }
0xbb: {  	v29 =	vand.u32 $0x3F80, v29;
	v33 =	vadd.s32 s22, v15;
	v26 =	vor.u32 v14, v26;
	v32 =	vld.idx.msk [tilespmem:v36+s25+$0x0], $0xffff  }
0xbc: {  	v29 =	vor.u32 v14, v29;
	v34 =	vand.u32 $0x7F, v33;
	v31 =	vor.u32 v8, v31  }
0xbd: {  	v20 =	vand.u32 $0x3F80, v20;
	v35 =	vadd.s32 s12, v16;
	v34 =	vor.u32 v8, v34  }
0xbe: {  	[tilespmem:v22+s31+$0x0] =	vst.idx.msk $0xffff, v23;
	v23 =	vor.u32 v15, v20;
	v20 =	vshll.u32 v37, $0x7;
	v22 =	vand.u32 $0x7F, v35  }
0xbf: {  	v36 =	vadd.s32 s4, v16;
	v21 =	vld.idx.msk [tilespmem:v21+s25+$0x0], $0xffff;
	[tilespmem:v24+s31+$0x0] =	vst.idx.msk $0xffff, v27;
	v20 =	vand.u32 $0x3F80, v20;
	v27 =	vor.u32 v9, v22  }
0xc0: {  	v22 =	vshll.u32 v28, $0x7;
	[tilespmem:v26+s31+$0x0] =	vst.idx.msk $0xffff, v30;
	v30 =	vadd.s32 s11, v16;
	v25 =	vld.idx.msk [tilespmem:v25+s25+$0x0], $0xffff;
	v37 =	vor.u32 v15, v20  }
0xc1: {  	v20 =	vshll.u32 v33, $0x7;
	v22 =	vand.u32 $0x3F80, v22;
	[tilespmem:v29+s31+$0x0] =	vst.idx.msk $0xffff, v32;
	v29 =	vld.idx.msk [tilespmem:v31+s25+$0x0], $0xffff;
	v24 =	vand.u32 $0x7F, v30  }
0xc2: {  	v20 =	vand.u32 $0x3F80, v20;
	v32 =	vadd.s32 s22, v16;
	v33 =	vor.u32 v15, v22;
	v31 =	vld.idx.msk [tilespmem:v34+s25+$0x0], $0xffff  }
0xc3: {  	v34 =	vor.u32 v15, v20;
	v26 =	vand.u32 $0x7F, v32;
	v38 =	vor.u32 v9, v24  }
0xc4: {  	v22 =	vadd.s32 s4, v14;
	v20 =	vadd.s32 s4, v15;
	v39 =	vor.u32 v9, v26  }
0xc5: {  	v24 =	vadd.s32 s4, v13;
	v26 =	vadd.s32 s4, v12;
	[tilespmem:v23+s31+$0x0] =	vst.idx.msk $0xffff, v21;
	v21 =	vshll.u32 v18, $0x7;
	v18 =	vmovc v36  }
0xc6: {  	v28 =	vadd.s32 s4, v11;
	v23 =	vshll.u32 v35, $0x7;
	v19 =	vld.idx.msk [tilespmem:v19+s25+$0x0], $0xffff;
	v21 =	vand.u32 $0x3F80, v21;
	[tilespmem:v37+s31+$0x0] =	vst.idx.msk $0xffff, v25  }
0xc7: {  	v25 =	vshll.u32 v30, $0x7;
	v23 =	vand.u32 $0x3F80, v23;
	v21 =	vor.u32 v16, v21;
	[tilespmem:v33+s31+$0x0] =	vst.idx.msk $0xffff, v29;
	v27 =	vld.idx.msk [tilespmem:v27+s25+$0x0], $0xffff  }
0xc8: {  	v29 =	vshll.u32 v32, $0x7;
	v25 =	vand.u32 $0x3F80, v25;
	v23 =	vor.u32 v16, v23;
	[tilespmem:v34+s31+$0x0] =	vst.idx.msk $0xffff, v31;
	v33 =	vld.idx.msk [tilespmem:v38+s25+$0x0], $0xffff  }
0xc9: {  	v32 =	vadd.s32 s4, v10;
	v29 =	vand.u32 $0x3F80, v29;
	v25 =	vor.u32 v16, v25;
	v34 =	vld.idx.msk [tilespmem:v39+s25+$0x0], $0xffff  }
0xca: {  	v35 =	vadd.s32 s4, v0;
	v36 =	vand.u32 $0x7F, v18;
	v37 =	vor.u32 v16, v29  }
0xcb: {  	v40 =	vand.u32 $0x7F, v20;
	v38 =	vand.u32 $0x7F, v24;
	v39 =	vand.u32 $0x7F, v22  }
.Ltmp0:
0xcc: {  	v41 =	vand.u32 $0x7F, v26;
	v31 =	vand.u32 $0x7F, v28;
	v29 =	vshll.u32 v32, $0x7;
	[tilespmem:v21+s31+$0x0] =	vst.idx.msk $0xffff, v19;
	(pc) =	sbr.rel @p4 .LBB2_3-.Ltmp0, $4  }
0xcd: {  	v30 =	vshll.u32 v35, $0x7;
	v32 =	vand.u32 $0x7F, v32;
	v19 =	vor.u32 v9, v36;
	[tilespmem:v23+s31+$0x0] =	vst.idx.msk $0xffff, v27  }
0xce: {  	s12 =	sadd.s32 $0x3, s4;
	v36 =	vand.u32 $0x7F, v35;
	v21 =	vor.u32 v8, v40;
	v23 =	vor.u32 v7, v39;
	[tilespmem:v25+s31+$0x0] =	vst.idx.msk $0xffff, v33  }
0xcf: {  	s11 =	sadd.s32 $0x2, s4;
	v35 =	vadd.s32 s12, v0;
	v27 =	vor.u32 v5, v41;
	v25 =	vor.u32 v6, v38;
	[tilespmem:v37+s31+$0x0] =	vst.idx.msk $0xffff, v34  }
0xd0: {  	s22 =	sadd.s32 $0x1, s4;
	s4 =	sadd.s32 $0x4, s4;
	v33 =	vor.u32 v1, v36;
	v36 =	vand.u32 $0x7F, v35;
	v34 =	vadd.s32 s11, v0  }
0xd1: {  	v37 =	vadd.s32 s22, v0;
	v38 =	vand.u32 $0x7F, v34  }
0xd2: {  	v36 =	vor.u32 v1, v36;
	v31 =	vor.u32 v4, v31;
	v32 =	vor.u32 v3, v32  }
0xd3: {  	v40 =	vadd.s32 s12, v10;
	v30 =	vand.u32 $0x3F80, v30;
	v35 =	vshll.u32 v35, $0x7  }
0xd4: {  	v51 =	vshll.u32 v34, $0x7;
	v42 =	vadd.s32 s11, v10;
	v44 =	vadd.s32 s22, v10  }
0xd5: {  	v29 =	vand.u32 $0x3F80, v29;
	v46 =	vadd.s32 s12, v11;
	v28 =	vshll.u32 v28, $0x7  }
0xd6: {  	v54 =	vadd.s32 s11, v11;
	v58 =	vadd.s32 s22, v11;
	v62 =	vadd.s32 s12, v12  }
0xd7: {  	v26 =	vshll.u32 v26, $0x7;
	v48 =	vadd.s32 s11, v12;
	v24 =	vshll.u32 v24, $0x7  }
0xd8: {  	v22 =	vshll.u32 v22, $0x7;
	v20 =	vshll.u32 v20, $0x7;
	v39 =	vand.u32 $0x7F, v37  }
0xd9: {  	v38 =	vor.u32 v1, v38;
	v41 =	vand.u32 $0x7F, v40;
	v30 =	vor.u32 v0, v30  }
0xda: {  	v35 =	vand.u32 $0x3F80, v35;
	v37 =	vshll.u32 v37, $0x7;
	v39 =	vor.u32 v1, v39  }
0xdb: {  	v33 =	vld.idx.msk [tilespmem:v33+s25+$0x0], $0xffff;
	v34 =	vand.u32 $0x3F80, v51;
	v43 =	vand.u32 $0x7F, v42;
	v45 =	vand.u32 $0x7F, v44  }
0xdc: {  	v29 =	vor.u32 v10, v29;
	v40 =	vshll.u32 v40, $0x7;
	v53 =	vshll.u32 v42, $0x7  }
0xdd: {  	v55 =	vshll.u32 v44, $0x7;
	v57 =	vand.u32 $0x7F, v54;
	v35 =	vor.u32 v0, v35;
	v36 =	vld.idx.msk [tilespmem:v36+s25+$0x0], $0xffff  }
0xde: {  	v41 =	vor.u32 v3, v41;
	v37 =	vand.u32 $0x3F80, v37;
	v34 =	vor.u32 v0, v34;
	v38 =	vld.idx.msk [tilespmem:v38+s25+$0x0], $0xffff  }
0xdf: {  	v60 =	vand.u32 $0x7F, v58;
	v43 =	vor.u32 v3, v43;
	v37 =	vor.u32 v0, v37;
	v39 =	vld.idx.msk [tilespmem:v39+s25+$0x0], $0xffff  }
0xe0: {  	v28 =	vand.u32 $0x3F80, v28;
	v63 =	vshll.u32 v46, $0x7;
	v45 =	vor.u32 v3, v45;
	[tilespmem:v30+s31+$0x0] =	vst.idx.msk $0xffff, v33  }
0xe1: {  	v47 =	vshll.u32 v54, $0x7;
	v49 =	vshll.u32 v58, $0x7;
	v52 =	vand.u32 $0x3F80, v40;
	v32 =	vld.idx.msk [tilespmem:v32+s25+$0x0], $0xffff  }
0xe2: {  	v50 =	vand.u32 $0x7F, v48;
	v30 =	vand.u32 $0x7F, v46;
	v33 =	vor.u32 v10, v52;
	[tilespmem:v35+s31+$0x0] =	vst.idx.msk $0xffff, v36  }
0xe3: {  	v51 =	vadd.s32 s22, v12;
	v30 =	vor.u32 v4, v30;
	v35 =	vand.u32 $0x3F80, v53;
	[tilespmem:v34+s31+$0x0] =	vst.idx.msk $0xffff, v38;
	v56 =	vld.idx.msk [tilespmem:v41+s25+$0x0], $0xffff  }
0xe4: {  	v26 =	vand.u32 $0x3F80, v26;
	v34 =	vand.u32 $0x3F80, v55;
	v35 =	vor.u32 v10, v35;
	[tilespmem:v37+s31+$0x0] =	vst.idx.msk $0xffff, v39;
	v59 =	vld.idx.msk [tilespmem:v43+s25+$0x0], $0xffff  }
0xe5: {  	v54 =	vadd.s32 s12, v13;
	v34 =	vor.u32 v10, v34;
	v37 =	vor.u32 v4, v57;
	v61 =	vld.idx.msk [tilespmem:v45+s25+$0x0], $0xffff  }
0xe6: {  	v24 =	vand.u32 $0x3F80, v24;
	v42 =	vadd.s32 s22, v14;
	v41 =	vor.u32 v4, v60;
	[tilespmem:v29+s31+$0x0] =	vst.idx.msk $0xffff, v32  }
0xe7: {  	v28 =	vor.u32 v11, v28;
	v26 =	vor.u32 v12, v26;
	v46 =	vand.u32 $0x3F80, v63;
	v31 =	vld.idx.msk [tilespmem:v31+s25+$0x0], $0xffff  }
0xe8: {  	v24 =	vor.u32 v13, v24;
	v29 =	vand.u32 $0x7F, v62;
	v32 =	vor.u32 v11, v46;
	[tilespmem:v33+s31+$0x0] =	vst.idx.msk $0xffff, v56  }
0xe9: {  	v22 =	vand.u32 $0x3F80, v22;
	v29 =	vor.u32 v5, v29;
	v33 =	vand.u32 $0x3F80, v47;
	[tilespmem:v35+s31+$0x0] =	vst.idx.msk $0xffff, v59;
	v30 =	vld.idx.msk [tilespmem:v30+s25+$0x0], $0xffff  }
0xea: {  	v20 =	vand.u32 $0x3F80, v20;
	v35 =	vand.u32 $0x3F80, v49;
	v33 =	vor.u32 v11, v33;
	[tilespmem:v34+s31+$0x0] =	vst.idx.msk $0xffff, v61;
	v37 =	vld.idx.msk [tilespmem:v37+s25+$0x0], $0xffff  }
0xeb: {  	v52 =	vand.u32 $0x7F, v51;
	v35 =	vor.u32 v11, v35;
	v34 =	vor.u32 v5, v50;
	v53 =	vld.idx.msk [tilespmem:v41+s25+$0x0], $0xffff  }
0xec: {  	v22 =	vor.u32 v14, v22;
	v55 =	vshll.u32 v62, $0x7;
	v39 =	vor.u32 v5, v52;
	[tilespmem:v28+s31+$0x0] =	vst.idx.msk $0xffff, v31  }
0xed: {  	v57 =	vshll.u32 v51, $0x7;
	v56 =	vadd.s32 s11, v13;
	v28 =	vand.u32 $0x7F, v54;
	v27 =	vld.idx.msk [tilespmem:v27+s25+$0x0], $0xffff  }
0xee: {  	v31 =	vand.u32 $0x3F80, v55;
	v28 =	vor.u32 v6, v28;
	[tilespmem:v32+s31+$0x0] =	vst.idx.msk $0xffff, v30;
	v30 =	vshll.u32 v48, $0x7  }
0xef: {  	v58 =	vand.u32 $0x7F, v56;
	v31 =	vor.u32 v12, v31;
	[tilespmem:v33+s31+$0x0] =	vst.idx.msk $0xffff, v37;
	v30 =	vand.u32 $0x3F80, v30;
	v29 =	vld.idx.msk [tilespmem:v29+s25+$0x0], $0xffff  }
0xf0: {  	v59 =	vadd.s32 s22, v13;
	v33 =	vand.u32 $0x3F80, v57;
	[tilespmem:v35+s31+$0x0] =	vst.idx.msk $0xffff, v53;
	v34 =	vld.idx.msk [tilespmem:v34+s25+$0x0], $0xffff;
	v30 =	vor.u32 v12, v30  }
0xf1: {  	v60 =	vand.u32 $0x7F, v59;
	v33 =	vor.u32 v12, v33;
	v35 =	vor.u32 v6, v58;
	v61 =	vld.idx.msk [tilespmem:v39+s25+$0x0], $0xffff  }
0xf2: {  	v63 =	vshll.u32 v54, $0x7;
	v62 =	vadd.s32 s12, v14;
	v37 =	vor.u32 v6, v60;
	[tilespmem:v26+s31+$0x0] =	vst.idx.msk $0xffff, v27  }
0xf3: {  	v43 =	vand.u32 $0x7F, v42;
	v26 =	vand.u32 $0x7F, v62;
	v27 =	vand.u32 $0x3F80, v63;
	v25 =	vld.idx.msk [tilespmem:v25+s25+$0x0], $0xffff  }
0xf4: {  	v26 =	vor.u32 v7, v26;
	v27 =	vor.u32 v13, v27;
	[tilespmem:v31+s31+$0x0] =	vst.idx.msk $0xffff, v29;
	v29 =	vshll.u32 v56, $0x7  }
0xf5: {  	v31 =	vadd.s32 s11, v14;
	[tilespmem:v30+s31+$0x0] =	vst.idx.msk $0xffff, v34;
	v30 =	vshll.u32 v59, $0x7;
	v29 =	vand.u32 $0x3F80, v29;
	v28 =	vld.idx.msk [tilespmem:v28+s25+$0x0], $0xffff  }
0xf6: {  	v41 =	vand.u32 $0x7F, v31;
	[tilespmem:v33+s31+$0x0] =	vst.idx.msk $0xffff, v61;
	v30 =	vand.u32 $0x3F80, v30;
	v34 =	vld.idx.msk [tilespmem:v35+s25+$0x0], $0xffff;
	v29 =	vor.u32 v13, v29  }
0xf7: {  	v45 =	vadd.s32 s12, v15;
	v32 =	vor.u32 v7, v41;
	v30 =	vor.u32 v13, v30;
	v44 =	vld.idx.msk [tilespmem:v37+s25+$0x0], $0xffff  }
0xf8: {  	v46 =	vshll.u32 v62, $0x7;
	v35 =	vor.u32 v7, v43;
	[tilespmem:v24+s31+$0x0] =	vst.idx.msk $0xffff, v25;
	v24 =	vand.u32 $0x7F, v45  }
0xf9: {  	v49 =	vadd.s32 s12, v16;
	v25 =	vand.u32 $0x3F80, v46;
	v24 =	vor.u32 v8, v24  }
0xfa: {  	v23 =	vld.idx.msk [tilespmem:v23+s25+$0x0], $0xffff;
	v25 =	vor.u32 v14, v25;
	[tilespmem:v27+s31+$0x0] =	vst.idx.msk $0xffff, v28;
	v27 =	vshll.u32 v31, $0x7;
	v28 =	vadd.s32 s11, v15  }
0xfb: {  	v31 =	vadd.s32 s22, v15;
	[tilespmem:v29+s31+$0x0] =	vst.idx.msk $0xffff, v34;
	v29 =	vshll.u32 v42, $0x7;
	v27 =	vand.u32 $0x3F80, v27;
	v26 =	vld.idx.msk [tilespmem:v26+s25+$0x0], $0xffff  }
0xfc: {  	[tilespmem:v30+s31+$0x0] =	vst.idx.msk $0xffff, v44;
	v30 =	vand.u32 $0x7F, v28;
	v29 =	vand.u32 $0x3F80, v29;
	v32 =	vld.idx.msk [tilespmem:v32+s25+$0x0], $0xffff;
	v27 =	vor.u32 v14, v27  }
0xfd: {  	v47 =	vand.u32 $0x7F, v31;
	v29 =	vor.u32 v14, v29;
	v48 =	vld.idx.msk [tilespmem:v35+s25+$0x0], $0xffff;
	v30 =	vor.u32 v8, v30  }
0xfe: {  	v50 =	vshll.u32 v45, $0x7;
	v51 =	vand.u32 $0x7F, v49;
	v33 =	vor.u32 v8, v47  }
0xff: {  	v20 =	vor.u32 v15, v20;
	[tilespmem:v22+s31+$0x0] =	vst.idx.msk $0xffff, v23;
	v22 =	vand.u32 $0x3F80, v50;
	v23 =	vor.u32 v9, v51  }
0x100: {  	v21 =	vld.idx.msk [tilespmem:v21+s25+$0x0], $0xffff;
	v22 =	vor.u32 v15, v22;
	[tilespmem:v25+s31+$0x0] =	vst.idx.msk $0xffff, v26;
	v25 =	vshll.u32 v28, $0x7;
	v26 =	vadd.s32 s11, v16  }
0x101: {  	[tilespmem:v27+s31+$0x0] =	vst.idx.msk $0xffff, v32;
	v24 =	vld.idx.msk [tilespmem:v24+s25+$0x0], $0xffff;
	v27 =	vshll.u32 v31, $0x7;
	v25 =	vand.u32 $0x3F80, v25;
	v28 =	vand.u32 $0x7F, v26  }
0x102: {  	[tilespmem:v29+s31+$0x0] =	vst.idx.msk $0xffff, v48;
	v29 =	vld.idx.msk [tilespmem:v30+s25+$0x0], $0xffff;
	v27 =	vand.u32 $0x3F80, v27;
	v30 =	vadd.s32 s22, v16;
	v25 =	vor.u32 v15, v25  }
0x103: {  	v28 =	vor.u32 v9, v28;
	v31 =	vld.idx.msk [tilespmem:v33+s25+$0x0], $0xffff;
	v27 =	vor.u32 v15, v27;
	v52 =	vand.u32 $0x7F, v30  }
0x104: {  	v18 =	vshll.u32 v18, $0x7;
	v32 =	vor.u32 v9, v52  }
0x105: {  	v18 =	vand.u32 $0x3F80, v18;
	[tilespmem:v20+s31+$0x0] =	vst.idx.msk $0xffff, v21;
	v20 =	vshll.u32 v49, $0x7  }
0x106: {  	v18 =	vor.u32 v16, v18;
	v21 =	vshll.u32 v26, $0x7;
	v19 =	vld.idx.msk [tilespmem:v19+s25+$0x0], $0xffff;
	v20 =	vand.u32 $0x3F80, v20;
	[tilespmem:v22+s31+$0x0] =	vst.idx.msk $0xffff, v24  }
0x107: {  	v21 =	vand.u32 $0x3F80, v21;
	v20 =	vor.u32 v16, v20;
	[tilespmem:v25+s31+$0x0] =	vst.idx.msk $0xffff, v29;
	v22 =	vld.idx.msk [tilespmem:v23+s25+$0x0], $0xffff;
	v23 =	vshll.u32 v30, $0x7  }
0x108: {  	s4 =	sshrl.u32 s14, $0x6;
	v21 =	vor.u32 v16, v21;
	[tilespmem:v27+s31+$0x0] =	vst.idx.msk $0xffff, v31;
	v24 =	vld.idx.msk [tilespmem:v28+s25+$0x0], $0xffff;
	v23 =	vand.u32 $0x3F80, v23  }
0x109: {  	s4 =	smul.u32 $0xFA000, s4;
	v25 =	vld.idx.msk [tilespmem:v32+s25+$0x0], $0xffff;
	v23 =	vor.u32 v16, v23  }
0x10a: {  	s21 =	sshll.u32 s21, $0x11;
	s22 =	sshll.u32 s14, $0x7  }
0x10b: {  	s4 =	sadd.s32 s21, s4;
	s21 =	sand.u32 $0x1C00, s22;
	[tilespmem:v18+s31+$0x0] =	vst.idx.msk $0xffff, v19  }
0x10c: {  	s4 =	sor.u32 s21, s4;
	[tilespmem:v20+s31+$0x0] =	vst.idx.msk $0xffff, v22  }
0x10d: {  	s4 =	sshrl.u32 s4, $0x3;
	[tilespmem:v21+s31+$0x0] =	vst.idx.msk $0xffff, v24  }
0x10e: {  	s4 =	sadd.s32 s2, s4;
	[tilespmem:v23+s31+$0x0] =	vst.idx.msk $0xffff, v25  }
0x10f: {  	[hbm4b:s4+s0] =	stream.strided.scatter [tilespmem:s31], [sflag:$0x3], $0x4000, s1, s0, $0x38;
	[tilespmem:$0x1E1D0] =	vst v63  }
0x110: {  	_ =	swait.ge [sflag:s20], $0x4000  }
0x111: {  	[sflag:s20] =	ssyncset.done $0x0  }
0x112: {  	[sflag:s20] =	ssyncadd.s32 $0xFFFFC000  }
0x113: {  	v23 =	vld [tilespmem:$0x180]  }
0x114: {  	v21 =	vld [tilespmem:$0x190]  }
0x115: {  	v19 =	vld [tilespmem:$0x80]  }
0x116: {  	v18 =	vld [tilespmem:$0x1A0]  }
0x117: {  	v22 =	vld [tilespmem:$0x90]  }
0x118: {  	v27 =	vld [tilespmem:$0xA0];
	v20 =	vand.u32 $0x7F, v23  }
0x119: {  	v53 =	vld [tilespmem:$0xB0];
	v24 =	vand.u32 $0x7F, v21;
	v20 =	vor.u32 v1, v20  }
0x11a: {  	v55 =	vld [tilespmem:$0xC0];
	v24 =	vor.u32 v3, v24  }
0x11b: {  	v56 =	vld [tilespmem:$0xD0]  }
0x11c: {  	v59 =	vld [tilespmem:$0xE0]  }
0x11d: {  	v61 =	vld [tilespmem:$0xF0]  }
0x11e: {  	v29 =	vld.idx.msk [tilespmem:v20+s24+$0x0], $0xffff  }
0x11f: {  	v25 =	vand.u32 $0x7F, v18;
	v28 =	vld.idx.msk [tilespmem:v24+s24+$0x0], $0xffff  }
0x120: {  	v20 =	vor.u32 v4, v25;
	v25 =	vld [tilespmem:$0x1B0]  }
0x121: {  	v24 =	vld [tilespmem:$0x1C0]  }
0x122: {  	v30 =	vld.idx.msk [tilespmem:v22+s18+$0x0], $0xffff  }
0x123: {  	v22 =	vld [tilespmem:$0x1D0]  }
0x124: {  	v31 =	vld.idx.msk [tilespmem:v19+s18+$0x0], $0xffff  }
0x125: {  	v26 =	vld.idx.msk [tilespmem:v20+s24+$0x0], $0xffff;
	v19 =	vand.u32 $0x7F, v25  }
0x126: {  	v20 =	vld [tilespmem:$0x1E0];
	v54 =	vor.u32 v5, v19;
	v19 =	vand.u32 $0x7F, v24  }
0x127: {  	v57 =	vor.u32 v6, v19;
	v19 =	vld [tilespmem:$0x1F0]  }
0x128: {  	v27 =	vld.idx.msk [tilespmem:v27+s18+$0x0], $0xffff;
	v58 =	vand.u32 $0x7F, v22  }
0x129: {  	v40 =	vld.idx.msk [tilespmem:v53+s18+$0x0], $0xffff;
	v33 =	vor.u32 v7, v58  }
0x12a: {  	v41 =	vld.idx.msk [tilespmem:v55+s18+$0x0], $0xffff  }
0x12b: {  	v39 =	vld.idx.msk [tilespmem:v56+s18+$0x0], $0xffff;
	v60 =	vand.u32 $0x7F, v20  }
0x12c: {  	v36 =	vld.idx.msk [tilespmem:v59+s18+$0x0], $0xffff;
	v32 =	vor.u32 v8, v60;
	v62 =	vand.u32 $0x7F, v19  }
0x12d: {  	v34 =	vld.idx.msk [tilespmem:v61+s18+$0x0], $0xffff;
	v63 =	vor.u32 v9, v62  }
0x12e: {  	v37 =	vld.idx.msk [tilespmem:v33+s24+$0x0], $0xffff  }
0x12f: {  	s22 =	sor.u32 $0x1, s15;
	v35 =	vld.idx.msk [tilespmem:v54+s24+$0x0], $0xffff  }
0x130: {  	p4 =	sgt.u32 s22, $0x62;
	v38 =	vld.idx.msk [tilespmem:v57+s24+$0x0], $0xffff  }
0x131: {  	s11 =	simm.s32 @!p4 $0x5;
	v33 =	vld.idx.msk [tilespmem:v32+s24+$0x0], $0xffff  }
0x132: {  	v32 =	vld.idx.msk [tilespmem:v63+s24+$0x0], $0xffff;
	_ =	swait.ge @!p4 [sflag:s11], $0x80  }
0x133: {  	[sflag:s11] =	ssyncset.done @!p4 $0x0  }
0x134: {  	[sflag:s11] =	ssyncadd.s32 @!p4 $0xFFFFFF80;
	s11 =	simm.s32 @!p4 $0x7  }
0x135: {  	_ =	swait.ge @!p4 [sflag:s11], $0x80  }
0x136: {  	[sflag:s11] =	ssyncset.done @!p4 $0x0  }
0x137: {  	[sflag:s11] =	ssyncadd.s32 @!p4 $0xFFFFFF80  }
0x138: {  	v42 =	vld @!p4 [tilespmem:$0x0]  }
0x139: {  	v43 =	vld @!p4 [tilespmem:$0x10]  }
0x13a: {  	v44 =	vld @!p4 [tilespmem:$0x20]  }
0x13b: {  	v45 =	vld @!p4 [tilespmem:$0x30]  }
0x13c: {  	s15 =	sadd.s32 s9, s22;
	v46 =	vld @!p4 [tilespmem:$0x40]  }
0x13d: {  	s4 =	sadd.s32 @!p4 $0x1, s15;
	v47 =	vld @!p4 [tilespmem:$0x50];
	v42 =	vmul.u32 @!p4 $0x7, v42  }
0x13e: {  	s4 =	sand.u32 @!p4 $0x6, s4;
	v48 =	vld @!p4 [tilespmem:$0x60];
	v43 =	vmul.u32 @!p4 $0x7, v43  }
0x13f: {  	v49 =	vld @!p4 [tilespmem:$0x70];
	v44 =	vmul.u32 @!p4 $0x7, v44;
	v42 =	vadd.s32 @!p4 s4, v42  }
0x140: {  	[tilespmem:$0x200] =	vst @!p4 v42;
	v42 =	vadd.s32 @!p4 s4, v43;
	v43 =	vmul.u32 @!p4 $0x7, v45  }
0x141: {  	[tilespmem:$0x210] =	vst @!p4 v42;
	v42 =	vadd.s32 @!p4 s4, v44;
	v44 =	vmul.u32 @!p4 $0x7, v46  }
0x142: {  	[tilespmem:$0x220] =	vst @!p4 v42;
	v42 =	vadd.s32 @!p4 s4, v43;
	v43 =	vmul.u32 @!p4 $0x7, v47  }
0x143: {  	[tilespmem:$0x230] =	vst @!p4 v42;
	v42 =	vadd.s32 @!p4 s4, v44;
	v44 =	vmul.u32 @!p4 $0x7, v48  }
0x144: {  	[tilespmem:$0x240] =	vst @!p4 v42;
	v42 =	vadd.s32 @!p4 s4, v43;
	v43 =	vmul.u32 @!p4 $0x7, v49  }
0x145: {  	[tilespmem:$0x250] =	vst @!p4 v42;
	v42 =	vadd.s32 @!p4 s4, v44  }
0x146: {  	[tilespmem:$0x260] =	vst @!p4 v42;
	v42 =	vadd.s32 @!p4 s4, v43  }
0x147: {  	s12 =	simm.s32 @!p4 $0x700;
	s11 =	simm.s32 @!p4 $0x200;
	s4 =	simm.s32 @!p4 $0x80;
	[tilespmem:$0x270] =	vst @!p4 v42  }
0x148: {  	[tilespmem:s12], [sflag:$0x1] =	stream.indirect.gather @!p4 [spmem:s3], $0x80, s11, s4, $0xb8;
	[tilespmem:$0x1E1D0] =	vst v63  }
.Ltmp1:
0x149: {  	_ = 	snop;
	(pc) =	sbr.rel @!p3 .LBB2_6-.Ltmp1, $4  }
0x14a: {  	s4 =	simm.s32 @!p2 $0x0;
	s11 =	simm.s32 @!p2 $0x80  }
0x14b: {  	[tilespmem:s11], [sflag:$0x6] =	stream.linear.gather @!p2 [hbm4b:s16+s4], $0x80, $0x38;
	[tilespmem:$0x1E1D0] =	vst v63  }
0x14c: {  	s11 =	simm.s32 @!p2 $0x180  }
0x14d: {  	[tilespmem:s11], [sflag:$0x8] =	stream.linear.gather @!p2 [hbm4b:s17+s4], $0x80, $0x38;
	[tilespmem:$0x1E1D0] =	vst v63  }
0x14e: {  	s4 =	ssub.s32 $0x0, s14  }
0x14f: {  	s4 =	sand.u32 $0x6, s4  }
0x150: {  	p2 =	seq.s32 s4, $0x0  }
0x151: {  	s4 =	simm.s32 @p2 $0x4  }
0x152: {  	_ =	swait.ge @p2 [sflag:s4], $0x3400  }
0x153: {  	[sflag:s4] =	ssyncset.done @p2 $0x0  }
0x154: {  	[sflag:s4] =	ssyncadd.s32 @p2 $0xFFFFCC00;
	s4 =	simm.s32 @!p2 $0x4  }
0x155: {  	_ =	swait.ge @!p2 [sflag:s4], $0x4000  }
0x156: {  	[sflag:s4] =	ssyncset.done @!p2 $0x0  }
0x157: {  	[sflag:s4] =	ssyncadd.s32 @!p2 $0xFFFFC000  }
.LBB2_6:
0x158: {  	v23 =	vshra.s32 v23, $0x7  }
0x159: {  	v29 =	vsub.f32 v31, v29;
	v21 =	vshra.s32 v21, $0x7;
	v28 =	vsub.f32 v30, v28  }
0x15a: {  	s14 =	sand.u32 $0x7, s15;
	v18 =	vshra.s32 v18, $0x7;
	v20 =	vshra.s32 v20, $0x7;
	v19 =	vshra.s32 v19, $0x7  }
0x15b: {  	vm0 =	veq.s32 v23, s14;
	vm9 =	veq.s32 v21, s14;
	vm10 =	veq.s32 v18, s14  }
0x15c: {  	s4 =	simm.s32 $0x0;
	s11 =	simm.s32 $0x2;
	vm14 =	veq.s32 v20, s14;
	v20 =	vsub.f32 v34, v32;
	vm15 =	veq.s32 v19, s14  }
0x15d: {  	v19 =	vadd.s32 s4, v10;
	v34 =	vadd.s32 s11, v0;
	v23 =	vnsel vm0, $0x0, v29  }
0x15e: {  	v21 =	vnsel vm9, $0x0, v28;
	v28 =	vadd.s32 s4, v11;
	v17 =	vadd.f32 v23, v17  }
0x15f: {  	v29 =	vshll.u32 v19, $0x7;
	v32 =	vand.u32 $0x7F, v19;
	v23 =	vsub.f32 v27, v26  }
0x160: {  	v26 =	vadd.s32 s4, v12;
	v31 =	vand.u32 $0x7F, v28;
	v17 =	vadd.f32 v21, v17  }
0x161: {  	v18 =	vnsel vm10, $0x0, v23;
	v21 =	vshra.s32 v25, $0x7;
	v23 =	vsub.f32 v40, v35  }
0x162: {  	v62 =	vand.u32 $0x7F, v26;
	vm11 =	veq.s32 v21, s14;
	v17 =	vadd.f32 v18, v17  }
0x163: {  	s12 =	simm.s32 $0x3;
	v21 =	vshra.s32 v24, $0x7;
	v18 =	vnsel vm11, $0x0, v23;
	v23 =	vsub.f32 v41, v38  }
0x164: {  	v35 =	vadd.s32 s12, v0;
	vm12 =	veq.s32 v21, s14;
	v17 =	vadd.f32 v18, v17  }
0x165: {  	v21 =	vshra.s32 v22, $0x7;
	v22 =	vsub.f32 v39, v37;
	v18 =	vnsel vm12, $0x0, v23  }
0x166: {  	v24 =	vadd.s32 s4, v13;
	vm13 =	veq.s32 v21, s14;
	v17 =	vadd.f32 v18, v17  }
0x167: {  	v25 =	vand.u32 $0x7F, v24;
	v21 =	vsub.f32 v36, v33;
	v18 =	vnsel vm13, $0x0, v22  }
0x168: {  	v25 =	vor.u32 v6, v25;
	v36 =	vand.u32 $0x7F, v35;
	v17 =	vadd.f32 v18, v17  }
0x169: {  	v22 =	vadd.s32 s4, v14;
	v18 =	vnsel vm14, $0x0, v21;
	v21 =	vadd.s32 s4, v0  }
0x16a: {  	v27 =	vand.u32 $0x7F, v22;
	v30 =	vshll.u32 v21, $0x7;
	v17 =	vadd.f32 v18, v17  }
0x16b: {  	v63 =	vand.u32 $0x7F, v21;
	v18 =	vnsel vm15, $0x0, v20;
	v20 =	vadd.s32 s4, v15  }
0x16c: {  	v61 =	vand.u32 $0x7F, v20;
	v17 =	vadd.f32 v18, v17;
	v18 =	vadd.s32 s4, v16  }
0x16d: {  	v33 =	vor.u32 v1, v63;
	v21 =	vor.u32 v8, v61;
	v23 =	vand.u32 $0x7F, v18  }
0x16e: {  	s16 =	simm.s32 $0x1;
	s4 =	simm.s32 $0x4;
	v19 =	vor.u32 v9, v23;
	v23 =	vor.u32 v7, v27;
	v27 =	vor.u32 v5, v62  }
.LBB2_7:
0x16f: {  	p2 =	slt.u32 s4, $0x7C;
	v37 =	vadd.s32 s16, v0;
	v38 =	vand.u32 $0x7F, v34;
	v36 =	vor.u32 v1, v36  }
0x170: {  	v31 =	vor.u32 v4, v31;
	v39 =	vand.u32 $0x7F, v37;
	v38 =	vor.u32 v1, v38  }
0x171: {  	v32 =	vor.u32 v3, v32;
	v40 =	vadd.s32 s12, v10;
	v39 =	vor.u32 v1, v39  }
0x172: {  	v30 =	vand.u32 $0x3F80, v30;
	v35 =	vshll.u32 v35, $0x7;
	v41 =	vand.u32 $0x7F, v40  }
0x173: {  	v30 =	vor.u32 v0, v30;
	v35 =	vand.u32 $0x3F80, v35;
	v41 =	vor.u32 v3, v41;
	v33 =	vld.idx.msk [tilespmem:v33+s24+$0x0], $0xffff  }
0x174: {  	v34 =	vshll.u32 v34, $0x7;
	v42 =	vadd.s32 s11, v10;
	v35 =	vor.u32 v0, v35;
	v36 =	vld.idx.msk [tilespmem:v36+s24+$0x0], $0xffff  }
0x175: {  	v37 =	vshll.u32 v37, $0x7;
	v34 =	vand.u32 $0x3F80, v34;
	v43 =	vand.u32 $0x7F, v42;
	v38 =	vld.idx.msk [tilespmem:v38+s24+$0x0], $0xffff  }
0x176: {  	v44 =	vadd.s32 s16, v10;
	v37 =	vand.u32 $0x3F80, v37;
	v34 =	vor.u32 v0, v34;
	v39 =	vld.idx.msk [tilespmem:v39+s24+$0x0], $0xffff  }
0x177: {  	v45 =	vand.u32 $0x7F, v44;
	v43 =	vor.u32 v3, v43;
	v37 =	vor.u32 v0, v37  }
0x178: {  	v29 =	vand.u32 $0x3F80, v29;
	v46 =	vadd.s32 s12, v11;
	v45 =	vor.u32 v3, v45  }
0x179: {  	v29 =	vor.u32 v10, v29;
	[tilespmem:v30+s26+$0x0] =	vst.idx.msk $0xffff, v33;
	v30 =	vshll.u32 v40, $0x7;
	v33 =	vand.u32 $0x7F, v46  }
0x17a: {  	v28 =	vshll.u32 v28, $0x7;
	v32 =	vld.idx.msk [tilespmem:v32+s24+$0x0], $0xffff;
	[tilespmem:v35+s26+$0x0] =	vst.idx.msk $0xffff, v36;
	v30 =	vand.u32 $0x3F80, v30;
	v33 =	vor.u32 v4, v33  }
0x17b: {  	v35 =	vadd.s32 s11, v11;
	[tilespmem:v34+s26+$0x0] =	vst.idx.msk $0xffff, v38;
	v34 =	vshll.u32 v42, $0x7;
	v36 =	vld.idx.msk [tilespmem:v41+s24+$0x0], $0xffff;
	v30 =	vor.u32 v10, v30  }
0x17c: {  	[tilespmem:v37+s26+$0x0] =	vst.idx.msk $0xffff, v39;
	v37 =	vshll.u32 v44, $0x7;
	v38 =	vld.idx.msk [tilespmem:v43+s24+$0x0], $0xffff;
	v34 =	vand.u32 $0x3F80, v34;
	v39 =	vand.u32 $0x7F, v35  }
0x17d: {  	v41 =	vadd.s32 s16, v11;
	v40 =	vld.idx.msk [tilespmem:v45+s24+$0x0], $0xffff;
	v37 =	vand.u32 $0x3F80, v37;
	v34 =	vor.u32 v10, v34  }
0x17e: {  	v42 =	vand.u32 $0x7F, v41;
	v39 =	vor.u32 v4, v39;
	v37 =	vor.u32 v10, v37  }
0x17f: {  	v28 =	vand.u32 $0x3F80, v28;
	v43 =	vadd.s32 s12, v12;
	v42 =	vor.u32 v4, v42  }
0x180: {  	v28 =	vor.u32 v11, v28;
	[tilespmem:v29+s26+$0x0] =	vst.idx.msk $0xffff, v32;
	v29 =	vshll.u32 v46, $0x7;
	v32 =	vand.u32 $0x7F, v43  }
0x181: {  	v26 =	vshll.u32 v26, $0x7;
	v31 =	vld.idx.msk [tilespmem:v31+s24+$0x0], $0xffff;
	[tilespmem:v30+s26+$0x0] =	vst.idx.msk $0xffff, v36;
	v29 =	vand.u32 $0x3F80, v29;
	v30 =	vor.u32 v5, v32  }
0x182: {  	v32 =	vshll.u32 v35, $0x7;
	[tilespmem:v34+s26+$0x0] =	vst.idx.msk $0xffff, v38;
	v34 =	vadd.s32 s11, v12;
	v33 =	vld.idx.msk [tilespmem:v33+s24+$0x0], $0xffff;
	v29 =	vor.u32 v11, v29  }
0x183: {  	v35 =	vshll.u32 v41, $0x7;
	v32 =	vand.u32 $0x3F80, v32;
	[tilespmem:v37+s26+$0x0] =	vst.idx.msk $0xffff, v40;
	v36 =	vld.idx.msk [tilespmem:v39+s24+$0x0], $0xffff;
	v37 =	vand.u32 $0x7F, v34  }
0x184: {  	v35 =	vand.u32 $0x3F80, v35;
	v39 =	vadd.s32 s16, v12;
	v32 =	vor.u32 v11, v32;
	v38 =	vld.idx.msk [tilespmem:v42+s24+$0x0], $0xffff  }
0x185: {  	v35 =	vor.u32 v11, v35;
	v40 =	vand.u32 $0x7F, v39;
	v37 =	vor.u32 v5, v37  }
0x186: {  	v26 =	vand.u32 $0x3F80, v26;
	v41 =	vadd.s32 s12, v13;
	v40 =	vor.u32 v5, v40  }
0x187: {  	v26 =	vor.u32 v12, v26;
	[tilespmem:v28+s26+$0x0] =	vst.idx.msk $0xffff, v31;
	v28 =	vshll.u32 v43, $0x7;
	v31 =	vand.u32 $0x7F, v41  }
0x188: {  	v24 =	vshll.u32 v24, $0x7;
	v27 =	vld.idx.msk [tilespmem:v27+s24+$0x0], $0xffff;
	[tilespmem:v29+s26+$0x0] =	vst.idx.msk $0xffff, v33;
	v28 =	vand.u32 $0x3F80, v28;
	v29 =	vor.u32 v6, v31  }
0x189: {  	v31 =	vshll.u32 v34, $0x7;
	[tilespmem:v32+s26+$0x0] =	vst.idx.msk $0xffff, v36;
	v32 =	vadd.s32 s11, v13;
	v30 =	vld.idx.msk [tilespmem:v30+s24+$0x0], $0xffff;
	v28 =	vor.u32 v12, v28  }
0x18a: {  	v33 =	vshll.u32 v39, $0x7;
	v31 =	vand.u32 $0x3F80, v31;
	[tilespmem:v35+s26+$0x0] =	vst.idx.msk $0xffff, v38;
	v34 =	vld.idx.msk [tilespmem:v37+s24+$0x0], $0xffff;
	v35 =	vand.u32 $0x7F, v32  }
0x18b: {  	v33 =	vand.u32 $0x3F80, v33;
	v37 =	vadd.s32 s16, v13;
	v31 =	vor.u32 v12, v31;
	v36 =	vld.idx.msk [tilespmem:v40+s24+$0x0], $0xffff  }
0x18c: {  	v33 =	vor.u32 v12, v33;
	v38 =	vand.u32 $0x7F, v37;
	v35 =	vor.u32 v6, v35  }
0x18d: {  	v24 =	vand.u32 $0x3F80, v24;
	v39 =	vadd.s32 s12, v14;
	v38 =	vor.u32 v6, v38  }
0x18e: {  	v24 =	vor.u32 v13, v24;
	[tilespmem:v26+s26+$0x0] =	vst.idx.msk $0xffff, v27;
	v26 =	vshll.u32 v41, $0x7;
	v27 =	vand.u32 $0x7F, v39  }
0x18f: {  	v22 =	vshll.u32 v22, $0x7;
	v25 =	vld.idx.msk [tilespmem:v25+s24+$0x0], $0xffff;
	[tilespmem:v28+s26+$0x0] =	vst.idx.msk $0xffff, v30;
	v26 =	vand.u32 $0x3F80, v26;
	v27 =	vor.u32 v7, v27  }
0x190: {  	v28 =	vshll.u32 v32, $0x7;
	v30 =	vadd.s32 s11, v14;
	[tilespmem:v31+s26+$0x0] =	vst.idx.msk $0xffff, v34;
	v29 =	vld.idx.msk [tilespmem:v29+s24+$0x0], $0xffff;
	v26 =	vor.u32 v13, v26  }
0x191: {  	v31 =	vshll.u32 v37, $0x7;
	v28 =	vand.u32 $0x3F80, v28;
	[tilespmem:v33+s26+$0x0] =	vst.idx.msk $0xffff, v36;
	v32 =	vld.idx.msk [tilespmem:v35+s24+$0x0], $0xffff;
	v33 =	vand.u32 $0x7F, v30  }
0x192: {  	v31 =	vand.u32 $0x3F80, v31;
	v35 =	vadd.s32 s16, v14;
	v28 =	vor.u32 v13, v28;
	v34 =	vld.idx.msk [tilespmem:v38+s24+$0x0], $0xffff  }
0x193: {  	v31 =	vor.u32 v13, v31;
	v36 =	vand.u32 $0x7F, v35;
	v33 =	vor.u32 v7, v33  }
0x194: {  	v22 =	vand.u32 $0x3F80, v22;
	v37 =	vadd.s32 s12, v15;
	v36 =	vor.u32 v7, v36  }
0x195: {  	v22 =	vor.u32 v14, v22;
	[tilespmem:v24+s26+$0x0] =	vst.idx.msk $0xffff, v25;
	v24 =	vshll.u32 v39, $0x7;
	v25 =	vand.u32 $0x7F, v37  }
0x196: {  	v20 =	vshll.u32 v20, $0x7;
	v23 =	vld.idx.msk [tilespmem:v23+s24+$0x0], $0xffff;
	[tilespmem:v26+s26+$0x0] =	vst.idx.msk $0xffff, v29;
	v24 =	vand.u32 $0x3F80, v24;
	v25 =	vor.u32 v8, v25  }
0x197: {  	v26 =	vshll.u32 v30, $0x7;
	[tilespmem:v28+s26+$0x0] =	vst.idx.msk $0xffff, v32;
	v28 =	vadd.s32 s11, v15;
	v27 =	vld.idx.msk [tilespmem:v27+s24+$0x0], $0xffff;
	v24 =	vor.u32 v14, v24  }
0x198: {  	v29 =	vshll.u32 v35, $0x7;
	v26 =	vand.u32 $0x3F80, v26;
	[tilespmem:v31+s26+$0x0] =	vst.idx.msk $0xffff, v34;
	v30 =	vld.idx.msk [tilespmem:v33+s24+$0x0], $0xffff;
	v31 =	vand.u32 $0x7F, v28  }
0x199: {  	v29 =	vand.u32 $0x3F80, v29;
	v33 =	vadd.s32 s16, v15;
	v26 =	vor.u32 v14, v26;
	v32 =	vld.idx.msk [tilespmem:v36+s24+$0x0], $0xffff  }
0x19a: {  	v29 =	vor.u32 v14, v29;
	v34 =	vand.u32 $0x7F, v33;
	v31 =	vor.u32 v8, v31  }
0x19b: {  	v20 =	vand.u32 $0x3F80, v20;
	v35 =	vadd.s32 s12, v16;
	v34 =	vor.u32 v8, v34  }
0x19c: {  	[tilespmem:v22+s26+$0x0] =	vst.idx.msk $0xffff, v23;
	v23 =	vor.u32 v15, v20;
	v20 =	vshll.u32 v37, $0x7;
	v22 =	vand.u32 $0x7F, v35  }
0x19d: {  	v36 =	vadd.s32 s4, v16;
	v21 =	vld.idx.msk [tilespmem:v21+s24+$0x0], $0xffff;
	[tilespmem:v24+s26+$0x0] =	vst.idx.msk $0xffff, v27;
	v20 =	vand.u32 $0x3F80, v20;
	v27 =	vor.u32 v9, v22  }
0x19e: {  	v22 =	vshll.u32 v28, $0x7;
	[tilespmem:v26+s26+$0x0] =	vst.idx.msk $0xffff, v30;
	v30 =	vadd.s32 s11, v16;
	v25 =	vld.idx.msk [tilespmem:v25+s24+$0x0], $0xffff;
	v37 =	vor.u32 v15, v20  }
0x19f: {  	v20 =	vshll.u32 v33, $0x7;
	v22 =	vand.u32 $0x3F80, v22;
	[tilespmem:v29+s26+$0x0] =	vst.idx.msk $0xffff, v32;
	v29 =	vld.idx.msk [tilespmem:v31+s24+$0x0], $0xffff;
	v24 =	vand.u32 $0x7F, v30  }
0x1a0: {  	v20 =	vand.u32 $0x3F80, v20;
	v32 =	vadd.s32 s16, v16;
	v33 =	vor.u32 v15, v22;
	v31 =	vld.idx.msk [tilespmem:v34+s24+$0x0], $0xffff  }
0x1a1: {  	v34 =	vor.u32 v15, v20;
	v26 =	vand.u32 $0x7F, v32;
	v38 =	vor.u32 v9, v24  }
0x1a2: {  	v22 =	vadd.s32 s4, v14;
	v20 =	vadd.s32 s4, v15;
	v39 =	vor.u32 v9, v26  }
0x1a3: {  	v24 =	vadd.s32 s4, v13;
	v26 =	vadd.s32 s4, v12;
	[tilespmem:v23+s26+$0x0] =	vst.idx.msk $0xffff, v21;
	v21 =	vshll.u32 v18, $0x7;
	v18 =	vmovc v36  }
0x1a4: {  	v28 =	vadd.s32 s4, v11;
	v23 =	vshll.u32 v35, $0x7;
	v19 =	vld.idx.msk [tilespmem:v19+s24+$0x0], $0xffff;
	v21 =	vand.u32 $0x3F80, v21;
	[tilespmem:v37+s26+$0x0] =	vst.idx.msk $0xffff, v25  }
0x1a5: {  	v25 =	vshll.u32 v30, $0x7;
	v23 =	vand.u32 $0x3F80, v23;
	v21 =	vor.u32 v16, v21;
	[tilespmem:v33+s26+$0x0] =	vst.idx.msk $0xffff, v29;
	v27 =	vld.idx.msk [tilespmem:v27+s24+$0x0], $0xffff  }
0x1a6: {  	v29 =	vshll.u32 v32, $0x7;
	v25 =	vand.u32 $0x3F80, v25;
	v23 =	vor.u32 v16, v23;
	[tilespmem:v34+s26+$0x0] =	vst.idx.msk $0xffff, v31;
	v33 =	vld.idx.msk [tilespmem:v38+s24+$0x0], $0xffff  }
0x1a7: {  	v32 =	vadd.s32 s4, v10;
	v29 =	vand.u32 $0x3F80, v29;
	v25 =	vor.u32 v16, v25;
	v34 =	vld.idx.msk [tilespmem:v39+s24+$0x0], $0xffff  }
0x1a8: {  	v35 =	vadd.s32 s4, v0;
	v36 =	vand.u32 $0x7F, v18;
	v37 =	vor.u32 v16, v29  }
0x1a9: {  	v40 =	vand.u32 $0x7F, v20;
	v38 =	vand.u32 $0x7F, v24;
	v39 =	vand.u32 $0x7F, v22  }
.Ltmp2:
0x1aa: {  	v41 =	vand.u32 $0x7F, v26;
	v31 =	vand.u32 $0x7F, v28;
	v29 =	vshll.u32 v32, $0x7;
	[tilespmem:v21+s26+$0x0] =	vst.idx.msk $0xffff, v19;
	(pc) =	sbr.rel @p2 .LBB2_7-.Ltmp2, $4  }
0x1ab: {  	v30 =	vshll.u32 v35, $0x7;
	v32 =	vand.u32 $0x7F, v32;
	v19 =	vor.u32 v9, v36;
	[tilespmem:v23+s26+$0x0] =	vst.idx.msk $0xffff, v27  }
0x1ac: {  	s12 =	sadd.s32 $0x3, s4;
	v36 =	vand.u32 $0x7F, v35;
	v21 =	vor.u32 v8, v40;
	v23 =	vor.u32 v7, v39;
	[tilespmem:v25+s26+$0x0] =	vst.idx.msk $0xffff, v33  }
0x1ad: {  	s11 =	sadd.s32 $0x2, s4;
	v35 =	vadd.s32 s12, v0;
	v27 =	vor.u32 v5, v41;
	v25 =	vor.u32 v6, v38;
	[tilespmem:v37+s26+$0x0] =	vst.idx.msk $0xffff, v34  }
0x1ae: {  	s16 =	sadd.s32 $0x1, s4;
	s4 =	sadd.s32 $0x4, s4;
	v33 =	vor.u32 v1, v36;
	v36 =	vand.u32 $0x7F, v35;
	v34 =	vadd.s32 s11, v0  }
0x1af: {  	v37 =	vadd.s32 s16, v0;
	v38 =	vand.u32 $0x7F, v34  }
0x1b0: {  	v36 =	vor.u32 v1, v36;
	v31 =	vor.u32 v4, v31;
	v32 =	vor.u32 v3, v32  }
0x1b1: {  	v40 =	vadd.s32 s12, v10;
	v30 =	vand.u32 $0x3F80, v30;
	v35 =	vshll.u32 v35, $0x7  }
0x1b2: {  	v54 =	vshll.u32 v34, $0x7;
	v42 =	vadd.s32 s11, v10;
	v44 =	vadd.s32 s16, v10  }
0x1b3: {  	v29 =	vand.u32 $0x3F80, v29;
	v46 =	vadd.s32 s12, v11;
	v28 =	vshll.u32 v28, $0x7  }
0x1b4: {  	v58 =	vadd.s32 s11, v11;
	v62 =	vadd.s32 s16, v11;
	v50 =	vadd.s32 s12, v12  }
0x1b5: {  	v26 =	vshll.u32 v26, $0x7;
	v24 =	vshll.u32 v24, $0x7;
	v47 =	vadd.s32 s16, v13  }
0x1b6: {  	v22 =	vshll.u32 v22, $0x7;
	v20 =	vshll.u32 v20, $0x7;
	v39 =	vand.u32 $0x7F, v37  }
0x1b7: {  	v38 =	vor.u32 v1, v38;
	v41 =	vand.u32 $0x7F, v40;
	v30 =	vor.u32 v0, v30  }
0x1b8: {  	v35 =	vand.u32 $0x3F80, v35;
	v37 =	vshll.u32 v37, $0x7;
	v39 =	vor.u32 v1, v39  }
0x1b9: {  	v34 =	vand.u32 $0x3F80, v54;
	v43 =	vand.u32 $0x7F, v42;
	v45 =	vand.u32 $0x7F, v44  }
0x1ba: {  	v33 =	vld.idx.msk [tilespmem:v33+s24+$0x0], $0xffff;
	v29 =	vor.u32 v10, v29;
	v40 =	vshll.u32 v40, $0x7;
	v55 =	vand.u32 $0x7F, v46  }
0x1bb: {  	v57 =	vshll.u32 v42, $0x7;
	v59 =	vshll.u32 v44, $0x7;
	v35 =	vor.u32 v0, v35;
	v36 =	vld.idx.msk [tilespmem:v36+s24+$0x0], $0xffff  }
0x1bc: {  	v41 =	vor.u32 v3, v41;
	v37 =	vand.u32 $0x3F80, v37;
	v34 =	vor.u32 v0, v34;
	v38 =	vld.idx.msk [tilespmem:v38+s24+$0x0], $0xffff  }
0x1bd: {  	v61 =	vand.u32 $0x7F, v58;
	v43 =	vor.u32 v3, v43;
	v37 =	vor.u32 v0, v37;
	v39 =	vld.idx.msk [tilespmem:v39+s24+$0x0], $0xffff  }
0x1be: {  	v48 =	vand.u32 $0x7F, v62;
	v28 =	vand.u32 $0x3F80, v28;
	v45 =	vor.u32 v3, v45  }
0x1bf: {  	v51 =	vshll.u32 v46, $0x7;
	v52 =	vand.u32 $0x7F, v50;
	v54 =	vshll.u32 v58, $0x7;
	[tilespmem:v30+s26+$0x0] =	vst.idx.msk $0xffff, v33  }
0x1c0: {  	v58 =	vadd.s32 s16, v12;
	v56 =	vand.u32 $0x3F80, v40;
	v30 =	vor.u32 v4, v55;
	v32 =	vld.idx.msk [tilespmem:v32+s24+$0x0], $0xffff;
	[tilespmem:v35+s26+$0x0] =	vst.idx.msk $0xffff, v36  }
0x1c1: {  	v26 =	vand.u32 $0x3F80, v26;
	v33 =	vor.u32 v10, v56;
	v35 =	vand.u32 $0x3F80, v57;
	[tilespmem:v34+s26+$0x0] =	vst.idx.msk $0xffff, v38;
	v60 =	vld.idx.msk [tilespmem:v41+s24+$0x0], $0xffff  }
0x1c2: {  	v44 =	vadd.s32 s11, v13;
	v34 =	vand.u32 $0x3F80, v59;
	v35 =	vor.u32 v10, v35;
	[tilespmem:v37+s26+$0x0] =	vst.idx.msk $0xffff, v39;
	v63 =	vld.idx.msk [tilespmem:v43+s24+$0x0], $0xffff  }
0x1c3: {  	v24 =	vand.u32 $0x3F80, v24;
	v34 =	vor.u32 v10, v34;
	v37 =	vor.u32 v4, v61;
	v49 =	vld.idx.msk [tilespmem:v45+s24+$0x0], $0xffff  }
0x1c4: {  	v22 =	vand.u32 $0x3F80, v22;
	v20 =	vand.u32 $0x3F80, v20;
	v41 =	vor.u32 v4, v48  }
0x1c5: {  	v28 =	vor.u32 v11, v28;
	v53 =	vand.u32 $0x3F80, v51;
	v26 =	vor.u32 v12, v26;
	[tilespmem:v29+s26+$0x0] =	vst.idx.msk $0xffff, v32  }
0x1c6: {  	v46 =	vand.u32 $0x7F, v44;
	v55 =	vadd.s32 s11, v12;
	v29 =	vor.u32 v5, v52;
	v31 =	vld.idx.msk [tilespmem:v31+s24+$0x0], $0xffff;
	[tilespmem:v33+s26+$0x0] =	vst.idx.msk $0xffff, v60  }
0x1c7: {  	v56 =	vshll.u32 v62, $0x7;
	v32 =	vor.u32 v11, v53;
	v33 =	vand.u32 $0x3F80, v54;
	[tilespmem:v35+s26+$0x0] =	vst.idx.msk $0xffff, v63;
	v30 =	vld.idx.msk [tilespmem:v30+s24+$0x0], $0xffff  }
0x1c8: {  	v57 =	vand.u32 $0x7F, v55;
	v35 =	vand.u32 $0x3F80, v56;
	v33 =	vor.u32 v11, v33;
	[tilespmem:v34+s26+$0x0] =	vst.idx.msk $0xffff, v49;
	v37 =	vld.idx.msk [tilespmem:v37+s24+$0x0], $0xffff  }
0x1c9: {  	v59 =	vand.u32 $0x7F, v58;
	v35 =	vor.u32 v11, v35;
	v34 =	vor.u32 v5, v57;
	v60 =	vld.idx.msk [tilespmem:v41+s24+$0x0], $0xffff  }
0x1ca: {  	v24 =	vor.u32 v13, v24;
	v39 =	vor.u32 v5, v59;
	v61 =	vadd.s32 s12, v13  }
0x1cb: {  	v22 =	vor.u32 v14, v22;
	v62 =	vshll.u32 v50, $0x7;
	v63 =	vand.u32 $0x7F, v61;
	[tilespmem:v28+s26+$0x0] =	vst.idx.msk $0xffff, v31  }
0x1cc: {  	v42 =	vand.u32 $0x3F80, v62;
	v43 =	vshll.u32 v55, $0x7;
	v28 =	vor.u32 v6, v63;
	v27 =	vld.idx.msk [tilespmem:v27+s24+$0x0], $0xffff;
	[tilespmem:v32+s26+$0x0] =	vst.idx.msk $0xffff, v30  }
0x1cd: {  	v45 =	vshll.u32 v58, $0x7;
	v31 =	vor.u32 v12, v42;
	v30 =	vand.u32 $0x3F80, v43;
	[tilespmem:v33+s26+$0x0] =	vst.idx.msk $0xffff, v37;
	v29 =	vld.idx.msk [tilespmem:v29+s24+$0x0], $0xffff  }
0x1ce: {  	v50 =	vadd.s32 s12, v14;
	v33 =	vand.u32 $0x3F80, v45;
	v30 =	vor.u32 v12, v30;
	[tilespmem:v35+s26+$0x0] =	vst.idx.msk $0xffff, v60;
	v34 =	vld.idx.msk [tilespmem:v34+s24+$0x0], $0xffff  }
0x1cf: {  	v48 =	vand.u32 $0x7F, v47;
	v33 =	vor.u32 v12, v33;
	v35 =	vor.u32 v6, v46;
	v49 =	vld.idx.msk [tilespmem:v39+s24+$0x0], $0xffff  }
0x1d0: {  	v40 =	vadd.s32 s11, v15;
	v52 =	vand.u32 $0x7F, v50;
	v37 =	vor.u32 v6, v48  }
0x1d1: {  	v55 =	vadd.s32 s11, v14;
	v51 =	vshll.u32 v61, $0x7;
	v58 =	vadd.s32 s16, v14;
	[tilespmem:v26+s26+$0x0] =	vst.idx.msk $0xffff, v27  }
0x1d2: {  	v53 =	vand.u32 $0x3F80, v51;
	v54 =	vshll.u32 v44, $0x7;
	v26 =	vor.u32 v7, v52;
	v25 =	vld.idx.msk [tilespmem:v25+s24+$0x0], $0xffff;
	[tilespmem:v31+s26+$0x0] =	vst.idx.msk $0xffff, v29  }
0x1d3: {  	v56 =	vshll.u32 v47, $0x7;
	v27 =	vor.u32 v13, v53;
	v29 =	vand.u32 $0x3F80, v54;
	[tilespmem:v30+s26+$0x0] =	vst.idx.msk $0xffff, v34;
	v28 =	vld.idx.msk [tilespmem:v28+s24+$0x0], $0xffff  }
0x1d4: {  	v57 =	vand.u32 $0x7F, v55;
	v30 =	vand.u32 $0x3F80, v56;
	v29 =	vor.u32 v13, v29;
	[tilespmem:v33+s26+$0x0] =	vst.idx.msk $0xffff, v49;
	v34 =	vld.idx.msk [tilespmem:v35+s24+$0x0], $0xffff  }
0x1d5: {  	v59 =	vand.u32 $0x7F, v58;
	v32 =	vor.u32 v7, v57;
	v30 =	vor.u32 v13, v30;
	v60 =	vld.idx.msk [tilespmem:v37+s24+$0x0], $0xffff  }
0x1d6: {  	v62 =	vshll.u32 v50, $0x7;
	v61 =	vadd.s32 s12, v15;
	v35 =	vor.u32 v7, v59  }
0x1d7: {  	v20 =	vor.u32 v15, v20;
	v38 =	vand.u32 $0x3F80, v62;
	v63 =	vand.u32 $0x7F, v61;
	[tilespmem:v24+s26+$0x0] =	vst.idx.msk $0xffff, v25  }
0x1d8: {  	v42 =	vand.u32 $0x7F, v40;
	v39 =	vshll.u32 v55, $0x7;
	v24 =	vor.u32 v8, v63;
	v23 =	vld.idx.msk [tilespmem:v23+s24+$0x0], $0xffff;
	[tilespmem:v27+s26+$0x0] =	vst.idx.msk $0xffff, v28  }
0x1d9: {  	v41 =	vshll.u32 v58, $0x7;
	v25 =	vor.u32 v14, v38;
	v27 =	vand.u32 $0x3F80, v39;
	[tilespmem:v29+s26+$0x0] =	vst.idx.msk $0xffff, v34;
	v26 =	vld.idx.msk [tilespmem:v26+s24+$0x0], $0xffff  }
0x1da: {  	v43 =	vadd.s32 s16, v15;
	v29 =	vand.u32 $0x3F80, v41;
	v27 =	vor.u32 v14, v27;
	[tilespmem:v30+s26+$0x0] =	vst.idx.msk $0xffff, v60;
	v32 =	vld.idx.msk [tilespmem:v32+s24+$0x0], $0xffff  }
0x1db: {  	v44 =	vand.u32 $0x7F, v43;
	v29 =	vor.u32 v14, v29;
	v30 =	vor.u32 v8, v42;
	v45 =	vld.idx.msk [tilespmem:v35+s24+$0x0], $0xffff  }
0x1dc: {  	v51 =	vshll.u32 v40, $0x7;
	v46 =	vadd.s32 s12, v16;
	v33 =	vor.u32 v8, v44  }
0x1dd: {  	v47 =	vshll.u32 v61, $0x7;
	v52 =	vadd.s32 s11, v16;
	v48 =	vand.u32 $0x7F, v46;
	[tilespmem:v22+s26+$0x0] =	vst.idx.msk $0xffff, v23  }
0x1de: {  	v53 =	vshll.u32 v43, $0x7;
	v50 =	vor.u32 v9, v48;
	v49 =	vand.u32 $0x3F80, v47;
	v21 =	vld.idx.msk [tilespmem:v21+s24+$0x0], $0xffff;
	[tilespmem:v25+s26+$0x0] =	vst.idx.msk $0xffff, v26  }
0x1df: {  	v54 =	vand.u32 $0x7F, v52;
	v22 =	vor.u32 v15, v49;
	v25 =	vand.u32 $0x3F80, v51;
	[tilespmem:v27+s26+$0x0] =	vst.idx.msk $0xffff, v32;
	v24 =	vld.idx.msk [tilespmem:v24+s24+$0x0], $0xffff  }
0x1e0: {  	v56 =	vadd.s32 s16, v16;
	v27 =	vand.u32 $0x3F80, v53;
	v25 =	vor.u32 v15, v25;
	[tilespmem:v29+s26+$0x0] =	vst.idx.msk $0xffff, v45;
	v55 =	vld.idx.msk [tilespmem:v30+s24+$0x0], $0xffff  }
0x1e1: {  	v58 =	vand.u32 $0x7F, v56;
	v28 =	vor.u32 v9, v54;
	v27 =	vor.u32 v15, v27;
	v57 =	vld.idx.msk [tilespmem:v33+s24+$0x0], $0xffff  }
0x1e2: {  	v18 =	vshll.u32 v18, $0x7;
	v32 =	vor.u32 v9, v58  }
0x1e3: {  	v18 =	vand.u32 $0x3F80, v18;
	v59 =	vshll.u32 v46, $0x7;
	[tilespmem:v20+s26+$0x0] =	vst.idx.msk $0xffff, v21  }
0x1e4: {  	v18 =	vor.u32 v16, v18;
	v60 =	vshll.u32 v52, $0x7;
	v20 =	vand.u32 $0x3F80, v59;
	v19 =	vld.idx.msk [tilespmem:v19+s24+$0x0], $0xffff;
	[tilespmem:v22+s26+$0x0] =	vst.idx.msk $0xffff, v24  }
0x1e5: {  	v61 =	vshll.u32 v56, $0x7;
	v21 =	vand.u32 $0x3F80, v60;
	v20 =	vor.u32 v16, v20;
	[tilespmem:v25+s26+$0x0] =	vst.idx.msk $0xffff, v55;
	v22 =	vld.idx.msk [tilespmem:v50+s24+$0x0], $0xffff  }
0x1e6: {  	s4 =	sshrl.u32 s15, $0x6;
	s22 =	sshrl.u32 s15, $0x3;
	v23 =	vand.u32 $0x3F80, v61;
	v21 =	vor.u32 v16, v21;
	[tilespmem:v27+s26+$0x0] =	vst.idx.msk $0xffff, v57;
	v62 =	vld.idx.msk [tilespmem:v28+s24+$0x0], $0xffff  }
0x1e7: {  	p2 =	seq.s32 s14, $0x7;
	s4 =	smul.u32 $0xFA000, s4;
	s11 =	sand.u32 $0x7, s22;
	v23 =	vor.u32 v16, v23;
	v63 =	vld.idx.msk [tilespmem:v32+s24+$0x0], $0xffff  }
0x1e8: {  	s12 =	sshll.u32 @p2 s11, $0xA  }
0x1e9: {  	s12 =	sadd.s32 @p2 s12, s4;
	[tilespmem:v18+s26+$0x0] =	vst.idx.msk $0xffff, v19  }
0x1ea: {  	s12 =	sadd.s32 @p2 $0xE0000, s12;
	[tilespmem:v20+s26+$0x0] =	vst.idx.msk $0xffff, v22  }
0x1eb: {  	s15 =	simm.s32 @p2 $0x400;
	s12 =	sshrl.u32 @p2 s12, $0x3;
	[tilespmem:v21+s26+$0x0] =	vst.idx.msk $0xffff, v62  }
0x1ec: {  	s17 =	simm.s32 @p2 $0xC700;
	s12 =	sadd.s32 @p2 s2, s12;
	s16 =	simm.s32 @p2 $0x2000;
	[tilespmem:v23+s26+$0x0] =	vst.idx.msk $0xffff, v63  }
0x1ed: {  	[hbm4b:s12+s15] =	stream.strided.scatter @p2 [tilespmem:s17], [sflag:$0x4], $0x3400, s16, s15, $0x38;
	[tilespmem:$0x1E1D0] =	vst v63  }
0x1ee: {  	s12 =	sshll.u32 @!p2 s14, $0x11  }
0x1ef: {  	s11 =	sshll.u32 @!p2 s11, $0xA;
	s4 =	sadd.s32 @!p2 s12, s4  }
0x1f0: {  	s4 =	sor.u32 @!p2 s11, s4  }
0x1f1: {  	s10 =	sadd.s32 $0x1, s10;
	s14 =	simm.s32 @!p2 $0xC700;
	s4 =	sshrl.u32 @!p2 s4, $0x3  }
0x1f2: {  	s12 =	simm.s32 @!p2 $0x2000;
	s11 =	simm.s32 @!p2 $0x400;
	s4 =	sadd.s32 @!p2 s2, s4  }
0x1f3: {  	[hbm4b:s4+s11] =	stream.strided.scatter @!p2 [tilespmem:s14], [sflag:$0x4], $0x4000, s12, s11, $0x38;
	[tilespmem:$0x1E1D0] =	vst v63  }
0x1f4: {  	p2 =	sne.s32 s10, $0x32  }
.Ltmp3:
0x1f5: {  	_ = 	snop;
	(pc) =	sbr.rel @p2 .LBB2_2-.Ltmp3, $1  }
0x1f6: {  	_ =	sdelay $0x3  }
0x1f7: {  	_ =	swait.ge [sflag:s8], $0x4000  }
0x1f8: {  	[sflag:s8] =	ssyncset.done $0x0  }
0x1f9: {  	s4 =	simm.s32 @p1 $0x4;
	[sflag:s8] =	ssyncadd.s32 $0xFFFFC000  }
0x1fa: {  	_ =	swait.ge @p1 [sflag:s4], $0x3400  }
0x1fb: {  	[sflag:s4] =	ssyncset.done @p1 $0x0  }
0x1fc: {  	[sflag:s4] =	ssyncadd.s32 @p1 $0xFFFFCC00;
	s4 =	simm.s32 @!p1 $0x4  }
0x1fd: {  	_ =	swait.ge @!p1 [sflag:s4], $0x4000  }
0x1fe: {  	[sflag:s4] =	ssyncset.done @!p1 $0x0  }
0x1ff: {  	[sflag:s4] =	ssyncadd.s32 @!p1 $0xFFFFC000  }
0x200: {  	s15 =	simm.s32 $0x0;
	s10 =	simm.s32 $0x10700;
	s21 =	rddreg [dreg:$0x8];
	[tilespmem:$0x10700] =	vst v17  }
0x201: {  	[hbm4b:s21+s15] =	stream.linear.scatter [tilespmem:s10], [sflag:$0x9], $0x10, $0x38;
	[tilespmem:$0x1E1D0] =	vst v63  }
0x202: {  	_ =	swait.ge [sflag:s19], $0x10  }
0x203: {  	s23 =	sadd.s32 $0x1, s23;
	s22 =	rddreg [dreg:$0x9]  }
0x204: {  	p2 =	sne.s32 s23, s22  }
.Ltmp4:
0x205: {  	_ = 	snop;
	(pc) =	sbr.rel @p2 .LBB2_1-.Ltmp4, $3  }
0x206: {  	_ =	sdelay $0x1  }
0x207: {  	[sflag:s19] =	ssyncset.done $0x0  }
0x208: {  	[sflag:s19] =	ssyncadd.s32 $0xFFFFFFF0  }
0x209: {  	_ =	sfence.sel $0x180000  }
0x20a: {  	[bflag:$0x0] =	sbarrier.arrive $0xFFFF  }
0x20b: {  	_ =	strace $0x90000047  }
0x20c: {  	s0 =	stileid.u32;
	[bflag:$0x2] =	sbarrier.arrive $0xFFFF  }
0x20d: {  	p0 =	sne.s32 s0, $0x0;
	s0 =	rddreg [dreg:$0x3]  }
0x20e: {  	s0 =	sadd.s32 @!p0 $0x100000, s0  }
0x20f: {  	[sflag:s0] =	ssyncadd.tile.s32 @!p0 $0x1;
	_ =	shalt  }
.Lfunc_end2:
_tile_overlayer_lowered:
.L_overlay_start_2:
0x210: {  	(tag) =	ssettag $0x2  }
0x211: {  	s0 =	rddreg [dreg:$0x0];
	s2 =	stileid.u32  }
0x212: {  	s1 =	rddreg [dreg:$0x1];
	p0 =	sne.s32 s2, $0x0  }
0x213: {  	s3 =	rddreg [dreg:$0x2];
	[bflag:$0x3] =	sbarrier.arrive $0xFFFF;
	s2 =	simm.s32 @!p0 $0x1C09  }
0x214: {  	[timem:s3], [sflag:s2] =	dma.local @!p0 [hbm:s0], s1  }
0x215: {  	s0 =	simm.s32 @!p0 $0x9  }
0x216: {  	_ =	swait.ge @!p0 [sflag:s0], s1  }
0x217: {  	s1 =	ssub.s32 @!p0 $0x0, s1;
	[sflag:s0] =	ssyncset.done @!p0 $0x0  }
0x218: {  	[sflag:s0] =	ssyncadd.s32 @!p0 s1  }
0x219: {  	[bflag:$0x3] =	sbarrier.arrive $0xFFFF  }
0x21a: {  	_ =	shalt  }

</sc_bundles>
